<compile_context>
chip_gen: v7x
topology: tpu7x:2x2x1
jax: 0.10.2.dev20260603
libtpu: 0.0.44.dev20260713+nightly
codegen_flags: <defaults>
</compile_context>

<pallas_src>
import functools

import jax
import jax.numpy as jnp
from jax import lax
from jax.experimental import pallas as pl
from jax.experimental.pallas import tpu as pltpu
from jax.experimental.pallas import tpu_sc as plsc

VOCAB = 1000000
DIM = 64
B = 4096
L = 200

NUM_CORES = 2
NUM_SUBCORES = 16
NUM_WORKERS = NUM_CORES * NUM_SUBCORES
BPW = B // NUM_WORKERS
LANES = 16
NVEC = DIM // LANES

C0 = 104
C1 = L - C0

CH = 256
V_MAIN = (VOCAB // CH) * CH
NCHUNK = V_MAIN // CH
TAIL = VOCAB - V_MAIN
ITERS_PW = -(-NCHUNK // NUM_WORKERS)
NT = CH // 128
ROWW = 72


def _transpose_body(
    tt_hbm,
    tail_hbm,
    out_hbm,
    in_v0,
    in_v1,
    out_v0,
    out_v1,
    tail_v,
    si0,
    si1,
    so0,
    so1,
):
    wid = lax.axis_index("s") * NUM_CORES + lax.axis_index("c")
    in_bufs = (in_v0, in_v1)
    out_bufs = (out_v0, out_v1)
    sin = (si0, si1)
    sout = (so0, so1)
    lane = lax.iota(jnp.int32, LANES)
    scat = [(lane + vg * LANES) * ROWW for vg in range(128 // LANES)]

    def cid(k):
        return wid + k * NUM_WORKERS

    def active(k):
        return cid(k) < NCHUNK

    def issue_in(k, b):
        pltpu.async_copy(
            tt_hbm.at[:, :, pl.ds(cid(k) * CH, CH)], in_bufs[b], sin[b]
        )

    def wait_in(b):
        pltpu.make_async_copy(
            tt_hbm.at[:, :, pl.ds(0, CH)], in_bufs[b], sin[b]
        ).wait()

    def issue_out(k, b):
        pltpu.async_copy(
            out_bufs[b],
            out_hbm.at[pl.ds(cid(k) * CH * ROWW, CH * ROWW)],
            sout[b],
        )

    def wait_out(b):
        pltpu.make_async_copy(
            out_bufs[b], out_hbm.at[pl.ds(0, CH * ROWW)], sout[b]
        ).wait()

    def transpose_chunk(b):
        src = in_bufs[b]
        dst = out_bufs[b]

        def body(r):
            for s in range(8):
                for t in range(NT):
                    base = jnp.full(
                        (LANES,), t * 128 * ROWW + r * 8 + s, jnp.int32
                    )
                    nvg = 128 // LANES
                    vals = [
                        src[r, s, pl.ds(t * 128 + vg * LANES, LANES)]
                        for vg in range(nvg)
                    ]
                    idxs = [scat[vg] + base for vg in range(nvg)]
                    for vg in range(nvg):
                        plsc.store_scatter(dst, [idxs[vg]], vals[vg])

        plsc.parallel_loop(0, 8, unroll=2)(body)

    @pl.when(active(0))
    def _():
        issue_in(0, 0)

    def outer(g):
        for bb in range(2):
            k0 = g * 2 + bb

            @pl.when(active(k0 + 1))
            def _():
                issue_in(k0 + 1, 1 - bb)

            @pl.when(active(k0))
            def _():
                wait_in(bb)

            @pl.when((k0 >= 2) & (k0 < ITERS_PW) & active(k0 - 2))
            def _():
                wait_out(bb)

            @pl.when(active(k0))
            def _():
                transpose_chunk(bb)
                issue_out(k0, bb)

    pl.loop(0, (ITERS_PW + 1) // 2)(outer)

    last = ITERS_PW - 1
    for k in (last - 1, last):
        if k >= 0:

            @pl.when(active(k))
            def _():
                wait_out(k % 2)

    nq = TAIL // NUM_WORKERS
    pltpu.sync_copy(tail_hbm.at[pl.ds(wid * nq * DIM, nq * DIM)], tail_v)
    for q in range(nq):
        i = wid * nq + q
        pltpu.sync_copy(
            tail_v.at[pl.ds(q * DIM, DIM)],
            out_hbm.at[pl.ds((V_MAIN + i) * ROWW, DIM)],
        )


def _sc_body(idx_hbm, table_hbm, out_hbm, idx_v, rows_v, acc_v, sem0, sem1):
    wid = lax.axis_index("s") * NUM_CORES + lax.axis_index("c")
    base = wid * BPW

    pltpu.sync_copy(idx_hbm.at[pl.ds(base * L, BPW * L)], idx_v)

    sems = (sem0, sem1)

    def issue(s, buf):
        sem = sems[buf]
        pltpu.async_copy(
            table_hbm.at[idx_v.at[pl.ds(s * L, C0)]],
            rows_v.at[buf, pl.ds(0, C0)],
            sem,
        )
        pltpu.async_copy(
            table_hbm.at[idx_v.at[pl.ds(s * L + C0, C1)]],
            rows_v.at[buf, pl.ds(C0, C1)],
            sem,
        )

    def drain(buf):
        pltpu.make_async_copy(
            table_hbm.at[pl.ds(0, C0)], rows_v.at[buf, pl.ds(0, C0)], sems[buf]
        ).wait()
        pltpu.make_async_copy(
            table_hbm.at[pl.ds(0, C1)], rows_v.at[buf, pl.ds(C0, C1)], sems[buf]
        ).wait()

    def accumulate(s, buf):
        rows = rows_v.at[buf]
        scale = jnp.float32(1.0 / L)

        def body(j, carry):
            out = tuple(
                carry[d] + rows[j, pl.ds(d * LANES, LANES)] for d in range(NVEC)
            )
            return out

        zeros = tuple(jnp.zeros((LANES,), jnp.float32) for _ in range(NVEC))
        acc = lax.fori_loop(0, L, body, zeros)
        for d in range(NVEC):
            acc_v[pl.ds(s * DIM + d * LANES, LANES)] = acc[d] * scale

    issue(0, 0)

    def outer(g):
        for b in range(2):
            s = g * 2 + b

            @pl.when(s + 1 < BPW)
            def _():
                issue(s + 1, 1 - b)

            drain(b)
            accumulate(s, b)

    pl.loop(0, BPW // 2)(outer)

    pltpu.sync_copy(acc_v, out_hbm.at[pl.ds(base * DIM, BPW * DIM)])


@jax.jit
def _convert(table_t, tail_lin):
    mesh = plsc.VectorSubcoreMesh(
        core_axis_name="c",
        subcore_axis_name="s",
        num_cores=NUM_CORES,
        num_subcores=NUM_SUBCORES,
    )
    return pl.kernel(
        _transpose_body,
        out_type=jax.ShapeDtypeStruct((VOCAB * ROWW,), jnp.float32),
        mesh=mesh,
        scratch_types=[
            pltpu.VMEM((8, 8, CH), jnp.float32),
            pltpu.VMEM((8, 8, CH), jnp.float32),
            pltpu.VMEM((CH * ROWW,), jnp.float32),
            pltpu.VMEM((CH * ROWW,), jnp.float32),
            pltpu.VMEM(((TAIL // NUM_WORKERS) * DIM,), jnp.float32),
            pltpu.SemaphoreType.DMA,
            pltpu.SemaphoreType.DMA,
            pltpu.SemaphoreType.DMA,
            pltpu.SemaphoreType.DMA,
        ],
        compiler_params=pltpu.CompilerParams(
            use_tc_tiling_on_sc=True, needs_layout_passes=False
        ),
        name="table_transpose_sc",
    )(table_t, tail_lin)


@jax.jit
def _encode(inputs, table):
    mesh = plsc.VectorSubcoreMesh(
        core_axis_name="c",
        subcore_axis_name="s",
        num_cores=NUM_CORES,
        num_subcores=NUM_SUBCORES,
    )
    return pl.kernel(
        _sc_body,
        out_type=jax.ShapeDtypeStruct((B * DIM,), jnp.float32),
        mesh=mesh,
        scratch_types=[
            pltpu.VMEM((BPW * L,), jnp.int32),
            pltpu.VMEM((2, L, ROWW), jnp.float32),
            pltpu.VMEM((BPW * DIM,), jnp.float32),
            pltpu.SemaphoreType.DMA,
            pltpu.SemaphoreType.DMA,
        ],
        compiler_params=pltpu.CompilerParams(use_tc_tiling_on_sc=False),
        name="avg_encoder_sc",
    )(inputs, table)


def kernel(inputs, table):
    tail_lin = table[V_MAIN:].reshape(-1)
    tbl_lin = _convert(table.T.reshape(8, 8, VOCAB), tail_lin).reshape(
        VOCAB, ROWW
    )
    return _encode(inputs.reshape(-1), tbl_lin).reshape(B, DIM)

# --- scband reference (transcript-rebuilt; emitter-appended) ---
"""Pipeline reference for scband-average-encoder-18915035971915 (READ-ONLY COPY).

The authoritative reference and input builder live on the scoring server;
editing this copy changes nothing except your own understanding.
"""

import jax, jax.numpy as jnp
import numpy as np

VOCAB = 1000000
DIM = 64
B = 4096
L = 200


def setup_inputs(seed: int = 0) -> dict:
    key = jax.random.key(seed)
    k1, k2 = jax.random.split(key)
    inputs = jax.random.randint(k1, (B, L), 0, VOCAB, dtype=jnp.int32)
    table = jax.random.normal(k2, (VOCAB, DIM), dtype=jnp.float32)
    return {"inputs": inputs, "table": table}


def reference(inputs, table):
    # inputs[inputs > vocab_size] = 0
    inp = jnp.where(inputs > VOCAB, 0, inputs)
    # embeds = self.embed(inputs)
    embeds = jnp.take(table, inp, axis=0)
    # logits = torch.mean(embeds, dim=1)
    logits = jnp.mean(embeds, axis=1)
    return logits

if __name__ == "__main__":
    import jax
    _d = setup_inputs()
    print(jax.jit(kernel)(*tuple(_d.values())))

</pallas_src>

<mosaic_0001>
#map = affine_map<(d0, d1) -> (0, 0, 0)>
#map1 = affine_map<(d0, d1) -> (0)>
module attributes {stable_mosaic.version = 14 : i64} {
  func.func @table_transpose_sc(%arg0: i32, %arg1: i32, %arg2: memref<8x8x1000000xf32, #tpu.memory_space<hbm>>, %arg3: memref<4096xf32, #tpu.memory_space<hbm>>, %arg4: memref<72000000xf32, #tpu.memory_space<hbm>>, %arg5: memref<8x8x256xf32, #tpu.memory_space<vmem>>, %arg6: memref<8x8x256xf32, #tpu.memory_space<vmem>>, %arg7: memref<18432xf32, #tpu.memory_space<vmem>>, %arg8: memref<18432xf32, #tpu.memory_space<vmem>>, %arg9: memref<128xf32, #tpu.memory_space<vmem>>, %arg10: memref<!tpu.dma_semaphore, #tpu.memory_space<semaphore_mem>>, %arg11: memref<!tpu.dma_semaphore, #tpu.memory_space<semaphore_mem>>, %arg12: memref<!tpu.dma_semaphore, #tpu.memory_space<semaphore_mem>>, %arg13: memref<!tpu.dma_semaphore, #tpu.memory_space<semaphore_mem>>) attributes {dimension_semantics = [#tpu.dimension_semantics<core_parallel>, #tpu.dimension_semantics<subcore_parallel>], iteration_bounds = array<i64: 2, 16>, scalar_prefetch = 0 : i64, scratch_operands = 9 : i64, tpu.core_type = #tpu.core_type<sc_vector_subcore>, window_params = [{transform_indices = #map}, {transform_indices = #map1}, {transform_indices = #map1}]} {
    %mul3A = arith.constant 2 : i32
    %mul3A_0 = arith.muli %arg1, %mul3A : i32
    %add3A = arith.addi %mul3A_0, %arg0 : i32
    %iota3A = tpu.iota {dimensions = array<i32: 0>} : vector<16xi32>
    %add3A_1 = arith.constant 0 : i32
    %add3A_2 = vector.broadcast %add3A_1 : i32 to vector<16xi32>
    %add3A_3 = arith.addi %iota3A, %add3A_2 : vector<16xi32>
    %mul3A_4 = arith.constant 72 : i32
    %mul3A_5 = vector.broadcast %mul3A_4 : i32 to vector<16xi32>
    %mul3A_6 = arith.muli %add3A_3, %mul3A_5 : vector<16xi32>
    %add3A_7 = arith.constant 16 : i32
    %add3A_8 = vector.broadcast %add3A_7 : i32 to vector<16xi32>
    %add3A_9 = arith.addi %iota3A, %add3A_8 : vector<16xi32>
    %mul3A_10 = arith.constant 72 : i32
    %mul3A_11 = vector.broadcast %mul3A_10 : i32 to vector<16xi32>
    %mul3A_12 = arith.muli %add3A_9, %mul3A_11 : vector<16xi32>
    %add3A_13 = arith.constant 32 : i32
    %add3A_14 = vector.broadcast %add3A_13 : i32 to vector<16xi32>
    %add3A_15 = arith.addi %iota3A, %add3A_14 : vector<16xi32>
    %mul3A_16 = arith.constant 72 : i32
    %mul3A_17 = vector.broadcast %mul3A_16 : i32 to vector<16xi32>
    %mul3A_18 = arith.muli %add3A_15, %mul3A_17 : vector<16xi32>
    %add3A_19 = arith.constant 48 : i32
    %add3A_20 = vector.broadcast %add3A_19 : i32 to vector<16xi32>
    %add3A_21 = arith.addi %iota3A, %add3A_20 : vector<16xi32>
    %mul3A_22 = arith.constant 72 : i32
    %mul3A_23 = vector.broadcast %mul3A_22 : i32 to vector<16xi32>
    %mul3A_24 = arith.muli %add3A_21, %mul3A_23 : vector<16xi32>
    %add3A_25 = arith.constant 64 : i32
    %add3A_26 = vector.broadcast %add3A_25 : i32 to vector<16xi32>
    %add3A_27 = arith.addi %iota3A, %add3A_26 : vector<16xi32>
    %mul3A_28 = arith.constant 72 : i32
    %mul3A_29 = vector.broadcast %mul3A_28 : i32 to vector<16xi32>
    %mul3A_30 = arith.muli %add3A_27, %mul3A_29 : vector<16xi32>
    %add3A_31 = arith.constant 80 : i32
    %add3A_32 = vector.broadcast %add3A_31 : i32 to vector<16xi32>
    %add3A_33 = arith.addi %iota3A, %add3A_32 : vector<16xi32>
    %mul3A_34 = arith.constant 72 : i32
    %mul3A_35 = vector.broadcast %mul3A_34 : i32 to vector<16xi32>
    %mul3A_36 = arith.muli %add3A_33, %mul3A_35 : vector<16xi32>
    %add3A_37 = arith.constant 96 : i32
    %add3A_38 = vector.broadcast %add3A_37 : i32 to vector<16xi32>
    %add3A_39 = arith.addi %iota3A, %add3A_38 : vector<16xi32>
    %mul3A_40 = arith.constant 72 : i32
    %mul3A_41 = vector.broadcast %mul3A_40 : i32 to vector<16xi32>
    %mul3A_42 = arith.muli %add3A_39, %mul3A_41 : vector<16xi32>
    %add3A_43 = arith.constant 112 : i32
    %add3A_44 = vector.broadcast %add3A_43 : i32 to vector<16xi32>
    %add3A_45 = arith.addi %iota3A, %add3A_44 : vector<16xi32>
    %mul3A_46 = arith.constant 72 : i32
    %mul3A_47 = vector.broadcast %mul3A_46 : i32 to vector<16xi32>
    %mul3A_48 = arith.muli %add3A_45, %mul3A_47 : vector<16xi32>
    %add3A_49 = arith.constant 0 : i32
    %add3A_50 = arith.addi %add3A, %add3A_49 : i32
    %lt3A = arith.constant 3906 : i32
    %lt3A_51 = arith.cmpi slt, %add3A_50, %lt3A : i32
    %convert_element_type3A = arith.extui %lt3A_51 : i1 to i32
    %cond3A = arith.constant 0 : i32
    %cond3A_52 = arith.cmpi ne, %convert_element_type3A, %cond3A : i32
    scf.if %cond3A_52 {
      %add3A_91 = arith.constant 0 : i32
      %add3A_92 = arith.addi %add3A, %add3A_91 : i32
      %mul3A_93 = arith.constant 256 : i32
      %mul3A_94 = arith.muli %add3A_92, %mul3A_93 : i32
      %dma_start3A = arith.constant 0 : i32
      %dma_start3A_95 = arith.constant 0 : i32
      %dma_start3A_96 = tpu.memref_slice %arg2[%dma_start3A, %dma_start3A_95, %mul3A_94] : memref<8x8x1000000xf32, #tpu.memory_space<hbm>> -> memref<8x8x256xf32, #tpu.memory_space<hbm>>
      %dma_start3A_97 = arith.constant 0 : i32
      %dma_start3A_98 = arith.constant 0 : i32
      %dma_start3A_99 = tpu.memref_slice %arg2[%dma_start3A_97, %dma_start3A_98, %mul3A_94] : memref<8x8x1000000xf32, #tpu.memory_space<hbm>> -> memref<8x8x256xf32, #tpu.memory_space<hbm>>
      tpu.enqueue_dma source(%dma_start3A_99 : memref<8x8x256xf32, #tpu.memory_space<hbm>>) target(%arg5 : memref<8x8x256xf32, #tpu.memory_space<vmem>>) target_semaphore(%arg10 : memref<!tpu.dma_semaphore, #tpu.memory_space<semaphore_mem>>)
    } else {
    }
    %scan3A = arith.constant 0 : i32
    %scan3A_53 = arith.constant 62 : i32
    %scan3A_54 = arith.addi %scan3A, %scan3A_53 : i32
    %scan3A_55 = arith.constant 1 : i32
    scf.for %scan3A_91 = %scan3A to %scan3A_54 step %scan3A_55  : i32 {
      %mul3A_92 = arith.constant 1 : i32
      %mul3A_93 = arith.muli %scan3A_91, %mul3A_92 : i32
      %add3A_94 = arith.constant 0 : i32
      %add3A_95 = arith.addi %add3A_94, %mul3A_93 : i32
      %mul3A_96 = arith.constant 2 : i32
      %mul3A_97 = arith.muli %add3A_95, %mul3A_96 : i32
      %add3A_98 = arith.constant 0 : i32
      %add3A_99 = arith.addi %mul3A_97, %add3A_98 : i32
      %add3A_100 = arith.constant 1 : i32
      %add3A_101 = arith.addi %add3A_99, %add3A_100 : i32
      %mul3A_102 = arith.constant 32 : i32
      %mul3A_103 = arith.muli %add3A_101, %mul3A_102 : i32
      %add3A_104 = arith.addi %add3A, %mul3A_103 : i32
      %lt3A_105 = arith.constant 3906 : i32
      %lt3A_106 = arith.cmpi slt, %add3A_104, %lt3A_105 : i32
      %convert_element_type3A_107 = arith.extui %lt3A_106 : i1 to i32
      %cond3A_108 = arith.constant 0 : i32
      %cond3A_109 = arith.cmpi ne, %convert_element_type3A_107, %cond3A_108 : i32
      scf.if %cond3A_109 {
        %add3A_185 = arith.constant 1 : i32
        %add3A_186 = arith.addi %add3A_99, %add3A_185 : i32
        %mul3A_187 = arith.constant 32 : i32
        %mul3A_188 = arith.muli %add3A_186, %mul3A_187 : i32
        %add3A_189 = arith.addi %add3A, %mul3A_188 : i32
        %mul3A_190 = arith.constant 256 : i32
        %mul3A_191 = arith.muli %add3A_189, %mul3A_190 : i32
        %dma_start3A = arith.constant 0 : i32
        %dma_start3A_192 = arith.constant 0 : i32
        %dma_start3A_193 = tpu.memref_slice %arg2[%dma_start3A, %dma_start3A_192, %mul3A_191] : memref<8x8x1000000xf32, #tpu.memory_space<hbm>> -> memref<8x8x256xf32, #tpu.memory_space<hbm>>
        %dma_start3A_194 = arith.constant 0 : i32
        %dma_start3A_195 = arith.constant 0 : i32
        %dma_start3A_196 = tpu.memref_slice %arg2[%dma_start3A_194, %dma_start3A_195, %mul3A_191] : memref<8x8x1000000xf32, #tpu.memory_space<hbm>> -> memref<8x8x256xf32, #tpu.memory_space<hbm>>
        tpu.enqueue_dma source(%dma_start3A_196 : memref<8x8x256xf32, #tpu.memory_space<hbm>>) target(%arg6 : memref<8x8x256xf32, #tpu.memory_space<vmem>>) target_semaphore(%arg11 : memref<!tpu.dma_semaphore, #tpu.memory_space<semaphore_mem>>)
      } else {
      }
      %mul3A_110 = arith.constant 32 : i32
      %mul3A_111 = arith.muli %add3A_99, %mul3A_110 : i32
      %add3A_112 = arith.addi %add3A, %mul3A_111 : i32
      %lt3A_113 = arith.constant 3906 : i32
      %lt3A_114 = arith.cmpi slt, %add3A_112, %lt3A_113 : i32
      %convert_element_type3A_115 = arith.extui %lt3A_114 : i1 to i32
      %cond3A_116 = arith.constant 0 : i32
      %cond3A_117 = arith.cmpi ne, %convert_element_type3A_115, %cond3A_116 : i32
      scf.if %cond3A_117 {
        %dma_wait3A = arith.constant 0 : i32
        %dma_wait3A_185 = arith.constant 0 : i32
        %dma_wait3A_186 = arith.constant 0 : i32
        %dma_wait3A_187 = tpu.memref_slice %arg2[%dma_wait3A, %dma_wait3A_185, %dma_wait3A_186] : memref<8x8x1000000xf32, #tpu.memory_space<hbm>> -> memref<8x8x256xf32, #tpu.memory_space<hbm>>
        %dma_wait3A_188 = arith.constant 0 : i32
        %dma_wait3A_189 = arith.constant 0 : i32
        %dma_wait3A_190 = arith.constant 0 : i32
        %dma_wait3A_191 = tpu.memref_slice %arg2[%dma_wait3A_188, %dma_wait3A_189, %dma_wait3A_190] : memref<8x8x1000000xf32, #tpu.memory_space<hbm>> -> memref<8x8x256xf32, #tpu.memory_space<hbm>>
        tpu.wait_dma2 semaphore(%arg10 : memref<!tpu.dma_semaphore, #tpu.memory_space<semaphore_mem>>) src(%dma_wait3A_191 : memref<8x8x256xf32, #tpu.memory_space<hbm>>) dst(%arg5 : memref<8x8x256xf32, #tpu.memory_space<vmem>>)
      } else {
      }
      %ge3A = arith.constant 2 : i32
      %ge3A_118 = arith.cmpi sge, %add3A_99, %ge3A : i32
      %lt3A_119 = arith.constant 123 : i32
      %lt3A_120 = arith.cmpi slt, %add3A_99, %lt3A_119 : i32
      %and3A = arith.andi %ge3A_118, %lt3A_120 : i1
      %sub3A = arith.constant 2 : i32
      %sub3A_121 = arith.subi %add3A_99, %sub3A : i32
      %mul3A_122 = arith.constant 32 : i32
      %mul3A_123 = arith.muli %sub3A_121, %mul3A_122 : i32
      %add3A_124 = arith.addi %add3A, %mul3A_123 : i32
      %lt3A_125 = arith.constant 3906 : i32
      %lt3A_126 = arith.cmpi slt, %add3A_124, %lt3A_125 : i32
      %and3A_127 = arith.andi %and3A, %lt3A_126 : i1
      %convert_element_type3A_128 = arith.extui %and3A_127 : i1 to i32
      %cond3A_129 = arith.constant 0 : i32
      %cond3A_130 = arith.cmpi ne, %convert_element_type3A_128, %cond3A_129 : i32
      scf.if %cond3A_130 {
        %dma_wait3A = arith.constant 0 : i32
        %dma_wait3A_185 = tpu.memref_slice %arg4[%dma_wait3A] : memref<72000000xf32, #tpu.memory_space<hbm>> -> memref<18432xf32, #tpu.memory_space<hbm>>
        %dma_wait3A_186 = arith.constant 0 : i32
        %dma_wait3A_187 = tpu.memref_slice %arg4[%dma_wait3A_186] : memref<72000000xf32, #tpu.memory_space<hbm>> -> memref<18432xf32, #tpu.memory_space<hbm>>
        tpu.wait_dma2 semaphore(%arg12 : memref<!tpu.dma_semaphore, #tpu.memory_space<semaphore_mem>>) src(%arg7 : memref<18432xf32, #tpu.memory_space<vmem>>) dst(%dma_wait3A_187 : memref<18432xf32, #tpu.memory_space<hbm>>)
      } else {
      }
      %mul3A_131 = arith.constant 32 : i32
      %mul3A_132 = arith.muli %add3A_99, %mul3A_131 : i32
      %add3A_133 = arith.addi %add3A, %mul3A_132 : i32
      %lt3A_134 = arith.constant 3906 : i32
      %lt3A_135 = arith.cmpi slt, %add3A_133, %lt3A_134 : i32
      %convert_element_type3A_136 = arith.extui %lt3A_135 : i1 to i32
      %cond3A_137 = arith.constant 0 : i32
      %cond3A_138 = arith.cmpi ne, %convert_element_type3A_136, %cond3A_137 : i32
      scf.if %cond3A_138 {
        %parallel_loop3A = arith.constant 0 : i32
        %parallel_loop3A_185 = arith.constant 8 : i32
        %parallel_loop3A_186 = arith.constant 1 : i32
        scf.for %parallel_loop3A_195 = %parallel_loop3A to %parallel_loop3A_185 step %parallel_loop3A_186  : i32 {
          %parallel_loop3A_196 = arith.constant 8 : i32
          %parallel_loop3A_197 = arith.muli %parallel_loop3A_195, %parallel_loop3A_196 : i32
          %parallel_loop3A_198 = arith.constant 0 : i32
          %parallel_loop3A_199 = arith.addi %parallel_loop3A_198, %parallel_loop3A_197 : i32
          %parallel_loop3A_200 = arith.constant 0 : i32
          %parallel_loop3A_201 = arith.addi %parallel_loop3A_199, %parallel_loop3A_200 : i32
          %parallel_loop3A_202 = vector.broadcast %parallel_loop3A_201 : i32 to vector<16xi32>
          %parallel_loop3A_203 = arith.constant 0 : i32
          %parallel_loop3A_204 = arith.index_cast %parallel_loop3A_195 : i32 to index
          %parallel_loop3A_205 = arith.index_cast %parallel_loop3A_203 : i32 to index
          %parallel_loop3A_206 = arith.constant 0 : index
          %parallel_loop3A_207 = tpu.vector_load %arg5[%parallel_loop3A_204, %parallel_loop3A_205, %parallel_loop3A_206] {strides = array<i32>} : memref<8x8x256xf32, #tpu.memory_space<vmem>>, vector<16xf32>,
          %parallel_loop3A_208 = arith.constant 0 : i32
          %parallel_loop3A_209 = arith.index_cast %parallel_loop3A_195 : i32 to index
          %parallel_loop3A_210 = arith.index_cast %parallel_loop3A_208 : i32 to index
          %parallel_loop3A_211 = arith.constant 16 : index
          %parallel_loop3A_212 = tpu.vector_load %arg5[%parallel_loop3A_209, %parallel_loop3A_210, %parallel_loop3A_211] {strides = array<i32>} : memref<8x8x256xf32, #tpu.memory_space<vmem>>, vector<16xf32>,
          %parallel_loop3A_213 = arith.constant 0 : i32
          %parallel_loop3A_214 = arith.index_cast %parallel_loop3A_195 : i32 to index
          %parallel_loop3A_215 = arith.index_cast %parallel_loop3A_213 : i32 to index
          %parallel_loop3A_216 = arith.constant 32 : index
          %parallel_loop3A_217 = tpu.vector_load %arg5[%parallel_loop3A_214, %parallel_loop3A_215, %parallel_loop3A_216] {strides = array<i32>} : memref<8x8x256xf32, #tpu.memory_space<vmem>>, vector<16xf32>,
          %parallel_loop3A_218 = arith.constant 0 : i32
          %parallel_loop3A_219 = arith.index_cast %parallel_loop3A_195 : i32 to index
          %parallel_loop3A_220 = arith.index_cast %parallel_loop3A_218 : i32 to index
          %parallel_loop3A_221 = arith.constant 48 : index
          %parallel_loop3A_222 = tpu.vector_load %arg5[%parallel_loop3A_219, %parallel_loop3A_220, %parallel_loop3A_221] {strides = array<i32>} : memref<8x8x256xf32, #tpu.memory_space<vmem>>, vector<16xf32>,
          %parallel_loop3A_223 = arith.constant 0 : i32
          %parallel_loop3A_224 = arith.index_cast %parallel_loop3A_195 : i32 to index
          %parallel_loop3A_225 = arith.index_cast %parallel_loop3A_223 : i32 to index
          %parallel_loop3A_226 = arith.constant 64 : index
          %parallel_loop3A_227 = tpu.vector_load %arg5[%parallel_loop3A_224, %parallel_loop3A_225, %parallel_loop3A_226] {strides = array<i32>} : memref<8x8x256xf32, #tpu.memory_space<vmem>>, vector<16xf32>,
          %parallel_loop3A_228 = arith.constant 0 : i32
          %parallel_loop3A_229 = arith.index_cast %parallel_loop3A_195 : i32 to index
          %parallel_loop3A_230 = arith.index_cast %parallel_loop3A_228 : i32 to index
          %parallel_loop3A_231 = arith.constant 80 : index
          %parallel_loop3A_232 = tpu.vector_load %arg5[%parallel_loop3A_229, %parallel_loop3A_230, %parallel_loop3A_231] {strides = array<i32>} : memref<8x8x256xf32, #tpu.memory_space<vmem>>, vector<16xf32>,
          %parallel_loop3A_233 = arith.constant 0 : i32
          %parallel_loop3A_234 = arith.index_cast %parallel_loop3A_195 : i32 to index
          %parallel_loop3A_235 = arith.index_cast %parallel_loop3A_233 : i32 to index
          %parallel_loop3A_236 = arith.constant 96 : index
          %parallel_loop3A_237 = tpu.vector_load %arg5[%parallel_loop3A_234, %parallel_loop3A_235, %parallel_loop3A_236] {strides = array<i32>} : memref<8x8x256xf32, #tpu.memory_space<vmem>>, vector<16xf32>,
          %parallel_loop3A_238 = arith.constant 0 : i32
          %parallel_loop3A_239 = arith.index_cast %parallel_loop3A_195 : i32 to index
          %parallel_loop3A_240 = arith.index_cast %parallel_loop3A_238 : i32 to index
          %parallel_loop3A_241 = arith.constant 112 : index
          %parallel_loop3A_242 = tpu.vector_load %arg5[%parallel_loop3A_239, %parallel_loop3A_240, %parallel_loop3A_241] {strides = array<i32>} : memref<8x8x256xf32, #tpu.memory_space<vmem>>, vector<16xf32>,
          %parallel_loop3A_243 = arith.addi %mul3A_6, %parallel_loop3A_202 : vector<16xi32>
          %parallel_loop3A_244 = arith.addi %mul3A_12, %parallel_loop3A_202 : vector<16xi32>
          %parallel_loop3A_245 = arith.addi %mul3A_18, %parallel_loop3A_202 : vector<16xi32>
          %parallel_loop3A_246 = arith.addi %mul3A_24, %parallel_loop3A_202 : vector<16xi32>
          %parallel_loop3A_247 = arith.addi %mul3A_30, %parallel_loop3A_202 : vector<16xi32>
          %parallel_loop3A_248 = arith.addi %mul3A_36, %parallel_loop3A_202 : vector<16xi32>
          %parallel_loop3A_249 = arith.addi %mul3A_42, %parallel_loop3A_202 : vector<16xi32>
          %parallel_loop3A_250 = arith.addi %mul3A_48, %parallel_loop3A_202 : vector<16xi32>
          tpu.vector_store_idx %arg7[%parallel_loop3A_243], %parallel_loop3A_207 : memref<18432xf32, #tpu.memory_space<vmem>>[vector<16xi32>], vector<16xf32>,
          tpu.vector_store_idx %arg7[%parallel_loop3A_244], %parallel_loop3A_212 : memref<18432xf32, #tpu.memory_space<vmem>>[vector<16xi32>], vector<16xf32>,
          tpu.vector_store_idx %arg7[%parallel_loop3A_245], %parallel_loop3A_217 : memref<18432xf32, #tpu.memory_space<vmem>>[vector<16xi32>], vector<16xf32>,
          tpu.vector_store_idx %arg7[%parallel_loop3A_246], %parallel_loop3A_222 : memref<18432xf32, #tpu.memory_space<vmem>>[vector<16xi32>], vector<16xf32>,
          tpu.vector_store_idx %arg7[%parallel_loop3A_247], %parallel_loop3A_227 : memref<18432xf32, #tpu.memory_space<vmem>>[vector<16xi32>], vector<16xf32>,
          tpu.vector_store_idx %arg7[%parallel_loop3A_248], %parallel_loop3A_232 : memref<18432xf32, #tpu.memory_space<vmem>>[vector<16xi32>], vector<16xf32>,
          tpu.vector_store_idx %arg7[%parallel_loop3A_249], %parallel_loop3A_237 : memref<18432xf32, #tpu.memory_space<vmem>>[vector<16xi32>], vector<16xf32>,
          tpu.vector_store_idx %arg7[%parallel_loop3A_250], %parallel_loop3A_242 : memref<18432xf32, #tpu.memory_space<vmem>>[vector<16xi32>], vector<16xf32>,
          %parallel_loop3A_251 = arith.constant 8 : i32
          %parallel_loop3A_252 = arith.muli %parallel_loop3A_195, %parallel_loop3A_251 : i32
          %parallel_loop3A_253 = arith.constant 9216 : i32
          %parallel_loop3A_254 = arith.addi %parallel_loop3A_253, %parallel_loop3A_252 : i32
          %parallel_loop3A_255 = arith.constant 0 : i32
          %parallel_loop3A_256 = arith.addi %parallel_loop3A_254, %parallel_loop3A_255 : i32
          %parallel_loop3A_257 = vector.broadcast %parallel_loop3A_256 : i32 to vector<16xi32>
          %parallel_loop3A_258 = arith.constant 0 : i32
          %parallel_loop3A_259 = arith.index_cast %parallel_loop3A_195 : i32 to index
          %parallel_loop3A_260 = arith.index_cast %parallel_loop3A_258 : i32 to index
          %parallel_loop3A_261 = arith.constant 128 : index
          %parallel_loop3A_262 = tpu.vector_load %arg5[%parallel_loop3A_259, %parallel_loop3A_260, %parallel_loop3A_261] {strides = array<i32>} : memref<8x8x256xf32, #tpu.memory_space<vmem>>, vector<16xf32>,
          %parallel_loop3A_263 = arith.constant 0 : i32
          %parallel_loop3A_264 = arith.index_cast %parallel_loop3A_195 : i32 to index
          %parallel_loop3A_265 = arith.index_cast %parallel_loop3A_263 : i32 to index
          %parallel_loop3A_266 = arith.constant 144 : index
          %parallel_loop3A_267 = tpu.vector_load %arg5[%parallel_loop3A_264, %parallel_loop3A_265, %parallel_loop3A_266] {strides = array<i32>} : memref<8x8x256xf32, #tpu.memory_space<vmem>>, vector<16xf32>,
          %parallel_loop3A_268 = arith.constant 0 : i32
          %parallel_loop3A_269 = arith.index_cast %parallel_loop3A_195 : i32 to index
          %parallel_loop3A_270 = arith.index_cast %parallel_loop3A_268 : i32 to index
          %parallel_loop3A_271 = arith.constant 160 : index
          %parallel_loop3A_272 = tpu.vector_load %arg5[%parallel_loop3A_269, %parallel_loop3A_270, %parallel_loop3A_271] {strides = array<i32>} : memref<8x8x256xf32, #tpu.memory_space<vmem>>, vector<16xf32>,
          %parallel_loop3A_273 = arith.constant 0 : i32
          %parallel_loop3A_274 = arith.index_cast %parallel_loop3A_195 : i32 to index
          %parallel_loop3A_275 = arith.index_cast %parallel_loop3A_273 : i32 to index
          %parallel_loop3A_276 = arith.constant 176 : index
          %parallel_loop3A_277 = tpu.vector_load %arg5[%parallel_loop3A_274, %parallel_loop3A_275, %parallel_loop3A_276] {strides = array<i32>} : memref<8x8x256xf32, #tpu.memory_space<vmem>>, vector<16xf32>,
          %parallel_loop3A_278 = arith.constant 0 : i32
          %parallel_loop3A_279 = arith.index_cast %parallel_loop3A_195 : i32 to index
          %parallel_loop3A_280 = arith.index_cast %parallel_loop3A_278 : i32 to index
          %parallel_loop3A_281 = arith.constant 192 : index
          %parallel_loop3A_282 = tpu.vector_load %arg5[%parallel_loop3A_279, %parallel_loop3A_280, %parallel_loop3A_281] {strides = array<i32>} : memref<8x8x256xf32, #tpu.memory_space<vmem>>, vector<16xf32>,
          %parallel_loop3A_283 = arith.constant 0 : i32
          %parallel_loop3A_284 = arith.index_cast %parallel_loop3A_195 : i32 to index
          %parallel_loop3A_285 = arith.index_cast %parallel_loop3A_283 : i32 to index
          %parallel_loop3A_286 = arith.constant 208 : index
          %parallel_loop3A_287 = tpu.vector_load %arg5[%parallel_loop3A_284, %parallel_loop3A_285, %parallel_loop3A_286] {strides = array<i32>} : memref<8x8x256xf32, #tpu.memory_space<vmem>>, vector<16xf32>,
          %parallel_loop3A_288 = arith.constant 0 : i32
          %parallel_loop3A_289 = arith.index_cast %parallel_loop3A_195 : i32 to index
          %parallel_loop3A_290 = arith.index_cast %parallel_loop3A_288 : i32 to index
          %parallel_loop3A_291 = arith.constant 224 : index
          %parallel_loop3A_292 = tpu.vector_load %arg5[%parallel_loop3A_289, %parallel_loop3A_290, %parallel_loop3A_291] {strides = array<i32>} : memref<8x8x256xf32, #tpu.memory_space<vmem>>, vector<16xf32>,
          %parallel_loop3A_293 = arith.constant 0 : i32
          %parallel_loop3A_294 = arith.index_cast %parallel_loop3A_195 : i32 to index
          %parallel_loop3A_295 = arith.index_cast %parallel_loop3A_293 : i32 to index
          %parallel_loop3A_296 = arith.constant 240 : index
          %parallel_loop3A_297 = tpu.vector_load %arg5[%parallel_loop3A_294, %parallel_loop3A_295, %parallel_loop3A_296] {strides = array<i32>} : memref<8x8x256xf32, #tpu.memory_space<vmem>>, vector<16xf32>,
          %parallel_loop3A_298 = arith.addi %mul3A_6, %parallel_loop3A_257 : vector<16xi32>
          %parallel_loop3A_299 = arith.addi %mul3A_12, %parallel_loop3A_257 : vector<16xi32>
          %parallel_loop3A_300 = arith.addi %mul3A_18, %parallel_loop3A_257 : vector<16xi32>
          %parallel_loop3A_301 = arith.addi %mul3A_24, %parallel_loop3A_257 : vector<16xi32>
          %parallel_loop3A_302 = arith.addi %mul3A_30, %parallel_loop3A_257 : vector<16xi32>
          %parallel_loop3A_303 = arith.addi %mul3A_36, %parallel_loop3A_257 : vector<16xi32>
          %parallel_loop3A_304 = arith.addi %mul3A_42, %parallel_loop3A_257 : vector<16xi32>
          %parallel_loop3A_305 = arith.addi %mul3A_48, %parallel_loop3A_257 : vector<16xi32>
          tpu.vector_store_idx %arg7[%parallel_loop3A_298], %parallel_loop3A_262 : memref<18432xf32, #tpu.memory_space<vmem>>[vector<16xi32>], vector<16xf32>,
          tpu.vector_store_idx %arg7[%parallel_loop3A_299], %parallel_loop3A_267 : memref<18432xf32, #tpu.memory_space<vmem>>[vector<16xi32>], vector<16xf32>,
          tpu.vector_store_idx %arg7[%parallel_loop3A_300], %parallel_loop3A_272 : memref<18432xf32, #tpu.memory_space<vmem>>[vector<16xi32>], vector<16xf32>,
          tpu.vector_store_idx %arg7[%parallel_loop3A_301], %parallel_loop3A_277 : memref<18432xf32, #tpu.memory_space<vmem>>[vector<16xi32>], vector<16xf32>,
          tpu.vector_store_idx %arg7[%parallel_loop3A_302], %parallel_loop3A_282 : memref<18432xf32, #tpu.memory_space<vmem>>[vector<16xi32>], vector<16xf32>,
          tpu.vector_store_idx %arg7[%parallel_loop3A_303], %parallel_loop3A_287 : memref<18432xf32, #tpu.memory_space<vmem>>[vector<16xi32>], vector<16xf32>,
          tpu.vector_store_idx %arg7[%parallel_loop3A_304], %parallel_loop3A_292 : memref<18432xf32, #tpu.memory_space<vmem>>[vector<16xi32>], vector<16xf32>,
          tpu.vector_store_idx %arg7[%parallel_loop3A_305], %parallel_loop3A_297 : memref<18432xf32, #tpu.memory_space<vmem>>[vector<16xi32>], vector<16xf32>,
          %parallel_loop3A_306 = arith.constant 8 : i32
          %parallel_loop3A_307 = arith.muli %parallel_loop3A_195, %parallel_loop3A_306 : i32
          %parallel_loop3A_308 = arith.constant 0 : i32
          %parallel_loop3A_309 = arith.addi %parallel_loop3A_308, %parallel_loop3A_307 : i32
          %parallel_loop3A_310 = arith.constant 1 : i32
          %parallel_loop3A_311 = arith.addi %parallel_loop3A_309, %parallel_loop3A_310 : i32
          %parallel_loop3A_312 = vector.broadcast %parallel_loop3A_311 : i32 to vector<16xi32>
          %parallel_loop3A_313 = arith.constant 1 : i32
          %parallel_loop3A_314 = arith.index_cast %parallel_loop3A_195 : i32 to index
          %parallel_loop3A_315 = arith.index_cast %parallel_loop3A_313 : i32 to index
          %parallel_loop3A_316 = arith.constant 0 : index
          %parallel_loop3A_317 = tpu.vector_load %arg5[%parallel_loop3A_314, %parallel_loop3A_315, %parallel_loop3A_316] {strides = array<i32>} : memref<8x8x256xf32, #tpu.memory_space<vmem>>, vector<16xf32>,
          %parallel_loop3A_318 = arith.constant 1 : i32
          %parallel_loop3A_319 = arith.index_cast %parallel_loop3A_195 : i32 to index
          %parallel_loop3A_320 = arith.index_cast %parallel_loop3A_318 : i32 to index
          %parallel_loop3A_321 = arith.constant 16 : index
          %parallel_loop3A_322 = tpu.vector_load %arg5[%parallel_loop3A_319, %parallel_loop3A_320, %parallel_loop3A_321] {strides = array<i32>} : memref<8x8x256xf32, #tpu.memory_space<vmem>>, vector<16xf32>,
          %parallel_loop3A_323 = arith.constant 1 : i32
          %parallel_loop3A_324 = arith.index_cast %parallel_loop3A_195 : i32 to index
          %parallel_loop3A_325 = arith.index_cast %parallel_loop3A_323 : i32 to index
          %parallel_loop3A_326 = arith.constant 32 : index
          %parallel_loop3A_327 = tpu.vector_load %arg5[%parallel_loop3A_324, %parallel_loop3A_325, %parallel_loop3A_326] {strides = array<i32>} : memref<8x8x256xf32, #tpu.memory_space<vmem>>, vector<16xf32>,
          %parallel_loop3A_328 = arith.constant 1 : i32
          %parallel_loop3A_329 = arith.index_cast %parallel_loop3A_195 : i32 to index
          %parallel_loop3A_330 = arith.index_cast %parallel_loop3A_328 : i32 to index
          %parallel_loop3A_331 = arith.constant 48 : index
          %parallel_loop3A_332 = tpu.vector_load %arg5[%parallel_loop3A_329, %parallel_loop3A_330, %parallel_loop3A_331] {strides = array<i32>} : memref<8x8x256xf32, #tpu.memory_space<vmem>>, vector<16xf32>,
          %parallel_loop3A_333 = arith.constant 1 : i32
          %parallel_loop3A_334 = arith.index_cast %parallel_loop3A_195 : i32 to index
          %parallel_loop3A_335 = arith.index_cast %parallel_loop3A_333 : i32 to index
          %parallel_loop3A_336 = arith.constant 64 : index
          %parallel_loop3A_337 = tpu.vector_load %arg5[%parallel_loop3A_334, %parallel_loop3A_335, %parallel_loop3A_336] {strides = array<i32>} : memref<8x8x256xf32, #tpu.memory_space<vmem>>, vector<16xf32>,
          %parallel_loop3A_338 = arith.constant 1 : i32
          %parallel_loop3A_339 = arith.index_cast %parallel_loop3A_195 : i32 to index
          %parallel_loop3A_340 = arith.index_cast %parallel_loop3A_338 : i32 to index
          %parallel_loop3A_341 = arith.constant 80 : index
          %parallel_loop3A_342 = tpu.vector_load %arg5[%parallel_loop3A_339, %parallel_loop3A_340, %parallel_loop3A_341] {strides = array<i32>} : memref<8x8x256xf32, #tpu.memory_space<vmem>>, vector<16xf32>,
          %parallel_loop3A_343 = arith.constant 1 : i32
          %parallel_loop3A_344 = arith.index_cast %parallel_loop3A_195 : i32 to index
          %parallel_loop3A_345 = arith.index_cast %parallel_loop3A_343 : i32 to index
          %parallel_loop3A_346 = arith.constant 96 : index
          %parallel_loop3A_347 = tpu.vector_load %arg5[%parallel_loop3A_344, %parallel_loop3A_345, %parallel_loop3A_346] {strides = array<i32>} : memref<8x8x256xf32, #tpu.memory_space<vmem>>, vector<16xf32>,
          %parallel_loop3A_348 = arith.constant 1 : i32
          %parallel_loop3A_349 = arith.index_cast %parallel_loop3A_195 : i32 to index
          %parallel_loop3A_350 = arith.index_cast %parallel_loop3A_348 : i32 to index
          %parallel_loop3A_351 = arith.constant 112 : index
          %parallel_loop3A_352 = tpu.vector_load %arg5[%parallel_loop3A_349, %parallel_loop3A_350, %parallel_loop3A_351] {strides = array<i32>} : memref<8x8x256xf32, #tpu.memory_space<vmem>>, vector<16xf32>,
          %parallel_loop3A_353 = arith.addi %mul3A_6, %parallel_loop3A_312 : vector<16xi32>
          %parallel_loop3A_354 = arith.addi %mul3A_12, %parallel_loop3A_312 : vector<16xi32>
          %parallel_loop3A_355 = arith.addi %mul3A_18, %parallel_loop3A_312 : vector<16xi32>
          %parallel_loop3A_356 = arith.addi %mul3A_24, %parallel_loop3A_312 : vector<16xi32>
          %parallel_loop3A_357 = arith.addi %mul3A_30, %parallel_loop3A_312 : vector<16xi32>
          %parallel_loop3A_358 = arith.addi %mul3A_36, %parallel_loop3A_312 : vector<16xi32>
          %parallel_loop3A_359 = arith.addi %mul3A_42, %parallel_loop3A_312 : vector<16xi32>
          %parallel_loop3A_360 = arith.addi %mul3A_48, %parallel_loop3A_312 : vector<16xi32>
          tpu.vector_store_idx %arg7[%parallel_loop3A_353], %parallel_loop3A_317 : memref<18432xf32, #tpu.memory_space<vmem>>[vector<16xi32>], vector<16xf32>,
          tpu.vector_store_idx %arg7[%parallel_loop3A_354], %parallel_loop3A_322 : memref<18432xf32, #tpu.memory_space<vmem>>[vector<16xi32>], vector<16xf32>,
          tpu.vector_store_idx %arg7[%parallel_loop3A_355], %parallel_loop3A_327 : memref<18432xf32, #tpu.memory_space<vmem>>[vector<16xi32>], vector<16xf32>,
          tpu.vector_store_idx %arg7[%parallel_loop3A_356], %parallel_loop3A_332 : memref<18432xf32, #tpu.memory_space<vmem>>[vector<16xi32>], vector<16xf32>,
          tpu.vector_store_idx %arg7[%parallel_loop3A_357], %parallel_loop3A_337 : memref<18432xf32, #tpu.memory_space<vmem>>[vector<16xi32>], vector<16xf32>,
          tpu.vector_store_idx %arg7[%parallel_loop3A_358], %parallel_loop3A_342 : memref<18432xf32, #tpu.memory_space<vmem>>[vector<16xi32>], vector<16xf32>,
          tpu.vector_store_idx %arg7[%parallel_loop3A_359], %parallel_loop3A_347 : memref<18432xf32, #tpu.memory_space<vmem>>[vector<16xi32>], vector<16xf32>,
          tpu.vector_store_idx %arg7[%parallel_loop3A_360], %parallel_loop3A_352 : memref<18432xf32, #tpu.memory_space<vmem>>[vector<16xi32>], vector<16xf32>,
          %parallel_loop3A_361 = arith.constant 8 : i32
          %parallel_loop3A_362 = arith.muli %parallel_loop3A_195, %parallel_loop3A_361 : i32
          %parallel_loop3A_363 = arith.constant 9216 : i32
          %parallel_loop3A_364 = arith.addi %parallel_loop3A_363, %parallel_loop3A_362 : i32
          %parallel_loop3A_365 = arith.constant 1 : i32
          %parallel_loop3A_366 = arith.addi %parallel_loop3A_364, %parallel_loop3A_365 : i32
          %parallel_loop3A_367 = vector.broadcast %parallel_loop3A_366 : i32 to vector<16xi32>
          %parallel_loop3A_368 = arith.constant 1 : i32
          %parallel_loop3A_369 = arith.index_cast %parallel_loop3A_195 : i32 to index
          %parallel_loop3A_370 = arith.index_cast %parallel_loop3A_368 : i32 to index
          %parallel_loop3A_371 = arith.constant 128 : index
          %parallel_loop3A_372 = tpu.vector_load %arg5[%parallel_loop3A_369, %parallel_loop3A_370, %parallel_loop3A_371] {strides = array<i32>} : memref<8x8x256xf32, #tpu.memory_space<vmem>>, vector<16xf32>,
          %parallel_loop3A_373 = arith.constant 1 : i32
          %parallel_loop3A_374 = arith.index_cast %parallel_loop3A_195 : i32 to index
          %parallel_loop3A_375 = arith.index_cast %parallel_loop3A_373 : i32 to index
          %parallel_loop3A_376 = arith.constant 144 : index
          %parallel_loop3A_377 = tpu.vector_load %arg5[%parallel_loop3A_374, %parallel_loop3A_375, %parallel_loop3A_376] {strides = array<i32>} : memref<8x8x256xf32, #tpu.memory_space<vmem>>, vector<16xf32>,
          %parallel_loop3A_378 = arith.constant 1 : i32
          %parallel_loop3A_379 = arith.index_cast %parallel_loop3A_195 : i32 to index
          %parallel_loop3A_380 = arith.index_cast %parallel_loop3A_378 : i32 to index
          %parallel_loop3A_381 = arith.constant 160 : index
          %parallel_loop3A_382 = tpu.vector_load %arg5[%parallel_loop3A_379, %parallel_loop3A_380, %parallel_loop3A_381] {strides = array<i32>} : memref<8x8x256xf32, #tpu.memory_space<vmem>>, vector<16xf32>,
          %parallel_loop3A_383 = arith.constant 1 : i32
          %parallel_loop3A_384 = arith.index_cast %parallel_loop3A_195 : i32 to index
          %parallel_loop3A_385 = arith.index_cast %parallel_loop3A_383 : i32 to index
          %parallel_loop3A_386 = arith.constant 176 : index
          %parallel_loop3A_387 = tpu.vector_load %arg5[%parallel_loop3A_384, %parallel_loop3A_385, %parallel_loop3A_386] {strides = array<i32>} : memref<8x8x256xf32, #tpu.memory_space<vmem>>, vector<16xf32>,
          %parallel_loop3A_388 = arith.constant 1 : i32
          %parallel_loop3A_389 = arith.index_cast %parallel_loop3A_195 : i32 to index
          %parallel_loop3A_390 = arith.index_cast %parallel_loop3A_388 : i32 to index
          %parallel_loop3A_391 = arith.constant 192 : index
          %parallel_loop3A_392 = tpu.vector_load %arg5[%parallel_loop3A_389, %parallel_loop3A_390, %parallel_loop3A_391] {strides = array<i32>} : memref<8x8x256xf32, #tpu.memory_space<vmem>>, vector<16xf32>,
          %parallel_loop3A_393 = arith.constant 1 : i32
          %parallel_loop3A_394 = arith.index_cast %parallel_loop3A_195 : i32 to index
          %parallel_loop3A_395 = arith.index_cast %parallel_loop3A_393 : i32 to index
          %parallel_loop3A_396 = arith.constant 208 : index
          %parallel_loop3A_397 = tpu.vector_load %arg5[%parallel_loop3A_394, %parallel_loop3A_395, %parallel_loop3A_396] {strides = array<i32>} : memref<8x8x256xf32, #tpu.memory_space<vmem>>, vector<16xf32>,
          %parallel_loop3A_398 = arith.constant 1 : i32
          %parallel_loop3A_399 = arith.index_cast %parallel_loop3A_195 : i32 to index
          %parallel_loop3A_400 = arith.index_cast %parallel_loop3A_398 : i32 to index
          %parallel_loop3A_401 = arith.constant 224 : index
          %parallel_loop3A_402 = tpu.vector_load %arg5[%parallel_loop3A_399, %parallel_loop3A_400, %parallel_loop3A_401] {strides = array<i32>} : memref<8x8x256xf32, #tpu.memory_space<vmem>>, vector<16xf32>,
          %parallel_loop3A_403 = arith.constant 1 : i32
          %parallel_loop3A_404 = arith.index_cast %parallel_loop3A_195 : i32 to index
          %parallel_loop3A_405 = arith.index_cast %parallel_loop3A_403 : i32 to index
          %parallel_loop3A_406 = arith.constant 240 : index
          %parallel_loop3A_407 = tpu.vector_load %arg5[%parallel_loop3A_404, %parallel_loop3A_405, %parallel_loop3A_406] {strides = array<i32>} : memref<8x8x256xf32, #tpu.memory_space<vmem>>, vector<16xf32>,
          %parallel_loop3A_408 = arith.addi %mul3A_6, %parallel_loop3A_367 : vector<16xi32>
          %parallel_loop3A_409 = arith.addi %mul3A_12, %parallel_loop3A_367 : vector<16xi32>
          %parallel_loop3A_410 = arith.addi %mul3A_18, %parallel_loop3A_367 : vector<16xi32>
          %parallel_loop3A_411 = arith.addi %mul3A_24, %parallel_loop3A_367 : vector<16xi32>
          %parallel_loop3A_412 = arith.addi %mul3A_30, %parallel_loop3A_367 : vector<16xi32>
          %parallel_loop3A_413 = arith.addi %mul3A_36, %parallel_loop3A_367 : vector<16xi32>
          %parallel_loop3A_414 = arith.addi %mul3A_42, %parallel_loop3A_367 : vector<16xi32>
          %parallel_loop3A_415 = arith.addi %mul3A_48, %parallel_loop3A_367 : vector<16xi32>
          tpu.vector_store_idx %arg7[%parallel_loop3A_408], %parallel_loop3A_372 : memref<18432xf32, #tpu.memory_space<vmem>>[vector<16xi32>], vector<16xf32>,
          tpu.vector_store_idx %arg7[%parallel_loop3A_409], %parallel_loop3A_377 : memref<18432xf32, #tpu.memory_space<vmem>>[vector<16xi32>], vector<16xf32>,
          tpu.vector_store_idx %arg7[%parallel_loop3A_410], %parallel_loop3A_382 : memref<18432xf32, #tpu.memory_space<vmem>>[vector<16xi32>], vector<16xf32>,
          tpu.vector_store_idx %arg7[%parallel_loop3A_411], %parallel_loop3A_387 : memref<18432xf32, #tpu.memory_space<vmem>>[vector<16xi32>], vector<16xf32>,
          tpu.vector_store_idx %arg7[%parallel_loop3A_412], %parallel_loop3A_392 : memref<18432xf32, #tpu.memory_space<vmem>>[vector<16xi32>], vector<16xf32>,
          tpu.vector_store_idx %arg7[%parallel_loop3A_413], %parallel_loop3A_397 : memref<18432xf32, #tpu.memory_space<vmem>>[vector<16xi32>], vector<16xf32>,
          tpu.vector_store_idx %arg7[%parallel_loop3A_414], %parallel_loop3A_402 : memref<18432xf32, #tpu.memory_space<vmem>>[vector<16xi32>], vector<16xf32>,
          tpu.vector_store_idx %arg7[%parallel_loop3A_415], %parallel_loop3A_407 : memref<18432xf32, #tpu.memory_space<vmem>>[vector<16xi32>], vector<16xf32>,
          %parallel_loop3A_416 = arith.constant 8 : i32
          %parallel_loop3A_417 = arith.muli %parallel_loop3A_195, %parallel_loop3A_416 : i32
          %parallel_loop3A_418 = arith.constant 0 : i32
          %parallel_loop3A_419 = arith.addi %parallel_loop3A_418, %parallel_loop3A_417 : i32
          %parallel_loop3A_420 = arith.constant 2 : i32
          %parallel_loop3A_421 = arith.addi %parallel_loop3A_419, %parallel_loop3A_420 : i32
          %parallel_loop3A_422 = vector.broadcast %parallel_loop3A_421 : i32 to vector<16xi32>
          %parallel_loop3A_423 = arith.constant 2 : i32
          %parallel_loop3A_424 = arith.index_cast %parallel_loop3A_195 : i32 to index
          %parallel_loop3A_425 = arith.index_cast %parallel_loop3A_423 : i32 to index
          %parallel_loop3A_426 = arith.constant 0 : index
          %parallel_loop3A_427 = tpu.vector_load %arg5[%parallel_loop3A_424, %parallel_loop3A_425, %parallel_loop3A_426] {strides = array<i32>} : memref<8x8x256xf32, #tpu.memory_space<vmem>>, vector<16xf32>,
          %parallel_loop3A_428 = arith.constant 2 : i32
          %parallel_loop3A_429 = arith.index_cast %parallel_loop3A_195 : i32 to index
          %parallel_loop3A_430 = arith.index_cast %parallel_loop3A_428 : i32 to index
          %parallel_loop3A_431 = arith.constant 16 : index
          %parallel_loop3A_432 = tpu.vector_load %arg5[%parallel_loop3A_429, %parallel_loop3A_430, %parallel_loop3A_431] {strides = array<i32>} : memref<8x8x256xf32, #tpu.memory_space<vmem>>, vector<16xf32>,
          %parallel_loop3A_433 = arith.constant 2 : i32
          %parallel_loop3A_434 = arith.index_cast %parallel_loop3A_195 : i32 to index
          %parallel_loop3A_435 = arith.index_cast %parallel_loop3A_433 : i32 to index
          %parallel_loop3A_436 = arith.constant 32 : index
          %parallel_loop3A_437 = tpu.vector_load %arg5[%parallel_loop3A_434, %parallel_loop3A_435, %parallel_loop3A_436] {strides = array<i32>} : memref<8x8x256xf32, #tpu.memory_space<vmem>>, vector<16xf32>,
          %parallel_loop3A_438 = arith.constant 2 : i32
          %parallel_loop3A_439 = arith.index_cast %parallel_loop3A_195 : i32 to index
          %parallel_loop3A_440 = arith.index_cast %parallel_loop3A_438 : i32 to index
          %parallel_loop3A_441 = arith.constant 48 : index
          %parallel_loop3A_442 = tpu.vector_load %arg5[%parallel_loop3A_439, %parallel_loop3A_440, %parallel_loop3A_441] {strides = array<i32>} : memref<8x8x256xf32, #tpu.memory_space<vmem>>, vector<16xf32>,
          %parallel_loop3A_443 = arith.constant 2 : i32
          %parallel_loop3A_444 = arith.index_cast %parallel_loop3A_195 : i32 to index
          %parallel_loop3A_445 = arith.index_cast %parallel_loop3A_443 : i32 to index
          %parallel_loop3A_446 = arith.constant 64 : index
          %parallel_loop3A_447 = tpu.vector_load %arg5[%parallel_loop3A_444, %parallel_loop3A_445, %parallel_loop3A_446] {strides = array<i32>} : memref<8x8x256xf32, #tpu.memory_space<vmem>>, vector<16xf32>,
          %parallel_loop3A_448 = arith.constant 2 : i32
          %parallel_loop3A_449 = arith.index_cast %parallel_loop3A_195 : i32 to index
          %parallel_loop3A_450 = arith.index_cast %parallel_loop3A_448 : i32 to index
          %parallel_loop3A_451 = arith.constant 80 : index
          %parallel_loop3A_452 = tpu.vector_load %arg5[%parallel_loop3A_449, %parallel_loop3A_450, %parallel_loop3A_451] {strides = array<i32>} : memref<8x8x256xf32, #tpu.memory_space<vmem>>, vector<16xf32>,
          %parallel_loop3A_453 = arith.constant 2 : i32
          %parallel_loop3A_454 = arith.index_cast %parallel_loop3A_195 : i32 to index
          %parallel_loop3A_455 = arith.index_cast %parallel_loop3A_453 : i32 to index
          %parallel_loop3A_456 = arith.constant 96 : index
          %parallel_loop3A_457 = tpu.vector_load %arg5[%parallel_loop3A_454, %parallel_loop3A_455, %parallel_loop3A_456] {strides = array<i32>} : memref<8x8x256xf32, #tpu.memory_space<vmem>>, vector<16xf32>,
          %parallel_loop3A_458 = arith.constant 2 : i32
          %parallel_loop3A_459 = arith.index_cast %parallel_loop3A_195 : i32 to index
          %parallel_loop3A_460 = arith.index_cast %parallel_loop3A_458 : i32 to index
          %parallel_loop3A_461 = arith.constant 112 : index
          %parallel_loop3A_462 = tpu.vector_load %arg5[%parallel_loop3A_459, %parallel_loop3A_460, %parallel_loop3A_461] {strides = array<i32>} : memref<8x8x256xf32, #tpu.memory_space<vmem>>, vector<16xf32>,
          %parallel_loop3A_463 = arith.addi %mul3A_6, %parallel_loop3A_422 : vector<16xi32>
          %parallel_loop3A_464 = arith.addi %mul3A_12, %parallel_loop3A_422 : vector<16xi32>
          %parallel_loop3A_465 = arith.addi %mul3A_18, %parallel_loop3A_422 : vector<16xi32>
          %parallel_loop3A_466 = arith.addi %mul3A_24, %parallel_loop3A_422 : vector<16xi32>
          %parallel_loop3A_467 = arith.addi %mul3A_30, %parallel_loop3A_422 : vector<16xi32>
          %parallel_loop3A_468 = arith.addi %mul3A_36, %parallel_loop3A_422 : vector<16xi32>
          %parallel_loop3A_469 = arith.addi %mul3A_42, %parallel_loop3A_422 : vector<16xi32>
          %parallel_loop3A_470 = arith.addi %mul3A_48, %parallel_loop3A_422 : vector<16xi32>
          tpu.vector_store_idx %arg7[%parallel_loop3A_463], %parallel_loop3A_427 : memref<18432xf32, #tpu.memory_space<vmem>>[vector<16xi32>], vector<16xf32>,
          tpu.vector_store_idx %arg7[%parallel_loop3A_464], %parallel_loop3A_432 : memref<18432xf32, #tpu.memory_space<vmem>>[vector<16xi32>], vector<16xf32>,
          tpu.vector_store_idx %arg7[%parallel_loop3A_465], %parallel_loop3A_437 : memref<18432xf32, #tpu.memory_space<vmem>>[vector<16xi32>], vector<16xf32>,
          tpu.vector_store_idx %arg7[%parallel_loop3A_466], %parallel_loop3A_442 : memref<18432xf32, #tpu.memory_space<vmem>>[vector<16xi32>], vector<16xf32>,
          tpu.vector_store_idx %arg7[%parallel_loop3A_467], %parallel_loop3A_447 : memref<18432xf32, #tpu.memory_space<vmem>>[vector<16xi32>], vector<16xf32>,
          tpu.vector_store_idx %arg7[%parallel_loop3A_468], %parallel_loop3A_452 : memref<18432xf32, #tpu.memory_space<vmem>>[vector<16xi32>], vector<16xf32>,
          tpu.vector_store_idx %arg7[%parallel_loop3A_469], %parallel_loop3A_457 : memref<18432xf32, #tpu.memory_space<vmem>>[vector<16xi32>], vector<16xf32>,
          tpu.vector_store_idx %arg7[%parallel_loop3A_470], %parallel_loop3A_462 : memref<18432xf32, #tpu.memory_space<vmem>>[vector<16xi32>], vector<16xf32>,
          %parallel_loop3A_471 = arith.constant 8 : i32
          %parallel_loop3A_472 = arith.muli %parallel_loop3A_195, %parallel_loop3A_471 : i32
          %parallel_loop3A_473 = arith.constant 9216 : i32
          %parallel_loop3A_474 = arith.addi %parallel_loop3A_473, %parallel_loop3A_472 : i32
          %parallel_loop3A_475 = arith.constant 2 : i32
          %parallel_loop3A_476 = arith.addi %parallel_loop3A_474, %parallel_loop3A_475 : i32
          %parallel_loop3A_477 = vector.broadcast %parallel_loop3A_476 : i32 to vector<16xi32>
          %parallel_loop3A_478 = arith.constant 2 : i32
          %parallel_loop3A_479 = arith.index_cast %parallel_loop3A_195 : i32 to index
          %parallel_loop3A_480 = arith.index_cast %parallel_loop3A_478 : i32 to index
          %parallel_loop3A_481 = arith.constant 128 : index
          %parallel_loop3A_482 = tpu.vector_load %arg5[%parallel_loop3A_479, %parallel_loop3A_480, %parallel_loop3A_481] {strides = array<i32>} : memref<8x8x256xf32, #tpu.memory_space<vmem>>, vector<16xf32>,
          %parallel_loop3A_483 = arith.constant 2 : i32
          %parallel_loop3A_484 = arith.index_cast %parallel_loop3A_195 : i32 to index
          %parallel_loop3A_485 = arith.index_cast %parallel_loop3A_483 : i32 to index
          %parallel_loop3A_486 = arith.constant 144 : index
          %parallel_loop3A_487 = tpu.vector_load %arg5[%parallel_loop3A_484, %parallel_loop3A_485, %parallel_loop3A_486] {strides = array<i32>} : memref<8x8x256xf32, #tpu.memory_space<vmem>>, vector<16xf32>,
          %parallel_loop3A_488 = arith.constant 2 : i32
          %parallel_loop3A_489 = arith.index_cast %parallel_loop3A_195 : i32 to index
          %parallel_loop3A_490 = arith.index_cast %parallel_loop3A_488 : i32 to index
          %parallel_loop3A_491 = arith.constant 160 : index
          %parallel_loop3A_492 = tpu.vector_load %arg5[%parallel_loop3A_489, %parallel_loop3A_490, %parallel_loop3A_491] {strides = array<i32>} : memref<8x8x256xf32, #tpu.memory_space<vmem>>, vector<16xf32>,
          %parallel_loop3A_493 = arith.constant 2 : i32
          %parallel_loop3A_494 = arith.index_cast %parallel_loop3A_195 : i32 to index
          %parallel_loop3A_495 = arith.index_cast %parallel_loop3A_493 : i32 to index
          %parallel_loop3A_496 = arith.constant 176 : index
          %parallel_loop3A_497 = tpu.vector_load %arg5[%parallel_loop3A_494, %parallel_loop3A_495, %parallel_loop3A_496] {strides = array<i32>} : memref<8x8x256xf32, #tpu.memory_space<vmem>>, vector<16xf32>,
          %parallel_loop3A_498 = arith.constant 2 : i32
          %parallel_loop3A_499 = arith.index_cast %parallel_loop3A_195 : i32 to index
          %parallel_loop3A_500 = arith.index_cast %parallel_loop3A_498 : i32 to index
          %parallel_loop3A_501 = arith.constant 192 : index
          %parallel_loop3A_502 = tpu.vector_load %arg5[%parallel_loop3A_499, %parallel_loop3A_500, %parallel_loop3A_501] {strides = array<i32>} : memref<8x8x256xf32, #tpu.memory_space<vmem>>, vector<16xf32>,
          %parallel_loop3A_503 = arith.constant 2 : i32
          %parallel_loop3A_504 = arith.index_cast %parallel_loop3A_195 : i32 to index
          %parallel_loop3A_505 = arith.index_cast %parallel_loop3A_503 : i32 to index
          %parallel_loop3A_506 = arith.constant 208 : index
          %parallel_loop3A_507 = tpu.vector_load %arg5[%parallel_loop3A_504, %parallel_loop3A_505, %parallel_loop3A_506] {strides = array<i32>} : memref<8x8x256xf32, #tpu.memory_space<vmem>>, vector<16xf32>,
          %parallel_loop3A_508 = arith.constant 2 : i32
          %parallel_loop3A_509 = arith.index_cast %parallel_loop3A_195 : i32 to index
          %parallel_loop3A_510 = arith.index_cast %parallel_loop3A_508 : i32 to index
          %parallel_loop3A_511 = arith.constant 224 : index
          %parallel_loop3A_512 = tpu.vector_load %arg5[%parallel_loop3A_509, %parallel_loop3A_510, %parallel_loop3A_511] {strides = array<i32>} : memref<8x8x256xf32, #tpu.memory_space<vmem>>, vector<16xf32>,
          %parallel_loop3A_513 = arith.constant 2 : i32
          %parallel_loop3A_514 = arith.index_cast %parallel_loop3A_195 : i32 to index
          %parallel_loop3A_515 = arith.index_cast %parallel_loop3A_513 : i32 to index
          %parallel_loop3A_516 = arith.constant 240 : index
          %parallel_loop3A_517 = tpu.vector_load %arg5[%parallel_loop3A_514, %parallel_loop3A_515, %parallel_loop3A_516] {strides = array<i32>} : memref<8x8x256xf32, #tpu.memory_space<vmem>>, vector<16xf32>,
          %parallel_loop3A_518 = arith.addi %mul3A_6, %parallel_loop3A_477 : vector<16xi32>
          %parallel_loop3A_519 = arith.addi %mul3A_12, %parallel_loop3A_477 : vector<16xi32>
          %parallel_loop3A_520 = arith.addi %mul3A_18, %parallel_loop3A_477 : vector<16xi32>
          %parallel_loop3A_521 = arith.addi %mul3A_24, %parallel_loop3A_477 : vector<16xi32>
          %parallel_loop3A_522 = arith.addi %mul3A_30, %parallel_loop3A_477 : vector<16xi32>
          %parallel_loop3A_523 = arith.addi %mul3A_36, %parallel_loop3A_477 : vector<16xi32>
          %parallel_loop3A_524 = arith.addi %mul3A_42, %parallel_loop3A_477 : vector<16xi32>
          %parallel_loop3A_525 = arith.addi %mul3A_48, %parallel_loop3A_477 : vector<16xi32>
          tpu.vector_store_idx %arg7[%parallel_loop3A_518], %parallel_loop3A_482 : memref<18432xf32, #tpu.memory_space<vmem>>[vector<16xi32>], vector<16xf32>,
          tpu.vector_store_idx %arg7[%parallel_loop3A_519], %parallel_loop3A_487 : memref<18432xf32, #tpu.memory_space<vmem>>[vector<16xi32>], vector<16xf32>,
          tpu.vector_store_idx %arg7[%parallel_loop3A_520], %parallel_loop3A_492 : memref<18432xf32, #tpu.memory_space<vmem>>[vector<16xi32>], vector<16xf32>,
          tpu.vector_store_idx %arg7[%parallel_loop3A_521], %parallel_loop3A_497 : memref<18432xf32, #tpu.memory_space<vmem>>[vector<16xi32>], vector<16xf32>,
          tpu.vector_store_idx %arg7[%parallel_loop3A_522], %parallel_loop3A_502 : memref<18432xf32, #tpu.memory_space<vmem>>[vector<16xi32>], vector<16xf32>,
          tpu.vector_store_idx %arg7[%parallel_loop3A_523], %parallel_loop3A_507 : memref<18432xf32, #tpu.memory_space<vmem>>[vector<16xi32>], vector<16xf32>,
          tpu.vector_store_idx %arg7[%parallel_loop3A_524], %parallel_loop3A_512 : memref<18432xf32, #tpu.memory_space<vmem>>[vector<16xi32>], vector<16xf32>,
          tpu.vector_store_idx %arg7[%parallel_loop3A_525], %parallel_loop3A_517 : memref<18432xf32, #tpu.memory_space<vmem>>[vector<16xi32>], vector<16xf32>,
          %parallel_loop3A_526 = arith.constant 8 : i32
          %parallel_loop3A_527 = arith.muli %parallel_loop3A_195, %parallel_loop3A_526 : i32
          %parallel_loop3A_528 = arith.constant 0 : i32
          %parallel_loop3A_529 = arith.addi %parallel_loop3A_528, %parallel_loop3A_527 : i32
          %parallel_loop3A_530 = arith.constant 3 : i32
          %parallel_loop3A_531 = arith.addi %parallel_loop3A_529, %parallel_loop3A_530 : i32
          %parallel_loop3A_532 = vector.broadcast %parallel_loop3A_531 : i32 to vector<16xi32>
          %parallel_loop3A_533 = arith.constant 3 : i32
          %parallel_loop3A_534 = arith.index_cast %parallel_loop3A_195 : i32 to index
          %parallel_loop3A_535 = arith.index_cast %parallel_loop3A_533 : i32 to index
          %parallel_loop3A_536 = arith.constant 0 : index
          %parallel_loop3A_537 = tpu.vector_load %arg5[%parallel_loop3A_534, %parallel_loop3A_535, %parallel_loop3A_536] {strides = array<i32>} : memref<8x8x256xf32, #tpu.memory_space<vmem>>, vector<16xf32>,
          %parallel_loop3A_538 = arith.constant 3 : i32
          %parallel_loop3A_539 = arith.index_cast %parallel_loop3A_195 : i32 to index
          %parallel_loop3A_540 = arith.index_cast %parallel_loop3A_538 : i32 to index
          %parallel_loop3A_541 = arith.constant 16 : index
          %parallel_loop3A_542 = tpu.vector_load %arg5[%parallel_loop3A_539, %parallel_loop3A_540, %parallel_loop3A_541] {strides = array<i32>} : memref<8x8x256xf32, #tpu.memory_space<vmem>>, vector<16xf32>,
          %parallel_loop3A_543 = arith.constant 3 : i32
          %parallel_loop3A_544 = arith.index_cast %parallel_loop3A_195 : i32 to index
          %parallel_loop3A_545 = arith.index_cast %parallel_loop3A_543 : i32 to index
          %parallel_loop3A_546 = arith.constant 32 : index
          %parallel_loop3A_547 = tpu.vector_load %arg5[%parallel_loop3A_544, %parallel_loop3A_545, %parallel_loop3A_546] {strides = array<i32>} : memref<8x8x256xf32, #tpu.memory_space<vmem>>, vector<16xf32>,
          %parallel_loop3A_548 = arith.constant 3 : i32
          %parallel_loop3A_549 = arith.index_cast %parallel_loop3A_195 : i32 to index
          %parallel_loop3A_550 = arith.index_cast %parallel_loop3A_548 : i32 to index
          %parallel_loop3A_551 = arith.constant 48 : index
          %parallel_loop3A_552 = tpu.vector_load %arg5[%parallel_loop3A_549, %parallel_loop3A_550, %parallel_loop3A_551] {strides = array<i32>} : memref<8x8x256xf32, #tpu.memory_space<vmem>>, vector<16xf32>,
          %parallel_loop3A_553 = arith.constant 3 : i32
          %parallel_loop3A_554 = arith.index_cast %parallel_loop3A_195 : i32 to index
          %parallel_loop3A_555 = arith.index_cast %parallel_loop3A_553 : i32 to index
          %parallel_loop3A_556 = arith.constant 64 : index
          %parallel_loop3A_557 = tpu.vector_load %arg5[%parallel_loop3A_554, %parallel_loop3A_555, %parallel_loop3A_556] {strides = array<i32>} : memref<8x8x256xf32, #tpu.memory_space<vmem>>, vector<16xf32>,
          %parallel_loop3A_558 = arith.constant 3 : i32
          %parallel_loop3A_559 = arith.index_cast %parallel_loop3A_195 : i32 to index
          %parallel_loop3A_560 = arith.index_cast %parallel_loop3A_558 : i32 to index
          %parallel_loop3A_561 = arith.constant 80 : index
          %parallel_loop3A_562 = tpu.vector_load %arg5[%parallel_loop3A_559, %parallel_loop3A_560, %parallel_loop3A_561] {strides = array<i32>} : memref<8x8x256xf32, #tpu.memory_space<vmem>>, vector<16xf32>,
          %parallel_loop3A_563 = arith.constant 3 : i32
          %parallel_loop3A_564 = arith.index_cast %parallel_loop3A_195 : i32 to index
          %parallel_loop3A_565 = arith.index_cast %parallel_loop3A_563 : i32 to index
          %parallel_loop3A_566 = arith.constant 96 : index
          %parallel_loop3A_567 = tpu.vector_load %arg5[%parallel_loop3A_564, %parallel_loop3A_565, %parallel_loop3A_566] {strides = array<i32>} : memref<8x8x256xf32, #tpu.memory_space<vmem>>, vector<16xf32>,
          %parallel_loop3A_568 = arith.constant 3 : i32
          %parallel_loop3A_569 = arith.index_cast %parallel_loop3A_195 : i32 to index
          %parallel_loop3A_570 = arith.index_cast %parallel_loop3A_568 : i32 to index
          %parallel_loop3A_571 = arith.constant 112 : index
          %parallel_loop3A_572 = tpu.vector_load %arg5[%parallel_loop3A_569, %parallel_loop3A_570, %parallel_loop3A_571] {strides = array<i32>} : memref<8x8x256xf32, #tpu.memory_space<vmem>>, vector<16xf32>,
          %parallel_loop3A_573 = arith.addi %mul3A_6, %parallel_loop3A_532 : vector<16xi32>
          %parallel_loop3A_574 = arith.addi %mul3A_12, %parallel_loop3A_532 : vector<16xi32>
          %parallel_loop3A_575 = arith.addi %mul3A_18, %parallel_loop3A_532 : vector<16xi32>
          %parallel_loop3A_576 = arith.addi %mul3A_24, %parallel_loop3A_532 : vector<16xi32>
          %parallel_loop3A_577 = arith.addi %mul3A_30, %parallel_loop3A_532 : vector<16xi32>
          %parallel_loop3A_578 = arith.addi %mul3A_36, %parallel_loop3A_532 : vector<16xi32>
          %parallel_loop3A_579 = arith.addi %mul3A_42, %parallel_loop3A_532 : vector<16xi32>
          %parallel_loop3A_580 = arith.addi %mul3A_48, %parallel_loop3A_532 : vector<16xi32>
          tpu.vector_store_idx %arg7[%parallel_loop3A_573], %parallel_loop3A_537 : memref<18432xf32, #tpu.memory_space<vmem>>[vector<16xi32>], vector<16xf32>,
          tpu.vector_store_idx %arg7[%parallel_loop3A_574], %parallel_loop3A_542 : memref<18432xf32, #tpu.memory_space<vmem>>[vector<16xi32>], vector<16xf32>,
          tpu.vector_store_idx %arg7[%parallel_loop3A_575], %parallel_loop3A_547 : memref<18432xf32, #tpu.memory_space<vmem>>[vector<16xi32>], vector<16xf32>,
          tpu.vector_store_idx %arg7[%parallel_loop3A_576], %parallel_loop3A_552 : memref<18432xf32, #tpu.memory_space<vmem>>[vector<16xi32>], vector<16xf32>,
          tpu.vector_store_idx %arg7[%parallel_loop3A_577], %parallel_loop3A_557 : memref<18432xf32, #tpu.memory_space<vmem>>[vector<16xi32>], vector<16xf32>,
          tpu.vector_store_idx %arg7[%parallel_loop3A_578], %parallel_loop3A_562 : memref<18432xf32, #tpu.memory_space<vmem>>[vector<16xi32>], vector<16xf32>,
          tpu.vector_store_idx %arg7[%parallel_loop3A_579], %parallel_loop3A_567 : memref<18432xf32, #tpu.memory_space<vmem>>[vector<16xi32>], vector<16xf32>,
          tpu.vector_store_idx %arg7[%parallel_loop3A_580], %parallel_loop3A_572 : memref<18432xf32, #tpu.memory_space<vmem>>[vector<16xi32>], vector<16xf32>,
          %parallel_loop3A_581 = arith.constant 8 : i32
          %parallel_loop3A_582 = arith.muli %parallel_loop3A_195, %parallel_loop3A_581 : i32
          %parallel_loop3A_583 = arith.constant 9216 : i32
          %parallel_loop3A_584 = arith.addi %parallel_loop3A_583, %parallel_loop3A_582 : i32
          %parallel_loop3A_585 = arith.constant 3 : i32
          %parallel_loop3A_586 = arith.addi %parallel_loop3A_584, %parallel_loop3A_585 : i32
          %parallel_loop3A_587 = vector.broadcast %parallel_loop3A_586 : i32 to vector<16xi32>
          %parallel_loop3A_588 = arith.constant 3 : i32
          %parallel_loop3A_589 = arith.index_cast %parallel_loop3A_195 : i32 to index
          %parallel_loop3A_590 = arith.index_cast %parallel_loop3A_588 : i32 to index
          %parallel_loop3A_591 = arith.constant 128 : index
          %parallel_loop3A_592 = tpu.vector_load %arg5[%parallel_loop3A_589, %parallel_loop3A_590, %parallel_loop3A_591] {strides = array<i32>} : memref<8x8x256xf32, #tpu.memory_space<vmem>>, vector<16xf32>,
          %parallel_loop3A_593 = arith.constant 3 : i32
          %parallel_loop3A_594 = arith.index_cast %parallel_loop3A_195 : i32 to index
          %parallel_loop3A_595 = arith.index_cast %parallel_loop3A_593 : i32 to index
          %parallel_loop3A_596 = arith.constant 144 : index
          %parallel_loop3A_597 = tpu.vector_load %arg5[%parallel_loop3A_594, %parallel_loop3A_595, %parallel_loop3A_596] {strides = array<i32>} : memref<8x8x256xf32, #tpu.memory_space<vmem>>, vector<16xf32>,
          %parallel_loop3A_598 = arith.constant 3 : i32
          %parallel_loop3A_599 = arith.index_cast %parallel_loop3A_195 : i32 to index
          %parallel_loop3A_600 = arith.index_cast %parallel_loop3A_598 : i32 to index
          %parallel_loop3A_601 = arith.constant 160 : index
          %parallel_loop3A_602 = tpu.vector_load %arg5[%parallel_loop3A_599, %parallel_loop3A_600, %parallel_loop3A_601] {strides = array<i32>} : memref<8x8x256xf32, #tpu.memory_space<vmem>>, vector<16xf32>,
          %parallel_loop3A_603 = arith.constant 3 : i32
          %parallel_loop3A_604 = arith.index_cast %parallel_loop3A_195 : i32 to index
          %parallel_loop3A_605 = arith.index_cast %parallel_loop3A_603 : i32 to index
          %parallel_loop3A_606 = arith.constant 176 : index
          %parallel_loop3A_607 = tpu.vector_load %arg5[%parallel_loop3A_604, %parallel_loop3A_605, %parallel_loop3A_606] {strides = array<i32>} : memref<8x8x256xf32, #tpu.memory_space<vmem>>, vector<16xf32>,
          %parallel_loop3A_608 = arith.constant 3 : i32
          %parallel_loop3A_609 = arith.index_cast %parallel_loop3A_195 : i32 to index
          %parallel_loop3A_610 = arith.index_cast %parallel_loop3A_608 : i32 to index
          %parallel_loop3A_611 = arith.constant 192 : index
          %parallel_loop3A_612 = tpu.vector_load %arg5[%parallel_loop3A_609, %parallel_loop3A_610, %parallel_loop3A_611] {strides = array<i32>} : memref<8x8x256xf32, #tpu.memory_space<vmem>>, vector<16xf32>,
          %parallel_loop3A_613 = arith.constant 3 : i32
          %parallel_loop3A_614 = arith.index_cast %parallel_loop3A_195 : i32 to index
          %parallel_loop3A_615 = arith.index_cast %parallel_loop3A_613 : i32 to index
          %parallel_loop3A_616 = arith.constant 208 : index
          %parallel_loop3A_617 = tpu.vector_load %arg5[%parallel_loop3A_614, %parallel_loop3A_615, %parallel_loop3A_616] {strides = array<i32>} : memref<8x8x256xf32, #tpu.memory_space<vmem>>, vector<16xf32>,
          %parallel_loop3A_618 = arith.constant 3 : i32
          %parallel_loop3A_619 = arith.index_cast %parallel_loop3A_195 : i32 to index
          %parallel_loop3A_620 = arith.index_cast %parallel_loop3A_618 : i32 to index
          %parallel_loop3A_621 = arith.constant 224 : index
          %parallel_loop3A_622 = tpu.vector_load %arg5[%parallel_loop3A_619, %parallel_loop3A_620, %parallel_loop3A_621] {strides = array<i32>} : memref<8x8x256xf32, #tpu.memory_space<vmem>>, vector<16xf32>,
          %parallel_loop3A_623 = arith.constant 3 : i32
          %parallel_loop3A_624 = arith.index_cast %parallel_loop3A_195 : i32 to index
          %parallel_loop3A_625 = arith.index_cast %parallel_loop3A_623 : i32 to index
          %parallel_loop3A_626 = arith.constant 240 : index
          %parallel_loop3A_627 = tpu.vector_load %arg5[%parallel_loop3A_624, %parallel_loop3A_625, %parallel_loop3A_626] {strides = array<i32>} : memref<8x8x256xf32, #tpu.memory_space<vmem>>, vector<16xf32>,
          %parallel_loop3A_628 = arith.addi %mul3A_6, %parallel_loop3A_587 : vector<16xi32>
          %parallel_loop3A_629 = arith.addi %mul3A_12, %parallel_loop3A_587 : vector<16xi32>
          %parallel_loop3A_630 = arith.addi %mul3A_18, %parallel_loop3A_587 : vector<16xi32>
          %parallel_loop3A_631 = arith.addi %mul3A_24, %parallel_loop3A_587 : vector<16xi32>
          %parallel_loop3A_632 = arith.addi %mul3A_30, %parallel_loop3A_587 : vector<16xi32>
          %parallel_loop3A_633 = arith.addi %mul3A_36, %parallel_loop3A_587 : vector<16xi32>
          %parallel_loop3A_634 = arith.addi %mul3A_42, %parallel_loop3A_587 : vector<16xi32>
          %parallel_loop3A_635 = arith.addi %mul3A_48, %parallel_loop3A_587 : vector<16xi32>
          tpu.vector_store_idx %arg7[%parallel_loop3A_628], %parallel_loop3A_592 : memref<18432xf32, #tpu.memory_space<vmem>>[vector<16xi32>], vector<16xf32>,
          tpu.vector_store_idx %arg7[%parallel_loop3A_629], %parallel_loop3A_597 : memref<18432xf32, #tpu.memory_space<vmem>>[vector<16xi32>], vector<16xf32>,
          tpu.vector_store_idx %arg7[%parallel_loop3A_630], %parallel_loop3A_602 : memref<18432xf32, #tpu.memory_space<vmem>>[vector<16xi32>], vector<16xf32>,
          tpu.vector_store_idx %arg7[%parallel_loop3A_631], %parallel_loop3A_607 : memref<18432xf32, #tpu.memory_space<vmem>>[vector<16xi32>], vector<16xf32>,
          tpu.vector_store_idx %arg7[%parallel_loop3A_632], %parallel_loop3A_612 : memref<18432xf32, #tpu.memory_space<vmem>>[vector<16xi32>], vector<16xf32>,
          tpu.vector_store_idx %arg7[%parallel_loop3A_633], %parallel_loop3A_617 : memref<18432xf32, #tpu.memory_space<vmem>>[vector<16xi32>], vector<16xf32>,
          tpu.vector_store_idx %arg7[%parallel_loop3A_634], %parallel_loop3A_622 : memref<18432xf32, #tpu.memory_space<vmem>>[vector<16xi32>], vector<16xf32>,
          tpu.vector_store_idx %arg7[%parallel_loop3A_635], %parallel_loop3A_627 : memref<18432xf32, #tpu.memory_space<vmem>>[vector<16xi32>], vector<16xf32>,
          %parallel_loop3A_636 = arith.constant 8 : i32
          %parallel_loop3A_637 = arith.muli %parallel_loop3A_195, %parallel_loop3A_636 : i32
          %parallel_loop3A_638 = arith.constant 0 : i32
          %parallel_loop3A_639 = arith.addi %parallel_loop3A_638, %parallel_loop3A_637 : i32
          %parallel_loop3A_640 = arith.constant 4 : i32
          %parallel_loop3A_641 = arith.addi %parallel_loop3A_639, %parallel_loop3A_640 : i32
          %parallel_loop3A_642 = vector.broadcast %parallel_loop3A_641 : i32 to vector<16xi32>
          %parallel_loop3A_643 = arith.constant 4 : i32
          %parallel_loop3A_644 = arith.index_cast %parallel_loop3A_195 : i32 to index
          %parallel_loop3A_645 = arith.index_cast %parallel_loop3A_643 : i32 to index
          %parallel_loop3A_646 = arith.constant 0 : index
          %parallel_loop3A_647 = tpu.vector_load %arg5[%parallel_loop3A_644, %parallel_loop3A_645, %parallel_loop3A_646] {strides = array<i32>} : memref<8x8x256xf32, #tpu.memory_space<vmem>>, vector<16xf32>,
          %parallel_loop3A_648 = arith.constant 4 : i32
          %parallel_loop3A_649 = arith.index_cast %parallel_loop3A_195 : i32 to index
          %parallel_loop3A_650 = arith.index_cast %parallel_loop3A_648 : i32 to index
          %parallel_loop3A_651 = arith.constant 16 : index
          %parallel_loop3A_652 = tpu.vector_load %arg5[%parallel_loop3A_649, %parallel_loop3A_650, %parallel_loop3A_651] {strides = array<i32>} : memref<8x8x256xf32, #tpu.memory_space<vmem>>, vector<16xf32>,
          %parallel_loop3A_653 = arith.constant 4 : i32
          %parallel_loop3A_654 = arith.index_cast %parallel_loop3A_195 : i32 to index
          %parallel_loop3A_655 = arith.index_cast %parallel_loop3A_653 : i32 to index
          %parallel_loop3A_656 = arith.constant 32 : index
          %parallel_loop3A_657 = tpu.vector_load %arg5[%parallel_loop3A_654, %parallel_loop3A_655, %parallel_loop3A_656] {strides = array<i32>} : memref<8x8x256xf32, #tpu.memory_space<vmem>>, vector<16xf32>,
          %parallel_loop3A_658 = arith.constant 4 : i32
          %parallel_loop3A_659 = arith.index_cast %parallel_loop3A_195 : i32 to index
          %parallel_loop3A_660 = arith.index_cast %parallel_loop3A_658 : i32 to index
          %parallel_loop3A_661 = arith.constant 48 : index
          %parallel_loop3A_662 = tpu.vector_load %arg5[%parallel_loop3A_659, %parallel_loop3A_660, %parallel_loop3A_661] {strides = array<i32>} : memref<8x8x256xf32, #tpu.memory_space<vmem>>, vector<16xf32>,
          %parallel_loop3A_663 = arith.constant 4 : i32
          %parallel_loop3A_664 = arith.index_cast %parallel_loop3A_195 : i32 to index
          %parallel_loop3A_665 = arith.index_cast %parallel_loop3A_663 : i32 to index
          %parallel_loop3A_666 = arith.constant 64 : index
          %parallel_loop3A_667 = tpu.vector_load %arg5[%parallel_loop3A_664, %parallel_loop3A_665, %parallel_loop3A_666] {strides = array<i32>} : memref<8x8x256xf32, #tpu.memory_space<vmem>>, vector<16xf32>,
          %parallel_loop3A_668 = arith.constant 4 : i32
          %parallel_loop3A_669 = arith.index_cast %parallel_loop3A_195 : i32 to index
          %parallel_loop3A_670 = arith.index_cast %parallel_loop3A_668 : i32 to index
          %parallel_loop3A_671 = arith.constant 80 : index
          %parallel_loop3A_672 = tpu.vector_load %arg5[%parallel_loop3A_669, %parallel_loop3A_670, %parallel_loop3A_671] {strides = array<i32>} : memref<8x8x256xf32, #tpu.memory_space<vmem>>, vector<16xf32>,
          %parallel_loop3A_673 = arith.constant 4 : i32
          %parallel_loop3A_674 = arith.index_cast %parallel_loop3A_195 : i32 to index
          %parallel_loop3A_675 = arith.index_cast %parallel_loop3A_673 : i32 to index
          %parallel_loop3A_676 = arith.constant 96 : index
          %parallel_loop3A_677 = tpu.vector_load %arg5[%parallel_loop3A_674, %parallel_loop3A_675, %parallel_loop3A_676] {strides = array<i32>} : memref<8x8x256xf32, #tpu.memory_space<vmem>>, vector<16xf32>,
          %parallel_loop3A_678 = arith.constant 4 : i32
          %parallel_loop3A_679 = arith.index_cast %parallel_loop3A_195 : i32 to index
          %parallel_loop3A_680 = arith.index_cast %parallel_loop3A_678 : i32 to index
          %parallel_loop3A_681 = arith.constant 112 : index
          %parallel_loop3A_682 = tpu.vector_load %arg5[%parallel_loop3A_679, %parallel_loop3A_680, %parallel_loop3A_681] {strides = array<i32>} : memref<8x8x256xf32, #tpu.memory_space<vmem>>, vector<16xf32>,
          %parallel_loop3A_683 = arith.addi %mul3A_6, %parallel_loop3A_642 : vector<16xi32>
          %parallel_loop3A_684 = arith.addi %mul3A_12, %parallel_loop3A_642 : vector<16xi32>
          %parallel_loop3A_685 = arith.addi %mul3A_18, %parallel_loop3A_642 : vector<16xi32>
          %parallel_loop3A_686 = arith.addi %mul3A_24, %parallel_loop3A_642 : vector<16xi32>
          %parallel_loop3A_687 = arith.addi %mul3A_30, %parallel_loop3A_642 : vector<16xi32>
          %parallel_loop3A_688 = arith.addi %mul3A_36, %parallel_loop3A_642 : vector<16xi32>
          %parallel_loop3A_689 = arith.addi %mul3A_42, %parallel_loop3A_642 : vector<16xi32>
          %parallel_loop3A_690 = arith.addi %mul3A_48, %parallel_loop3A_642 : vector<16xi32>
          tpu.vector_store_idx %arg7[%parallel_loop3A_683], %parallel_loop3A_647 : memref<18432xf32, #tpu.memory_space<vmem>>[vector<16xi32>], vector<16xf32>,
          tpu.vector_store_idx %arg7[%parallel_loop3A_684], %parallel_loop3A_652 : memref<18432xf32, #tpu.memory_space<vmem>>[vector<16xi32>], vector<16xf32>,
          tpu.vector_store_idx %arg7[%parallel_loop3A_685], %parallel_loop3A_657 : memref<18432xf32, #tpu.memory_space<vmem>>[vector<16xi32>], vector<16xf32>,
          tpu.vector_store_idx %arg7[%parallel_loop3A_686], %parallel_loop3A_662 : memref<18432xf32, #tpu.memory_space<vmem>>[vector<16xi32>], vector<16xf32>,
          tpu.vector_store_idx %arg7[%parallel_loop3A_687], %parallel_loop3A_667 : memref<18432xf32, #tpu.memory_space<vmem>>[vector<16xi32>], vector<16xf32>,
          tpu.vector_store_idx %arg7[%parallel_loop3A_688], %parallel_loop3A_672 : memref<18432xf32, #tpu.memory_space<vmem>>[vector<16xi32>], vector<16xf32>,
          tpu.vector_store_idx %arg7[%parallel_loop3A_689], %parallel_loop3A_677 : memref<18432xf32, #tpu.memory_space<vmem>>[vector<16xi32>], vector<16xf32>,
          tpu.vector_store_idx %arg7[%parallel_loop3A_690], %parallel_loop3A_682 : memref<18432xf32, #tpu.memory_space<vmem>>[vector<16xi32>], vector<16xf32>,
          %parallel_loop3A_691 = arith.constant 8 : i32
          %parallel_loop3A_692 = arith.muli %parallel_loop3A_195, %parallel_loop3A_691 : i32
          %parallel_loop3A_693 = arith.constant 9216 : i32
          %parallel_loop3A_694 = arith.addi %parallel_loop3A_693, %parallel_loop3A_692 : i32
          %parallel_loop3A_695 = arith.constant 4 : i32
          %parallel_loop3A_696 = arith.addi %parallel_loop3A_694, %parallel_loop3A_695 : i32
          %parallel_loop3A_697 = vector.broadcast %parallel_loop3A_696 : i32 to vector<16xi32>
          %parallel_loop3A_698 = arith.constant 4 : i32
          %parallel_loop3A_699 = arith.index_cast %parallel_loop3A_195 : i32 to index
          %parallel_loop3A_700 = arith.index_cast %parallel_loop3A_698 : i32 to index
          %parallel_loop3A_701 = arith.constant 128 : index
          %parallel_loop3A_702 = tpu.vector_load %arg5[%parallel_loop3A_699, %parallel_loop3A_700, %parallel_loop3A_701] {strides = array<i32>} : memref<8x8x256xf32, #tpu.memory_space<vmem>>, vector<16xf32>,
          %parallel_loop3A_703 = arith.constant 4 : i32
          %parallel_loop3A_704 = arith.index_cast %parallel_loop3A_195 : i32 to index
          %parallel_loop3A_705 = arith.index_cast %parallel_loop3A_703 : i32 to index
          %parallel_loop3A_706 = arith.constant 144 : index
          %parallel_loop3A_707 = tpu.vector_load %arg5[%parallel_loop3A_704, %parallel_loop3A_705, %parallel_loop3A_706] {strides = array<i32>} : memref<8x8x256xf32, #tpu.memory_space<vmem>>, vector<16xf32>,
          %parallel_loop3A_708 = arith.constant 4 : i32
          %parallel_loop3A_709 = arith.index_cast %parallel_loop3A_195 : i32 to index
          %parallel_loop3A_710 = arith.index_cast %parallel_loop3A_708 : i32 to index
          %parallel_loop3A_711 = arith.constant 160 : index
          %parallel_loop3A_712 = tpu.vector_load %arg5[%parallel_loop3A_709, %parallel_loop3A_710, %parallel_loop3A_711] {strides = array<i32>} : memref<8x8x256xf32, #tpu.memory_space<vmem>>, vector<16xf32>,
          %parallel_loop3A_713 = arith.constant 4 : i32
          %parallel_loop3A_714 = arith.index_cast %parallel_loop3A_195 : i32 to index
          %parallel_loop3A_715 = arith.index_cast %parallel_loop3A_713 : i32 to index
          %parallel_loop3A_716 = arith.constant 176 : index
          %parallel_loop3A_717 = tpu.vector_load %arg5[%parallel_loop3A_714, %parallel_loop3A_715, %parallel_loop3A_716] {strides = array<i32>} : memref<8x8x256xf32, #tpu.memory_space<vmem>>, vector<16xf32>,
          %parallel_loop3A_718 = arith.constant 4 : i32
          %parallel_loop3A_719 = arith.index_cast %parallel_loop3A_195 : i32 to index
          %parallel_loop3A_720 = arith.index_cast %parallel_loop3A_718 : i32 to index
          %parallel_loop3A_721 = arith.constant 192 : index
          %parallel_loop3A_722 = tpu.vector_load %arg5[%parallel_loop3A_719, %parallel_loop3A_720, %parallel_loop3A_721] {strides = array<i32>} : memref<8x8x256xf32, #tpu.memory_space<vmem>>, vector<16xf32>,
          %parallel_loop3A_723 = arith.constant 4 : i32
          %parallel_loop3A_724 = arith.index_cast %parallel_loop3A_195 : i32 to index
          %parallel_loop3A_725 = arith.index_cast %parallel_loop3A_723 : i32 to index
          %parallel_loop3A_726 = arith.constant 208 : index
          %parallel_loop3A_727 = tpu.vector_load %arg5[%parallel_loop3A_724, %parallel_loop3A_725, %parallel_loop3A_726] {strides = array<i32>} : memref<8x8x256xf32, #tpu.memory_space<vmem>>, vector<16xf32>,
          %parallel_loop3A_728 = arith.constant 4 : i32
          %parallel_loop3A_729 = arith.index_cast %parallel_loop3A_195 : i32 to index
          %parallel_loop3A_730 = arith.index_cast %parallel_loop3A_728 : i32 to index
          %parallel_loop3A_731 = arith.constant 224 : index
          %parallel_loop3A_732 = tpu.vector_load %arg5[%parallel_loop3A_729, %parallel_loop3A_730, %parallel_loop3A_731] {strides = array<i32>} : memref<8x8x256xf32, #tpu.memory_space<vmem>>, vector<16xf32>,
          %parallel_loop3A_733 = arith.constant 4 : i32
          %parallel_loop3A_734 = arith.index_cast %parallel_loop3A_195 : i32 to index
          %parallel_loop3A_735 = arith.index_cast %parallel_loop3A_733 : i32 to index
          %parallel_loop3A_736 = arith.constant 240 : index
          %parallel_loop3A_737 = tpu.vector_load %arg5[%parallel_loop3A_734, %parallel_loop3A_735, %parallel_loop3A_736] {strides = array<i32>} : memref<8x8x256xf32, #tpu.memory_space<vmem>>, vector<16xf32>,
          %parallel_loop3A_738 = arith.addi %mul3A_6, %parallel_loop3A_697 : vector<16xi32>
          %parallel_loop3A_739 = arith.addi %mul3A_12, %parallel_loop3A_697 : vector<16xi32>
          %parallel_loop3A_740 = arith.addi %mul3A_18, %parallel_loop3A_697 : vector<16xi32>
          %parallel_loop3A_741 = arith.addi %mul3A_24, %parallel_loop3A_697 : vector<16xi32>
          %parallel_loop3A_742 = arith.addi %mul3A_30, %parallel_loop3A_697 : vector<16xi32>
          %parallel_loop3A_743 = arith.addi %mul3A_36, %parallel_loop3A_697 : vector<16xi32>
          %parallel_loop3A_744 = arith.addi %mul3A_42, %parallel_loop3A_697 : vector<16xi32>
          %parallel_loop3A_745 = arith.addi %mul3A_48, %parallel_loop3A_697 : vector<16xi32>
          tpu.vector_store_idx %arg7[%parallel_loop3A_738], %parallel_loop3A_702 : memref<18432xf32, #tpu.memory_space<vmem>>[vector<16xi32>], vector<16xf32>,
          tpu.vector_store_idx %arg7[%parallel_loop3A_739], %parallel_loop3A_707 : memref<18432xf32, #tpu.memory_space<vmem>>[vector<16xi32>], vector<16xf32>,
          tpu.vector_store_idx %arg7[%parallel_loop3A_740], %parallel_loop3A_712 : memref<18432xf32, #tpu.memory_space<vmem>>[vector<16xi32>], vector<16xf32>,
          tpu.vector_store_idx %arg7[%parallel_loop3A_741], %parallel_loop3A_717 : memref<18432xf32, #tpu.memory_space<vmem>>[vector<16xi32>], vector<16xf32>,
          tpu.vector_store_idx %arg7[%parallel_loop3A_742], %parallel_loop3A_722 : memref<18432xf32, #tpu.memory_space<vmem>>[vector<16xi32>], vector<16xf32>,
          tpu.vector_store_idx %arg7[%parallel_loop3A_743], %parallel_loop3A_727 : memref<18432xf32, #tpu.memory_space<vmem>>[vector<16xi32>], vector<16xf32>,
          tpu.vector_store_idx %arg7[%parallel_loop3A_744], %parallel_loop3A_732 : memref<18432xf32, #tpu.memory_space<vmem>>[vector<16xi32>], vector<16xf32>,
          tpu.vector_store_idx %arg7[%parallel_loop3A_745], %parallel_loop3A_737 : memref<18432xf32, #tpu.memory_space<vmem>>[vector<16xi32>], vector<16xf32>,
          %parallel_loop3A_746 = arith.constant 8 : i32
          %parallel_loop3A_747 = arith.muli %parallel_loop3A_195, %parallel_loop3A_746 : i32
          %parallel_loop3A_748 = arith.constant 0 : i32
          %parallel_loop3A_749 = arith.addi %parallel_loop3A_748, %parallel_loop3A_747 : i32
          %parallel_loop3A_750 = arith.constant 5 : i32
          %parallel_loop3A_751 = arith.addi %parallel_loop3A_749, %parallel_loop3A_750 : i32
          %parallel_loop3A_752 = vector.broadcast %parallel_loop3A_751 : i32 to vector<16xi32>
          %parallel_loop3A_753 = arith.constant 5 : i32
          %parallel_loop3A_754 = arith.index_cast %parallel_loop3A_195 : i32 to index
          %parallel_loop3A_755 = arith.index_cast %parallel_loop3A_753 : i32 to index
          %parallel_loop3A_756 = arith.constant 0 : index
          %parallel_loop3A_757 = tpu.vector_load %arg5[%parallel_loop3A_754, %parallel_loop3A_755, %parallel_loop3A_756] {strides = array<i32>} : memref<8x8x256xf32, #tpu.memory_space<vmem>>, vector<16xf32>,
          %parallel_loop3A_758 = arith.constant 5 : i32
          %parallel_loop3A_759 = arith.index_cast %parallel_loop3A_195 : i32 to index
          %parallel_loop3A_760 = arith.index_cast %parallel_loop3A_758 : i32 to index
          %parallel_loop3A_761 = arith.constant 16 : index
          %parallel_loop3A_762 = tpu.vector_load %arg5[%parallel_loop3A_759, %parallel_loop3A_760, %parallel_loop3A_761] {strides = array<i32>} : memref<8x8x256xf32, #tpu.memory_space<vmem>>, vector<16xf32>,
          %parallel_loop3A_763 = arith.constant 5 : i32
          %parallel_loop3A_764 = arith.index_cast %parallel_loop3A_195 : i32 to index
          %parallel_loop3A_765 = arith.index_cast %parallel_loop3A_763 : i32 to index
          %parallel_loop3A_766 = arith.constant 32 : index
          %parallel_loop3A_767 = tpu.vector_load %arg5[%parallel_loop3A_764, %parallel_loop3A_765, %parallel_loop3A_766] {strides = array<i32>} : memref<8x8x256xf32, #tpu.memory_space<vmem>>, vector<16xf32>,
          %parallel_loop3A_768 = arith.constant 5 : i32
          %parallel_loop3A_769 = arith.index_cast %parallel_loop3A_195 : i32 to index
          %parallel_loop3A_770 = arith.index_cast %parallel_loop3A_768 : i32 to index
          %parallel_loop3A_771 = arith.constant 48 : index
          %parallel_loop3A_772 = tpu.vector_load %arg5[%parallel_loop3A_769, %parallel_loop3A_770, %parallel_loop3A_771] {strides = array<i32>} : memref<8x8x256xf32, #tpu.memory_space<vmem>>, vector<16xf32>,
          %parallel_loop3A_773 = arith.constant 5 : i32
          %parallel_loop3A_774 = arith.index_cast %parallel_loop3A_195 : i32 to index
          %parallel_loop3A_775 = arith.index_cast %parallel_loop3A_773 : i32 to index
          %parallel_loop3A_776 = arith.constant 64 : index
          %parallel_loop3A_777 = tpu.vector_load %arg5[%parallel_loop3A_774, %parallel_loop3A_775, %parallel_loop3A_776] {strides = array<i32>} : memref<8x8x256xf32, #tpu.memory_space<vmem>>, vector<16xf32>,
          %parallel_loop3A_778 = arith.constant 5 : i32
          %parallel_loop3A_779 = arith.index_cast %parallel_loop3A_195 : i32 to index
          %parallel_loop3A_780 = arith.index_cast %parallel_loop3A_778 : i32 to index
          %parallel_loop3A_781 = arith.constant 80 : index
          %parallel_loop3A_782 = tpu.vector_load %arg5[%parallel_loop3A_779, %parallel_loop3A_780, %parallel_loop3A_781] {strides = array<i32>} : memref<8x8x256xf32, #tpu.memory_space<vmem>>, vector<16xf32>,
          %parallel_loop3A_783 = arith.constant 5 : i32
          %parallel_loop3A_784 = arith.index_cast %parallel_loop3A_195 : i32 to index
          %parallel_loop3A_785 = arith.index_cast %parallel_loop3A_783 : i32 to index
          %parallel_loop3A_786 = arith.constant 96 : index
          %parallel_loop3A_787 = tpu.vector_load %arg5[%parallel_loop3A_784, %parallel_loop3A_785, %parallel_loop3A_786] {strides = array<i32>} : memref<8x8x256xf32, #tpu.memory_space<vmem>>, vector<16xf32>,
          %parallel_loop3A_788 = arith.constant 5 : i32
          %parallel_loop3A_789 = arith.index_cast %parallel_loop3A_195 : i32 to index
          %parallel_loop3A_790 = arith.index_cast %parallel_loop3A_788 : i32 to index
          %parallel_loop3A_791 = arith.constant 112 : index
          %parallel_loop3A_792 = tpu.vector_load %arg5[%parallel_loop3A_789, %parallel_loop3A_790, %parallel_loop3A_791] {strides = array<i32>} : memref<8x8x256xf32, #tpu.memory_space<vmem>>, vector<16xf32>,
          %parallel_loop3A_793 = arith.addi %mul3A_6, %parallel_loop3A_752 : vector<16xi32>
          %parallel_loop3A_794 = arith.addi %mul3A_12, %parallel_loop3A_752 : vector<16xi32>
          %parallel_loop3A_795 = arith.addi %mul3A_18, %parallel_loop3A_752 : vector<16xi32>
          %parallel_loop3A_796 = arith.addi %mul3A_24, %parallel_loop3A_752 : vector<16xi32>
          %parallel_loop3A_797 = arith.addi %mul3A_30, %parallel_loop3A_752 : vector<16xi32>
          %parallel_loop3A_798 = arith.addi %mul3A_36, %parallel_loop3A_752 : vector<16xi32>
          %parallel_loop3A_799 = arith.addi %mul3A_42, %parallel_loop3A_752 : vector<16xi32>
          %parallel_loop3A_800 = arith.addi %mul3A_48, %parallel_loop3A_752 : vector<16xi32>
          tpu.vector_store_idx %arg7[%parallel_loop3A_793], %parallel_loop3A_757 : memref<18432xf32, #tpu.memory_space<vmem>>[vector<16xi32>], vector<16xf32>,
          tpu.vector_store_idx %arg7[%parallel_loop3A_794], %parallel_loop3A_762 : memref<18432xf32, #tpu.memory_space<vmem>>[vector<16xi32>], vector<16xf32>,
          tpu.vector_store_idx %arg7[%parallel_loop3A_795], %parallel_loop3A_767 : memref<18432xf32, #tpu.memory_space<vmem>>[vector<16xi32>], vector<16xf32>,
          tpu.vector_store_idx %arg7[%parallel_loop3A_796], %parallel_loop3A_772 : memref<18432xf32, #tpu.memory_space<vmem>>[vector<16xi32>], vector<16xf32>,
          tpu.vector_store_idx %arg7[%parallel_loop3A_797], %parallel_loop3A_777 : memref<18432xf32, #tpu.memory_space<vmem>>[vector<16xi32>], vector<16xf32>,
          tpu.vector_store_idx %arg7[%parallel_loop3A_798], %parallel_loop3A_782 : memref<18432xf32, #tpu.memory_space<vmem>>[vector<16xi32>], vector<16xf32>,
          tpu.vector_store_idx %arg7[%parallel_loop3A_799], %parallel_loop3A_787 : memref<18432xf32, #tpu.memory_space<vmem>>[vector<16xi32>], vector<16xf32>,
          tpu.vector_store_idx %arg7[%parallel_loop3A_800], %parallel_loop3A_792 : memref<18432xf32, #tpu.memory_space<vmem>>[vector<16xi32>], vector<16xf32>,
          %parallel_loop3A_801 = arith.constant 8 : i32
          %parallel_loop3A_802 = arith.muli %parallel_loop3A_195, %parallel_loop3A_801 : i32
          %parallel_loop3A_803 = arith.constant 9216 : i32
          %parallel_loop3A_804 = arith.addi %parallel_loop3A_803, %parallel_loop3A_802 : i32
          %parallel_loop3A_805 = arith.constant 5 : i32
          %parallel_loop3A_806 = arith.addi %parallel_loop3A_804, %parallel_loop3A_805 : i32
          %parallel_loop3A_807 = vector.broadcast %parallel_loop3A_806 : i32 to vector<16xi32>
          %parallel_loop3A_808 = arith.constant 5 : i32
          %parallel_loop3A_809 = arith.index_cast %parallel_loop3A_195 : i32 to index
          %parallel_loop3A_810 = arith.index_cast %parallel_loop3A_808 : i32 to index
          %parallel_loop3A_811 = arith.constant 128 : index
          %parallel_loop3A_812 = tpu.vector_load %arg5[%parallel_loop3A_809, %parallel_loop3A_810, %parallel_loop3A_811] {strides = array<i32>} : memref<8x8x256xf32, #tpu.memory_space<vmem>>, vector<16xf32>,
          %parallel_loop3A_813 = arith.constant 5 : i32
          %parallel_loop3A_814 = arith.index_cast %parallel_loop3A_195 : i32 to index
          %parallel_loop3A_815 = arith.index_cast %parallel_loop3A_813 : i32 to index
          %parallel_loop3A_816 = arith.constant 144 : index
          %parallel_loop3A_817 = tpu.vector_load %arg5[%parallel_loop3A_814, %parallel_loop3A_815, %parallel_loop3A_816] {strides = array<i32>} : memref<8x8x256xf32, #tpu.memory_space<vmem>>, vector<16xf32>,
          %parallel_loop3A_818 = arith.constant 5 : i32
          %parallel_loop3A_819 = arith.index_cast %parallel_loop3A_195 : i32 to index
          %parallel_loop3A_820 = arith.index_cast %parallel_loop3A_818 : i32 to index
          %parallel_loop3A_821 = arith.constant 160 : index
          %parallel_loop3A_822 = tpu.vector_load %arg5[%parallel_loop3A_819, %parallel_loop3A_820, %parallel_loop3A_821] {strides = array<i32>} : memref<8x8x256xf32, #tpu.memory_space<vmem>>, vector<16xf32>,
          %parallel_loop3A_823 = arith.constant 5 : i32
          %parallel_loop3A_824 = arith.index_cast %parallel_loop3A_195 : i32 to index
          %parallel_loop3A_825 = arith.index_cast %parallel_loop3A_823 : i32 to index
          %parallel_loop3A_826 = arith.constant 176 : index
          %parallel_loop3A_827 = tpu.vector_load %arg5[%parallel_loop3A_824, %parallel_loop3A_825, %parallel_loop3A_826] {strides = array<i32>} : memref<8x8x256xf32, #tpu.memory_space<vmem>>, vector<16xf32>,
          %parallel_loop3A_828 = arith.constant 5 : i32
          %parallel_loop3A_829 = arith.index_cast %parallel_loop3A_195 : i32 to index
          %parallel_loop3A_830 = arith.index_cast %parallel_loop3A_828 : i32 to index
          %parallel_loop3A_831 = arith.constant 192 : index
          %parallel_loop3A_832 = tpu.vector_load %arg5[%parallel_loop3A_829, %parallel_loop3A_830, %parallel_loop3A_831] {strides = array<i32>} : memref<8x8x256xf32, #tpu.memory_space<vmem>>, vector<16xf32>,
          %parallel_loop3A_833 = arith.constant 5 : i32
          %parallel_loop3A_834 = arith.index_cast %parallel_loop3A_195 : i32 to index
          %parallel_loop3A_835 = arith.index_cast %parallel_loop3A_833 : i32 to index
          %parallel_loop3A_836 = arith.constant 208 : index
          %parallel_loop3A_837 = tpu.vector_load %arg5[%parallel_loop3A_834, %parallel_loop3A_835, %parallel_loop3A_836] {strides = array<i32>} : memref<8x8x256xf32, #tpu.memory_space<vmem>>, vector<16xf32>,
          %parallel_loop3A_838 = arith.constant 5 : i32
          %parallel_loop3A_839 = arith.index_cast %parallel_loop3A_195 : i32 to index
          %parallel_loop3A_840 = arith.index_cast %parallel_loop3A_838 : i32 to index
          %parallel_loop3A_841 = arith.constant 224 : index
          %parallel_loop3A_842 = tpu.vector_load %arg5[%parallel_loop3A_839, %parallel_loop3A_840, %parallel_loop3A_841] {strides = array<i32>} : memref<8x8x256xf32, #tpu.memory_space<vmem>>, vector<16xf32>,
          %parallel_loop3A_843 = arith.constant 5 : i32
          %parallel_loop3A_844 = arith.index_cast %parallel_loop3A_195 : i32 to index
          %parallel_loop3A_845 = arith.index_cast %parallel_loop3A_843 : i32 to index
          %parallel_loop3A_846 = arith.constant 240 : index
          %parallel_loop3A_847 = tpu.vector_load %arg5[%parallel_loop3A_844, %parallel_loop3A_845, %parallel_loop3A_846] {strides = array<i32>} : memref<8x8x256xf32, #tpu.memory_space<vmem>>, vector<16xf32>,
          %parallel_loop3A_848 = arith.addi %mul3A_6, %parallel_loop3A_807 : vector<16xi32>
          %parallel_loop3A_849 = arith.addi %mul3A_12, %parallel_loop3A_807 : vector<16xi32>
          %parallel_loop3A_850 = arith.addi %mul3A_18, %parallel_loop3A_807 : vector<16xi32>
          %parallel_loop3A_851 = arith.addi %mul3A_24, %parallel_loop3A_807 : vector<16xi32>
          %parallel_loop3A_852 = arith.addi %mul3A_30, %parallel_loop3A_807 : vector<16xi32>
          %parallel_loop3A_853 = arith.addi %mul3A_36, %parallel_loop3A_807 : vector<16xi32>
          %parallel_loop3A_854 = arith.addi %mul3A_42, %parallel_loop3A_807 : vector<16xi32>
          %parallel_loop3A_855 = arith.addi %mul3A_48, %parallel_loop3A_807 : vector<16xi32>
          tpu.vector_store_idx %arg7[%parallel_loop3A_848], %parallel_loop3A_812 : memref<18432xf32, #tpu.memory_space<vmem>>[vector<16xi32>], vector<16xf32>,
          tpu.vector_store_idx %arg7[%parallel_loop3A_849], %parallel_loop3A_817 : memref<18432xf32, #tpu.memory_space<vmem>>[vector<16xi32>], vector<16xf32>,
          tpu.vector_store_idx %arg7[%parallel_loop3A_850], %parallel_loop3A_822 : memref<18432xf32, #tpu.memory_space<vmem>>[vector<16xi32>], vector<16xf32>,
          tpu.vector_store_idx %arg7[%parallel_loop3A_851], %parallel_loop3A_827 : memref<18432xf32, #tpu.memory_space<vmem>>[vector<16xi32>], vector<16xf32>,
          tpu.vector_store_idx %arg7[%parallel_loop3A_852], %parallel_loop3A_832 : memref<18432xf32, #tpu.memory_space<vmem>>[vector<16xi32>], vector<16xf32>,
          tpu.vector_store_idx %arg7[%parallel_loop3A_853], %parallel_loop3A_837 : memref<18432xf32, #tpu.memory_space<vmem>>[vector<16xi32>], vector<16xf32>,
          tpu.vector_store_idx %arg7[%parallel_loop3A_854], %parallel_loop3A_842 : memref<18432xf32, #tpu.memory_space<vmem>>[vector<16xi32>], vector<16xf32>,
          tpu.vector_store_idx %arg7[%parallel_loop3A_855], %parallel_loop3A_847 : memref<18432xf32, #tpu.memory_space<vmem>>[vector<16xi32>], vector<16xf32>,
          %parallel_loop3A_856 = arith.constant 8 : i32
          %parallel_loop3A_857 = arith.muli %parallel_loop3A_195, %parallel_loop3A_856 : i32
          %parallel_loop3A_858 = arith.constant 0 : i32
          %parallel_loop3A_859 = arith.addi %parallel_loop3A_858, %parallel_loop3A_857 : i32
          %parallel_loop3A_860 = arith.constant 6 : i32
          %parallel_loop3A_861 = arith.addi %parallel_loop3A_859, %parallel_loop3A_860 : i32
          %parallel_loop3A_862 = vector.broadcast %parallel_loop3A_861 : i32 to vector<16xi32>
          %parallel_loop3A_863 = arith.constant 6 : i32
          %parallel_loop3A_864 = arith.index_cast %parallel_loop3A_195 : i32 to index
          %parallel_loop3A_865 = arith.index_cast %parallel_loop3A_863 : i32 to index
          %parallel_loop3A_866 = arith.constant 0 : index
          %parallel_loop3A_867 = tpu.vector_load %arg5[%parallel_loop3A_864, %parallel_loop3A_865, %parallel_loop3A_866] {strides = array<i32>} : memref<8x8x256xf32, #tpu.memory_space<vmem>>, vector<16xf32>,
          %parallel_loop3A_868 = arith.constant 6 : i32
          %parallel_loop3A_869 = arith.index_cast %parallel_loop3A_195 : i32 to index
          %parallel_loop3A_870 = arith.index_cast %parallel_loop3A_868 : i32 to index
          %parallel_loop3A_871 = arith.constant 16 : index
          %parallel_loop3A_872 = tpu.vector_load %arg5[%parallel_loop3A_869, %parallel_loop3A_870, %parallel_loop3A_871] {strides = array<i32>} : memref<8x8x256xf32, #tpu.memory_space<vmem>>, vector<16xf32>,
          %parallel_loop3A_873 = arith.constant 6 : i32
          %parallel_loop3A_874 = arith.index_cast %parallel_loop3A_195 : i32 to index
          %parallel_loop3A_875 = arith.index_cast %parallel_loop3A_873 : i32 to index
          %parallel_loop3A_876 = arith.constant 32 : index
          %parallel_loop3A_877 = tpu.vector_load %arg5[%parallel_loop3A_874, %parallel_loop3A_875, %parallel_loop3A_876] {strides = array<i32>} : memref<8x8x256xf32, #tpu.memory_space<vmem>>, vector<16xf32>,
          %parallel_loop3A_878 = arith.constant 6 : i32
          %parallel_loop3A_879 = arith.index_cast %parallel_loop3A_195 : i32 to index
          %parallel_loop3A_880 = arith.index_cast %parallel_loop3A_878 : i32 to index
          %parallel_loop3A_881 = arith.constant 48 : index
          %parallel_loop3A_882 = tpu.vector_load %arg5[%parallel_loop3A_879, %parallel_loop3A_880, %parallel_loop3A_881] {strides = array<i32>} : memref<8x8x256xf32, #tpu.memory_space<vmem>>, vector<16xf32>,
          %parallel_loop3A_883 = arith.constant 6 : i32
          %parallel_loop3A_884 = arith.index_cast %parallel_loop3A_195 : i32 to index
          %parallel_loop3A_885 = arith.index_cast %parallel_loop3A_883 : i32 to index
          %parallel_loop3A_886 = arith.constant 64 : index
          %parallel_loop3A_887 = tpu.vector_load %arg5[%parallel_loop3A_884, %parallel_loop3A_885, %parallel_loop3A_886] {strides = array<i32>} : memref<8x8x256xf32, #tpu.memory_space<vmem>>, vector<16xf32>,
          %parallel_loop3A_888 = arith.constant 6 : i32
          %parallel_loop3A_889 = arith.index_cast %parallel_loop3A_195 : i32 to index
          %parallel_loop3A_890 = arith.index_cast %parallel_loop3A_888 : i32 to index
          %parallel_loop3A_891 = arith.constant 80 : index
          %parallel_loop3A_892 = tpu.vector_load %arg5[%parallel_loop3A_889, %parallel_loop3A_890, %parallel_loop3A_891] {strides = array<i32>} : memref<8x8x256xf32, #tpu.memory_space<vmem>>, vector<16xf32>,
          %parallel_loop3A_893 = arith.constant 6 : i32
          %parallel_loop3A_894 = arith.index_cast %parallel_loop3A_195 : i32 to index
          %parallel_loop3A_895 = arith.index_cast %parallel_loop3A_893 : i32 to index
          %parallel_loop3A_896 = arith.constant 96 : index
          %parallel_loop3A_897 = tpu.vector_load %arg5[%parallel_loop3A_894, %parallel_loop3A_895, %parallel_loop3A_896] {strides = array<i32>} : memref<8x8x256xf32, #tpu.memory_space<vmem>>, vector<16xf32>,
          %parallel_loop3A_898 = arith.constant 6 : i32
          %parallel_loop3A_899 = arith.index_cast %parallel_loop3A_195 : i32 to index
          %parallel_loop3A_900 = arith.index_cast %parallel_loop3A_898 : i32 to index
          %parallel_loop3A_901 = arith.constant 112 : index
          %parallel_loop3A_902 = tpu.vector_load %arg5[%parallel_loop3A_899, %parallel_loop3A_900, %parallel_loop3A_901] {strides = array<i32>} : memref<8x8x256xf32, #tpu.memory_space<vmem>>, vector<16xf32>,
          %parallel_loop3A_903 = arith.addi %mul3A_6, %parallel_loop3A_862 : vector<16xi32>
          %parallel_loop3A_904 = arith.addi %mul3A_12, %parallel_loop3A_862 : vector<16xi32>
          %parallel_loop3A_905 = arith.addi %mul3A_18, %parallel_loop3A_862 : vector<16xi32>
          %parallel_loop3A_906 = arith.addi %mul3A_24, %parallel_loop3A_862 : vector<16xi32>
          %parallel_loop3A_907 = arith.addi %mul3A_30, %parallel_loop3A_862 : vector<16xi32>
          %parallel_loop3A_908 = arith.addi %mul3A_36, %parallel_loop3A_862 : vector<16xi32>
          %parallel_loop3A_909 = arith.addi %mul3A_42, %parallel_loop3A_862 : vector<16xi32>
          %parallel_loop3A_910 = arith.addi %mul3A_48, %parallel_loop3A_862 : vector<16xi32>
          tpu.vector_store_idx %arg7[%parallel_loop3A_903], %parallel_loop3A_867 : memref<18432xf32, #tpu.memory_space<vmem>>[vector<16xi32>], vector<16xf32>,
          tpu.vector_store_idx %arg7[%parallel_loop3A_904], %parallel_loop3A_872 : memref<18432xf32, #tpu.memory_space<vmem>>[vector<16xi32>], vector<16xf32>,
          tpu.vector_store_idx %arg7[%parallel_loop3A_905], %parallel_loop3A_877 : memref<18432xf32, #tpu.memory_space<vmem>>[vector<16xi32>], vector<16xf32>,
          tpu.vector_store_idx %arg7[%parallel_loop3A_906], %parallel_loop3A_882 : memref<18432xf32, #tpu.memory_space<vmem>>[vector<16xi32>], vector<16xf32>,
          tpu.vector_store_idx %arg7[%parallel_loop3A_907], %parallel_loop3A_887 : memref<18432xf32, #tpu.memory_space<vmem>>[vector<16xi32>], vector<16xf32>,
          tpu.vector_store_idx %arg7[%parallel_loop3A_908], %parallel_loop3A_892 : memref<18432xf32, #tpu.memory_space<vmem>>[vector<16xi32>], vector<16xf32>,
          tpu.vector_store_idx %arg7[%parallel_loop3A_909], %parallel_loop3A_897 : memref<18432xf32, #tpu.memory_space<vmem>>[vector<16xi32>], vector<16xf32>,
          tpu.vector_store_idx %arg7[%parallel_loop3A_910], %parallel_loop3A_902 : memref<18432xf32, #tpu.memory_space<vmem>>[vector<16xi32>], vector<16xf32>,
          %parallel_loop3A_911 = arith.constant 8 : i32
          %parallel_loop3A_912 = arith.muli %parallel_loop3A_195, %parallel_loop3A_911 : i32
          %parallel_loop3A_913 = arith.constant 9216 : i32
          %parallel_loop3A_914 = arith.addi %parallel_loop3A_913, %parallel_loop3A_912 : i32
          %parallel_loop3A_915 = arith.constant 6 : i32
          %parallel_loop3A_916 = arith.addi %parallel_loop3A_914, %parallel_loop3A_915 : i32
          %parallel_loop3A_917 = vector.broadcast %parallel_loop3A_916 : i32 to vector<16xi32>
          %parallel_loop3A_918 = arith.constant 6 : i32
          %parallel_loop3A_919 = arith.index_cast %parallel_loop3A_195 : i32 to index
          %parallel_loop3A_920 = arith.index_cast %parallel_loop3A_918 : i32 to index
          %parallel_loop3A_921 = arith.constant 128 : index
          %parallel_loop3A_922 = tpu.vector_load %arg5[%parallel_loop3A_919, %parallel_loop3A_920, %parallel_loop3A_921] {strides = array<i32>} : memref<8x8x256xf32, #tpu.memory_space<vmem>>, vector<16xf32>,
          %parallel_loop3A_923 = arith.constant 6 : i32
          %parallel_loop3A_924 = arith.index_cast %parallel_loop3A_195 : i32 to index
          %parallel_loop3A_925 = arith.index_cast %parallel_loop3A_923 : i32 to index
          %parallel_loop3A_926 = arith.constant 144 : index
          %parallel_loop3A_927 = tpu.vector_load %arg5[%parallel_loop3A_924, %parallel_loop3A_925, %parallel_loop3A_926] {strides = array<i32>} : memref<8x8x256xf32, #tpu.memory_space<vmem>>, vector<16xf32>,
          %parallel_loop3A_928 = arith.constant 6 : i32
          %parallel_loop3A_929 = arith.index_cast %parallel_loop3A_195 : i32 to index
          %parallel_loop3A_930 = arith.index_cast %parallel_loop3A_928 : i32 to index
          %parallel_loop3A_931 = arith.constant 160 : index
          %parallel_loop3A_932 = tpu.vector_load %arg5[%parallel_loop3A_929, %parallel_loop3A_930, %parallel_loop3A_931] {strides = array<i32>} : memref<8x8x256xf32, #tpu.memory_space<vmem>>, vector<16xf32>,
          %parallel_loop3A_933 = arith.constant 6 : i32
          %parallel_loop3A_934 = arith.index_cast %parallel_loop3A_195 : i32 to index
          %parallel_loop3A_935 = arith.index_cast %parallel_loop3A_933 : i32 to index
          %parallel_loop3A_936 = arith.constant 176 : index
          %parallel_loop3A_937 = tpu.vector_load %arg5[%parallel_loop3A_934, %parallel_loop3A_935, %parallel_loop3A_936] {strides = array<i32>} : memref<8x8x256xf32, #tpu.memory_space<vmem>>, vector<16xf32>,
          %parallel_loop3A_938 = arith.constant 6 : i32
          %parallel_loop3A_939 = arith.index_cast %parallel_loop3A_195 : i32 to index
          %parallel_loop3A_940 = arith.index_cast %parallel_loop3A_938 : i32 to index
          %parallel_loop3A_941 = arith.constant 192 : index
          %parallel_loop3A_942 = tpu.vector_load %arg5[%parallel_loop3A_939, %parallel_loop3A_940, %parallel_loop3A_941] {strides = array<i32>} : memref<8x8x256xf32, #tpu.memory_space<vmem>>, vector<16xf32>,
          %parallel_loop3A_943 = arith.constant 6 : i32
          %parallel_loop3A_944 = arith.index_cast %parallel_loop3A_195 : i32 to index
          %parallel_loop3A_945 = arith.index_cast %parallel_loop3A_943 : i32 to index
          %parallel_loop3A_946 = arith.constant 208 : index
          %parallel_loop3A_947 = tpu.vector_load %arg5[%parallel_loop3A_944, %parallel_loop3A_945, %parallel_loop3A_946] {strides = array<i32>} : memref<8x8x256xf32, #tpu.memory_space<vmem>>, vector<16xf32>,
          %parallel_loop3A_948 = arith.constant 6 : i32
          %parallel_loop3A_949 = arith.index_cast %parallel_loop3A_195 : i32 to index
          %parallel_loop3A_950 = arith.index_cast %parallel_loop3A_948 : i32 to index
          %parallel_loop3A_951 = arith.constant 224 : index
          %parallel_loop3A_952 = tpu.vector_load %arg5[%parallel_loop3A_949, %parallel_loop3A_950, %parallel_loop3A_951] {strides = array<i32>} : memref<8x8x256xf32, #tpu.memory_space<vmem>>, vector<16xf32>,
          %parallel_loop3A_953 = arith.constant 6 : i32
          %parallel_loop3A_954 = arith.index_cast %parallel_loop3A_195 : i32 to index
          %parallel_loop3A_955 = arith.index_cast %parallel_loop3A_953 : i32 to index
          %parallel_loop3A_956 = arith.constant 240 : index
          %parallel_loop3A_957 = tpu.vector_load %arg5[%parallel_loop3A_954, %parallel_loop3A_955, %parallel_loop3A_956] {strides = array<i32>} : memref<8x8x256xf32, #tpu.memory_space<vmem>>, vector<16xf32>,
          %parallel_loop3A_958 = arith.addi %mul3A_6, %parallel_loop3A_917 : vector<16xi32>
          %parallel_loop3A_959 = arith.addi %mul3A_12, %parallel_loop3A_917 : vector<16xi32>
          %parallel_loop3A_960 = arith.addi %mul3A_18, %parallel_loop3A_917 : vector<16xi32>
          %parallel_loop3A_961 = arith.addi %mul3A_24, %parallel_loop3A_917 : vector<16xi32>
          %parallel_loop3A_962 = arith.addi %mul3A_30, %parallel_loop3A_917 : vector<16xi32>
          %parallel_loop3A_963 = arith.addi %mul3A_36, %parallel_loop3A_917 : vector<16xi32>
          %parallel_loop3A_964 = arith.addi %mul3A_42, %parallel_loop3A_917 : vector<16xi32>
          %parallel_loop3A_965 = arith.addi %mul3A_48, %parallel_loop3A_917 : vector<16xi32>
          tpu.vector_store_idx %arg7[%parallel_loop3A_958], %parallel_loop3A_922 : memref<18432xf32, #tpu.memory_space<vmem>>[vector<16xi32>], vector<16xf32>,
          tpu.vector_store_idx %arg7[%parallel_loop3A_959], %parallel_loop3A_927 : memref<18432xf32, #tpu.memory_space<vmem>>[vector<16xi32>], vector<16xf32>,
          tpu.vector_store_idx %arg7[%parallel_loop3A_960], %parallel_loop3A_932 : memref<18432xf32, #tpu.memory_space<vmem>>[vector<16xi32>], vector<16xf32>,
          tpu.vector_store_idx %arg7[%parallel_loop3A_961], %parallel_loop3A_937 : memref<18432xf32, #tpu.memory_space<vmem>>[vector<16xi32>], vector<16xf32>,
          tpu.vector_store_idx %arg7[%parallel_loop3A_962], %parallel_loop3A_942 : memref<18432xf32, #tpu.memory_space<vmem>>[vector<16xi32>], vector<16xf32>,
          tpu.vector_store_idx %arg7[%parallel_loop3A_963], %parallel_loop3A_947 : memref<18432xf32, #tpu.memory_space<vmem>>[vector<16xi32>], vector<16xf32>,
          tpu.vector_store_idx %arg7[%parallel_loop3A_964], %parallel_loop3A_952 : memref<18432xf32, #tpu.memory_space<vmem>>[vector<16xi32>], vector<16xf32>,
          tpu.vector_store_idx %arg7[%parallel_loop3A_965], %parallel_loop3A_957 : memref<18432xf32, #tpu.memory_space<vmem>>[vector<16xi32>], vector<16xf32>,
          %parallel_loop3A_966 = arith.constant 8 : i32
          %parallel_loop3A_967 = arith.muli %parallel_loop3A_195, %parallel_loop3A_966 : i32
          %parallel_loop3A_968 = arith.constant 0 : i32
          %parallel_loop3A_969 = arith.addi %parallel_loop3A_968, %parallel_loop3A_967 : i32
          %parallel_loop3A_970 = arith.constant 7 : i32
          %parallel_loop3A_971 = arith.addi %parallel_loop3A_969, %parallel_loop3A_970 : i32
          %parallel_loop3A_972 = vector.broadcast %parallel_loop3A_971 : i32 to vector<16xi32>
          %parallel_loop3A_973 = arith.constant 7 : i32
          %parallel_loop3A_974 = arith.index_cast %parallel_loop3A_195 : i32 to index
          %parallel_loop3A_975 = arith.index_cast %parallel_loop3A_973 : i32 to index
          %parallel_loop3A_976 = arith.constant 0 : index
          %parallel_loop3A_977 = tpu.vector_load %arg5[%parallel_loop3A_974, %parallel_loop3A_975, %parallel_loop3A_976] {strides = array<i32>} : memref<8x8x256xf32, #tpu.memory_space<vmem>>, vector<16xf32>,
          %parallel_loop3A_978 = arith.constant 7 : i32
          %parallel_loop3A_979 = arith.index_cast %parallel_loop3A_195 : i32 to index
          %parallel_loop3A_980 = arith.index_cast %parallel_loop3A_978 : i32 to index
          %parallel_loop3A_981 = arith.constant 16 : index
          %parallel_loop3A_982 = tpu.vector_load %arg5[%parallel_loop3A_979, %parallel_loop3A_980, %parallel_loop3A_981] {strides = array<i32>} : memref<8x8x256xf32, #tpu.memory_space<vmem>>, vector<16xf32>,
          %parallel_loop3A_983 = arith.constant 7 : i32
          %parallel_loop3A_984 = arith.index_cast %parallel_loop3A_195 : i32 to index
          %parallel_loop3A_985 = arith.index_cast %parallel_loop3A_983 : i32 to index
          %parallel_loop3A_986 = arith.constant 32 : index
          %parallel_loop3A_987 = tpu.vector_load %arg5[%parallel_loop3A_984, %parallel_loop3A_985, %parallel_loop3A_986] {strides = array<i32>} : memref<8x8x256xf32, #tpu.memory_space<vmem>>, vector<16xf32>,
          %parallel_loop3A_988 = arith.constant 7 : i32
          %parallel_loop3A_989 = arith.index_cast %parallel_loop3A_195 : i32 to index
          %parallel_loop3A_990 = arith.index_cast %parallel_loop3A_988 : i32 to index
          %parallel_loop3A_991 = arith.constant 48 : index
          %parallel_loop3A_992 = tpu.vector_load %arg5[%parallel_loop3A_989, %parallel_loop3A_990, %parallel_loop3A_991] {strides = array<i32>} : memref<8x8x256xf32, #tpu.memory_space<vmem>>, vector<16xf32>,
          %parallel_loop3A_993 = arith.constant 7 : i32
          %parallel_loop3A_994 = arith.index_cast %parallel_loop3A_195 : i32 to index
          %parallel_loop3A_995 = arith.index_cast %parallel_loop3A_993 : i32 to index
          %parallel_loop3A_996 = arith.constant 64 : index
          %parallel_loop3A_997 = tpu.vector_load %arg5[%parallel_loop3A_994, %parallel_loop3A_995, %parallel_loop3A_996] {strides = array<i32>} : memref<8x8x256xf32, #tpu.memory_space<vmem>>, vector<16xf32>,
          %parallel_loop3A_998 = arith.constant 7 : i32
          %parallel_loop3A_999 = arith.index_cast %parallel_loop3A_195 : i32 to index
          %parallel_loop3A_1000 = arith.index_cast %parallel_loop3A_998 : i32 to index
          %parallel_loop3A_1001 = arith.constant 80 : index
          %parallel_loop3A_1002 = tpu.vector_load %arg5[%parallel_loop3A_999, %parallel_loop3A_1000, %parallel_loop3A_1001] {strides = array<i32>} : memref<8x8x256xf32, #tpu.memory_space<vmem>>, vector<16xf32>,
          %parallel_loop3A_1003 = arith.constant 7 : i32
          %parallel_loop3A_1004 = arith.index_cast %parallel_loop3A_195 : i32 to index
          %parallel_loop3A_1005 = arith.index_cast %parallel_loop3A_1003 : i32 to index
          %parallel_loop3A_1006 = arith.constant 96 : index
          %parallel_loop3A_1007 = tpu.vector_load %arg5[%parallel_loop3A_1004, %parallel_loop3A_1005, %parallel_loop3A_1006] {strides = array<i32>} : memref<8x8x256xf32, #tpu.memory_space<vmem>>, vector<16xf32>,
          %parallel_loop3A_1008 = arith.constant 7 : i32
          %parallel_loop3A_1009 = arith.index_cast %parallel_loop3A_195 : i32 to index
          %parallel_loop3A_1010 = arith.index_cast %parallel_loop3A_1008 : i32 to index
          %parallel_loop3A_1011 = arith.constant 112 : index
          %parallel_loop3A_1012 = tpu.vector_load %arg5[%parallel_loop3A_1009, %parallel_loop3A_1010, %parallel_loop3A_1011] {strides = array<i32>} : memref<8x8x256xf32, #tpu.memory_space<vmem>>, vector<16xf32>,
          %parallel_loop3A_1013 = arith.addi %mul3A_6, %parallel_loop3A_972 : vector<16xi32>
          %parallel_loop3A_1014 = arith.addi %mul3A_12, %parallel_loop3A_972 : vector<16xi32>
          %parallel_loop3A_1015 = arith.addi %mul3A_18, %parallel_loop3A_972 : vector<16xi32>
          %parallel_loop3A_1016 = arith.addi %mul3A_24, %parallel_loop3A_972 : vector<16xi32>
          %parallel_loop3A_1017 = arith.addi %mul3A_30, %parallel_loop3A_972 : vector<16xi32>
          %parallel_loop3A_1018 = arith.addi %mul3A_36, %parallel_loop3A_972 : vector<16xi32>
          %parallel_loop3A_1019 = arith.addi %mul3A_42, %parallel_loop3A_972 : vector<16xi32>
          %parallel_loop3A_1020 = arith.addi %mul3A_48, %parallel_loop3A_972 : vector<16xi32>
          tpu.vector_store_idx %arg7[%parallel_loop3A_1013], %parallel_loop3A_977 : memref<18432xf32, #tpu.memory_space<vmem>>[vector<16xi32>], vector<16xf32>,
          tpu.vector_store_idx %arg7[%parallel_loop3A_1014], %parallel_loop3A_982 : memref<18432xf32, #tpu.memory_space<vmem>>[vector<16xi32>], vector<16xf32>,
          tpu.vector_store_idx %arg7[%parallel_loop3A_1015], %parallel_loop3A_987 : memref<18432xf32, #tpu.memory_space<vmem>>[vector<16xi32>], vector<16xf32>,
          tpu.vector_store_idx %arg7[%parallel_loop3A_1016], %parallel_loop3A_992 : memref<18432xf32, #tpu.memory_space<vmem>>[vector<16xi32>], vector<16xf32>,
          tpu.vector_store_idx %arg7[%parallel_loop3A_1017], %parallel_loop3A_997 : memref<18432xf32, #tpu.memory_space<vmem>>[vector<16xi32>], vector<16xf32>,
          tpu.vector_store_idx %arg7[%parallel_loop3A_1018], %parallel_loop3A_1002 : memref<18432xf32, #tpu.memory_space<vmem>>[vector<16xi32>], vector<16xf32>,
          tpu.vector_store_idx %arg7[%parallel_loop3A_1019], %parallel_loop3A_1007 : memref<18432xf32, #tpu.memory_space<vmem>>[vector<16xi32>], vector<16xf32>,
          tpu.vector_store_idx %arg7[%parallel_loop3A_1020], %parallel_loop3A_1012 : memref<18432xf32, #tpu.memory_space<vmem>>[vector<16xi32>], vector<16xf32>,
          %parallel_loop3A_1021 = arith.constant 8 : i32
          %parallel_loop3A_1022 = arith.muli %parallel_loop3A_195, %parallel_loop3A_1021 : i32
          %parallel_loop3A_1023 = arith.constant 9216 : i32
          %parallel_loop3A_1024 = arith.addi %parallel_loop3A_1023, %parallel_loop3A_1022 : i32
          %parallel_loop3A_1025 = arith.constant 7 : i32
          %parallel_loop3A_1026 = arith.addi %parallel_loop3A_1024, %parallel_loop3A_1025 : i32
          %parallel_loop3A_1027 = vector.broadcast %parallel_loop3A_1026 : i32 to vector<16xi32>
          %parallel_loop3A_1028 = arith.constant 7 : i32
          %parallel_loop3A_1029 = arith.index_cast %parallel_loop3A_195 : i32 to index
          %parallel_loop3A_1030 = arith.index_cast %parallel_loop3A_1028 : i32 to index
          %parallel_loop3A_1031 = arith.constant 128 : index
          %parallel_loop3A_1032 = tpu.vector_load %arg5[%parallel_loop3A_1029, %parallel_loop3A_1030, %parallel_loop3A_1031] {strides = array<i32>} : memref<8x8x256xf32, #tpu.memory_space<vmem>>, vector<16xf32>,
          %parallel_loop3A_1033 = arith.constant 7 : i32
          %parallel_loop3A_1034 = arith.index_cast %parallel_loop3A_195 : i32 to index
          %parallel_loop3A_1035 = arith.index_cast %parallel_loop3A_1033 : i32 to index
          %parallel_loop3A_1036 = arith.constant 144 : index
          %parallel_loop3A_1037 = tpu.vector_load %arg5[%parallel_loop3A_1034, %parallel_loop3A_1035, %parallel_loop3A_1036] {strides = array<i32>} : memref<8x8x256xf32, #tpu.memory_space<vmem>>, vector<16xf32>,
          %parallel_loop3A_1038 = arith.constant 7 : i32
          %parallel_loop3A_1039 = arith.index_cast %parallel_loop3A_195 : i32 to index
          %parallel_loop3A_1040 = arith.index_cast %parallel_loop3A_1038 : i32 to index
          %parallel_loop3A_1041 = arith.constant 160 : index
          %parallel_loop3A_1042 = tpu.vector_load %arg5[%parallel_loop3A_1039, %parallel_loop3A_1040, %parallel_loop3A_1041] {strides = array<i32>} : memref<8x8x256xf32, #tpu.memory_space<vmem>>, vector<16xf32>,
          %parallel_loop3A_1043 = arith.constant 7 : i32
          %parallel_loop3A_1044 = arith.index_cast %parallel_loop3A_195 : i32 to index
          %parallel_loop3A_1045 = arith.index_cast %parallel_loop3A_1043 : i32 to index
          %parallel_loop3A_1046 = arith.constant 176 : index
          %parallel_loop3A_1047 = tpu.vector_load %arg5[%parallel_loop3A_1044, %parallel_loop3A_1045, %parallel_loop3A_1046] {strides = array<i32>} : memref<8x8x256xf32, #tpu.memory_space<vmem>>, vector<16xf32>,
          %parallel_loop3A_1048 = arith.constant 7 : i32
          %parallel_loop3A_1049 = arith.index_cast %parallel_loop3A_195 : i32 to index
          %parallel_loop3A_1050 = arith.index_cast %parallel_loop3A_1048 : i32 to index
          %parallel_loop3A_1051 = arith.constant 192 : index
          %parallel_loop3A_1052 = tpu.vector_load %arg5[%parallel_loop3A_1049, %parallel_loop3A_1050, %parallel_loop3A_1051] {strides = array<i32>} : memref<8x8x256xf32, #tpu.memory_space<vmem>>, vector<16xf32>,
          %parallel_loop3A_1053 = arith.constant 7 : i32
          %parallel_loop3A_1054 = arith.index_cast %parallel_loop3A_195 : i32 to index
          %parallel_loop3A_1055 = arith.index_cast %parallel_loop3A_1053 : i32 to index
          %parallel_loop3A_1056 = arith.constant 208 : index
          %parallel_loop3A_1057 = tpu.vector_load %arg5[%parallel_loop3A_1054, %parallel_loop3A_1055, %parallel_loop3A_1056] {strides = array<i32>} : memref<8x8x256xf32, #tpu.memory_space<vmem>>, vector<16xf32>,
          %parallel_loop3A_1058 = arith.constant 7 : i32
          %parallel_loop3A_1059 = arith.index_cast %parallel_loop3A_195 : i32 to index
          %parallel_loop3A_1060 = arith.index_cast %parallel_loop3A_1058 : i32 to index
          %parallel_loop3A_1061 = arith.constant 224 : index
          %parallel_loop3A_1062 = tpu.vector_load %arg5[%parallel_loop3A_1059, %parallel_loop3A_1060, %parallel_loop3A_1061] {strides = array<i32>} : memref<8x8x256xf32, #tpu.memory_space<vmem>>, vector<16xf32>,
          %parallel_loop3A_1063 = arith.constant 7 : i32
          %parallel_loop3A_1064 = arith.index_cast %parallel_loop3A_195 : i32 to index
          %parallel_loop3A_1065 = arith.index_cast %parallel_loop3A_1063 : i32 to index
          %parallel_loop3A_1066 = arith.constant 240 : index
          %parallel_loop3A_1067 = tpu.vector_load %arg5[%parallel_loop3A_1064, %parallel_loop3A_1065, %parallel_loop3A_1066] {strides = array<i32>} : memref<8x8x256xf32, #tpu.memory_space<vmem>>, vector<16xf32>,
          %parallel_loop3A_1068 = arith.addi %mul3A_6, %parallel_loop3A_1027 : vector<16xi32>
          %parallel_loop3A_1069 = arith.addi %mul3A_12, %parallel_loop3A_1027 : vector<16xi32>
          %parallel_loop3A_1070 = arith.addi %mul3A_18, %parallel_loop3A_1027 : vector<16xi32>
          %parallel_loop3A_1071 = arith.addi %mul3A_24, %parallel_loop3A_1027 : vector<16xi32>
          %parallel_loop3A_1072 = arith.addi %mul3A_30, %parallel_loop3A_1027 : vector<16xi32>
          %parallel_loop3A_1073 = arith.addi %mul3A_36, %parallel_loop3A_1027 : vector<16xi32>
          %parallel_loop3A_1074 = arith.addi %mul3A_42, %parallel_loop3A_1027 : vector<16xi32>
          %parallel_loop3A_1075 = arith.addi %mul3A_48, %parallel_loop3A_1027 : vector<16xi32>
          tpu.vector_store_idx %arg7[%parallel_loop3A_1068], %parallel_loop3A_1032 : memref<18432xf32, #tpu.memory_space<vmem>>[vector<16xi32>], vector<16xf32>,
          tpu.vector_store_idx %arg7[%parallel_loop3A_1069], %parallel_loop3A_1037 : memref<18432xf32, #tpu.memory_space<vmem>>[vector<16xi32>], vector<16xf32>,
          tpu.vector_store_idx %arg7[%parallel_loop3A_1070], %parallel_loop3A_1042 : memref<18432xf32, #tpu.memory_space<vmem>>[vector<16xi32>], vector<16xf32>,
          tpu.vector_store_idx %arg7[%parallel_loop3A_1071], %parallel_loop3A_1047 : memref<18432xf32, #tpu.memory_space<vmem>>[vector<16xi32>], vector<16xf32>,
          tpu.vector_store_idx %arg7[%parallel_loop3A_1072], %parallel_loop3A_1052 : memref<18432xf32, #tpu.memory_space<vmem>>[vector<16xi32>], vector<16xf32>,
          tpu.vector_store_idx %arg7[%parallel_loop3A_1073], %parallel_loop3A_1057 : memref<18432xf32, #tpu.memory_space<vmem>>[vector<16xi32>], vector<16xf32>,
          tpu.vector_store_idx %arg7[%parallel_loop3A_1074], %parallel_loop3A_1062 : memref<18432xf32, #tpu.memory_space<vmem>>[vector<16xi32>], vector<16xf32>,
          tpu.vector_store_idx %arg7[%parallel_loop3A_1075], %parallel_loop3A_1067 : memref<18432xf32, #tpu.memory_space<vmem>>[vector<16xi32>], vector<16xf32>,
        } {sc.loop_unroll_factor = 2 : i64, sc.parallel_access}
        %mul3A_187 = arith.constant 32 : i32
        %mul3A_188 = arith.muli %add3A_99, %mul3A_187 : i32
        %add3A_189 = arith.addi %add3A, %mul3A_188 : i32
        %mul3A_190 = arith.constant 256 : i32
        %mul3A_191 = arith.muli %add3A_189, %mul3A_190 : i32
        %mul3A_192 = arith.constant 72 : i32
        %mul3A_193 = arith.muli %mul3A_191, %mul3A_192 : i32
        %dma_start3A = tpu.memref_slice %arg4[%mul3A_193] : memref<72000000xf32, #tpu.memory_space<hbm>> -> memref<18432xf32, #tpu.memory_space<hbm>>
        %dma_start3A_194 = tpu.memref_slice %arg4[%mul3A_193] : memref<72000000xf32, #tpu.memory_space<hbm>> -> memref<18432xf32, #tpu.memory_space<hbm>>
        tpu.enqueue_dma source(%arg7 : memref<18432xf32, #tpu.memory_space<vmem>>) target(%dma_start3A_194 : memref<18432xf32, #tpu.memory_space<hbm>>) target_semaphore(%arg12 : memref<!tpu.dma_semaphore, #tpu.memory_space<semaphore_mem>>)
      } else {
      }
      %mul3A_139 = arith.constant 2 : i32
      %mul3A_140 = arith.muli %add3A_95, %mul3A_139 : i32
      %add3A_141 = arith.constant 1 : i32
      %add3A_142 = arith.addi %mul3A_140, %add3A_141 : i32
      %add3A_143 = arith.constant 1 : i32
      %add3A_144 = arith.addi %add3A_142, %add3A_143 : i32
      %mul3A_145 = arith.constant 32 : i32
      %mul3A_146 = arith.muli %add3A_144, %mul3A_145 : i32
      %add3A_147 = arith.addi %add3A, %mul3A_146 : i32
      %lt3A_148 = arith.constant 3906 : i32
      %lt3A_149 = arith.cmpi slt, %add3A_147, %lt3A_148 : i32
      %convert_element_type3A_150 = arith.extui %lt3A_149 : i1 to i32
      %cond3A_151 = arith.constant 0 : i32
      %cond3A_152 = arith.cmpi ne, %convert_element_type3A_150, %cond3A_151 : i32
      scf.if %cond3A_152 {
        %add3A_185 = arith.constant 1 : i32
        %add3A_186 = arith.addi %add3A_142, %add3A_185 : i32
        %mul3A_187 = arith.constant 32 : i32
        %mul3A_188 = arith.muli %add3A_186, %mul3A_187 : i32
        %add3A_189 = arith.addi %add3A, %mul3A_188 : i32
        %mul3A_190 = arith.constant 256 : i32
        %mul3A_191 = arith.muli %add3A_189, %mul3A_190 : i32
        %dma_start3A = arith.constant 0 : i32
        %dma_start3A_192 = arith.constant 0 : i32
        %dma_start3A_193 = tpu.memref_slice %arg2[%dma_start3A, %dma_start3A_192, %mul3A_191] : memref<8x8x1000000xf32, #tpu.memory_space<hbm>> -> memref<8x8x256xf32, #tpu.memory_space<hbm>>
        %dma_start3A_194 = arith.constant 0 : i32
        %dma_start3A_195 = arith.constant 0 : i32
        %dma_start3A_196 = tpu.memref_slice %arg2[%dma_start3A_194, %dma_start3A_195, %mul3A_191] : memref<8x8x1000000xf32, #tpu.memory_space<hbm>> -> memref<8x8x256xf32, #tpu.memory_space<hbm>>
        tpu.enqueue_dma source(%dma_start3A_196 : memref<8x8x256xf32, #tpu.memory_space<hbm>>) target(%arg5 : memref<8x8x256xf32, #tpu.memory_space<vmem>>) target_semaphore(%arg10 : memref<!tpu.dma_semaphore, #tpu.memory_space<semaphore_mem>>)
      } else {
      }
      %mul3A_153 = arith.constant 32 : i32
      %mul3A_154 = arith.muli %add3A_142, %mul3A_153 : i32
      %add3A_155 = arith.addi %add3A, %mul3A_154 : i32
      %lt3A_156 = arith.constant 3906 : i32
      %lt3A_157 = arith.cmpi slt, %add3A_155, %lt3A_156 : i32
      %convert_element_type3A_158 = arith.extui %lt3A_157 : i1 to i32
      %cond3A_159 = arith.constant 0 : i32
      %cond3A_160 = arith.cmpi ne, %convert_element_type3A_158, %cond3A_159 : i32
      scf.if %cond3A_160 {
        %dma_wait3A = arith.constant 0 : i32
        %dma_wait3A_185 = arith.constant 0 : i32
        %dma_wait3A_186 = arith.constant 0 : i32
        %dma_wait3A_187 = tpu.memref_slice %arg2[%dma_wait3A, %dma_wait3A_185, %dma_wait3A_186] : memref<8x8x1000000xf32, #tpu.memory_space<hbm>> -> memref<8x8x256xf32, #tpu.memory_space<hbm>>
        %dma_wait3A_188 = arith.constant 0 : i32
        %dma_wait3A_189 = arith.constant 0 : i32
        %dma_wait3A_190 = arith.constant 0 : i32
        %dma_wait3A_191 = tpu.memref_slice %arg2[%dma_wait3A_188, %dma_wait3A_189, %dma_wait3A_190] : memref<8x8x1000000xf32, #tpu.memory_space<hbm>> -> memref<8x8x256xf32, #tpu.memory_space<hbm>>
        tpu.wait_dma2 semaphore(%arg11 : memref<!tpu.dma_semaphore, #tpu.memory_space<semaphore_mem>>) src(%dma_wait3A_191 : memref<8x8x256xf32, #tpu.memory_space<hbm>>) dst(%arg6 : memref<8x8x256xf32, #tpu.memory_space<vmem>>)
      } else {
      }
      %ge3A_161 = arith.constant 2 : i32
      %ge3A_162 = arith.cmpi sge, %add3A_142, %ge3A_161 : i32
      %lt3A_163 = arith.constant 123 : i32
      %lt3A_164 = arith.cmpi slt, %add3A_142, %lt3A_163 : i32
      %and3A_165 = arith.andi %ge3A_162, %lt3A_164 : i1
      %sub3A_166 = arith.constant 2 : i32
      %sub3A_167 = arith.subi %add3A_142, %sub3A_166 : i32
      %mul3A_168 = arith.constant 32 : i32
      %mul3A_169 = arith.muli %sub3A_167, %mul3A_168 : i32
      %add3A_170 = arith.addi %add3A, %mul3A_169 : i32
      %lt3A_171 = arith.constant 3906 : i32
      %lt3A_172 = arith.cmpi slt, %add3A_170, %lt3A_171 : i32
      %and3A_173 = arith.andi %and3A_165, %lt3A_172 : i1
      %convert_element_type3A_174 = arith.extui %and3A_173 : i1 to i32
      %cond3A_175 = arith.constant 0 : i32
      %cond3A_176 = arith.cmpi ne, %convert_element_type3A_174, %cond3A_175 : i32
      scf.if %cond3A_176 {
        %dma_wait3A = arith.constant 0 : i32
        %dma_wait3A_185 = tpu.memref_slice %arg4[%dma_wait3A] : memref<72000000xf32, #tpu.memory_space<hbm>> -> memref<18432xf32, #tpu.memory_space<hbm>>
        %dma_wait3A_186 = arith.constant 0 : i32
        %dma_wait3A_187 = tpu.memref_slice %arg4[%dma_wait3A_186] : memref<72000000xf32, #tpu.memory_space<hbm>> -> memref<18432xf32, #tpu.memory_space<hbm>>
        tpu.wait_dma2 semaphore(%arg13 : memref<!tpu.dma_semaphore, #tpu.memory_space<semaphore_mem>>) src(%arg8 : memref<18432xf32, #tpu.memory_space<vmem>>) dst(%dma_wait3A_187 : memref<18432xf32, #tpu.memory_space<hbm>>)
      } else {
      }
      %mul3A_177 = arith.constant 32 : i32
      %mul3A_178 = arith.muli %add3A_142, %mul3A_177 : i32
      %add3A_179 = arith.addi %add3A, %mul3A_178 : i32
      %lt3A_180 = arith.constant 3906 : i32
      %lt3A_181 = arith.cmpi slt, %add3A_179, %lt3A_180 : i32
      %convert_element_type3A_182 = arith.extui %lt3A_181 : i1 to i32
      %cond3A_183 = arith.constant 0 : i32
      %cond3A_184 = arith.cmpi ne, %convert_element_type3A_182, %cond3A_183 : i32
      scf.if %cond3A_184 {
        %parallel_loop3A = arith.constant 0 : i32
        %parallel_loop3A_185 = arith.constant 8 : i32
        %parallel_loop3A_186 = arith.constant 1 : i32
        scf.for %parallel_loop3A_195 = %parallel_loop3A to %parallel_loop3A_185 step %parallel_loop3A_186  : i32 {
          %parallel_loop3A_196 = arith.constant 8 : i32
          %parallel_loop3A_197 = arith.muli %parallel_loop3A_195, %parallel_loop3A_196 : i32
          %parallel_loop3A_198 = arith.constant 0 : i32
          %parallel_loop3A_199 = arith.addi %parallel_loop3A_198, %parallel_loop3A_197 : i32
          %parallel_loop3A_200 = arith.constant 0 : i32
          %parallel_loop3A_201 = arith.addi %parallel_loop3A_199, %parallel_loop3A_200 : i32
          %parallel_loop3A_202 = vector.broadcast %parallel_loop3A_201 : i32 to vector<16xi32>
          %parallel_loop3A_203 = arith.constant 0 : i32
          %parallel_loop3A_204 = arith.index_cast %parallel_loop3A_195 : i32 to index
          %parallel_loop3A_205 = arith.index_cast %parallel_loop3A_203 : i32 to index
          %parallel_loop3A_206 = arith.constant 0 : index
          %parallel_loop3A_207 = tpu.vector_load %arg6[%parallel_loop3A_204, %parallel_loop3A_205, %parallel_loop3A_206] {strides = array<i32>} : memref<8x8x256xf32, #tpu.memory_space<vmem>>, vector<16xf32>,
          %parallel_loop3A_208 = arith.constant 0 : i32
          %parallel_loop3A_209 = arith.index_cast %parallel_loop3A_195 : i32 to index
          %parallel_loop3A_210 = arith.index_cast %parallel_loop3A_208 : i32 to index
          %parallel_loop3A_211 = arith.constant 16 : index
          %parallel_loop3A_212 = tpu.vector_load %arg6[%parallel_loop3A_209, %parallel_loop3A_210, %parallel_loop3A_211] {strides = array<i32>} : memref<8x8x256xf32, #tpu.memory_space<vmem>>, vector<16xf32>,
          %parallel_loop3A_213 = arith.constant 0 : i32
          %parallel_loop3A_214 = arith.index_cast %parallel_loop3A_195 : i32 to index
          %parallel_loop3A_215 = arith.index_cast %parallel_loop3A_213 : i32 to index
          %parallel_loop3A_216 = arith.constant 32 : index
          %parallel_loop3A_217 = tpu.vector_load %arg6[%parallel_loop3A_214, %parallel_loop3A_215, %parallel_loop3A_216] {strides = array<i32>} : memref<8x8x256xf32, #tpu.memory_space<vmem>>, vector<16xf32>,
          %parallel_loop3A_218 = arith.constant 0 : i32
          %parallel_loop3A_219 = arith.index_cast %parallel_loop3A_195 : i32 to index
          %parallel_loop3A_220 = arith.index_cast %parallel_loop3A_218 : i32 to index
          %parallel_loop3A_221 = arith.constant 48 : index
          %parallel_loop3A_222 = tpu.vector_load %arg6[%parallel_loop3A_219, %parallel_loop3A_220, %parallel_loop3A_221] {strides = array<i32>} : memref<8x8x256xf32, #tpu.memory_space<vmem>>, vector<16xf32>,
          %parallel_loop3A_223 = arith.constant 0 : i32
          %parallel_loop3A_224 = arith.index_cast %parallel_loop3A_195 : i32 to index
          %parallel_loop3A_225 = arith.index_cast %parallel_loop3A_223 : i32 to index
          %parallel_loop3A_226 = arith.constant 64 : index
          %parallel_loop3A_227 = tpu.vector_load %arg6[%parallel_loop3A_224, %parallel_loop3A_225, %parallel_loop3A_226] {strides = array<i32>} : memref<8x8x256xf32, #tpu.memory_space<vmem>>, vector<16xf32>,
          %parallel_loop3A_228 = arith.constant 0 : i32
          %parallel_loop3A_229 = arith.index_cast %parallel_loop3A_195 : i32 to index
          %parallel_loop3A_230 = arith.index_cast %parallel_loop3A_228 : i32 to index
          %parallel_loop3A_231 = arith.constant 80 : index
          %parallel_loop3A_232 = tpu.vector_load %arg6[%parallel_loop3A_229, %parallel_loop3A_230, %parallel_loop3A_231] {strides = array<i32>} : memref<8x8x256xf32, #tpu.memory_space<vmem>>, vector<16xf32>,
          %parallel_loop3A_233 = arith.constant 0 : i32
          %parallel_loop3A_234 = arith.index_cast %parallel_loop3A_195 : i32 to index
          %parallel_loop3A_235 = arith.index_cast %parallel_loop3A_233 : i32 to index
          %parallel_loop3A_236 = arith.constant 96 : index
          %parallel_loop3A_237 = tpu.vector_load %arg6[%parallel_loop3A_234, %parallel_loop3A_235, %parallel_loop3A_236] {strides = array<i32>} : memref<8x8x256xf32, #tpu.memory_space<vmem>>, vector<16xf32>,
          %parallel_loop3A_238 = arith.constant 0 : i32
          %parallel_loop3A_239 = arith.index_cast %parallel_loop3A_195 : i32 to index
          %parallel_loop3A_240 = arith.index_cast %parallel_loop3A_238 : i32 to index
          %parallel_loop3A_241 = arith.constant 112 : index
          %parallel_loop3A_242 = tpu.vector_load %arg6[%parallel_loop3A_239, %parallel_loop3A_240, %parallel_loop3A_241] {strides = array<i32>} : memref<8x8x256xf32, #tpu.memory_space<vmem>>, vector<16xf32>,
          %parallel_loop3A_243 = arith.addi %mul3A_6, %parallel_loop3A_202 : vector<16xi32>
          %parallel_loop3A_244 = arith.addi %mul3A_12, %parallel_loop3A_202 : vector<16xi32>
          %parallel_loop3A_245 = arith.addi %mul3A_18, %parallel_loop3A_202 : vector<16xi32>
          %parallel_loop3A_246 = arith.addi %mul3A_24, %parallel_loop3A_202 : vector<16xi32>
          %parallel_loop3A_247 = arith.addi %mul3A_30, %parallel_loop3A_202 : vector<16xi32>
          %parallel_loop3A_248 = arith.addi %mul3A_36, %parallel_loop3A_202 : vector<16xi32>
          %parallel_loop3A_249 = arith.addi %mul3A_42, %parallel_loop3A_202 : vector<16xi32>
          %parallel_loop3A_250 = arith.addi %mul3A_48, %parallel_loop3A_202 : vector<16xi32>
          tpu.vector_store_idx %arg8[%parallel_loop3A_243], %parallel_loop3A_207 : memref<18432xf32, #tpu.memory_space<vmem>>[vector<16xi32>], vector<16xf32>,
          tpu.vector_store_idx %arg8[%parallel_loop3A_244], %parallel_loop3A_212 : memref<18432xf32, #tpu.memory_space<vmem>>[vector<16xi32>], vector<16xf32>,
          tpu.vector_store_idx %arg8[%parallel_loop3A_245], %parallel_loop3A_217 : memref<18432xf32, #tpu.memory_space<vmem>>[vector<16xi32>], vector<16xf32>,
          tpu.vector_store_idx %arg8[%parallel_loop3A_246], %parallel_loop3A_222 : memref<18432xf32, #tpu.memory_space<vmem>>[vector<16xi32>], vector<16xf32>,
          tpu.vector_store_idx %arg8[%parallel_loop3A_247], %parallel_loop3A_227 : memref<18432xf32, #tpu.memory_space<vmem>>[vector<16xi32>], vector<16xf32>,
          tpu.vector_store_idx %arg8[%parallel_loop3A_248], %parallel_loop3A_232 : memref<18432xf32, #tpu.memory_space<vmem>>[vector<16xi32>], vector<16xf32>,
          tpu.vector_store_idx %arg8[%parallel_loop3A_249], %parallel_loop3A_237 : memref<18432xf32, #tpu.memory_space<vmem>>[vector<16xi32>], vector<16xf32>,
          tpu.vector_store_idx %arg8[%parallel_loop3A_250], %parallel_loop3A_242 : memref<18432xf32, #tpu.memory_space<vmem>>[vector<16xi32>], vector<16xf32>,
          %parallel_loop3A_251 = arith.constant 8 : i32
          %parallel_loop3A_252 = arith.muli %parallel_loop3A_195, %parallel_loop3A_251 : i32
          %parallel_loop3A_253 = arith.constant 9216 : i32
          %parallel_loop3A_254 = arith.addi %parallel_loop3A_253, %parallel_loop3A_252 : i32
          %parallel_loop3A_255 = arith.constant 0 : i32
          %parallel_loop3A_256 = arith.addi %parallel_loop3A_254, %parallel_loop3A_255 : i32
          %parallel_loop3A_257 = vector.broadcast %parallel_loop3A_256 : i32 to vector<16xi32>
          %parallel_loop3A_258 = arith.constant 0 : i32
          %parallel_loop3A_259 = arith.index_cast %parallel_loop3A_195 : i32 to index
          %parallel_loop3A_260 = arith.index_cast %parallel_loop3A_258 : i32 to index
          %parallel_loop3A_261 = arith.constant 128 : index
          %parallel_loop3A_262 = tpu.vector_load %arg6[%parallel_loop3A_259, %parallel_loop3A_260, %parallel_loop3A_261] {strides = array<i32>} : memref<8x8x256xf32, #tpu.memory_space<vmem>>, vector<16xf32>,
          %parallel_loop3A_263 = arith.constant 0 : i32
          %parallel_loop3A_264 = arith.index_cast %parallel_loop3A_195 : i32 to index
          %parallel_loop3A_265 = arith.index_cast %parallel_loop3A_263 : i32 to index
          %parallel_loop3A_266 = arith.constant 144 : index
          %parallel_loop3A_267 = tpu.vector_load %arg6[%parallel_loop3A_264, %parallel_loop3A_265, %parallel_loop3A_266] {strides = array<i32>} : memref<8x8x256xf32, #tpu.memory_space<vmem>>, vector<16xf32>,
          %parallel_loop3A_268 = arith.constant 0 : i32
          %parallel_loop3A_269 = arith.index_cast %parallel_loop3A_195 : i32 to index
          %parallel_loop3A_270 = arith.index_cast %parallel_loop3A_268 : i32 to index
          %parallel_loop3A_271 = arith.constant 160 : index
          %parallel_loop3A_272 = tpu.vector_load %arg6[%parallel_loop3A_269, %parallel_loop3A_270, %parallel_loop3A_271] {strides = array<i32>} : memref<8x8x256xf32, #tpu.memory_space<vmem>>, vector<16xf32>,
          %parallel_loop3A_273 = arith.constant 0 : i32
          %parallel_loop3A_274 = arith.index_cast %parallel_loop3A_195 : i32 to index
          %parallel_loop3A_275 = arith.index_cast %parallel_loop3A_273 : i32 to index
          %parallel_loop3A_276 = arith.constant 176 : index
          %parallel_loop3A_277 = tpu.vector_load %arg6[%parallel_loop3A_274, %parallel_loop3A_275, %parallel_loop3A_276] {strides = array<i32>} : memref<8x8x256xf32, #tpu.memory_space<vmem>>, vector<16xf32>,
          %parallel_loop3A_278 = arith.constant 0 : i32
          %parallel_loop3A_279 = arith.index_cast %parallel_loop3A_195 : i32 to index
          %parallel_loop3A_280 = arith.index_cast %parallel_loop3A_278 : i32 to index
          %parallel_loop3A_281 = arith.constant 192 : index
          %parallel_loop3A_282 = tpu.vector_load %arg6[%parallel_loop3A_279, %parallel_loop3A_280, %parallel_loop3A_281] {strides = array<i32>} : memref<8x8x256xf32, #tpu.memory_space<vmem>>, vector<16xf32>,
          %parallel_loop3A_283 = arith.constant 0 : i32
          %parallel_loop3A_284 = arith.index_cast %parallel_loop3A_195 : i32 to index
          %parallel_loop3A_285 = arith.index_cast %parallel_loop3A_283 : i32 to index
          %parallel_loop3A_286 = arith.constant 208 : index
          %parallel_loop3A_287 = tpu.vector_load %arg6[%parallel_loop3A_284, %parallel_loop3A_285, %parallel_loop3A_286] {strides = array<i32>} : memref<8x8x256xf32, #tpu.memory_space<vmem>>, vector<16xf32>,
          %parallel_loop3A_288 = arith.constant 0 : i32
          %parallel_loop3A_289 = arith.index_cast %parallel_loop3A_195 : i32 to index
          %parallel_loop3A_290 = arith.index_cast %parallel_loop3A_288 : i32 to index
          %parallel_loop3A_291 = arith.constant 224 : index
          %parallel_loop3A_292 = tpu.vector_load %arg6[%parallel_loop3A_289, %parallel_loop3A_290, %parallel_loop3A_291] {strides = array<i32>} : memref<8x8x256xf32, #tpu.memory_space<vmem>>, vector<16xf32>,
          %parallel_loop3A_293 = arith.constant 0 : i32
          %parallel_loop3A_294 = arith.index_cast %parallel_loop3A_195 : i32 to index
          %parallel_loop3A_295 = arith.index_cast %parallel_loop3A_293 : i32 to index
          %parallel_loop3A_296 = arith.constant 240 : index
          %parallel_loop3A_297 = tpu.vector_load %arg6[%parallel_loop3A_294, %parallel_loop3A_295, %parallel_loop3A_296] {strides = array<i32>} : memref<8x8x256xf32, #tpu.memory_space<vmem>>, vector<16xf32>,
          %parallel_loop3A_298 = arith.addi %mul3A_6, %parallel_loop3A_257 : vector<16xi32>
          %parallel_loop3A_299 = arith.addi %mul3A_12, %parallel_loop3A_257 : vector<16xi32>
          %parallel_loop3A_300 = arith.addi %mul3A_18, %parallel_loop3A_257 : vector<16xi32>
          %parallel_loop3A_301 = arith.addi %mul3A_24, %parallel_loop3A_257 : vector<16xi32>
          %parallel_loop3A_302 = arith.addi %mul3A_30, %parallel_loop3A_257 : vector<16xi32>
          %parallel_loop3A_303 = arith.addi %mul3A_36, %parallel_loop3A_257 : vector<16xi32>
          %parallel_loop3A_304 = arith.addi %mul3A_42, %parallel_loop3A_257 : vector<16xi32>
          %parallel_loop3A_305 = arith.addi %mul3A_48, %parallel_loop3A_257 : vector<16xi32>
          tpu.vector_store_idx %arg8[%parallel_loop3A_298], %parallel_loop3A_262 : memref<18432xf32, #tpu.memory_space<vmem>>[vector<16xi32>], vector<16xf32>,
          tpu.vector_store_idx %arg8[%parallel_loop3A_299], %parallel_loop3A_267 : memref<18432xf32, #tpu.memory_space<vmem>>[vector<16xi32>], vector<16xf32>,
          tpu.vector_store_idx %arg8[%parallel_loop3A_300], %parallel_loop3A_272 : memref<18432xf32, #tpu.memory_space<vmem>>[vector<16xi32>], vector<16xf32>,
          tpu.vector_store_idx %arg8[%parallel_loop3A_301], %parallel_loop3A_277 : memref<18432xf32, #tpu.memory_space<vmem>>[vector<16xi32>], vector<16xf32>,
          tpu.vector_store_idx %arg8[%parallel_loop3A_302], %parallel_loop3A_282 : memref<18432xf32, #tpu.memory_space<vmem>>[vector<16xi32>], vector<16xf32>,
          tpu.vector_store_idx %arg8[%parallel_loop3A_303], %parallel_loop3A_287 : memref<18432xf32, #tpu.memory_space<vmem>>[vector<16xi32>], vector<16xf32>,
          tpu.vector_store_idx %arg8[%parallel_loop3A_304], %parallel_loop3A_292 : memref<18432xf32, #tpu.memory_space<vmem>>[vector<16xi32>], vector<16xf32>,
          tpu.vector_store_idx %arg8[%parallel_loop3A_305], %parallel_loop3A_297 : memref<18432xf32, #tpu.memory_space<vmem>>[vector<16xi32>], vector<16xf32>,
          %parallel_loop3A_306 = arith.constant 8 : i32
          %parallel_loop3A_307 = arith.muli %parallel_loop3A_195, %parallel_loop3A_306 : i32
          %parallel_loop3A_308 = arith.constant 0 : i32
          %parallel_loop3A_309 = arith.addi %parallel_loop3A_308, %parallel_loop3A_307 : i32
          %parallel_loop3A_310 = arith.constant 1 : i32
          %parallel_loop3A_311 = arith.addi %parallel_loop3A_309, %parallel_loop3A_310 : i32
          %parallel_loop3A_312 = vector.broadcast %parallel_loop3A_311 : i32 to vector<16xi32>
          %parallel_loop3A_313 = arith.constant 1 : i32
          %parallel_loop3A_314 = arith.index_cast %parallel_loop3A_195 : i32 to index
          %parallel_loop3A_315 = arith.index_cast %parallel_loop3A_313 : i32 to index
          %parallel_loop3A_316 = arith.constant 0 : index
          %parallel_loop3A_317 = tpu.vector_load %arg6[%parallel_loop3A_314, %parallel_loop3A_315, %parallel_loop3A_316] {strides = array<i32>} : memref<8x8x256xf32, #tpu.memory_space<vmem>>, vector<16xf32>,
          %parallel_loop3A_318 = arith.constant 1 : i32
          %parallel_loop3A_319 = arith.index_cast %parallel_loop3A_195 : i32 to index
          %parallel_loop3A_320 = arith.index_cast %parallel_loop3A_318 : i32 to index
          %parallel_loop3A_321 = arith.constant 16 : index
          %parallel_loop3A_322 = tpu.vector_load %arg6[%parallel_loop3A_319, %parallel_loop3A_320, %parallel_loop3A_321] {strides = array<i32>} : memref<8x8x256xf32, #tpu.memory_space<vmem>>, vector<16xf32>,
          %parallel_loop3A_323 = arith.constant 1 : i32
          %parallel_loop3A_324 = arith.index_cast %parallel_loop3A_195 : i32 to index
          %parallel_loop3A_325 = arith.index_cast %parallel_loop3A_323 : i32 to index
          %parallel_loop3A_326 = arith.constant 32 : index
          %parallel_loop3A_327 = tpu.vector_load %arg6[%parallel_loop3A_324, %parallel_loop3A_325, %parallel_loop3A_326] {strides = array<i32>} : memref<8x8x256xf32, #tpu.memory_space<vmem>>, vector<16xf32>,
          %parallel_loop3A_328 = arith.constant 1 : i32
          %parallel_loop3A_329 = arith.index_cast %parallel_loop3A_195 : i32 to index
          %parallel_loop3A_330 = arith.index_cast %parallel_loop3A_328 : i32 to index
          %parallel_loop3A_331 = arith.constant 48 : index
          %parallel_loop3A_332 = tpu.vector_load %arg6[%parallel_loop3A_329, %parallel_loop3A_330, %parallel_loop3A_331] {strides = array<i32>} : memref<8x8x256xf32, #tpu.memory_space<vmem>>, vector<16xf32>,
          %parallel_loop3A_333 = arith.constant 1 : i32
          %parallel_loop3A_334 = arith.index_cast %parallel_loop3A_195 : i32 to index
          %parallel_loop3A_335 = arith.index_cast %parallel_loop3A_333 : i32 to index
          %parallel_loop3A_336 = arith.constant 64 : index
          %parallel_loop3A_337 = tpu.vector_load %arg6[%parallel_loop3A_334, %parallel_loop3A_335, %parallel_loop3A_336] {strides = array<i32>} : memref<8x8x256xf32, #tpu.memory_space<vmem>>, vector<16xf32>,
          %parallel_loop3A_338 = arith.constant 1 : i32
          %parallel_loop3A_339 = arith.index_cast %parallel_loop3A_195 : i32 to index
          %parallel_loop3A_340 = arith.index_cast %parallel_loop3A_338 : i32 to index
          %parallel_loop3A_341 = arith.constant 80 : index
          %parallel_loop3A_342 = tpu.vector_load %arg6[%parallel_loop3A_339, %parallel_loop3A_340, %parallel_loop3A_341] {strides = array<i32>} : memref<8x8x256xf32, #tpu.memory_space<vmem>>, vector<16xf32>,
          %parallel_loop3A_343 = arith.constant 1 : i32
          %parallel_loop3A_344 = arith.index_cast %parallel_loop3A_195 : i32 to index
          %parallel_loop3A_345 = arith.index_cast %parallel_loop3A_343 : i32 to index
          %parallel_loop3A_346 = arith.constant 96 : index
          %parallel_loop3A_347 = tpu.vector_load %arg6[%parallel_loop3A_344, %parallel_loop3A_345, %parallel_loop3A_346] {strides = array<i32>} : memref<8x8x256xf32, #tpu.memory_space<vmem>>, vector<16xf32>,
          %parallel_loop3A_348 = arith.constant 1 : i32
          %parallel_loop3A_349 = arith.index_cast %parallel_loop3A_195 : i32 to index
          %parallel_loop3A_350 = arith.index_cast %parallel_loop3A_348 : i32 to index
          %parallel_loop3A_351 = arith.constant 112 : index
          %parallel_loop3A_352 = tpu.vector_load %arg6[%parallel_loop3A_349, %parallel_loop3A_350, %parallel_loop3A_351] {strides = array<i32>} : memref<8x8x256xf32, #tpu.memory_space<vmem>>, vector<16xf32>,
          %parallel_loop3A_353 = arith.addi %mul3A_6, %parallel_loop3A_312 : vector<16xi32>
          %parallel_loop3A_354 = arith.addi %mul3A_12, %parallel_loop3A_312 : vector<16xi32>
          %parallel_loop3A_355 = arith.addi %mul3A_18, %parallel_loop3A_312 : vector<16xi32>
          %parallel_loop3A_356 = arith.addi %mul3A_24, %parallel_loop3A_312 : vector<16xi32>
          %parallel_loop3A_357 = arith.addi %mul3A_30, %parallel_loop3A_312 : vector<16xi32>
          %parallel_loop3A_358 = arith.addi %mul3A_36, %parallel_loop3A_312 : vector<16xi32>
          %parallel_loop3A_359 = arith.addi %mul3A_42, %parallel_loop3A_312 : vector<16xi32>
          %parallel_loop3A_360 = arith.addi %mul3A_48, %parallel_loop3A_312 : vector<16xi32>
          tpu.vector_store_idx %arg8[%parallel_loop3A_353], %parallel_loop3A_317 : memref<18432xf32, #tpu.memory_space<vmem>>[vector<16xi32>], vector<16xf32>,
          tpu.vector_store_idx %arg8[%parallel_loop3A_354], %parallel_loop3A_322 : memref<18432xf32, #tpu.memory_space<vmem>>[vector<16xi32>], vector<16xf32>,
          tpu.vector_store_idx %arg8[%parallel_loop3A_355], %parallel_loop3A_327 : memref<18432xf32, #tpu.memory_space<vmem>>[vector<16xi32>], vector<16xf32>,
          tpu.vector_store_idx %arg8[%parallel_loop3A_356], %parallel_loop3A_332 : memref<18432xf32, #tpu.memory_space<vmem>>[vector<16xi32>], vector<16xf32>,
          tpu.vector_store_idx %arg8[%parallel_loop3A_357], %parallel_loop3A_337 : memref<18432xf32, #tpu.memory_space<vmem>>[vector<16xi32>], vector<16xf32>,
          tpu.vector_store_idx %arg8[%parallel_loop3A_358], %parallel_loop3A_342 : memref<18432xf32, #tpu.memory_space<vmem>>[vector<16xi32>], vector<16xf32>,
          tpu.vector_store_idx %arg8[%parallel_loop3A_359], %parallel_loop3A_347 : memref<18432xf32, #tpu.memory_space<vmem>>[vector<16xi32>], vector<16xf32>,
          tpu.vector_store_idx %arg8[%parallel_loop3A_360], %parallel_loop3A_352 : memref<18432xf32, #tpu.memory_space<vmem>>[vector<16xi32>], vector<16xf32>,
          %parallel_loop3A_361 = arith.constant 8 : i32
          %parallel_loop3A_362 = arith.muli %parallel_loop3A_195, %parallel_loop3A_361 : i32
          %parallel_loop3A_363 = arith.constant 9216 : i32
          %parallel_loop3A_364 = arith.addi %parallel_loop3A_363, %parallel_loop3A_362 : i32
          %parallel_loop3A_365 = arith.constant 1 : i32
          %parallel_loop3A_366 = arith.addi %parallel_loop3A_364, %parallel_loop3A_365 : i32
          %parallel_loop3A_367 = vector.broadcast %parallel_loop3A_366 : i32 to vector<16xi32>
          %parallel_loop3A_368 = arith.constant 1 : i32
          %parallel_loop3A_369 = arith.index_cast %parallel_loop3A_195 : i32 to index
          %parallel_loop3A_370 = arith.index_cast %parallel_loop3A_368 : i32 to index
          %parallel_loop3A_371 = arith.constant 128 : index
          %parallel_loop3A_372 = tpu.vector_load %arg6[%parallel_loop3A_369, %parallel_loop3A_370, %parallel_loop3A_371] {strides = array<i32>} : memref<8x8x256xf32, #tpu.memory_space<vmem>>, vector<16xf32>,
          %parallel_loop3A_373 = arith.constant 1 : i32
          %parallel_loop3A_374 = arith.index_cast %parallel_loop3A_195 : i32 to index
          %parallel_loop3A_375 = arith.index_cast %parallel_loop3A_373 : i32 to index
          %parallel_loop3A_376 = arith.constant 144 : index
          %parallel_loop3A_377 = tpu.vector_load %arg6[%parallel_loop3A_374, %parallel_loop3A_375, %parallel_loop3A_376] {strides = array<i32>} : memref<8x8x256xf32, #tpu.memory_space<vmem>>, vector<16xf32>,
          %parallel_loop3A_378 = arith.constant 1 : i32
          %parallel_loop3A_379 = arith.index_cast %parallel_loop3A_195 : i32 to index
          %parallel_loop3A_380 = arith.index_cast %parallel_loop3A_378 : i32 to index
          %parallel_loop3A_381 = arith.constant 160 : index
          %parallel_loop3A_382 = tpu.vector_load %arg6[%parallel_loop3A_379, %parallel_loop3A_380, %parallel_loop3A_381] {strides = array<i32>} : memref<8x8x256xf32, #tpu.memory_space<vmem>>, vector<16xf32>,
          %parallel_loop3A_383 = arith.constant 1 : i32
          %parallel_loop3A_384 = arith.index_cast %parallel_loop3A_195 : i32 to index
          %parallel_loop3A_385 = arith.index_cast %parallel_loop3A_383 : i32 to index
          %parallel_loop3A_386 = arith.constant 176 : index
          %parallel_loop3A_387 = tpu.vector_load %arg6[%parallel_loop3A_384, %parallel_loop3A_385, %parallel_loop3A_386] {strides = array<i32>} : memref<8x8x256xf32, #tpu.memory_space<vmem>>, vector<16xf32>,
          %parallel_loop3A_388 = arith.constant 1 : i32
          %parallel_loop3A_389 = arith.index_cast %parallel_loop3A_195 : i32 to index
          %parallel_loop3A_390 = arith.index_cast %parallel_loop3A_388 : i32 to index
          %parallel_loop3A_391 = arith.constant 192 : index
          %parallel_loop3A_392 = tpu.vector_load %arg6[%parallel_loop3A_389, %parallel_loop3A_390, %parallel_loop3A_391] {strides = array<i32>} : memref<8x8x256xf32, #tpu.memory_space<vmem>>, vector<16xf32>,
          %parallel_loop3A_393 = arith.constant 1 : i32
          %parallel_loop3A_394 = arith.index_cast %parallel_loop3A_195 : i32 to index
          %parallel_loop3A_395 = arith.index_cast %parallel_loop3A_393 : i32 to index
          %parallel_loop3A_396 = arith.constant 208 : index
          %parallel_loop3A_397 = tpu.vector_load %arg6[%parallel_loop3A_394, %parallel_loop3A_395, %parallel_loop3A_396] {strides = array<i32>} : memref<8x8x256xf32, #tpu.memory_space<vmem>>, vector<16xf32>,
          %parallel_loop3A_398 = arith.constant 1 : i32
          %parallel_loop3A_399 = arith.index_cast %parallel_loop3A_195 : i32 to index
          %parallel_loop3A_400 = arith.index_cast %parallel_loop3A_398 : i32 to index
          %parallel_loop3A_401 = arith.constant 224 : index
          %parallel_loop3A_402 = tpu.vector_load %arg6[%parallel_loop3A_399, %parallel_loop3A_400, %parallel_loop3A_401] {strides = array<i32>} : memref<8x8x256xf32, #tpu.memory_space<vmem>>, vector<16xf32>,
          %parallel_loop3A_403 = arith.constant 1 : i32
          %parallel_loop3A_404 = arith.index_cast %parallel_loop3A_195 : i32 to index
          %parallel_loop3A_405 = arith.index_cast %parallel_loop3A_403 : i32 to index
          %parallel_loop3A_406 = arith.constant 240 : index
          %parallel_loop3A_407 = tpu.vector_load %arg6[%parallel_loop3A_404, %parallel_loop3A_405, %parallel_loop3A_406] {strides = array<i32>} : memref<8x8x256xf32, #tpu.memory_space<vmem>>, vector<16xf32>,
          %parallel_loop3A_408 = arith.addi %mul3A_6, %parallel_loop3A_367 : vector<16xi32>
          %parallel_loop3A_409 = arith.addi %mul3A_12, %parallel_loop3A_367 : vector<16xi32>
          %parallel_loop3A_410 = arith.addi %mul3A_18, %parallel_loop3A_367 : vector<16xi32>
          %parallel_loop3A_411 = arith.addi %mul3A_24, %parallel_loop3A_367 : vector<16xi32>
          %parallel_loop3A_412 = arith.addi %mul3A_30, %parallel_loop3A_367 : vector<16xi32>
          %parallel_loop3A_413 = arith.addi %mul3A_36, %parallel_loop3A_367 : vector<16xi32>
          %parallel_loop3A_414 = arith.addi %mul3A_42, %parallel_loop3A_367 : vector<16xi32>
          %parallel_loop3A_415 = arith.addi %mul3A_48, %parallel_loop3A_367 : vector<16xi32>
          tpu.vector_store_idx %arg8[%parallel_loop3A_408], %parallel_loop3A_372 : memref<18432xf32, #tpu.memory_space<vmem>>[vector<16xi32>], vector<16xf32>,
          tpu.vector_store_idx %arg8[%parallel_loop3A_409], %parallel_loop3A_377 : memref<18432xf32, #tpu.memory_space<vmem>>[vector<16xi32>], vector<16xf32>,
          tpu.vector_store_idx %arg8[%parallel_loop3A_410], %parallel_loop3A_382 : memref<18432xf32, #tpu.memory_space<vmem>>[vector<16xi32>], vector<16xf32>,
          tpu.vector_store_idx %arg8[%parallel_loop3A_411], %parallel_loop3A_387 : memref<18432xf32, #tpu.memory_space<vmem>>[vector<16xi32>], vector<16xf32>,
          tpu.vector_store_idx %arg8[%parallel_loop3A_412], %parallel_loop3A_392 : memref<18432xf32, #tpu.memory_space<vmem>>[vector<16xi32>], vector<16xf32>,
          tpu.vector_store_idx %arg8[%parallel_loop3A_413], %parallel_loop3A_397 : memref<18432xf32, #tpu.memory_space<vmem>>[vector<16xi32>], vector<16xf32>,
          tpu.vector_store_idx %arg8[%parallel_loop3A_414], %parallel_loop3A_402 : memref<18432xf32, #tpu.memory_space<vmem>>[vector<16xi32>], vector<16xf32>,
          tpu.vector_store_idx %arg8[%parallel_loop3A_415], %parallel_loop3A_407 : memref<18432xf32, #tpu.memory_space<vmem>>[vector<16xi32>], vector<16xf32>,
          %parallel_loop3A_416 = arith.constant 8 : i32
          %parallel_loop3A_417 = arith.muli %parallel_loop3A_195, %parallel_loop3A_416 : i32
          %parallel_loop3A_418 = arith.constant 0 : i32
          %parallel_loop3A_419 = arith.addi %parallel_loop3A_418, %parallel_loop3A_417 : i32
          %parallel_loop3A_420 = arith.constant 2 : i32
          %parallel_loop3A_421 = arith.addi %parallel_loop3A_419, %parallel_loop3A_420 : i32
          %parallel_loop3A_422 = vector.broadcast %parallel_loop3A_421 : i32 to vector<16xi32>
          %parallel_loop3A_423 = arith.constant 2 : i32
          %parallel_loop3A_424 = arith.index_cast %parallel_loop3A_195 : i32 to index
          %parallel_loop3A_425 = arith.index_cast %parallel_loop3A_423 : i32 to index
          %parallel_loop3A_426 = arith.constant 0 : index
          %parallel_loop3A_427 = tpu.vector_load %arg6[%parallel_loop3A_424, %parallel_loop3A_425, %parallel_loop3A_426] {strides = array<i32>} : memref<8x8x256xf32, #tpu.memory_space<vmem>>, vector<16xf32>,
          %parallel_loop3A_428 = arith.constant 2 : i32
          %parallel_loop3A_429 = arith.index_cast %parallel_loop3A_195 : i32 to index
          %parallel_loop3A_430 = arith.index_cast %parallel_loop3A_428 : i32 to index
          %parallel_loop3A_431 = arith.constant 16 : index
          %parallel_loop3A_432 = tpu.vector_load %arg6[%parallel_loop3A_429, %parallel_loop3A_430, %parallel_loop3A_431] {strides = array<i32>} : memref<8x8x256xf32, #tpu.memory_space<vmem>>, vector<16xf32>,
          %parallel_loop3A_433 = arith.constant 2 : i32
          %parallel_loop3A_434 = arith.index_cast %parallel_loop3A_195 : i32 to index
          %parallel_loop3A_435 = arith.index_cast %parallel_loop3A_433 : i32 to index
          %parallel_loop3A_436 = arith.constant 32 : index
          %parallel_loop3A_437 = tpu.vector_load %arg6[%parallel_loop3A_434, %parallel_loop3A_435, %parallel_loop3A_436] {strides = array<i32>} : memref<8x8x256xf32, #tpu.memory_space<vmem>>, vector<16xf32>,
          %parallel_loop3A_438 = arith.constant 2 : i32
          %parallel_loop3A_439 = arith.index_cast %parallel_loop3A_195 : i32 to index
          %parallel_loop3A_440 = arith.index_cast %parallel_loop3A_438 : i32 to index
          %parallel_loop3A_441 = arith.constant 48 : index
          %parallel_loop3A_442 = tpu.vector_load %arg6[%parallel_loop3A_439, %parallel_loop3A_440, %parallel_loop3A_441] {strides = array<i32>} : memref<8x8x256xf32, #tpu.memory_space<vmem>>, vector<16xf32>,
          %parallel_loop3A_443 = arith.constant 2 : i32
          %parallel_loop3A_444 = arith.index_cast %parallel_loop3A_195 : i32 to index
          %parallel_loop3A_445 = arith.index_cast %parallel_loop3A_443 : i32 to index
          %parallel_loop3A_446 = arith.constant 64 : index
          %parallel_loop3A_447 = tpu.vector_load %arg6[%parallel_loop3A_444, %parallel_loop3A_445, %parallel_loop3A_446] {strides = array<i32>} : memref<8x8x256xf32, #tpu.memory_space<vmem>>, vector<16xf32>,
          %parallel_loop3A_448 = arith.constant 2 : i32
          %parallel_loop3A_449 = arith.index_cast %parallel_loop3A_195 : i32 to index
          %parallel_loop3A_450 = arith.index_cast %parallel_loop3A_448 : i32 to index
          %parallel_loop3A_451 = arith.constant 80 : index
          %parallel_loop3A_452 = tpu.vector_load %arg6[%parallel_loop3A_449, %parallel_loop3A_450, %parallel_loop3A_451] {strides = array<i32>} : memref<8x8x256xf32, #tpu.memory_space<vmem>>, vector<16xf32>,
          %parallel_loop3A_453 = arith.constant 2 : i32
          %parallel_loop3A_454 = arith.index_cast %parallel_loop3A_195 : i32 to index
          %parallel_loop3A_455 = arith.index_cast %parallel_loop3A_453 : i32 to index
          %parallel_loop3A_456 = arith.constant 96 : index
          %parallel_loop3A_457 = tpu.vector_load %arg6[%parallel_loop3A_454, %parallel_loop3A_455, %parallel_loop3A_456] {strides = array<i32>} : memref<8x8x256xf32, #tpu.memory_space<vmem>>, vector<16xf32>,
          %parallel_loop3A_458 = arith.constant 2 : i32
          %parallel_loop3A_459 = arith.index_cast %parallel_loop3A_195 : i32 to index
          %parallel_loop3A_460 = arith.index_cast %parallel_loop3A_458 : i32 to index
          %parallel_loop3A_461 = arith.constant 112 : index
          %parallel_loop3A_462 = tpu.vector_load %arg6[%parallel_loop3A_459, %parallel_loop3A_460, %parallel_loop3A_461] {strides = array<i32>} : memref<8x8x256xf32, #tpu.memory_space<vmem>>, vector<16xf32>,
          %parallel_loop3A_463 = arith.addi %mul3A_6, %parallel_loop3A_422 : vector<16xi32>
          %parallel_loop3A_464 = arith.addi %mul3A_12, %parallel_loop3A_422 : vector<16xi32>
          %parallel_loop3A_465 = arith.addi %mul3A_18, %parallel_loop3A_422 : vector<16xi32>
          %parallel_loop3A_466 = arith.addi %mul3A_24, %parallel_loop3A_422 : vector<16xi32>
          %parallel_loop3A_467 = arith.addi %mul3A_30, %parallel_loop3A_422 : vector<16xi32>
          %parallel_loop3A_468 = arith.addi %mul3A_36, %parallel_loop3A_422 : vector<16xi32>
          %parallel_loop3A_469 = arith.addi %mul3A_42, %parallel_loop3A_422 : vector<16xi32>
          %parallel_loop3A_470 = arith.addi %mul3A_48, %parallel_loop3A_422 : vector<16xi32>
          tpu.vector_store_idx %arg8[%parallel_loop3A_463], %parallel_loop3A_427 : memref<18432xf32, #tpu.memory_space<vmem>>[vector<16xi32>], vector<16xf32>,
          tpu.vector_store_idx %arg8[%parallel_loop3A_464], %parallel_loop3A_432 : memref<18432xf32, #tpu.memory_space<vmem>>[vector<16xi32>], vector<16xf32>,
          tpu.vector_store_idx %arg8[%parallel_loop3A_465], %parallel_loop3A_437 : memref<18432xf32, #tpu.memory_space<vmem>>[vector<16xi32>], vector<16xf32>,
          tpu.vector_store_idx %arg8[%parallel_loop3A_466], %parallel_loop3A_442 : memref<18432xf32, #tpu.memory_space<vmem>>[vector<16xi32>], vector<16xf32>,
          tpu.vector_store_idx %arg8[%parallel_loop3A_467], %parallel_loop3A_447 : memref<18432xf32, #tpu.memory_space<vmem>>[vector<16xi32>], vector<16xf32>,
          tpu.vector_store_idx %arg8[%parallel_loop3A_468], %parallel_loop3A_452 : memref<18432xf32, #tpu.memory_space<vmem>>[vector<16xi32>], vector<16xf32>,
          tpu.vector_store_idx %arg8[%parallel_loop3A_469], %parallel_loop3A_457 : memref<18432xf32, #tpu.memory_space<vmem>>[vector<16xi32>], vector<16xf32>,
          tpu.vector_store_idx %arg8[%parallel_loop3A_470], %parallel_loop3A_462 : memref<18432xf32, #tpu.memory_space<vmem>>[vector<16xi32>], vector<16xf32>,
          %parallel_loop3A_471 = arith.constant 8 : i32
          %parallel_loop3A_472 = arith.muli %parallel_loop3A_195, %parallel_loop3A_471 : i32
          %parallel_loop3A_473 = arith.constant 9216 : i32
          %parallel_loop3A_474 = arith.addi %parallel_loop3A_473, %parallel_loop3A_472 : i32
          %parallel_loop3A_475 = arith.constant 2 : i32
          %parallel_loop3A_476 = arith.addi %parallel_loop3A_474, %parallel_loop3A_475 : i32
          %parallel_loop3A_477 = vector.broadcast %parallel_loop3A_476 : i32 to vector<16xi32>
          %parallel_loop3A_478 = arith.constant 2 : i32
          %parallel_loop3A_479 = arith.index_cast %parallel_loop3A_195 : i32 to index
          %parallel_loop3A_480 = arith.index_cast %parallel_loop3A_478 : i32 to index
          %parallel_loop3A_481 = arith.constant 128 : index
          %parallel_loop3A_482 = tpu.vector_load %arg6[%parallel_loop3A_479, %parallel_loop3A_480, %parallel_loop3A_481] {strides = array<i32>} : memref<8x8x256xf32, #tpu.memory_space<vmem>>, vector<16xf32>,
          %parallel_loop3A_483 = arith.constant 2 : i32
          %parallel_loop3A_484 = arith.index_cast %parallel_loop3A_195 : i32 to index
          %parallel_loop3A_485 = arith.index_cast %parallel_loop3A_483 : i32 to index
          %parallel_loop3A_486 = arith.constant 144 : index
          %parallel_loop3A_487 = tpu.vector_load %arg6[%parallel_loop3A_484, %parallel_loop3A_485, %parallel_loop3A_486] {strides = array<i32>} : memref<8x8x256xf32, #tpu.memory_space<vmem>>, vector<16xf32>,
          %parallel_loop3A_488 = arith.constant 2 : i32
          %parallel_loop3A_489 = arith.index_cast %parallel_loop3A_195 : i32 to index
          %parallel_loop3A_490 = arith.index_cast %parallel_loop3A_488 : i32 to index
          %parallel_loop3A_491 = arith.constant 160 : index
          %parallel_loop3A_492 = tpu.vector_load %arg6[%parallel_loop3A_489, %parallel_loop3A_490, %parallel_loop3A_491] {strides = array<i32>} : memref<8x8x256xf32, #tpu.memory_space<vmem>>, vector<16xf32>,
          %parallel_loop3A_493 = arith.constant 2 : i32
          %parallel_loop3A_494 = arith.index_cast %parallel_loop3A_195 : i32 to index
          %parallel_loop3A_495 = arith.index_cast %parallel_loop3A_493 : i32 to index
          %parallel_loop3A_496 = arith.constant 176 : index
          %parallel_loop3A_497 = tpu.vector_load %arg6[%parallel_loop3A_494, %parallel_loop3A_495, %parallel_loop3A_496] {strides = array<i32>} : memref<8x8x256xf32, #tpu.memory_space<vmem>>, vector<16xf32>,
          %parallel_loop3A_498 = arith.constant 2 : i32
          %parallel_loop3A_499 = arith.index_cast %parallel_loop3A_195 : i32 to index
          %parallel_loop3A_500 = arith.index_cast %parallel_loop3A_498 : i32 to index
          %parallel_loop3A_501 = arith.constant 192 : index
          %parallel_loop3A_502 = tpu.vector_load %arg6[%parallel_loop3A_499, %parallel_loop3A_500, %parallel_loop3A_501] {strides = array<i32>} : memref<8x8x256xf32, #tpu.memory_space<vmem>>, vector<16xf32>,
          %parallel_loop3A_503 = arith.constant 2 : i32
          %parallel_loop3A_504 = arith.index_cast %parallel_loop3A_195 : i32 to index
          %parallel_loop3A_505 = arith.index_cast %parallel_loop3A_503 : i32 to index
          %parallel_loop3A_506 = arith.constant 208 : index
          %parallel_loop3A_507 = tpu.vector_load %arg6[%parallel_loop3A_504, %parallel_loop3A_505, %parallel_loop3A_506] {strides = array<i32>} : memref<8x8x256xf32, #tpu.memory_space<vmem>>, vector<16xf32>,
          %parallel_loop3A_508 = arith.constant 2 : i32
          %parallel_loop3A_509 = arith.index_cast %parallel_loop3A_195 : i32 to index
          %parallel_loop3A_510 = arith.index_cast %parallel_loop3A_508 : i32 to index
          %parallel_loop3A_511 = arith.constant 224 : index
          %parallel_loop3A_512 = tpu.vector_load %arg6[%parallel_loop3A_509, %parallel_loop3A_510, %parallel_loop3A_511] {strides = array<i32>} : memref<8x8x256xf32, #tpu.memory_space<vmem>>, vector<16xf32>,
          %parallel_loop3A_513 = arith.constant 2 : i32
          %parallel_loop3A_514 = arith.index_cast %parallel_loop3A_195 : i32 to index
          %parallel_loop3A_515 = arith.index_cast %parallel_loop3A_513 : i32 to index
          %parallel_loop3A_516 = arith.constant 240 : index
          %parallel_loop3A_517 = tpu.vector_load %arg6[%parallel_loop3A_514, %parallel_loop3A_515, %parallel_loop3A_516] {strides = array<i32>} : memref<8x8x256xf32, #tpu.memory_space<vmem>>, vector<16xf32>,
          %parallel_loop3A_518 = arith.addi %mul3A_6, %parallel_loop3A_477 : vector<16xi32>
          %parallel_loop3A_519 = arith.addi %mul3A_12, %parallel_loop3A_477 : vector<16xi32>
          %parallel_loop3A_520 = arith.addi %mul3A_18, %parallel_loop3A_477 : vector<16xi32>
          %parallel_loop3A_521 = arith.addi %mul3A_24, %parallel_loop3A_477 : vector<16xi32>
          %parallel_loop3A_522 = arith.addi %mul3A_30, %parallel_loop3A_477 : vector<16xi32>
          %parallel_loop3A_523 = arith.addi %mul3A_36, %parallel_loop3A_477 : vector<16xi32>
          %parallel_loop3A_524 = arith.addi %mul3A_42, %parallel_loop3A_477 : vector<16xi32>
          %parallel_loop3A_525 = arith.addi %mul3A_48, %parallel_loop3A_477 : vector<16xi32>
          tpu.vector_store_idx %arg8[%parallel_loop3A_518], %parallel_loop3A_482 : memref<18432xf32, #tpu.memory_space<vmem>>[vector<16xi32>], vector<16xf32>,
          tpu.vector_store_idx %arg8[%parallel_loop3A_519], %parallel_loop3A_487 : memref<18432xf32, #tpu.memory_space<vmem>>[vector<16xi32>], vector<16xf32>,
          tpu.vector_store_idx %arg8[%parallel_loop3A_520], %parallel_loop3A_492 : memref<18432xf32, #tpu.memory_space<vmem>>[vector<16xi32>], vector<16xf32>,
          tpu.vector_store_idx %arg8[%parallel_loop3A_521], %parallel_loop3A_497 : memref<18432xf32, #tpu.memory_space<vmem>>[vector<16xi32>], vector<16xf32>,
          tpu.vector_store_idx %arg8[%parallel_loop3A_522], %parallel_loop3A_502 : memref<18432xf32, #tpu.memory_space<vmem>>[vector<16xi32>], vector<16xf32>,
          tpu.vector_store_idx %arg8[%parallel_loop3A_523], %parallel_loop3A_507 : memref<18432xf32, #tpu.memory_space<vmem>>[vector<16xi32>], vector<16xf32>,
          tpu.vector_store_idx %arg8[%parallel_loop3A_524], %parallel_loop3A_512 : memref<18432xf32, #tpu.memory_space<vmem>>[vector<16xi32>], vector<16xf32>,
          tpu.vector_store_idx %arg8[%parallel_loop3A_525], %parallel_loop3A_517 : memref<18432xf32, #tpu.memory_space<vmem>>[vector<16xi32>], vector<16xf32>,
          %parallel_loop3A_526 = arith.constant 8 : i32
          %parallel_loop3A_527 = arith.muli %parallel_loop3A_195, %parallel_loop3A_526 : i32
          %parallel_loop3A_528 = arith.constant 0 : i32
          %parallel_loop3A_529 = arith.addi %parallel_loop3A_528, %parallel_loop3A_527 : i32
          %parallel_loop3A_530 = arith.constant 3 : i32
          %parallel_loop3A_531 = arith.addi %parallel_loop3A_529, %parallel_loop3A_530 : i32
          %parallel_loop3A_532 = vector.broadcast %parallel_loop3A_531 : i32 to vector<16xi32>
          %parallel_loop3A_533 = arith.constant 3 : i32
          %parallel_loop3A_534 = arith.index_cast %parallel_loop3A_195 : i32 to index
          %parallel_loop3A_535 = arith.index_cast %parallel_loop3A_533 : i32 to index
          %parallel_loop3A_536 = arith.constant 0 : index
          %parallel_loop3A_537 = tpu.vector_load %arg6[%parallel_loop3A_534, %parallel_loop3A_535, %parallel_loop3A_536] {strides = array<i32>} : memref<8x8x256xf32, #tpu.memory_space<vmem>>, vector<16xf32>,
          %parallel_loop3A_538 = arith.constant 3 : i32
          %parallel_loop3A_539 = arith.index_cast %parallel_loop3A_195 : i32 to index
          %parallel_loop3A_540 = arith.index_cast %parallel_loop3A_538 : i32 to index
          %parallel_loop3A_541 = arith.constant 16 : index
          %parallel_loop3A_542 = tpu.vector_load %arg6[%parallel_loop3A_539, %parallel_loop3A_540, %parallel_loop3A_541] {strides = array<i32>} : memref<8x8x256xf32, #tpu.memory_space<vmem>>, vector<16xf32>,
          %parallel_loop3A_543 = arith.constant 3 : i32
          %parallel_loop3A_544 = arith.index_cast %parallel_loop3A_195 : i32 to index
          %parallel_loop3A_545 = arith.index_cast %parallel_loop3A_543 : i32 to index
          %parallel_loop3A_546 = arith.constant 32 : index
          %parallel_loop3A_547 = tpu.vector_load %arg6[%parallel_loop3A_544, %parallel_loop3A_545, %parallel_loop3A_546] {strides = array<i32>} : memref<8x8x256xf32, #tpu.memory_space<vmem>>, vector<16xf32>,
          %parallel_loop3A_548 = arith.constant 3 : i32
          %parallel_loop3A_549 = arith.index_cast %parallel_loop3A_195 : i32 to index
          %parallel_loop3A_550 = arith.index_cast %parallel_loop3A_548 : i32 to index
          %parallel_loop3A_551 = arith.constant 48 : index
          %parallel_loop3A_552 = tpu.vector_load %arg6[%parallel_loop3A_549, %parallel_loop3A_550, %parallel_loop3A_551] {strides = array<i32>} : memref<8x8x256xf32, #tpu.memory_space<vmem>>, vector<16xf32>,
          %parallel_loop3A_553 = arith.constant 3 : i32
          %parallel_loop3A_554 = arith.index_cast %parallel_loop3A_195 : i32 to index
          %parallel_loop3A_555 = arith.index_cast %parallel_loop3A_553 : i32 to index
          %parallel_loop3A_556 = arith.constant 64 : index
          %parallel_loop3A_557 = tpu.vector_load %arg6[%parallel_loop3A_554, %parallel_loop3A_555, %parallel_loop3A_556] {strides = array<i32>} : memref<8x8x256xf32, #tpu.memory_space<vmem>>, vector<16xf32>,
          %parallel_loop3A_558 = arith.constant 3 : i32
          %parallel_loop3A_559 = arith.index_cast %parallel_loop3A_195 : i32 to index
          %parallel_loop3A_560 = arith.index_cast %parallel_loop3A_558 : i32 to index
          %parallel_loop3A_561 = arith.constant 80 : index
          %parallel_loop3A_562 = tpu.vector_load %arg6[%parallel_loop3A_559, %parallel_loop3A_560, %parallel_loop3A_561] {strides = array<i32>} : memref<8x8x256xf32, #tpu.memory_space<vmem>>, vector<16xf32>,
          %parallel_loop3A_563 = arith.constant 3 : i32
          %parallel_loop3A_564 = arith.index_cast %parallel_loop3A_195 : i32 to index
          %parallel_loop3A_565 = arith.index_cast %parallel_loop3A_563 : i32 to index
          %parallel_loop3A_566 = arith.constant 96 : index
          %parallel_loop3A_567 = tpu.vector_load %arg6[%parallel_loop3A_564, %parallel_loop3A_565, %parallel_loop3A_566] {strides = array<i32>} : memref<8x8x256xf32, #tpu.memory_space<vmem>>, vector<16xf32>,
          %parallel_loop3A_568 = arith.constant 3 : i32
          %parallel_loop3A_569 = arith.index_cast %parallel_loop3A_195 : i32 to index
          %parallel_loop3A_570 = arith.index_cast %parallel_loop3A_568 : i32 to index
          %parallel_loop3A_571 = arith.constant 112 : index
          %parallel_loop3A_572 = tpu.vector_load %arg6[%parallel_loop3A_569, %parallel_loop3A_570, %parallel_loop3A_571] {strides = array<i32>} : memref<8x8x256xf32, #tpu.memory_space<vmem>>, vector<16xf32>,
          %parallel_loop3A_573 = arith.addi %mul3A_6, %parallel_loop3A_532 : vector<16xi32>
          %parallel_loop3A_574 = arith.addi %mul3A_12, %parallel_loop3A_532 : vector<16xi32>
          %parallel_loop3A_575 = arith.addi %mul3A_18, %parallel_loop3A_532 : vector<16xi32>
          %parallel_loop3A_576 = arith.addi %mul3A_24, %parallel_loop3A_532 : vector<16xi32>
          %parallel_loop3A_577 = arith.addi %mul3A_30, %parallel_loop3A_532 : vector<16xi32>
          %parallel_loop3A_578 = arith.addi %mul3A_36, %parallel_loop3A_532 : vector<16xi32>
          %parallel_loop3A_579 = arith.addi %mul3A_42, %parallel_loop3A_532 : vector<16xi32>
          %parallel_loop3A_580 = arith.addi %mul3A_48, %parallel_loop3A_532 : vector<16xi32>
          tpu.vector_store_idx %arg8[%parallel_loop3A_573], %parallel_loop3A_537 : memref<18432xf32, #tpu.memory_space<vmem>>[vector<16xi32>], vector<16xf32>,
          tpu.vector_store_idx %arg8[%parallel_loop3A_574], %parallel_loop3A_542 : memref<18432xf32, #tpu.memory_space<vmem>>[vector<16xi32>], vector<16xf32>,
          tpu.vector_store_idx %arg8[%parallel_loop3A_575], %parallel_loop3A_547 : memref<18432xf32, #tpu.memory_space<vmem>>[vector<16xi32>], vector<16xf32>,
          tpu.vector_store_idx %arg8[%parallel_loop3A_576], %parallel_loop3A_552 : memref<18432xf32, #tpu.memory_space<vmem>>[vector<16xi32>], vector<16xf32>,
          tpu.vector_store_idx %arg8[%parallel_loop3A_577], %parallel_loop3A_557 : memref<18432xf32, #tpu.memory_space<vmem>>[vector<16xi32>], vector<16xf32>,
          tpu.vector_store_idx %arg8[%parallel_loop3A_578], %parallel_loop3A_562 : memref<18432xf32, #tpu.memory_space<vmem>>[vector<16xi32>], vector<16xf32>,
          tpu.vector_store_idx %arg8[%parallel_loop3A_579], %parallel_loop3A_567 : memref<18432xf32, #tpu.memory_space<vmem>>[vector<16xi32>], vector<16xf32>,
          tpu.vector_store_idx %arg8[%parallel_loop3A_580], %parallel_loop3A_572 : memref<18432xf32, #tpu.memory_space<vmem>>[vector<16xi32>], vector<16xf32>,
          %parallel_loop3A_581 = arith.constant 8 : i32
          %parallel_loop3A_582 = arith.muli %parallel_loop3A_195, %parallel_loop3A_581 : i32
          %parallel_loop3A_583 = arith.constant 9216 : i32
          %parallel_loop3A_584 = arith.addi %parallel_loop3A_583, %parallel_loop3A_582 : i32
          %parallel_loop3A_585 = arith.constant 3 : i32
          %parallel_loop3A_586 = arith.addi %parallel_loop3A_584, %parallel_loop3A_585 : i32
          %parallel_loop3A_587 = vector.broadcast %parallel_loop3A_586 : i32 to vector<16xi32>
          %parallel_loop3A_588 = arith.constant 3 : i32
          %parallel_loop3A_589 = arith.index_cast %parallel_loop3A_195 : i32 to index
          %parallel_loop3A_590 = arith.index_cast %parallel_loop3A_588 : i32 to index
          %parallel_loop3A_591 = arith.constant 128 : index
          %parallel_loop3A_592 = tpu.vector_load %arg6[%parallel_loop3A_589, %parallel_loop3A_590, %parallel_loop3A_591] {strides = array<i32>} : memref<8x8x256xf32, #tpu.memory_space<vmem>>, vector<16xf32>,
          %parallel_loop3A_593 = arith.constant 3 : i32
          %parallel_loop3A_594 = arith.index_cast %parallel_loop3A_195 : i32 to index
          %parallel_loop3A_595 = arith.index_cast %parallel_loop3A_593 : i32 to index
          %parallel_loop3A_596 = arith.constant 144 : index
          %parallel_loop3A_597 = tpu.vector_load %arg6[%parallel_loop3A_594, %parallel_loop3A_595, %parallel_loop3A_596] {strides = array<i32>} : memref<8x8x256xf32, #tpu.memory_space<vmem>>, vector<16xf32>,
          %parallel_loop3A_598 = arith.constant 3 : i32
          %parallel_loop3A_599 = arith.index_cast %parallel_loop3A_195 : i32 to index
          %parallel_loop3A_600 = arith.index_cast %parallel_loop3A_598 : i32 to index
          %parallel_loop3A_601 = arith.constant 160 : index
          %parallel_loop3A_602 = tpu.vector_load %arg6[%parallel_loop3A_599, %parallel_loop3A_600, %parallel_loop3A_601] {strides = array<i32>} : memref<8x8x256xf32, #tpu.memory_space<vmem>>, vector<16xf32>,
          %parallel_loop3A_603 = arith.constant 3 : i32
          %parallel_loop3A_604 = arith.index_cast %parallel_loop3A_195 : i32 to index
          %parallel_loop3A_605 = arith.index_cast %parallel_loop3A_603 : i32 to index
          %parallel_loop3A_606 = arith.constant 176 : index
          %parallel_loop3A_607 = tpu.vector_load %arg6[%parallel_loop3A_604, %parallel_loop3A_605, %parallel_loop3A_606] {strides = array<i32>} : memref<8x8x256xf32, #tpu.memory_space<vmem>>, vector<16xf32>,
          %parallel_loop3A_608 = arith.constant 3 : i32
          %parallel_loop3A_609 = arith.index_cast %parallel_loop3A_195 : i32 to index
          %parallel_loop3A_610 = arith.index_cast %parallel_loop3A_608 : i32 to index
          %parallel_loop3A_611 = arith.constant 192 : index
          %parallel_loop3A_612 = tpu.vector_load %arg6[%parallel_loop3A_609, %parallel_loop3A_610, %parallel_loop3A_611] {strides = array<i32>} : memref<8x8x256xf32, #tpu.memory_space<vmem>>, vector<16xf32>,
          %parallel_loop3A_613 = arith.constant 3 : i32
          %parallel_loop3A_614 = arith.index_cast %parallel_loop3A_195 : i32 to index
          %parallel_loop3A_615 = arith.index_cast %parallel_loop3A_613 : i32 to index
          %parallel_loop3A_616 = arith.constant 208 : index
          %parallel_loop3A_617 = tpu.vector_load %arg6[%parallel_loop3A_614, %parallel_loop3A_615, %parallel_loop3A_616] {strides = array<i32>} : memref<8x8x256xf32, #tpu.memory_space<vmem>>, vector<16xf32>,
          %parallel_loop3A_618 = arith.constant 3 : i32
          %parallel_loop3A_619 = arith.index_cast %parallel_loop3A_195 : i32 to index
          %parallel_loop3A_620 = arith.index_cast %parallel_loop3A_618 : i32 to index
          %parallel_loop3A_621 = arith.constant 224 : index
          %parallel_loop3A_622 = tpu.vector_load %arg6[%parallel_loop3A_619, %parallel_loop3A_620, %parallel_loop3A_621] {strides = array<i32>} : memref<8x8x256xf32, #tpu.memory_space<vmem>>, vector<16xf32>,
          %parallel_loop3A_623 = arith.constant 3 : i32
          %parallel_loop3A_624 = arith.index_cast %parallel_loop3A_195 : i32 to index
          %parallel_loop3A_625 = arith.index_cast %parallel_loop3A_623 : i32 to index
          %parallel_loop3A_626 = arith.constant 240 : index
          %parallel_loop3A_627 = tpu.vector_load %arg6[%parallel_loop3A_624, %parallel_loop3A_625, %parallel_loop3A_626] {strides = array<i32>} : memref<8x8x256xf32, #tpu.memory_space<vmem>>, vector<16xf32>,
          %parallel_loop3A_628 = arith.addi %mul3A_6, %parallel_loop3A_587 : vector<16xi32>
          %parallel_loop3A_629 = arith.addi %mul3A_12, %parallel_loop3A_587 : vector<16xi32>
          %parallel_loop3A_630 = arith.addi %mul3A_18, %parallel_loop3A_587 : vector<16xi32>
          %parallel_loop3A_631 = arith.addi %mul3A_24, %parallel_loop3A_587 : vector<16xi32>
          %parallel_loop3A_632 = arith.addi %mul3A_30, %parallel_loop3A_587 : vector<16xi32>
          %parallel_loop3A_633 = arith.addi %mul3A_36, %parallel_loop3A_587 : vector<16xi32>
          %parallel_loop3A_634 = arith.addi %mul3A_42, %parallel_loop3A_587 : vector<16xi32>
          %parallel_loop3A_635 = arith.addi %mul3A_48, %parallel_loop3A_587 : vector<16xi32>
          tpu.vector_store_idx %arg8[%parallel_loop3A_628], %parallel_loop3A_592 : memref<18432xf32, #tpu.memory_space<vmem>>[vector<16xi32>], vector<16xf32>,
          tpu.vector_store_idx %arg8[%parallel_loop3A_629], %parallel_loop3A_597 : memref<18432xf32, #tpu.memory_space<vmem>>[vector<16xi32>], vector<16xf32>,
          tpu.vector_store_idx %arg8[%parallel_loop3A_630], %parallel_loop3A_602 : memref<18432xf32, #tpu.memory_space<vmem>>[vector<16xi32>], vector<16xf32>,
          tpu.vector_store_idx %arg8[%parallel_loop3A_631], %parallel_loop3A_607 : memref<18432xf32, #tpu.memory_space<vmem>>[vector<16xi32>], vector<16xf32>,
          tpu.vector_store_idx %arg8[%parallel_loop3A_632], %parallel_loop3A_612 : memref<18432xf32, #tpu.memory_space<vmem>>[vector<16xi32>], vector<16xf32>,
          tpu.vector_store_idx %arg8[%parallel_loop3A_633], %parallel_loop3A_617 : memref<18432xf32, #tpu.memory_space<vmem>>[vector<16xi32>], vector<16xf32>,
          tpu.vector_store_idx %arg8[%parallel_loop3A_634], %parallel_loop3A_622 : memref<18432xf32, #tpu.memory_space<vmem>>[vector<16xi32>], vector<16xf32>,
          tpu.vector_store_idx %arg8[%parallel_loop3A_635], %parallel_loop3A_627 : memref<18432xf32, #tpu.memory_space<vmem>>[vector<16xi32>], vector<16xf32>,
          %parallel_loop3A_636 = arith.constant 8 : i32
          %parallel_loop3A_637 = arith.muli %parallel_loop3A_195, %parallel_loop3A_636 : i32
          %parallel_loop3A_638 = arith.constant 0 : i32
          %parallel_loop3A_639 = arith.addi %parallel_loop3A_638, %parallel_loop3A_637 : i32
          %parallel_loop3A_640 = arith.constant 4 : i32
          %parallel_loop3A_641 = arith.addi %parallel_loop3A_639, %parallel_loop3A_640 : i32
          %parallel_loop3A_642 = vector.broadcast %parallel_loop3A_641 : i32 to vector<16xi32>
          %parallel_loop3A_643 = arith.constant 4 : i32
          %parallel_loop3A_644 = arith.index_cast %parallel_loop3A_195 : i32 to index
          %parallel_loop3A_645 = arith.index_cast %parallel_loop3A_643 : i32 to index
          %parallel_loop3A_646 = arith.constant 0 : index
          %parallel_loop3A_647 = tpu.vector_load %arg6[%parallel_loop3A_644, %parallel_loop3A_645, %parallel_loop3A_646] {strides = array<i32>} : memref<8x8x256xf32, #tpu.memory_space<vmem>>, vector<16xf32>,
          %parallel_loop3A_648 = arith.constant 4 : i32
          %parallel_loop3A_649 = arith.index_cast %parallel_loop3A_195 : i32 to index
          %parallel_loop3A_650 = arith.index_cast %parallel_loop3A_648 : i32 to index
          %parallel_loop3A_651 = arith.constant 16 : index
          %parallel_loop3A_652 = tpu.vector_load %arg6[%parallel_loop3A_649, %parallel_loop3A_650, %parallel_loop3A_651] {strides = array<i32>} : memref<8x8x256xf32, #tpu.memory_space<vmem>>, vector<16xf32>,
          %parallel_loop3A_653 = arith.constant 4 : i32
          %parallel_loop3A_654 = arith.index_cast %parallel_loop3A_195 : i32 to index
          %parallel_loop3A_655 = arith.index_cast %parallel_loop3A_653 : i32 to index
          %parallel_loop3A_656 = arith.constant 32 : index
          %parallel_loop3A_657 = tpu.vector_load %arg6[%parallel_loop3A_654, %parallel_loop3A_655, %parallel_loop3A_656] {strides = array<i32>} : memref<8x8x256xf32, #tpu.memory_space<vmem>>, vector<16xf32>,
          %parallel_loop3A_658 = arith.constant 4 : i32
          %parallel_loop3A_659 = arith.index_cast %parallel_loop3A_195 : i32 to index
          %parallel_loop3A_660 = arith.index_cast %parallel_loop3A_658 : i32 to index
          %parallel_loop3A_661 = arith.constant 48 : index
          %parallel_loop3A_662 = tpu.vector_load %arg6[%parallel_loop3A_659, %parallel_loop3A_660, %parallel_loop3A_661] {strides = array<i32>} : memref<8x8x256xf32, #tpu.memory_space<vmem>>, vector<16xf32>,
          %parallel_loop3A_663 = arith.constant 4 : i32
          %parallel_loop3A_664 = arith.index_cast %parallel_loop3A_195 : i32 to index
          %parallel_loop3A_665 = arith.index_cast %parallel_loop3A_663 : i32 to index
          %parallel_loop3A_666 = arith.constant 64 : index
          %parallel_loop3A_667 = tpu.vector_load %arg6[%parallel_loop3A_664, %parallel_loop3A_665, %parallel_loop3A_666] {strides = array<i32>} : memref<8x8x256xf32, #tpu.memory_space<vmem>>, vector<16xf32>,
          %parallel_loop3A_668 = arith.constant 4 : i32
          %parallel_loop3A_669 = arith.index_cast %parallel_loop3A_195 : i32 to index
          %parallel_loop3A_670 = arith.index_cast %parallel_loop3A_668 : i32 to index
          %parallel_loop3A_671 = arith.constant 80 : index
          %parallel_loop3A_672 = tpu.vector_load %arg6[%parallel_loop3A_669, %parallel_loop3A_670, %parallel_loop3A_671] {strides = array<i32>} : memref<8x8x256xf32, #tpu.memory_space<vmem>>, vector<16xf32>,
          %parallel_loop3A_673 = arith.constant 4 : i32
          %parallel_loop3A_674 = arith.index_cast %parallel_loop3A_195 : i32 to index
          %parallel_loop3A_675 = arith.index_cast %parallel_loop3A_673 : i32 to index
          %parallel_loop3A_676 = arith.constant 96 : index
          %parallel_loop3A_677 = tpu.vector_load %arg6[%parallel_loop3A_674, %parallel_loop3A_675, %parallel_loop3A_676] {strides = array<i32>} : memref<8x8x256xf32, #tpu.memory_space<vmem>>, vector<16xf32>,
          %parallel_loop3A_678 = arith.constant 4 : i32
          %parallel_loop3A_679 = arith.index_cast %parallel_loop3A_195 : i32 to index
          %parallel_loop3A_680 = arith.index_cast %parallel_loop3A_678 : i32 to index
          %parallel_loop3A_681 = arith.constant 112 : index
          %parallel_loop3A_682 = tpu.vector_load %arg6[%parallel_loop3A_679, %parallel_loop3A_680, %parallel_loop3A_681] {strides = array<i32>} : memref<8x8x256xf32, #tpu.memory_space<vmem>>, vector<16xf32>,
          %parallel_loop3A_683 = arith.addi %mul3A_6, %parallel_loop3A_642 : vector<16xi32>
          %parallel_loop3A_684 = arith.addi %mul3A_12, %parallel_loop3A_642 : vector<16xi32>
          %parallel_loop3A_685 = arith.addi %mul3A_18, %parallel_loop3A_642 : vector<16xi32>
          %parallel_loop3A_686 = arith.addi %mul3A_24, %parallel_loop3A_642 : vector<16xi32>
          %parallel_loop3A_687 = arith.addi %mul3A_30, %parallel_loop3A_642 : vector<16xi32>
          %parallel_loop3A_688 = arith.addi %mul3A_36, %parallel_loop3A_642 : vector<16xi32>
          %parallel_loop3A_689 = arith.addi %mul3A_42, %parallel_loop3A_642 : vector<16xi32>
          %parallel_loop3A_690 = arith.addi %mul3A_48, %parallel_loop3A_642 : vector<16xi32>
          tpu.vector_store_idx %arg8[%parallel_loop3A_683], %parallel_loop3A_647 : memref<18432xf32, #tpu.memory_space<vmem>>[vector<16xi32>], vector<16xf32>,
          tpu.vector_store_idx %arg8[%parallel_loop3A_684], %parallel_loop3A_652 : memref<18432xf32, #tpu.memory_space<vmem>>[vector<16xi32>], vector<16xf32>,
          tpu.vector_store_idx %arg8[%parallel_loop3A_685], %parallel_loop3A_657 : memref<18432xf32, #tpu.memory_space<vmem>>[vector<16xi32>], vector<16xf32>,
          tpu.vector_store_idx %arg8[%parallel_loop3A_686], %parallel_loop3A_662 : memref<18432xf32, #tpu.memory_space<vmem>>[vector<16xi32>], vector<16xf32>,
          tpu.vector_store_idx %arg8[%parallel_loop3A_687], %parallel_loop3A_667 : memref<18432xf32, #tpu.memory_space<vmem>>[vector<16xi32>], vector<16xf32>,
          tpu.vector_store_idx %arg8[%parallel_loop3A_688], %parallel_loop3A_672 : memref<18432xf32, #tpu.memory_space<vmem>>[vector<16xi32>], vector<16xf32>,
          tpu.vector_store_idx %arg8[%parallel_loop3A_689], %parallel_loop3A_677 : memref<18432xf32, #tpu.memory_space<vmem>>[vector<16xi32>], vector<16xf32>,
          tpu.vector_store_idx %arg8[%parallel_loop3A_690], %parallel_loop3A_682 : memref<18432xf32, #tpu.memory_space<vmem>>[vector<16xi32>], vector<16xf32>,
          %parallel_loop3A_691 = arith.constant 8 : i32
          %parallel_loop3A_692 = arith.muli %parallel_loop3A_195, %parallel_loop3A_691 : i32
          %parallel_loop3A_693 = arith.constant 9216 : i32
          %parallel_loop3A_694 = arith.addi %parallel_loop3A_693, %parallel_loop3A_692 : i32
          %parallel_loop3A_695 = arith.constant 4 : i32
          %parallel_loop3A_696 = arith.addi %parallel_loop3A_694, %parallel_loop3A_695 : i32
          %parallel_loop3A_697 = vector.broadcast %parallel_loop3A_696 : i32 to vector<16xi32>
          %parallel_loop3A_698 = arith.constant 4 : i32
          %parallel_loop3A_699 = arith.index_cast %parallel_loop3A_195 : i32 to index
          %parallel_loop3A_700 = arith.index_cast %parallel_loop3A_698 : i32 to index
          %parallel_loop3A_701 = arith.constant 128 : index
          %parallel_loop3A_702 = tpu.vector_load %arg6[%parallel_loop3A_699, %parallel_loop3A_700, %parallel_loop3A_701] {strides = array<i32>} : memref<8x8x256xf32, #tpu.memory_space<vmem>>, vector<16xf32>,
          %parallel_loop3A_703 = arith.constant 4 : i32
          %parallel_loop3A_704 = arith.index_cast %parallel_loop3A_195 : i32 to index
          %parallel_loop3A_705 = arith.index_cast %parallel_loop3A_703 : i32 to index
          %parallel_loop3A_706 = arith.constant 144 : index
          %parallel_loop3A_707 = tpu.vector_load %arg6[%parallel_loop3A_704, %parallel_loop3A_705, %parallel_loop3A_706] {strides = array<i32>} : memref<8x8x256xf32, #tpu.memory_space<vmem>>, vector<16xf32>,
          %parallel_loop3A_708 = arith.constant 4 : i32
          %parallel_loop3A_709 = arith.index_cast %parallel_loop3A_195 : i32 to index
          %parallel_loop3A_710 = arith.index_cast %parallel_loop3A_708 : i32 to index
          %parallel_loop3A_711 = arith.constant 160 : index
          %parallel_loop3A_712 = tpu.vector_load %arg6[%parallel_loop3A_709, %parallel_loop3A_710, %parallel_loop3A_711] {strides = array<i32>} : memref<8x8x256xf32, #tpu.memory_space<vmem>>, vector<16xf32>,
          %parallel_loop3A_713 = arith.constant 4 : i32
          %parallel_loop3A_714 = arith.index_cast %parallel_loop3A_195 : i32 to index
          %parallel_loop3A_715 = arith.index_cast %parallel_loop3A_713 : i32 to index
          %parallel_loop3A_716 = arith.constant 176 : index
          %parallel_loop3A_717 = tpu.vector_load %arg6[%parallel_loop3A_714, %parallel_loop3A_715, %parallel_loop3A_716] {strides = array<i32>} : memref<8x8x256xf32, #tpu.memory_space<vmem>>, vector<16xf32>,
          %parallel_loop3A_718 = arith.constant 4 : i32
          %parallel_loop3A_719 = arith.index_cast %parallel_loop3A_195 : i32 to index
          %parallel_loop3A_720 = arith.index_cast %parallel_loop3A_718 : i32 to index
          %parallel_loop3A_721 = arith.constant 192 : index
          %parallel_loop3A_722 = tpu.vector_load %arg6[%parallel_loop3A_719, %parallel_loop3A_720, %parallel_loop3A_721] {strides = array<i32>} : memref<8x8x256xf32, #tpu.memory_space<vmem>>, vector<16xf32>,
          %parallel_loop3A_723 = arith.constant 4 : i32
          %parallel_loop3A_724 = arith.index_cast %parallel_loop3A_195 : i32 to index
          %parallel_loop3A_725 = arith.index_cast %parallel_loop3A_723 : i32 to index
          %parallel_loop3A_726 = arith.constant 208 : index
          %parallel_loop3A_727 = tpu.vector_load %arg6[%parallel_loop3A_724, %parallel_loop3A_725, %parallel_loop3A_726] {strides = array<i32>} : memref<8x8x256xf32, #tpu.memory_space<vmem>>, vector<16xf32>,
          %parallel_loop3A_728 = arith.constant 4 : i32
          %parallel_loop3A_729 = arith.index_cast %parallel_loop3A_195 : i32 to index
          %parallel_loop3A_730 = arith.index_cast %parallel_loop3A_728 : i32 to index
          %parallel_loop3A_731 = arith.constant 224 : index
          %parallel_loop3A_732 = tpu.vector_load %arg6[%parallel_loop3A_729, %parallel_loop3A_730, %parallel_loop3A_731] {strides = array<i32>} : memref<8x8x256xf32, #tpu.memory_space<vmem>>, vector<16xf32>,
          %parallel_loop3A_733 = arith.constant 4 : i32
          %parallel_loop3A_734 = arith.index_cast %parallel_loop3A_195 : i32 to index
          %parallel_loop3A_735 = arith.index_cast %parallel_loop3A_733 : i32 to index
          %parallel_loop3A_736 = arith.constant 240 : index
          %parallel_loop3A_737 = tpu.vector_load %arg6[%parallel_loop3A_734, %parallel_loop3A_735, %parallel_loop3A_736] {strides = array<i32>} : memref<8x8x256xf32, #tpu.memory_space<vmem>>, vector<16xf32>,
          %parallel_loop3A_738 = arith.addi %mul3A_6, %parallel_loop3A_697 : vector<16xi32>
          %parallel_loop3A_739 = arith.addi %mul3A_12, %parallel_loop3A_697 : vector<16xi32>
          %parallel_loop3A_740 = arith.addi %mul3A_18, %parallel_loop3A_697 : vector<16xi32>
          %parallel_loop3A_741 = arith.addi %mul3A_24, %parallel_loop3A_697 : vector<16xi32>
          %parallel_loop3A_742 = arith.addi %mul3A_30, %parallel_loop3A_697 : vector<16xi32>
          %parallel_loop3A_743 = arith.addi %mul3A_36, %parallel_loop3A_697 : vector<16xi32>
          %parallel_loop3A_744 = arith.addi %mul3A_42, %parallel_loop3A_697 : vector<16xi32>
          %parallel_loop3A_745 = arith.addi %mul3A_48, %parallel_loop3A_697 : vector<16xi32>
          tpu.vector_store_idx %arg8[%parallel_loop3A_738], %parallel_loop3A_702 : memref<18432xf32, #tpu.memory_space<vmem>>[vector<16xi32>], vector<16xf32>,
          tpu.vector_store_idx %arg8[%parallel_loop3A_739], %parallel_loop3A_707 : memref<18432xf32, #tpu.memory_space<vmem>>[vector<16xi32>], vector<16xf32>,
          tpu.vector_store_idx %arg8[%parallel_loop3A_740], %parallel_loop3A_712 : memref<18432xf32, #tpu.memory_space<vmem>>[vector<16xi32>], vector<16xf32>,
          tpu.vector_store_idx %arg8[%parallel_loop3A_741], %parallel_loop3A_717 : memref<18432xf32, #tpu.memory_space<vmem>>[vector<16xi32>], vector<16xf32>,
          tpu.vector_store_idx %arg8[%parallel_loop3A_742], %parallel_loop3A_722 : memref<18432xf32, #tpu.memory_space<vmem>>[vector<16xi32>], vector<16xf32>,
          tpu.vector_store_idx %arg8[%parallel_loop3A_743], %parallel_loop3A_727 : memref<18432xf32, #tpu.memory_space<vmem>>[vector<16xi32>], vector<16xf32>,
          tpu.vector_store_idx %arg8[%parallel_loop3A_744], %parallel_loop3A_732 : memref<18432xf32, #tpu.memory_space<vmem>>[vector<16xi32>], vector<16xf32>,
          tpu.vector_store_idx %arg8[%parallel_loop3A_745], %parallel_loop3A_737 : memref<18432xf32, #tpu.memory_space<vmem>>[vector<16xi32>], vector<16xf32>,
          %parallel_loop3A_746 = arith.constant 8 : i32
          %parallel_loop3A_747 = arith.muli %parallel_loop3A_195, %parallel_loop3A_746 : i32
          %parallel_loop3A_748 = arith.constant 0 : i32
          %parallel_loop3A_749 = arith.addi %parallel_loop3A_748, %parallel_loop3A_747 : i32
          %parallel_loop3A_750 = arith.constant 5 : i32
          %parallel_loop3A_751 = arith.addi %parallel_loop3A_749, %parallel_loop3A_750 : i32
          %parallel_loop3A_752 = vector.broadcast %parallel_loop3A_751 : i32 to vector<16xi32>
          %parallel_loop3A_753 = arith.constant 5 : i32
          %parallel_loop3A_754 = arith.index_cast %parallel_loop3A_195 : i32 to index
          %parallel_loop3A_755 = arith.index_cast %parallel_loop3A_753 : i32 to index
          %parallel_loop3A_756 = arith.constant 0 : index
          %parallel_loop3A_757 = tpu.vector_load %arg6[%parallel_loop3A_754, %parallel_loop3A_755, %parallel_loop3A_756] {strides = array<i32>} : memref<8x8x256xf32, #tpu.memory_space<vmem>>, vector<16xf32>,
          %parallel_loop3A_758 = arith.constant 5 : i32
          %parallel_loop3A_759 = arith.index_cast %parallel_loop3A_195 : i32 to index
          %parallel_loop3A_760 = arith.index_cast %parallel_loop3A_758 : i32 to index
          %parallel_loop3A_761 = arith.constant 16 : index
          %parallel_loop3A_762 = tpu.vector_load %arg6[%parallel_loop3A_759, %parallel_loop3A_760, %parallel_loop3A_761] {strides = array<i32>} : memref<8x8x256xf32, #tpu.memory_space<vmem>>, vector<16xf32>,
          %parallel_loop3A_763 = arith.constant 5 : i32
          %parallel_loop3A_764 = arith.index_cast %parallel_loop3A_195 : i32 to index
          %parallel_loop3A_765 = arith.index_cast %parallel_loop3A_763 : i32 to index
          %parallel_loop3A_766 = arith.constant 32 : index
          %parallel_loop3A_767 = tpu.vector_load %arg6[%parallel_loop3A_764, %parallel_loop3A_765, %parallel_loop3A_766] {strides = array<i32>} : memref<8x8x256xf32, #tpu.memory_space<vmem>>, vector<16xf32>,
          %parallel_loop3A_768 = arith.constant 5 : i32
          %parallel_loop3A_769 = arith.index_cast %parallel_loop3A_195 : i32 to index
          %parallel_loop3A_770 = arith.index_cast %parallel_loop3A_768 : i32 to index
          %parallel_loop3A_771 = arith.constant 48 : index
          %parallel_loop3A_772 = tpu.vector_load %arg6[%parallel_loop3A_769, %parallel_loop3A_770, %parallel_loop3A_771] {strides = array<i32>} : memref<8x8x256xf32, #tpu.memory_space<vmem>>, vector<16xf32>,
          %parallel_loop3A_773 = arith.constant 5 : i32
          %parallel_loop3A_774 = arith.index_cast %parallel_loop3A_195 : i32 to index
          %parallel_loop3A_775 = arith.index_cast %parallel_loop3A_773 : i32 to index
          %parallel_loop3A_776 = arith.constant 64 : index
          %parallel_loop3A_777 = tpu.vector_load %arg6[%parallel_loop3A_774, %parallel_loop3A_775, %parallel_loop3A_776] {strides = array<i32>} : memref<8x8x256xf32, #tpu.memory_space<vmem>>, vector<16xf32>,
          %parallel_loop3A_778 = arith.constant 5 : i32
          %parallel_loop3A_779 = arith.index_cast %parallel_loop3A_195 : i32 to index
          %parallel_loop3A_780 = arith.index_cast %parallel_loop3A_778 : i32 to index
          %parallel_loop3A_781 = arith.constant 80 : index
          %parallel_loop3A_782 = tpu.vector_load %arg6[%parallel_loop3A_779, %parallel_loop3A_780, %parallel_loop3A_781] {strides = array<i32>} : memref<8x8x256xf32, #tpu.memory_space<vmem>>, vector<16xf32>,
          %parallel_loop3A_783 = arith.constant 5 : i32
          %parallel_loop3A_784 = arith.index_cast %parallel_loop3A_195 : i32 to index
          %parallel_loop3A_785 = arith.index_cast %parallel_loop3A_783 : i32 to index
          %parallel_loop3A_786 = arith.constant 96 : index
          %parallel_loop3A_787 = tpu.vector_load %arg6[%parallel_loop3A_784, %parallel_loop3A_785, %parallel_loop3A_786] {strides = array<i32>} : memref<8x8x256xf32, #tpu.memory_space<vmem>>, vector<16xf32>,
          %parallel_loop3A_788 = arith.constant 5 : i32
          %parallel_loop3A_789 = arith.index_cast %parallel_loop3A_195 : i32 to index
          %parallel_loop3A_790 = arith.index_cast %parallel_loop3A_788 : i32 to index
          %parallel_loop3A_791 = arith.constant 112 : index
          %parallel_loop3A_792 = tpu.vector_load %arg6[%parallel_loop3A_789, %parallel_loop3A_790, %parallel_loop3A_791] {strides = array<i32>} : memref<8x8x256xf32, #tpu.memory_space<vmem>>, vector<16xf32>,
          %parallel_loop3A_793 = arith.addi %mul3A_6, %parallel_loop3A_752 : vector<16xi32>
          %parallel_loop3A_794 = arith.addi %mul3A_12, %parallel_loop3A_752 : vector<16xi32>
          %parallel_loop3A_795 = arith.addi %mul3A_18, %parallel_loop3A_752 : vector<16xi32>
          %parallel_loop3A_796 = arith.addi %mul3A_24, %parallel_loop3A_752 : vector<16xi32>
          %parallel_loop3A_797 = arith.addi %mul3A_30, %parallel_loop3A_752 : vector<16xi32>
          %parallel_loop3A_798 = arith.addi %mul3A_36, %parallel_loop3A_752 : vector<16xi32>
          %parallel_loop3A_799 = arith.addi %mul3A_42, %parallel_loop3A_752 : vector<16xi32>
          %parallel_loop3A_800 = arith.addi %mul3A_48, %parallel_loop3A_752 : vector<16xi32>
          tpu.vector_store_idx %arg8[%parallel_loop3A_793], %parallel_loop3A_757 : memref<18432xf32, #tpu.memory_space<vmem>>[vector<16xi32>], vector<16xf32>,
          tpu.vector_store_idx %arg8[%parallel_loop3A_794], %parallel_loop3A_762 : memref<18432xf32, #tpu.memory_space<vmem>>[vector<16xi32>], vector<16xf32>,
          tpu.vector_store_idx %arg8[%parallel_loop3A_795], %parallel_loop3A_767 : memref<18432xf32, #tpu.memory_space<vmem>>[vector<16xi32>], vector<16xf32>,
          tpu.vector_store_idx %arg8[%parallel_loop3A_796], %parallel_loop3A_772 : memref<18432xf32, #tpu.memory_space<vmem>>[vector<16xi32>], vector<16xf32>,
          tpu.vector_store_idx %arg8[%parallel_loop3A_797], %parallel_loop3A_777 : memref<18432xf32, #tpu.memory_space<vmem>>[vector<16xi32>], vector<16xf32>,
          tpu.vector_store_idx %arg8[%parallel_loop3A_798], %parallel_loop3A_782 : memref<18432xf32, #tpu.memory_space<vmem>>[vector<16xi32>], vector<16xf32>,
          tpu.vector_store_idx %arg8[%parallel_loop3A_799], %parallel_loop3A_787 : memref<18432xf32, #tpu.memory_space<vmem>>[vector<16xi32>], vector<16xf32>,
          tpu.vector_store_idx %arg8[%parallel_loop3A_800], %parallel_loop3A_792 : memref<18432xf32, #tpu.memory_space<vmem>>[vector<16xi32>], vector<16xf32>,
          %parallel_loop3A_801 = arith.constant 8 : i32
          %parallel_loop3A_802 = arith.muli %parallel_loop3A_195, %parallel_loop3A_801 : i32
          %parallel_loop3A_803 = arith.constant 9216 : i32
          %parallel_loop3A_804 = arith.addi %parallel_loop3A_803, %parallel_loop3A_802 : i32
          %parallel_loop3A_805 = arith.constant 5 : i32
          %parallel_loop3A_806 = arith.addi %parallel_loop3A_804, %parallel_loop3A_805 : i32
          %parallel_loop3A_807 = vector.broadcast %parallel_loop3A_806 : i32 to vector<16xi32>
          %parallel_loop3A_808 = arith.constant 5 : i32
          %parallel_loop3A_809 = arith.index_cast %parallel_loop3A_195 : i32 to index
          %parallel_loop3A_810 = arith.index_cast %parallel_loop3A_808 : i32 to index
          %parallel_loop3A_811 = arith.constant 128 : index
          %parallel_loop3A_812 = tpu.vector_load %arg6[%parallel_loop3A_809, %parallel_loop3A_810, %parallel_loop3A_811] {strides = array<i32>} : memref<8x8x256xf32, #tpu.memory_space<vmem>>, vector<16xf32>,
          %parallel_loop3A_813 = arith.constant 5 : i32
          %parallel_loop3A_814 = arith.index_cast %parallel_loop3A_195 : i32 to index
          %parallel_loop3A_815 = arith.index_cast %parallel_loop3A_813 : i32 to index
          %parallel_loop3A_816 = arith.constant 144 : index
          %parallel_loop3A_817 = tpu.vector_load %arg6[%parallel_loop3A_814, %parallel_loop3A_815, %parallel_loop3A_816] {strides = array<i32>} : memref<8x8x256xf32, #tpu.memory_space<vmem>>, vector<16xf32>,
          %parallel_loop3A_818 = arith.constant 5 : i32
          %parallel_loop3A_819 = arith.index_cast %parallel_loop3A_195 : i32 to index
          %parallel_loop3A_820 = arith.index_cast %parallel_loop3A_818 : i32 to index
          %parallel_loop3A_821 = arith.constant 160 : index
          %parallel_loop3A_822 = tpu.vector_load %arg6[%parallel_loop3A_819, %parallel_loop3A_820, %parallel_loop3A_821] {strides = array<i32>} : memref<8x8x256xf32, #tpu.memory_space<vmem>>, vector<16xf32>,
          %parallel_loop3A_823 = arith.constant 5 : i32
          %parallel_loop3A_824 = arith.index_cast %parallel_loop3A_195 : i32 to index
          %parallel_loop3A_825 = arith.index_cast %parallel_loop3A_823 : i32 to index
          %parallel_loop3A_826 = arith.constant 176 : index
          %parallel_loop3A_827 = tpu.vector_load %arg6[%parallel_loop3A_824, %parallel_loop3A_825, %parallel_loop3A_826] {strides = array<i32>} : memref<8x8x256xf32, #tpu.memory_space<vmem>>, vector<16xf32>,
          %parallel_loop3A_828 = arith.constant 5 : i32
          %parallel_loop3A_829 = arith.index_cast %parallel_loop3A_195 : i32 to index
          %parallel_loop3A_830 = arith.index_cast %parallel_loop3A_828 : i32 to index
          %parallel_loop3A_831 = arith.constant 192 : index
          %parallel_loop3A_832 = tpu.vector_load %arg6[%parallel_loop3A_829, %parallel_loop3A_830, %parallel_loop3A_831] {strides = array<i32>} : memref<8x8x256xf32, #tpu.memory_space<vmem>>, vector<16xf32>,
          %parallel_loop3A_833 = arith.constant 5 : i32
          %parallel_loop3A_834 = arith.index_cast %parallel_loop3A_195 : i32 to index
          %parallel_loop3A_835 = arith.index_cast %parallel_loop3A_833 : i32 to index
          %parallel_loop3A_836 = arith.constant 208 : index
          %parallel_loop3A_837 = tpu.vector_load %arg6[%parallel_loop3A_834, %parallel_loop3A_835, %parallel_loop3A_836] {strides = array<i32>} : memref<8x8x256xf32, #tpu.memory_space<vmem>>, vector<16xf32>,
          %parallel_loop3A_838 = arith.constant 5 : i32
          %parallel_loop3A_839 = arith.index_cast %parallel_loop3A_195 : i32 to index
          %parallel_loop3A_840 = arith.index_cast %parallel_loop3A_838 : i32 to index
          %parallel_loop3A_841 = arith.constant 224 : index
          %parallel_loop3A_842 = tpu.vector_load %arg6[%parallel_loop3A_839, %parallel_loop3A_840, %parallel_loop3A_841] {strides = array<i32>} : memref<8x8x256xf32, #tpu.memory_space<vmem>>, vector<16xf32>,
          %parallel_loop3A_843 = arith.constant 5 : i32
          %parallel_loop3A_844 = arith.index_cast %parallel_loop3A_195 : i32 to index
          %parallel_loop3A_845 = arith.index_cast %parallel_loop3A_843 : i32 to index
          %parallel_loop3A_846 = arith.constant 240 : index
          %parallel_loop3A_847 = tpu.vector_load %arg6[%parallel_loop3A_844, %parallel_loop3A_845, %parallel_loop3A_846] {strides = array<i32>} : memref<8x8x256xf32, #tpu.memory_space<vmem>>, vector<16xf32>,
          %parallel_loop3A_848 = arith.addi %mul3A_6, %parallel_loop3A_807 : vector<16xi32>
          %parallel_loop3A_849 = arith.addi %mul3A_12, %parallel_loop3A_807 : vector<16xi32>
          %parallel_loop3A_850 = arith.addi %mul3A_18, %parallel_loop3A_807 : vector<16xi32>
          %parallel_loop3A_851 = arith.addi %mul3A_24, %parallel_loop3A_807 : vector<16xi32>
          %parallel_loop3A_852 = arith.addi %mul3A_30, %parallel_loop3A_807 : vector<16xi32>
          %parallel_loop3A_853 = arith.addi %mul3A_36, %parallel_loop3A_807 : vector<16xi32>
          %parallel_loop3A_854 = arith.addi %mul3A_42, %parallel_loop3A_807 : vector<16xi32>
          %parallel_loop3A_855 = arith.addi %mul3A_48, %parallel_loop3A_807 : vector<16xi32>
          tpu.vector_store_idx %arg8[%parallel_loop3A_848], %parallel_loop3A_812 : memref<18432xf32, #tpu.memory_space<vmem>>[vector<16xi32>], vector<16xf32>,
          tpu.vector_store_idx %arg8[%parallel_loop3A_849], %parallel_loop3A_817 : memref<18432xf32, #tpu.memory_space<vmem>>[vector<16xi32>], vector<16xf32>,
          tpu.vector_store_idx %arg8[%parallel_loop3A_850], %parallel_loop3A_822 : memref<18432xf32, #tpu.memory_space<vmem>>[vector<16xi32>], vector<16xf32>,
          tpu.vector_store_idx %arg8[%parallel_loop3A_851], %parallel_loop3A_827 : memref<18432xf32, #tpu.memory_space<vmem>>[vector<16xi32>], vector<16xf32>,
          tpu.vector_store_idx %arg8[%parallel_loop3A_852], %parallel_loop3A_832 : memref<18432xf32, #tpu.memory_space<vmem>>[vector<16xi32>], vector<16xf32>,
          tpu.vector_store_idx %arg8[%parallel_loop3A_853], %parallel_loop3A_837 : memref<18432xf32, #tpu.memory_space<vmem>>[vector<16xi32>], vector<16xf32>,
          tpu.vector_store_idx %arg8[%parallel_loop3A_854], %parallel_loop3A_842 : memref<18432xf32, #tpu.memory_space<vmem>>[vector<16xi32>], vector<16xf32>,
          tpu.vector_store_idx %arg8[%parallel_loop3A_855], %parallel_loop3A_847 : memref<18432xf32, #tpu.memory_space<vmem>>[vector<16xi32>], vector<16xf32>,
          %parallel_loop3A_856 = arith.constant 8 : i32
          %parallel_loop3A_857 = arith.muli %parallel_loop3A_195, %parallel_loop3A_856 : i32
          %parallel_loop3A_858 = arith.constant 0 : i32
          %parallel_loop3A_859 = arith.addi %parallel_loop3A_858, %parallel_loop3A_857 : i32
          %parallel_loop3A_860 = arith.constant 6 : i32
          %parallel_loop3A_861 = arith.addi %parallel_loop3A_859, %parallel_loop3A_860 : i32
          %parallel_loop3A_862 = vector.broadcast %parallel_loop3A_861 : i32 to vector<16xi32>
          %parallel_loop3A_863 = arith.constant 6 : i32
          %parallel_loop3A_864 = arith.index_cast %parallel_loop3A_195 : i32 to index
          %parallel_loop3A_865 = arith.index_cast %parallel_loop3A_863 : i32 to index
          %parallel_loop3A_866 = arith.constant 0 : index
          %parallel_loop3A_867 = tpu.vector_load %arg6[%parallel_loop3A_864, %parallel_loop3A_865, %parallel_loop3A_866] {strides = array<i32>} : memref<8x8x256xf32, #tpu.memory_space<vmem>>, vector<16xf32>,
          %parallel_loop3A_868 = arith.constant 6 : i32
          %parallel_loop3A_869 = arith.index_cast %parallel_loop3A_195 : i32 to index
          %parallel_loop3A_870 = arith.index_cast %parallel_loop3A_868 : i32 to index
          %parallel_loop3A_871 = arith.constant 16 : index
          %parallel_loop3A_872 = tpu.vector_load %arg6[%parallel_loop3A_869, %parallel_loop3A_870, %parallel_loop3A_871] {strides = array<i32>} : memref<8x8x256xf32, #tpu.memory_space<vmem>>, vector<16xf32>,
          %parallel_loop3A_873 = arith.constant 6 : i32
          %parallel_loop3A_874 = arith.index_cast %parallel_loop3A_195 : i32 to index
          %parallel_loop3A_875 = arith.index_cast %parallel_loop3A_873 : i32 to index
          %parallel_loop3A_876 = arith.constant 32 : index
          %parallel_loop3A_877 = tpu.vector_load %arg6[%parallel_loop3A_874, %parallel_loop3A_875, %parallel_loop3A_876] {strides = array<i32>} : memref<8x8x256xf32, #tpu.memory_space<vmem>>, vector<16xf32>,
          %parallel_loop3A_878 = arith.constant 6 : i32
          %parallel_loop3A_879 = arith.index_cast %parallel_loop3A_195 : i32 to index
          %parallel_loop3A_880 = arith.index_cast %parallel_loop3A_878 : i32 to index
          %parallel_loop3A_881 = arith.constant 48 : index
          %parallel_loop3A_882 = tpu.vector_load %arg6[%parallel_loop3A_879, %parallel_loop3A_880, %parallel_loop3A_881] {strides = array<i32>} : memref<8x8x256xf32, #tpu.memory_space<vmem>>, vector<16xf32>,
          %parallel_loop3A_883 = arith.constant 6 : i32
          %parallel_loop3A_884 = arith.index_cast %parallel_loop3A_195 : i32 to index
          %parallel_loop3A_885 = arith.index_cast %parallel_loop3A_883 : i32 to index
          %parallel_loop3A_886 = arith.constant 64 : index
          %parallel_loop3A_887 = tpu.vector_load %arg6[%parallel_loop3A_884, %parallel_loop3A_885, %parallel_loop3A_886] {strides = array<i32>} : memref<8x8x256xf32, #tpu.memory_space<vmem>>, vector<16xf32>,
          %parallel_loop3A_888 = arith.constant 6 : i32
          %parallel_loop3A_889 = arith.index_cast %parallel_loop3A_195 : i32 to index
          %parallel_loop3A_890 = arith.index_cast %parallel_loop3A_888 : i32 to index
          %parallel_loop3A_891 = arith.constant 80 : index
          %parallel_loop3A_892 = tpu.vector_load %arg6[%parallel_loop3A_889, %parallel_loop3A_890, %parallel_loop3A_891] {strides = array<i32>} : memref<8x8x256xf32, #tpu.memory_space<vmem>>, vector<16xf32>,
          %parallel_loop3A_893 = arith.constant 6 : i32
          %parallel_loop3A_894 = arith.index_cast %parallel_loop3A_195 : i32 to index
          %parallel_loop3A_895 = arith.index_cast %parallel_loop3A_893 : i32 to index
          %parallel_loop3A_896 = arith.constant 96 : index
          %parallel_loop3A_897 = tpu.vector_load %arg6[%parallel_loop3A_894, %parallel_loop3A_895, %parallel_loop3A_896] {strides = array<i32>} : memref<8x8x256xf32, #tpu.memory_space<vmem>>, vector<16xf32>,
          %parallel_loop3A_898 = arith.constant 6 : i32
          %parallel_loop3A_899 = arith.index_cast %parallel_loop3A_195 : i32 to index
          %parallel_loop3A_900 = arith.index_cast %parallel_loop3A_898 : i32 to index
          %parallel_loop3A_901 = arith.constant 112 : index
          %parallel_loop3A_902 = tpu.vector_load %arg6[%parallel_loop3A_899, %parallel_loop3A_900, %parallel_loop3A_901] {strides = array<i32>} : memref<8x8x256xf32, #tpu.memory_space<vmem>>, vector<16xf32>,
          %parallel_loop3A_903 = arith.addi %mul3A_6, %parallel_loop3A_862 : vector<16xi32>
          %parallel_loop3A_904 = arith.addi %mul3A_12, %parallel_loop3A_862 : vector<16xi32>
          %parallel_loop3A_905 = arith.addi %mul3A_18, %parallel_loop3A_862 : vector<16xi32>
          %parallel_loop3A_906 = arith.addi %mul3A_24, %parallel_loop3A_862 : vector<16xi32>
          %parallel_loop3A_907 = arith.addi %mul3A_30, %parallel_loop3A_862 : vector<16xi32>
          %parallel_loop3A_908 = arith.addi %mul3A_36, %parallel_loop3A_862 : vector<16xi32>
          %parallel_loop3A_909 = arith.addi %mul3A_42, %parallel_loop3A_862 : vector<16xi32>
          %parallel_loop3A_910 = arith.addi %mul3A_48, %parallel_loop3A_862 : vector<16xi32>
          tpu.vector_store_idx %arg8[%parallel_loop3A_903], %parallel_loop3A_867 : memref<18432xf32, #tpu.memory_space<vmem>>[vector<16xi32>], vector<16xf32>,
          tpu.vector_store_idx %arg8[%parallel_loop3A_904], %parallel_loop3A_872 : memref<18432xf32, #tpu.memory_space<vmem>>[vector<16xi32>], vector<16xf32>,
          tpu.vector_store_idx %arg8[%parallel_loop3A_905], %parallel_loop3A_877 : memref<18432xf32, #tpu.memory_space<vmem>>[vector<16xi32>], vector<16xf32>,
          tpu.vector_store_idx %arg8[%parallel_loop3A_906], %parallel_loop3A_882 : memref<18432xf32, #tpu.memory_space<vmem>>[vector<16xi32>], vector<16xf32>,
          tpu.vector_store_idx %arg8[%parallel_loop3A_907], %parallel_loop3A_887 : memref<18432xf32, #tpu.memory_space<vmem>>[vector<16xi32>], vector<16xf32>,
          tpu.vector_store_idx %arg8[%parallel_loop3A_908], %parallel_loop3A_892 : memref<18432xf32, #tpu.memory_space<vmem>>[vector<16xi32>], vector<16xf32>,
          tpu.vector_store_idx %arg8[%parallel_loop3A_909], %parallel_loop3A_897 : memref<18432xf32, #tpu.memory_space<vmem>>[vector<16xi32>], vector<16xf32>,
          tpu.vector_store_idx %arg8[%parallel_loop3A_910], %parallel_loop3A_902 : memref<18432xf32, #tpu.memory_space<vmem>>[vector<16xi32>], vector<16xf32>,
          %parallel_loop3A_911 = arith.constant 8 : i32
          %parallel_loop3A_912 = arith.muli %parallel_loop3A_195, %parallel_loop3A_911 : i32
          %parallel_loop3A_913 = arith.constant 9216 : i32
          %parallel_loop3A_914 = arith.addi %parallel_loop3A_913, %parallel_loop3A_912 : i32
          %parallel_loop3A_915 = arith.constant 6 : i32
          %parallel_loop3A_916 = arith.addi %parallel_loop3A_914, %parallel_loop3A_915 : i32
          %parallel_loop3A_917 = vector.broadcast %parallel_loop3A_916 : i32 to vector<16xi32>
          %parallel_loop3A_918 = arith.constant 6 : i32
          %parallel_loop3A_919 = arith.index_cast %parallel_loop3A_195 : i32 to index
          %parallel_loop3A_920 = arith.index_cast %parallel_loop3A_918 : i32 to index
          %parallel_loop3A_921 = arith.constant 128 : index
          %parallel_loop3A_922 = tpu.vector_load %arg6[%parallel_loop3A_919, %parallel_loop3A_920, %parallel_loop3A_921] {strides = array<i32>} : memref<8x8x256xf32, #tpu.memory_space<vmem>>, vector<16xf32>,
          %parallel_loop3A_923 = arith.constant 6 : i32
          %parallel_loop3A_924 = arith.index_cast %parallel_loop3A_195 : i32 to index
          %parallel_loop3A_925 = arith.index_cast %parallel_loop3A_923 : i32 to index
          %parallel_loop3A_926 = arith.constant 144 : index
          %parallel_loop3A_927 = tpu.vector_load %arg6[%parallel_loop3A_924, %parallel_loop3A_925, %parallel_loop3A_926] {strides = array<i32>} : memref<8x8x256xf32, #tpu.memory_space<vmem>>, vector<16xf32>,
          %parallel_loop3A_928 = arith.constant 6 : i32
          %parallel_loop3A_929 = arith.index_cast %parallel_loop3A_195 : i32 to index
          %parallel_loop3A_930 = arith.index_cast %parallel_loop3A_928 : i32 to index
          %parallel_loop3A_931 = arith.constant 160 : index
          %parallel_loop3A_932 = tpu.vector_load %arg6[%parallel_loop3A_929, %parallel_loop3A_930, %parallel_loop3A_931] {strides = array<i32>} : memref<8x8x256xf32, #tpu.memory_space<vmem>>, vector<16xf32>,
          %parallel_loop3A_933 = arith.constant 6 : i32
          %parallel_loop3A_934 = arith.index_cast %parallel_loop3A_195 : i32 to index
          %parallel_loop3A_935 = arith.index_cast %parallel_loop3A_933 : i32 to index
          %parallel_loop3A_936 = arith.constant 176 : index
          %parallel_loop3A_937 = tpu.vector_load %arg6[%parallel_loop3A_934, %parallel_loop3A_935, %parallel_loop3A_936] {strides = array<i32>} : memref<8x8x256xf32, #tpu.memory_space<vmem>>, vector<16xf32>,
          %parallel_loop3A_938 = arith.constant 6 : i32
          %parallel_loop3A_939 = arith.index_cast %parallel_loop3A_195 : i32 to index
          %parallel_loop3A_940 = arith.index_cast %parallel_loop3A_938 : i32 to index
          %parallel_loop3A_941 = arith.constant 192 : index
          %parallel_loop3A_942 = tpu.vector_load %arg6[%parallel_loop3A_939, %parallel_loop3A_940, %parallel_loop3A_941] {strides = array<i32>} : memref<8x8x256xf32, #tpu.memory_space<vmem>>, vector<16xf32>,
          %parallel_loop3A_943 = arith.constant 6 : i32
          %parallel_loop3A_944 = arith.index_cast %parallel_loop3A_195 : i32 to index
          %parallel_loop3A_945 = arith.index_cast %parallel_loop3A_943 : i32 to index
          %parallel_loop3A_946 = arith.constant 208 : index
          %parallel_loop3A_947 = tpu.vector_load %arg6[%parallel_loop3A_944, %parallel_loop3A_945, %parallel_loop3A_946] {strides = array<i32>} : memref<8x8x256xf32, #tpu.memory_space<vmem>>, vector<16xf32>,
          %parallel_loop3A_948 = arith.constant 6 : i32
          %parallel_loop3A_949 = arith.index_cast %parallel_loop3A_195 : i32 to index
          %parallel_loop3A_950 = arith.index_cast %parallel_loop3A_948 : i32 to index
          %parallel_loop3A_951 = arith.constant 224 : index
          %parallel_loop3A_952 = tpu.vector_load %arg6[%parallel_loop3A_949, %parallel_loop3A_950, %parallel_loop3A_951] {strides = array<i32>} : memref<8x8x256xf32, #tpu.memory_space<vmem>>, vector<16xf32>,
          %parallel_loop3A_953 = arith.constant 6 : i32
          %parallel_loop3A_954 = arith.index_cast %parallel_loop3A_195 : i32 to index
          %parallel_loop3A_955 = arith.index_cast %parallel_loop3A_953 : i32 to index
          %parallel_loop3A_956 = arith.constant 240 : index
          %parallel_loop3A_957 = tpu.vector_load %arg6[%parallel_loop3A_954, %parallel_loop3A_955, %parallel_loop3A_956] {strides = array<i32>} : memref<8x8x256xf32, #tpu.memory_space<vmem>>, vector<16xf32>,
          %parallel_loop3A_958 = arith.addi %mul3A_6, %parallel_loop3A_917 : vector<16xi32>
          %parallel_loop3A_959 = arith.addi %mul3A_12, %parallel_loop3A_917 : vector<16xi32>
          %parallel_loop3A_960 = arith.addi %mul3A_18, %parallel_loop3A_917 : vector<16xi32>
          %parallel_loop3A_961 = arith.addi %mul3A_24, %parallel_loop3A_917 : vector<16xi32>
          %parallel_loop3A_962 = arith.addi %mul3A_30, %parallel_loop3A_917 : vector<16xi32>
          %parallel_loop3A_963 = arith.addi %mul3A_36, %parallel_loop3A_917 : vector<16xi32>
          %parallel_loop3A_964 = arith.addi %mul3A_42, %parallel_loop3A_917 : vector<16xi32>
          %parallel_loop3A_965 = arith.addi %mul3A_48, %parallel_loop3A_917 : vector<16xi32>
          tpu.vector_store_idx %arg8[%parallel_loop3A_958], %parallel_loop3A_922 : memref<18432xf32, #tpu.memory_space<vmem>>[vector<16xi32>], vector<16xf32>,
          tpu.vector_store_idx %arg8[%parallel_loop3A_959], %parallel_loop3A_927 : memref<18432xf32, #tpu.memory_space<vmem>>[vector<16xi32>], vector<16xf32>,
          tpu.vector_store_idx %arg8[%parallel_loop3A_960], %parallel_loop3A_932 : memref<18432xf32, #tpu.memory_space<vmem>>[vector<16xi32>], vector<16xf32>,
          tpu.vector_store_idx %arg8[%parallel_loop3A_961], %parallel_loop3A_937 : memref<18432xf32, #tpu.memory_space<vmem>>[vector<16xi32>], vector<16xf32>,
          tpu.vector_store_idx %arg8[%parallel_loop3A_962], %parallel_loop3A_942 : memref<18432xf32, #tpu.memory_space<vmem>>[vector<16xi32>], vector<16xf32>,
          tpu.vector_store_idx %arg8[%parallel_loop3A_963], %parallel_loop3A_947 : memref<18432xf32, #tpu.memory_space<vmem>>[vector<16xi32>], vector<16xf32>,
          tpu.vector_store_idx %arg8[%parallel_loop3A_964], %parallel_loop3A_952 : memref<18432xf32, #tpu.memory_space<vmem>>[vector<16xi32>], vector<16xf32>,
          tpu.vector_store_idx %arg8[%parallel_loop3A_965], %parallel_loop3A_957 : memref<18432xf32, #tpu.memory_space<vmem>>[vector<16xi32>], vector<16xf32>,
          %parallel_loop3A_966 = arith.constant 8 : i32
          %parallel_loop3A_967 = arith.muli %parallel_loop3A_195, %parallel_loop3A_966 : i32
          %parallel_loop3A_968 = arith.constant 0 : i32
          %parallel_loop3A_969 = arith.addi %parallel_loop3A_968, %parallel_loop3A_967 : i32
          %parallel_loop3A_970 = arith.constant 7 : i32
          %parallel_loop3A_971 = arith.addi %parallel_loop3A_969, %parallel_loop3A_970 : i32
          %parallel_loop3A_972 = vector.broadcast %parallel_loop3A_971 : i32 to vector<16xi32>
          %parallel_loop3A_973 = arith.constant 7 : i32
          %parallel_loop3A_974 = arith.index_cast %parallel_loop3A_195 : i32 to index
          %parallel_loop3A_975 = arith.index_cast %parallel_loop3A_973 : i32 to index
          %parallel_loop3A_976 = arith.constant 0 : index
          %parallel_loop3A_977 = tpu.vector_load %arg6[%parallel_loop3A_974, %parallel_loop3A_975, %parallel_loop3A_976] {strides = array<i32>} : memref<8x8x256xf32, #tpu.memory_space<vmem>>, vector<16xf32>,
          %parallel_loop3A_978 = arith.constant 7 : i32
          %parallel_loop3A_979 = arith.index_cast %parallel_loop3A_195 : i32 to index
          %parallel_loop3A_980 = arith.index_cast %parallel_loop3A_978 : i32 to index
          %parallel_loop3A_981 = arith.constant 16 : index
          %parallel_loop3A_982 = tpu.vector_load %arg6[%parallel_loop3A_979, %parallel_loop3A_980, %parallel_loop3A_981] {strides = array<i32>} : memref<8x8x256xf32, #tpu.memory_space<vmem>>, vector<16xf32>,
          %parallel_loop3A_983 = arith.constant 7 : i32
          %parallel_loop3A_984 = arith.index_cast %parallel_loop3A_195 : i32 to index
          %parallel_loop3A_985 = arith.index_cast %parallel_loop3A_983 : i32 to index
          %parallel_loop3A_986 = arith.constant 32 : index
          %parallel_loop3A_987 = tpu.vector_load %arg6[%parallel_loop3A_984, %parallel_loop3A_985, %parallel_loop3A_986] {strides = array<i32>} : memref<8x8x256xf32, #tpu.memory_space<vmem>>, vector<16xf32>,
          %parallel_loop3A_988 = arith.constant 7 : i32
          %parallel_loop3A_989 = arith.index_cast %parallel_loop3A_195 : i32 to index
          %parallel_loop3A_990 = arith.index_cast %parallel_loop3A_988 : i32 to index
          %parallel_loop3A_991 = arith.constant 48 : index
          %parallel_loop3A_992 = tpu.vector_load %arg6[%parallel_loop3A_989, %parallel_loop3A_990, %parallel_loop3A_991] {strides = array<i32>} : memref<8x8x256xf32, #tpu.memory_space<vmem>>, vector<16xf32>,
          %parallel_loop3A_993 = arith.constant 7 : i32
          %parallel_loop3A_994 = arith.index_cast %parallel_loop3A_195 : i32 to index
          %parallel_loop3A_995 = arith.index_cast %parallel_loop3A_993 : i32 to index
          %parallel_loop3A_996 = arith.constant 64 : index
          %parallel_loop3A_997 = tpu.vector_load %arg6[%parallel_loop3A_994, %parallel_loop3A_995, %parallel_loop3A_996] {strides = array<i32>} : memref<8x8x256xf32, #tpu.memory_space<vmem>>, vector<16xf32>,
          %parallel_loop3A_998 = arith.constant 7 : i32
          %parallel_loop3A_999 = arith.index_cast %parallel_loop3A_195 : i32 to index
          %parallel_loop3A_1000 = arith.index_cast %parallel_loop3A_998 : i32 to index
          %parallel_loop3A_1001 = arith.constant 80 : index
          %parallel_loop3A_1002 = tpu.vector_load %arg6[%parallel_loop3A_999, %parallel_loop3A_1000, %parallel_loop3A_1001] {strides = array<i32>} : memref<8x8x256xf32, #tpu.memory_space<vmem>>, vector<16xf32>,
          %parallel_loop3A_1003 = arith.constant 7 : i32
          %parallel_loop3A_1004 = arith.index_cast %parallel_loop3A_195 : i32 to index
          %parallel_loop3A_1005 = arith.index_cast %parallel_loop3A_1003 : i32 to index
          %parallel_loop3A_1006 = arith.constant 96 : index
          %parallel_loop3A_1007 = tpu.vector_load %arg6[%parallel_loop3A_1004, %parallel_loop3A_1005, %parallel_loop3A_1006] {strides = array<i32>} : memref<8x8x256xf32, #tpu.memory_space<vmem>>, vector<16xf32>,
          %parallel_loop3A_1008 = arith.constant 7 : i32
          %parallel_loop3A_1009 = arith.index_cast %parallel_loop3A_195 : i32 to index
          %parallel_loop3A_1010 = arith.index_cast %parallel_loop3A_1008 : i32 to index
          %parallel_loop3A_1011 = arith.constant 112 : index
          %parallel_loop3A_1012 = tpu.vector_load %arg6[%parallel_loop3A_1009, %parallel_loop3A_1010, %parallel_loop3A_1011] {strides = array<i32>} : memref<8x8x256xf32, #tpu.memory_space<vmem>>, vector<16xf32>,
          %parallel_loop3A_1013 = arith.addi %mul3A_6, %parallel_loop3A_972 : vector<16xi32>
          %parallel_loop3A_1014 = arith.addi %mul3A_12, %parallel_loop3A_972 : vector<16xi32>
          %parallel_loop3A_1015 = arith.addi %mul3A_18, %parallel_loop3A_972 : vector<16xi32>
          %parallel_loop3A_1016 = arith.addi %mul3A_24, %parallel_loop3A_972 : vector<16xi32>
          %parallel_loop3A_1017 = arith.addi %mul3A_30, %parallel_loop3A_972 : vector<16xi32>
          %parallel_loop3A_1018 = arith.addi %mul3A_36, %parallel_loop3A_972 : vector<16xi32>
          %parallel_loop3A_1019 = arith.addi %mul3A_42, %parallel_loop3A_972 : vector<16xi32>
          %parallel_loop3A_1020 = arith.addi %mul3A_48, %parallel_loop3A_972 : vector<16xi32>
          tpu.vector_store_idx %arg8[%parallel_loop3A_1013], %parallel_loop3A_977 : memref<18432xf32, #tpu.memory_space<vmem>>[vector<16xi32>], vector<16xf32>,
          tpu.vector_store_idx %arg8[%parallel_loop3A_1014], %parallel_loop3A_982 : memref<18432xf32, #tpu.memory_space<vmem>>[vector<16xi32>], vector<16xf32>,
          tpu.vector_store_idx %arg8[%parallel_loop3A_1015], %parallel_loop3A_987 : memref<18432xf32, #tpu.memory_space<vmem>>[vector<16xi32>], vector<16xf32>,
          tpu.vector_store_idx %arg8[%parallel_loop3A_1016], %parallel_loop3A_992 : memref<18432xf32, #tpu.memory_space<vmem>>[vector<16xi32>], vector<16xf32>,
          tpu.vector_store_idx %arg8[%parallel_loop3A_1017], %parallel_loop3A_997 : memref<18432xf32, #tpu.memory_space<vmem>>[vector<16xi32>], vector<16xf32>,
          tpu.vector_store_idx %arg8[%parallel_loop3A_1018], %parallel_loop3A_1002 : memref<18432xf32, #tpu.memory_space<vmem>>[vector<16xi32>], vector<16xf32>,
          tpu.vector_store_idx %arg8[%parallel_loop3A_1019], %parallel_loop3A_1007 : memref<18432xf32, #tpu.memory_space<vmem>>[vector<16xi32>], vector<16xf32>,
          tpu.vector_store_idx %arg8[%parallel_loop3A_1020], %parallel_loop3A_1012 : memref<18432xf32, #tpu.memory_space<vmem>>[vector<16xi32>], vector<16xf32>,
          %parallel_loop3A_1021 = arith.constant 8 : i32
          %parallel_loop3A_1022 = arith.muli %parallel_loop3A_195, %parallel_loop3A_1021 : i32
          %parallel_loop3A_1023 = arith.constant 9216 : i32
          %parallel_loop3A_1024 = arith.addi %parallel_loop3A_1023, %parallel_loop3A_1022 : i32
          %parallel_loop3A_1025 = arith.constant 7 : i32
          %parallel_loop3A_1026 = arith.addi %parallel_loop3A_1024, %parallel_loop3A_1025 : i32
          %parallel_loop3A_1027 = vector.broadcast %parallel_loop3A_1026 : i32 to vector<16xi32>
          %parallel_loop3A_1028 = arith.constant 7 : i32
          %parallel_loop3A_1029 = arith.index_cast %parallel_loop3A_195 : i32 to index
          %parallel_loop3A_1030 = arith.index_cast %parallel_loop3A_1028 : i32 to index
          %parallel_loop3A_1031 = arith.constant 128 : index
          %parallel_loop3A_1032 = tpu.vector_load %arg6[%parallel_loop3A_1029, %parallel_loop3A_1030, %parallel_loop3A_1031] {strides = array<i32>} : memref<8x8x256xf32, #tpu.memory_space<vmem>>, vector<16xf32>,
          %parallel_loop3A_1033 = arith.constant 7 : i32
          %parallel_loop3A_1034 = arith.index_cast %parallel_loop3A_195 : i32 to index
          %parallel_loop3A_1035 = arith.index_cast %parallel_loop3A_1033 : i32 to index
          %parallel_loop3A_1036 = arith.constant 144 : index
          %parallel_loop3A_1037 = tpu.vector_load %arg6[%parallel_loop3A_1034, %parallel_loop3A_1035, %parallel_loop3A_1036] {strides = array<i32>} : memref<8x8x256xf32, #tpu.memory_space<vmem>>, vector<16xf32>,
          %parallel_loop3A_1038 = arith.constant 7 : i32
          %parallel_loop3A_1039 = arith.index_cast %parallel_loop3A_195 : i32 to index
          %parallel_loop3A_1040 = arith.index_cast %parallel_loop3A_1038 : i32 to index
          %parallel_loop3A_1041 = arith.constant 160 : index
          %parallel_loop3A_1042 = tpu.vector_load %arg6[%parallel_loop3A_1039, %parallel_loop3A_1040, %parallel_loop3A_1041] {strides = array<i32>} : memref<8x8x256xf32, #tpu.memory_space<vmem>>, vector<16xf32>,
          %parallel_loop3A_1043 = arith.constant 7 : i32
          %parallel_loop3A_1044 = arith.index_cast %parallel_loop3A_195 : i32 to index
          %parallel_loop3A_1045 = arith.index_cast %parallel_loop3A_1043 : i32 to index
          %parallel_loop3A_1046 = arith.constant 176 : index
          %parallel_loop3A_1047 = tpu.vector_load %arg6[%parallel_loop3A_1044, %parallel_loop3A_1045, %parallel_loop3A_1046] {strides = array<i32>} : memref<8x8x256xf32, #tpu.memory_space<vmem>>, vector<16xf32>,
          %parallel_loop3A_1048 = arith.constant 7 : i32
          %parallel_loop3A_1049 = arith.index_cast %parallel_loop3A_195 : i32 to index
          %parallel_loop3A_1050 = arith.index_cast %parallel_loop3A_1048 : i32 to index
          %parallel_loop3A_1051 = arith.constant 192 : index
          %parallel_loop3A_1052 = tpu.vector_load %arg6[%parallel_loop3A_1049, %parallel_loop3A_1050, %parallel_loop3A_1051] {strides = array<i32>} : memref<8x8x256xf32, #tpu.memory_space<vmem>>, vector<16xf32>,
          %parallel_loop3A_1053 = arith.constant 7 : i32
          %parallel_loop3A_1054 = arith.index_cast %parallel_loop3A_195 : i32 to index
          %parallel_loop3A_1055 = arith.index_cast %parallel_loop3A_1053 : i32 to index
          %parallel_loop3A_1056 = arith.constant 208 : index
          %parallel_loop3A_1057 = tpu.vector_load %arg6[%parallel_loop3A_1054, %parallel_loop3A_1055, %parallel_loop3A_1056] {strides = array<i32>} : memref<8x8x256xf32, #tpu.memory_space<vmem>>, vector<16xf32>,
          %parallel_loop3A_1058 = arith.constant 7 : i32
          %parallel_loop3A_1059 = arith.index_cast %parallel_loop3A_195 : i32 to index
          %parallel_loop3A_1060 = arith.index_cast %parallel_loop3A_1058 : i32 to index
          %parallel_loop3A_1061 = arith.constant 224 : index
          %parallel_loop3A_1062 = tpu.vector_load %arg6[%parallel_loop3A_1059, %parallel_loop3A_1060, %parallel_loop3A_1061] {strides = array<i32>} : memref<8x8x256xf32, #tpu.memory_space<vmem>>, vector<16xf32>,
          %parallel_loop3A_1063 = arith.constant 7 : i32
          %parallel_loop3A_1064 = arith.index_cast %parallel_loop3A_195 : i32 to index
          %parallel_loop3A_1065 = arith.index_cast %parallel_loop3A_1063 : i32 to index
          %parallel_loop3A_1066 = arith.constant 240 : index
          %parallel_loop3A_1067 = tpu.vector_load %arg6[%parallel_loop3A_1064, %parallel_loop3A_1065, %parallel_loop3A_1066] {strides = array<i32>} : memref<8x8x256xf32, #tpu.memory_space<vmem>>, vector<16xf32>,
          %parallel_loop3A_1068 = arith.addi %mul3A_6, %parallel_loop3A_1027 : vector<16xi32>
          %parallel_loop3A_1069 = arith.addi %mul3A_12, %parallel_loop3A_1027 : vector<16xi32>
          %parallel_loop3A_1070 = arith.addi %mul3A_18, %parallel_loop3A_1027 : vector<16xi32>
          %parallel_loop3A_1071 = arith.addi %mul3A_24, %parallel_loop3A_1027 : vector<16xi32>
          %parallel_loop3A_1072 = arith.addi %mul3A_30, %parallel_loop3A_1027 : vector<16xi32>
          %parallel_loop3A_1073 = arith.addi %mul3A_36, %parallel_loop3A_1027 : vector<16xi32>
          %parallel_loop3A_1074 = arith.addi %mul3A_42, %parallel_loop3A_1027 : vector<16xi32>
          %parallel_loop3A_1075 = arith.addi %mul3A_48, %parallel_loop3A_1027 : vector<16xi32>
          tpu.vector_store_idx %arg8[%parallel_loop3A_1068], %parallel_loop3A_1032 : memref<18432xf32, #tpu.memory_space<vmem>>[vector<16xi32>], vector<16xf32>,
          tpu.vector_store_idx %arg8[%parallel_loop3A_1069], %parallel_loop3A_1037 : memref<18432xf32, #tpu.memory_space<vmem>>[vector<16xi32>], vector<16xf32>,
          tpu.vector_store_idx %arg8[%parallel_loop3A_1070], %parallel_loop3A_1042 : memref<18432xf32, #tpu.memory_space<vmem>>[vector<16xi32>], vector<16xf32>,
          tpu.vector_store_idx %arg8[%parallel_loop3A_1071], %parallel_loop3A_1047 : memref<18432xf32, #tpu.memory_space<vmem>>[vector<16xi32>], vector<16xf32>,
          tpu.vector_store_idx %arg8[%parallel_loop3A_1072], %parallel_loop3A_1052 : memref<18432xf32, #tpu.memory_space<vmem>>[vector<16xi32>], vector<16xf32>,
          tpu.vector_store_idx %arg8[%parallel_loop3A_1073], %parallel_loop3A_1057 : memref<18432xf32, #tpu.memory_space<vmem>>[vector<16xi32>], vector<16xf32>,
          tpu.vector_store_idx %arg8[%parallel_loop3A_1074], %parallel_loop3A_1062 : memref<18432xf32, #tpu.memory_space<vmem>>[vector<16xi32>], vector<16xf32>,
          tpu.vector_store_idx %arg8[%parallel_loop3A_1075], %parallel_loop3A_1067 : memref<18432xf32, #tpu.memory_space<vmem>>[vector<16xi32>], vector<16xf32>,
        } {sc.loop_unroll_factor = 2 : i64, sc.parallel_access}
        %mul3A_187 = arith.constant 32 : i32
        %mul3A_188 = arith.muli %add3A_142, %mul3A_187 : i32
        %add3A_189 = arith.addi %add3A, %mul3A_188 : i32
        %mul3A_190 = arith.constant 256 : i32
        %mul3A_191 = arith.muli %add3A_189, %mul3A_190 : i32
        %mul3A_192 = arith.constant 72 : i32
        %mul3A_193 = arith.muli %mul3A_191, %mul3A_192 : i32
        %dma_start3A = tpu.memref_slice %arg4[%mul3A_193] : memref<72000000xf32, #tpu.memory_space<hbm>> -> memref<18432xf32, #tpu.memory_space<hbm>>
        %dma_start3A_194 = tpu.memref_slice %arg4[%mul3A_193] : memref<72000000xf32, #tpu.memory_space<hbm>> -> memref<18432xf32, #tpu.memory_space<hbm>>
        tpu.enqueue_dma source(%arg8 : memref<18432xf32, #tpu.memory_space<vmem>>) target(%dma_start3A_194 : memref<18432xf32, #tpu.memory_space<hbm>>) target_semaphore(%arg13 : memref<!tpu.dma_semaphore, #tpu.memory_space<semaphore_mem>>)
      } else {
      }
    }
    %scan3A_56 = arith.constant 62 : i32
    %add3A_57 = arith.constant 3872 : i32
    %add3A_58 = arith.addi %add3A, %add3A_57 : i32
    %lt3A_59 = arith.constant 3906 : i32
    %lt3A_60 = arith.cmpi slt, %add3A_58, %lt3A_59 : i32
    %convert_element_type3A_61 = arith.extui %lt3A_60 : i1 to i32
    %cond3A_62 = arith.constant 0 : i32
    %cond3A_63 = arith.cmpi ne, %convert_element_type3A_61, %cond3A_62 : i32
    scf.if %cond3A_63 {
      %dma_wait3A = arith.constant 0 : i32
      %dma_wait3A_91 = tpu.memref_slice %arg4[%dma_wait3A] : memref<72000000xf32, #tpu.memory_space<hbm>> -> memref<18432xf32, #tpu.memory_space<hbm>>
      %dma_wait3A_92 = arith.constant 0 : i32
      %dma_wait3A_93 = tpu.memref_slice %arg4[%dma_wait3A_92] : memref<72000000xf32, #tpu.memory_space<hbm>> -> memref<18432xf32, #tpu.memory_space<hbm>>
      tpu.wait_dma2 semaphore(%arg13 : memref<!tpu.dma_semaphore, #tpu.memory_space<semaphore_mem>>) src(%arg8 : memref<18432xf32, #tpu.memory_space<vmem>>) dst(%dma_wait3A_93 : memref<18432xf32, #tpu.memory_space<hbm>>)
    } else {
    }
    %add3A_64 = arith.constant 3904 : i32
    %add3A_65 = arith.addi %add3A, %add3A_64 : i32
    %lt3A_66 = arith.constant 3906 : i32
    %lt3A_67 = arith.cmpi slt, %add3A_65, %lt3A_66 : i32
    %convert_element_type3A_68 = arith.extui %lt3A_67 : i1 to i32
    %cond3A_69 = arith.constant 0 : i32
    %cond3A_70 = arith.cmpi ne, %convert_element_type3A_68, %cond3A_69 : i32
    scf.if %cond3A_70 {
      %dma_wait3A = arith.constant 0 : i32
      %dma_wait3A_91 = tpu.memref_slice %arg4[%dma_wait3A] : memref<72000000xf32, #tpu.memory_space<hbm>> -> memref<18432xf32, #tpu.memory_space<hbm>>
      %dma_wait3A_92 = arith.constant 0 : i32
      %dma_wait3A_93 = tpu.memref_slice %arg4[%dma_wait3A_92] : memref<72000000xf32, #tpu.memory_space<hbm>> -> memref<18432xf32, #tpu.memory_space<hbm>>
      tpu.wait_dma2 semaphore(%arg12 : memref<!tpu.dma_semaphore, #tpu.memory_space<semaphore_mem>>) src(%arg7 : memref<18432xf32, #tpu.memory_space<vmem>>) dst(%dma_wait3A_93 : memref<18432xf32, #tpu.memory_space<hbm>>)
    } else {
    }
    %mul3A_71 = arith.constant 2 : i32
    %mul3A_72 = arith.muli %add3A, %mul3A_71 : i32
    %mul3A_73 = arith.constant 64 : i32
    %mul3A_74 = arith.muli %mul3A_72, %mul3A_73 : i32
    "tpu.region"() ({
      %run_scoped3A = tpu.sem_alloc : memref<!tpu.dma_semaphore, #tpu.memory_space<semaphore_mem>>
      %dma_start3A = tpu.memref_slice %arg3[%mul3A_74] : memref<4096xf32, #tpu.memory_space<hbm>> -> memref<128xf32, #tpu.memory_space<hbm>>
      %dma_start3A_91 = tpu.memref_slice %arg3[%mul3A_74] : memref<4096xf32, #tpu.memory_space<hbm>> -> memref<128xf32, #tpu.memory_space<hbm>>
      tpu.enqueue_dma source(%dma_start3A_91 : memref<128xf32, #tpu.memory_space<hbm>>) target(%arg9 : memref<128xf32, #tpu.memory_space<vmem>>) target_semaphore(%run_scoped3A : memref<!tpu.dma_semaphore, #tpu.memory_space<semaphore_mem>>)
      %dma_wait3A = tpu.memref_slice %arg3[%mul3A_74] : memref<4096xf32, #tpu.memory_space<hbm>> -> memref<128xf32, #tpu.memory_space<hbm>>
      %dma_wait3A_92 = tpu.memref_slice %arg3[%mul3A_74] : memref<4096xf32, #tpu.memory_space<hbm>> -> memref<128xf32, #tpu.memory_space<hbm>>
      tpu.wait_dma2 semaphore(%run_scoped3A : memref<!tpu.dma_semaphore, #tpu.memory_space<semaphore_mem>>) src(%dma_wait3A_92 : memref<128xf32, #tpu.memory_space<hbm>>) dst(%arg9 : memref<128xf32, #tpu.memory_space<vmem>>)
      tpu.yield
    }) : () -> ()
    %mul3A_75 = arith.constant 2 : i32
    %mul3A_76 = arith.muli %add3A, %mul3A_75 : i32
    %add3A_77 = arith.constant 0 : i32
    %add3A_78 = arith.addi %mul3A_76, %add3A_77 : i32
    %add3A_79 = arith.constant 999936 : i32
    %add3A_80 = arith.addi %add3A_79, %add3A_78 : i32
    %mul3A_81 = arith.constant 72 : i32
    %mul3A_82 = arith.muli %add3A_80, %mul3A_81 : i32
    "tpu.region"() ({
      %run_scoped3A = tpu.sem_alloc : memref<!tpu.dma_semaphore, #tpu.memory_space<semaphore_mem>>
      %dma_start3A = arith.constant 0 : i32
      %dma_start3A_91 = tpu.memref_slice %arg9[%dma_start3A] : memref<128xf32, #tpu.memory_space<vmem>> -> memref<64xf32, #tpu.memory_space<vmem>>
      %dma_start3A_92 = tpu.memref_slice %arg4[%mul3A_82] : memref<72000000xf32, #tpu.memory_space<hbm>> -> memref<64xf32, #tpu.memory_space<hbm>>
      %dma_start3A_93 = tpu.memref_slice %arg4[%mul3A_82] : memref<72000000xf32, #tpu.memory_space<hbm>> -> memref<64xf32, #tpu.memory_space<hbm>>
      %dma_start3A_94 = arith.constant 0 : i32
      %dma_start3A_95 = tpu.memref_slice %arg9[%dma_start3A_94] : memref<128xf32, #tpu.memory_space<vmem>> -> memref<64xf32, #tpu.memory_space<vmem>>
      tpu.enqueue_dma source(%dma_start3A_95 : memref<64xf32, #tpu.memory_space<vmem>>) target(%dma_start3A_93 : memref<64xf32, #tpu.memory_space<hbm>>) target_semaphore(%run_scoped3A : memref<!tpu.dma_semaphore, #tpu.memory_space<semaphore_mem>>)
      %dma_wait3A = arith.constant 0 : i32
      %dma_wait3A_96 = tpu.memref_slice %arg9[%dma_wait3A] : memref<128xf32, #tpu.memory_space<vmem>> -> memref<64xf32, #tpu.memory_space<vmem>>
      %dma_wait3A_97 = tpu.memref_slice %arg4[%mul3A_82] : memref<72000000xf32, #tpu.memory_space<hbm>> -> memref<64xf32, #tpu.memory_space<hbm>>
      %dma_wait3A_98 = tpu.memref_slice %arg4[%mul3A_82] : memref<72000000xf32, #tpu.memory_space<hbm>> -> memref<64xf32, #tpu.memory_space<hbm>>
      %dma_wait3A_99 = arith.constant 0 : i32
      %dma_wait3A_100 = tpu.memref_slice %arg9[%dma_wait3A_99] : memref<128xf32, #tpu.memory_space<vmem>> -> memref<64xf32, #tpu.memory_space<vmem>>
      tpu.wait_dma2 semaphore(%run_scoped3A : memref<!tpu.dma_semaphore, #tpu.memory_space<semaphore_mem>>) src(%dma_wait3A_100 : memref<64xf32, #tpu.memory_space<vmem>>) dst(%dma_wait3A_98 : memref<64xf32, #tpu.memory_space<hbm>>)
      tpu.yield
    }) : () -> ()
    %mul3A_83 = arith.constant 2 : i32
    %mul3A_84 = arith.muli %add3A, %mul3A_83 : i32
    %add3A_85 = arith.constant 1 : i32
    %add3A_86 = arith.addi %mul3A_84, %add3A_85 : i32
    %add3A_87 = arith.constant 999936 : i32
    %add3A_88 = arith.addi %add3A_87, %add3A_86 : i32
    %mul3A_89 = arith.constant 72 : i32
    %mul3A_90 = arith.muli %add3A_88, %mul3A_89 : i32
    "tpu.region"() ({
      %run_scoped3A = tpu.sem_alloc : memref<!tpu.dma_semaphore, #tpu.memory_space<semaphore_mem>>
      %dma_start3A = arith.constant 64 : i32
      %dma_start3A_91 = tpu.memref_slice %arg9[%dma_start3A] : memref<128xf32, #tpu.memory_space<vmem>> -> memref<64xf32, #tpu.memory_space<vmem>>
      %dma_start3A_92 = tpu.memref_slice %arg4[%mul3A_90] : memref<72000000xf32, #tpu.memory_space<hbm>> -> memref<64xf32, #tpu.memory_space<hbm>>
      %dma_start3A_93 = tpu.memref_slice %arg4[%mul3A_90] : memref<72000000xf32, #tpu.memory_space<hbm>> -> memref<64xf32, #tpu.memory_space<hbm>>
      %dma_start3A_94 = arith.constant 64 : i32
      %dma_start3A_95 = tpu.memref_slice %arg9[%dma_start3A_94] : memref<128xf32, #tpu.memory_space<vmem>> -> memref<64xf32, #tpu.memory_space<vmem>>
      tpu.enqueue_dma source(%dma_start3A_95 : memref<64xf32, #tpu.memory_space<vmem>>) target(%dma_start3A_93 : memref<64xf32, #tpu.memory_space<hbm>>) target_semaphore(%run_scoped3A : memref<!tpu.dma_semaphore, #tpu.memory_space<semaphore_mem>>)
      %dma_wait3A = arith.constant 64 : i32
      %dma_wait3A_96 = tpu.memref_slice %arg9[%dma_wait3A] : memref<128xf32, #tpu.memory_space<vmem>> -> memref<64xf32, #tpu.memory_space<vmem>>
      %dma_wait3A_97 = tpu.memref_slice %arg4[%mul3A_90] : memref<72000000xf32, #tpu.memory_space<hbm>> -> memref<64xf32, #tpu.memory_space<hbm>>
      %dma_wait3A_98 = tpu.memref_slice %arg4[%mul3A_90] : memref<72000000xf32, #tpu.memory_space<hbm>> -> memref<64xf32, #tpu.memory_space<hbm>>
      %dma_wait3A_99 = arith.constant 64 : i32
      %dma_wait3A_100 = tpu.memref_slice %arg9[%dma_wait3A_99] : memref<128xf32, #tpu.memory_space<vmem>> -> memref<64xf32, #tpu.memory_space<vmem>>
      tpu.wait_dma2 semaphore(%run_scoped3A : memref<!tpu.dma_semaphore, #tpu.memory_space<semaphore_mem>>) src(%dma_wait3A_100 : memref<64xf32, #tpu.memory_space<vmem>>) dst(%dma_wait3A_98 : memref<64xf32, #tpu.memory_space<hbm>>)
      tpu.yield
    }) : () -> ()
    return
  }
}

</mosaic_0001>

<sc_bundles>
// kernel: table_transpose_sc.3.cloned.1.call-start
scs
__scs_entry_jumppad:
0x0: {  	(pc) =	sbr.rel $0x88, $3  }
0x1: {  	(tag) =	ssettag $0x0;
	lr =	simm.s32 $0x1  }
0x2: {  	[smem:$0x3F9F] =	sst lr;
	_ =	strace $0xD0000000  }
0x3: {  	_ = 	snop  }
0x4: {  	_ = 	snop  }
0x5: {  	_ = 	snop  }
0x6: {  	_ = 	snop  }
0x7: {  	_ = 	snop  }
__scs_overlays_trampoline_lowered:
0x8: {  	[smem:$0x3FAE] =	sst s0  }
0x9: {  	[smem:$0x3FAF] =	sst s1  }
0xa: {  	[smem:$0x3FB0] =	sst s2  }
0xb: {  	[smem:$0x3FB1] =	sst s3  }
0xc: {  	[smem:$0x3FB2] =	sst s4  }
0xd: {  	[smem:$0x3FB3] =	sst s5  }
0xe: {  	[smem:$0x3FB4] =	sst s6  }
0xf: {  	[smem:$0x3FB5] =	sst s7  }
0x10: {  	[smem:$0x3FB6] =	sst s8  }
0x11: {  	[smem:$0x3FB7] =	sst s9;
	s0 =	simm.s32 @!p0 $0x0  }
0x12: {  	s1 =	sld [smem:$0x3F9D];
	s0 =	simm.s32 @p0 $0x1  }
0x13: {  	[smem:$0x3FB8] =	sst s0;
	s0 =	simm.s32 @!p1 $0x0  }
0x14: {  	s2 =	sld [smem:$0x3F9C];
	s0 =	simm.s32 @p1 $0x1  }
0x15: {  	[smem:$0x3FB9] =	sst s0;
	s0 =	simm.s32 @!p2 $0x0  }
0x16: {  	s3 =	sld [smem:$0x3FDB];
	s0 =	simm.s32 @p2 $0x1  }
0x17: {  	s4 =	simm.s32 $0x1BF5;
	[smem:$0x3FBB] =	sst s0  }
0x18: {  	s0 =	sld [smem:$0x3F9E];
	_ =	swait.ge [sflag:s4], $0x0  }
0x19: {  	s7 =	sld [smem:$0x3F9F]  }
0x1a: {  	s8 =	sadd.s32 $0xFFFFE003, lr  }
0x1b: {  	s9 =	sadd.s32 $0xFFFFFEF7, lr;
	s5 =	simm.s32 $0xFFFFFFFF;
	p2 =	slt.u32 s8, $0xFFFFF086  }
0x1c: {  	p1 =	slt.u32 s9, $0xF7A;
	s5 =	simm.s32 @!p2 $0x0  }
0x1d: {  	s5 =	simm.s32 @p1 $0x1;
	p0 =	seq.s32 s7, s2  }
0x1e: {  	s7 =	smul.u32 @!p0 $0xF7A, s2;
	p2 =	seq.s32 @!p0 s5, $0x0  }
0x1f: {  	s9 =	smul.u32 $0xF7A, s1;
	s8 =	simm.s32 @!p0 $0x1BF5;
	p2 =	por !p2, p0  }
0x20: {  	[sflag:s8] =	ssyncset.s32 @!p0 $0xFFFFF086;
	s6 =	sadd.s32 @!p0 s3, s7;
	s7 =	simm.s32 @!p0 $0x108  }
0x21: {  	s3 =	sadd.s32 s3, s9;
	s6 =	sadd.s32 @!p0 $0x88, s6;
	s7 =	simm.s32 @p2 $0x1082  }
0x22: {  	[simem:s7], [sflag:s8] =	dma.local @!p0 [hbm:s6], $0xF7A  }
0x23: {  	s9 =	sor.u32 $0xD0000000, s2;
	s6 =	simm.s32 $0x108;
	_ =	swait.ge @!p0 [sflag:s8], $0x0  }
0x24: {  	s3 =	sadd.s32 $0x88, s3;
	s6 =	simm.s32 @!p1 $0x1082;
	[sflag:s4] =	ssyncset.s32 $0xFFFFF086  }
0x25: {  	[simem:s6], [sflag:s4] =	dma.local [hbm:s3], $0xF7A  }
0x26: {  	[smem:$0x3F9F] =	sst s1;
	(tag) =	ssettag s2;
	_ =	strace s9  }
0x27: {  	s1 =	sld [smem:$0x3FAF]  }
0x28: {  	s2 =	sld [smem:$0x3FB0]  }
0x29: {  	s4 =	sld [smem:$0x3FB2]  }
0x2a: {  	p0 =	seq.s32 s5, $0x0;
	s5 =	sld [smem:$0x3FB3]  }
0x2b: {  	s6 =	sld [smem:$0x3FB4]  }
0x2c: {  	s7 =	sld [smem:$0x3FB5]  }
0x2d: {  	s3 =	simm.s32 $0x108;
	s8 =	sld [smem:$0x3FB6]  }
0x2e: {  	s3 =	simm.s32 @!p0 $0x1082;
	s9 =	sld [smem:$0x3FB7]  }
0x2f: {  	lr =	sadd.s32 s0, s3;
	s0 =	sld [smem:$0x3FAE]  }
0x30: {  	s3 =	sld [smem:$0x3FB1]  }
0x31: {  	[smem:$0x3FBA] =	sst s10  }
0x32: {  	s10 =	sld [smem:$0x3FB8];
	_ =	sdelay $0x3  }
0x33: {  	p0 =	seq.s32 s10, $0x1;
	s10 =	sld [smem:$0x3FBA];
	_ =	sdelay $0x3  }
0x34: {  	[smem:$0x3FBA] =	sst s10  }
0x35: {  	s10 =	sld [smem:$0x3FB9];
	_ =	sdelay $0x3  }
0x36: {  	p1 =	seq.s32 s10, $0x1;
	s10 =	sld [smem:$0x3FBA];
	_ =	sdelay $0x3  }
0x37: {  	[smem:$0x3FBA] =	sst s10  }
0x38: {  	s10 =	sld [smem:$0x3FBB]  }
0x39: {  	_ = 	snop;
	(pc) =	sbr.ind lr, $3  }
0x3a: {  	_ = 	snop  }
0x3b: {  	_ = 	snop  }
0x3c: {  	p2 =	seq.s32 s10, $0x1;
	s10 =	sld [smem:$0x3FBA]  }
0x3d: {  	_ =	shalt  }
0x3e: {  	_ =	shalt  }
0x3f: {  	_ =	shalt  }
0x40: {  	_ =	shalt  }
0x41: {  	_ =	shalt  }
0x42: {  	_ =	shalt  }
0x43: {  	_ =	shalt  }
0x44: {  	_ =	shalt  }
0x45: {  	_ =	shalt  }
0x46: {  	_ =	shalt  }
0x47: {  	_ =	shalt  }
0x48: {  	_ =	shalt  }
0x49: {  	_ =	shalt  }
0x4a: {  	_ =	shalt  }
0x4b: {  	_ =	shalt  }
0x4c: {  	_ =	shalt  }
0x4d: {  	_ =	shalt  }
0x4e: {  	_ =	shalt  }
0x4f: {  	_ =	shalt  }
0x50: {  	_ =	shalt  }
0x51: {  	_ =	shalt  }
0x52: {  	_ =	shalt  }
0x53: {  	_ =	shalt  }
0x54: {  	_ =	shalt  }
0x55: {  	_ =	shalt  }
0x56: {  	_ =	shalt  }
0x57: {  	_ =	shalt  }
0x58: {  	_ =	shalt  }
0x59: {  	_ =	shalt  }
0x5a: {  	_ =	shalt  }
0x5b: {  	_ =	shalt  }
0x5c: {  	_ =	shalt  }
0x5d: {  	_ =	shalt  }
0x5e: {  	_ =	shalt  }
0x5f: {  	_ =	shalt  }
0x60: {  	_ =	shalt  }
0x61: {  	_ =	shalt  }
0x62: {  	_ =	shalt  }
0x63: {  	_ =	shalt  }
0x64: {  	_ =	shalt  }
0x65: {  	_ =	shalt  }
0x66: {  	_ =	shalt  }
0x67: {  	_ =	shalt  }
0x68: {  	_ =	shalt  }
0x69: {  	_ =	shalt  }
0x6a: {  	_ =	shalt  }
0x6b: {  	_ =	shalt  }
0x6c: {  	_ =	shalt  }
0x6d: {  	_ =	shalt  }
0x6e: {  	_ =	shalt  }
0x6f: {  	_ =	shalt  }
0x70: {  	_ =	shalt  }
0x71: {  	_ =	shalt  }
0x72: {  	_ =	shalt  }
0x73: {  	_ =	shalt  }
0x74: {  	_ =	shalt  }
0x75: {  	_ =	shalt  }
0x76: {  	_ =	shalt  }
0x77: {  	_ =	shalt  }
0x78: {  	_ =	shalt  }
0x79: {  	_ =	shalt  }
0x7a: {  	_ =	shalt  }
0x7b: {  	_ =	shalt  }
0x7c: {  	_ =	shalt  }
0x7d: {  	_ =	shalt  }
0x7e: {  	_ =	shalt  }
0x7f: {  	_ =	shalt  }
0x80: {  	_ =	shalt  }
0x81: {  	_ =	shalt  }
0x82: {  	_ =	shalt  }
0x83: {  	_ =	shalt  }
0x84: {  	_ =	shalt  }
0x85: {  	_ =	shalt  }
0x86: {  	_ =	shalt  }
0x87: {  	_ =	shalt  }
.Lfunc_end0:
.L_simem_size_0:
called_computation_lowered:
.L_overlay_start_0:
0x88: {  	s2 =	sld [smem:$0x3FD9]  }
0x89: {  	s3 =	sld [smem:$0x3FFE];
	_ =	sdelay $0x1  }
0x8a: {  	s1 =	srdreg.scid  }
0x8b: {  	s0 =	sand.u32 $0x1, s1  }
0x8c: {  	s18 =	sshll.u32 s0, $0xA;
	s2 =	sadd.s32 s3, s2  }
0x8d: {  	s2 =	sadd.s32 s2, s18  }
0x8e: {  	[smem:$0x3FC6] =	sst s2  }
0x8f: {  	_ = 	snop  }
0x90: {  	s2 =	sld [smem:$0x3FC9]  }
0x91: {  	s19 =	sld [smem:$0x3FC8]  }
0x92: {  	s4 =	sld [smem:$0x3FD0];
	(tm) =	ssettm $0x1  }
0x93: {  	s5 =	sld [smem:$0x3FFB];
	_ =	sdelay $0x3  }
0x94: {  	_ =	strace s5  }
0x95: {  	s5 =	sld [smem:$0x3FFC];
	_ =	sdelay $0x3  }
0x96: {  	_ =	strace s5  }
0x97: {  	s5 =	sld [smem:$0x3FFD];
	_ =	sdelay $0x3  }
0x98: {  	_ =	strace s5  }
0x99: {  	_ =	strace $0x8FFFFFFF  }
0x9a: {  	s20 =	sld [smem:$0x3FDB];
	_ =	sdelay $0x1  }
0x9b: {  	s6 =	simm.s32 $_scs_section_size  }
0x9c: {  	s7 =	simm.s32 $_size__tile_overlayer_lowered;
	s8 =	simm.s32 $_tile_overlayer_lowered  }
0x9d: {  	s23 =	simm.s32 $0x1BFF;
	s22 =	sshll.u32 s8, $0x1;
	s5 =	sadd.s32 s6, s20  }
0x9e: {  	s9 =	simm.s32 $0x0;
	s21 =	sshll.u32 s7, $0x1;
	s7 =	sadd.s32 s22, s5  }
0x9f: {  	[timem:s9], [sflag:s23] =	dma.local [hbm:s7], s21  }
0xa0: {  	_ =	swait.ge [sflag:s23], s21  }
0xa1: {  	s6 =	ssub.s32 $0x0, s21;
	[sflag:s23] =	ssyncset.done $0x0  }
0xa2: {  	[sflag:s23] =	ssyncadd.s32 s6;
	_ =	sdelay $0x1  }
0xa3: {  	s24 =	simm.s32 $0x1B8B  }
0xa4: {  	_ =	swait.ge [sflag:s24], $0x1  }
0xa5: {  	[sflag:s24] =	ssyncset.done $0x0  }
0xa6: {  	s25 =	simm.s32 $0x1B8E;
	[sflag:s24] =	ssyncadd.s32 $0xFFFFFFFF  }
0xa7: {  	s26 =	simm.s32 $execute0_lowered;
	[smem:$0x3FD2] =	sst s25  }
0xa8: {  	s6 =	sshll.u32 s26, $0x1;
	_ =	strace $0x80000046;
	[dreg:$0x1] =	wrdreg $0xFFFFFFFF  }
0xa9: {  	s28 =	simm.s32 $_size_execute0_lowered;
	s5 =	sadd.s32 s5, s6;
	[dreg:$0x0] =	wrdreg $0x0  }
0xaa: {  	s6 =	sshll.u32 s28, $0x1;
	[dreg:$0x2] =	wrdreg s5  }
0xab: {  	[dreg:$0x3] =	wrdreg s6  }
0xac: {  	[dreg:$0x4] =	wrdreg $0xC0  }
0xad: {  	_ =	task [dreg:s9], $0x5FFFF  }
0xae: {  	[dreg:$0x1] =	wrdreg $0xFFFFFFFF  }
0xaf: {  	[dreg:$0x0] =	wrdreg $0x60  }
0xb0: {  	[dreg:$0x2] =	wrdreg s2  }
0xb1: {  	[dreg:$0x3] =	wrdreg s19  }
0xb2: {  	[dreg:$0x4] =	wrdreg s4  }
0xb3: {  	[dreg:$0x5] =	wrdreg $0x9  }
0xb4: {  	_ =	task.clear_ibuf [dreg:s9], $0x6FFFF;
	_ =	strace $0x90000046  }
0xb5: {  	s29 =	simm.s32 $0x9;
	_ =	strace $0x80000048  }
0xb6: {  	_ =	swait.ge [sflag:s29], $0x1  }
0xb7: {  	[sflag:s29] =	ssyncadd.s32 $0xFFFFFFFF  }
0xb8: {  	_ =	strace $0x90000048  }
0xb9: {  	_ =	sfence  }
0xba: {  	s30 =	sld [smem:$0x0];
	_ =	sdelay $0x2  }
0xbb: {  	s31 =	sshll.u32 s1, $0xD;
	s1 =	sshrl.u32 s1, $0x2  }
0xbc: {  	s3 =	sand.u32 $0x4000, s31;
	s1 =	sadd.s32 s1, s30  }
0xbd: {  	s0 =	sor.u32 s3, s0;
	s1 =	sshll.u32 s1, $0x11  }
0xbe: {  	s0 =	sor.u32 s1, s0  }
0xbf: {  	s0 =	sadd.s32 $0x8F2B, s0  }
0xc0: {  	[sflag:s0] =	ssyncadd.remote.s32 $0x1  }
0xc1: {  	_ =	sfence.sel $0xFFFF  }
0xc2: {  	[dreg:$0x0] =	wrdreg $0xFFFFFFFF;
	(pc) =	sbr.abs _section_cstart, $3  }
0xc3: {  	[dreg:$0x1] =	wrdreg $0xFFFFFFFF  }
0xc4: {  	_ =	task.clear_ibuf [dreg:s9], $0x2FFFF;
	_ =	strace $0x9FFFFFFF  }
0xc5: {  	(tm) =	ssettm $0x7FFFFFFF  }
tec
execute0_lowered:
.L_overlay_start_1:
0x0: {  	(tag) =	ssettag $0x1  }
0x1: {  	s1 =	rddreg [dreg:$0x0]  }
0x2: {  	s7 =	rddreg [dreg:$0x1]  }
0x3: {  	s2 =	rddreg [dreg:$0x2]  }
0x4: {  	s3 =	srdreg.scid;
	s15 =	stileid.u32  }
0x5: {  	s13 =	simm.s32 $0x8000;
	s14 =	simm.s32 $0xC800;
	s16 =	simm.s32 $0x11000  }
0x6: {  	s17 =	simm.s32 $0x5;
	s18 =	simm.s32 $0x11040;
	s19 =	simm.s32 $0x0  }
0x7: {  	s4 =	sand.u32 $0x1, s3;
	s5 =	sshll.u32 s15, $0x1;
	s3 =	simm.s32 $0x0  }
0x8: {  	p0 =	sne.s32 s15, $0x0;
	s15 =	simm.s32 $0x4;
	s6 =	ssub.s32 $0x2, s4  }
0x9: {  	s4 =	sor.u32 s4, s5;
	[smem:$0x7FF] =	sst s3;
	s29 =	sshrl.u32 s6, $0x1  }
0xa: {  	v0 =	vlaneseq.u32;
	s8 =	smul.u32 $0x90, s4;
	_ =	strace $0x80000047;
	s30 =	sshll.u32 s4, $0x8  }
.Ltmp0:
0xb: {  	v0 =	vmul.u32 $0x48, v0;
	s11 =	sshll.u32 s4, $0x4;
	s10 =	ssub.s32 s6, s29;
	(pc) =	sbr.rel .LBB2_1-.Ltmp0, $4  }
0xc: {  	s5 =	sadd.s32 s1, s30;
	s6 =	sor.u32 $0x40, s4;
	s7 =	sadd.s32 s7, s11  }
0xd: {  	v1 =	vadd.s32 $0x480, v0;
	v2 =	vadd.s32 $0x900, v0;
	s11 =	simm.s32 $0x800;
	s9 =	sshrl.u32 s8, $0x3;
	s12 =	sadd.s32 $0x44A9048, s8  }
0xe: {  	v3 =	vadd.s32 $0xD80, v0;
	v4 =	vadd.s32 $0x1200, v0;
	v5 =	vadd.s32 $0x1680, v0;
	s10 =	smax.u32 s10, $0x1;
	s9 =	sadd.s32 s2, s9;
	s31 =	sshrl.u32 s12, $0x3  }
0xf: {  	v6 =	vadd.s32 $0x1B00, v0;
	v7 =	vadd.s32 $0x1F80, v0;
	s12 =	simm.s32 $0x7A1400;
	s8 =	sadd.s32 $0x895200, s9;
	s9 =	sadd.s32 s2, s31  }
.LBB2_9:
0x10: {  	_ =	swait.ge [sflag:s15], $0x4800  }
0x11: {  	[sflag:s15] =	ssyncset.done $0x0  }
0x12: {  	s0 =	simm.s32 @!p0 $0x3;
	[sflag:s15] =	ssyncadd.s32 $0xFFFFB800  }
0x13: {  	_ =	swait.ge @!p0 [sflag:s0], $0x4800  }
0x14: {  	[sflag:s0] =	ssyncset.done @!p0 $0x0  }
0x15: {  	[sflag:s0] =	ssyncadd.s32 @!p0 $0xFFFFB800  }
0x16: {  	[tilespmem:s16], [sflag:$0x5] =	stream.linear.gather [hbm4b:s7+s3], $0x80, $0x38;
	[tilespmem:$0x11080] =	vst v63  }
0x17: {  	_ =	swait.ge [sflag:s17], $0x80  }
0x18: {  	[sflag:s17] =	ssyncset.done $0x0  }
0x19: {  	[sflag:s17] =	ssyncadd.s32 $0xFFFFFF80  }
0x1a: {  	[hbm4b:s8+s3] =	stream.linear.scatter [tilespmem:s16], [sflag:$0x5], $0x40, $0x38;
	[tilespmem:$0x11080] =	vst v63  }
0x1b: {  	s19 =	sadd.s32 $0x1, s19;
	_ =	swait.ge [sflag:s17], $0x40  }
0x1c: {  	p1 =	sne.s32 s19, s10;
	[sflag:s17] =	ssyncset.done $0x0  }
.Ltmp1:
0x1d: {  	[sflag:s17] =	ssyncadd.s32 $0xFFFFFFC0;
	(pc) =	sbr.rel @!p1 .LBB2_10-.Ltmp1, $4  }
0x1e: {  	[hbm4b:s9+s3] =	stream.linear.scatter [tilespmem:s18], [sflag:$0x5], $0x40, $0x38;
	[tilespmem:$0x11080] =	vst v63  }
0x1f: {  	_ =	swait.ge [sflag:s17], $0x40  }
0x20: {  	[sflag:s17] =	ssyncset.done $0x0  }
0x21: {  	[sflag:s17] =	ssyncadd.s32 $0xFFFFFFC0  }
.LBB2_1:
.Ltmp2:
0x22: {  	(pc) =	sbr.rel .LBB2_2-.Ltmp2, $3  }
0x23: {  	_ =	sdelay $0x1  }
0x24: {  	[tilespmem:s3], [sflag:$0x1] =	stream.strided.gather [hbm4b:s5+s11], $0x4000, s12, s11, $0x38;
	[tilespmem:$0x11080] =	vst v63  }
0x25: {  	s20 =	simm.s32 $0x0  }
.LBB2_8:
0x26: {  	s20 =	sadd.s32 $0x1, s20  }
0x27: {  	p1 =	sne.s32 s20, $0x3E  }
.Ltmp3:
0x28: {  	_ = 	snop;
	(pc) =	sbr.rel @!p1 .LBB2_9-.Ltmp3, $1  }
0x29: {  	_ =	sdelay $0x3  }
.LBB2_2:
0x2a: {  	s22 =	sshllo.u32 s20, $0x1  }
0x2b: {  	s21 =	sshll.u32 s22, $0x5  }
0x2c: {  	s21 =	sor.u32 s4, s21  }
0x2d: {  	p1 =	sgt.u32 s21, $0xF41  }
0x2e: {  	s23 =	sshll.u32 @!p1 s21, $0x8;
	s24 =	simm.s32 @!p1 $0x800  }
0x2f: {  	s25 =	simm.s32 @!p1 $0x7A1400;
	s26 =	simm.s32 @!p1 $0x4000;
	s23 =	sadd.s32 @!p1 s1, s23  }
0x30: {  	[tilespmem:s26], [sflag:$0x2] =	stream.strided.gather @!p1 [hbm4b:s23+s24], $0x4000, s25, s24, $0x38;
	[tilespmem:$0x11080] =	vst v63  }
0x31: {  	s23 =	sshll.u32 s20, $0x6  }
0x32: {  	s24 =	sor.u32 s4, s23  }
0x33: {  	p2 =	sgt.u32 s24, $0xF41  }
0x34: {  	s31 =	sshll.u32 s20, $0x1;
	s26 =	simm.s32 @!p2 $0x1  }
0x35: {  	s25 =	sadd.s32 $0xFFFFFFFE, s31;
	_ =	swait.ge @!p2 [sflag:s26], $0x4000  }
.Ltmp4:
0x36: {  	p3 =	sgt.u32 s25, $0x78;
	[sflag:s26] =	ssyncset.done @!p2 $0x0;
	(pc) =	sbr.rel @p2 .LBB2_5-.Ltmp4, $4  }
0x37: {  	s25 =	simm.s32 @!p3 $0x3;
	[sflag:s26] =	ssyncadd.s32 @!p2 $0xFFFFC000  }
0x38: {  	_ =	swait.ge @!p3 [sflag:s25], $0x4800  }
0x39: {  	[sflag:s25] =	ssyncset.done @!p3 $0x0  }
0x3a: {  	[sflag:s25] =	ssyncadd.s32 @!p3 $0xFFFFB800;
	s25 =	simm.s32 $0x0  }
.LBB2_3:
0x3b: {  	s26 =	sshll.u32 s25, $0xB  }
0x3c: {  	s28 =	sand.u32 $0x3FFFF800, s26  }
0x3d: {  	v8 =	vld [tilespmem:s28+$0x0]  }
0x3e: {  	s30 =	sshll.u32 s25, $0x3;
	v9 =	vld [tilespmem:s28+$0x10]  }
0x3f: {  	v12 =	vadd.s32 s30, v0;
	v10 =	vld [tilespmem:s28+$0x20]  }
0x40: {  	v14 =	vadd.s32 s30, v1;
	v11 =	vld [tilespmem:s28+$0x30]  }
0x41: {  	v16 =	vadd.s32 s30, v2;
	v13 =	vld [tilespmem:s28+$0x40]  }
0x42: {  	v18 =	vadd.s32 s30, v3;
	v15 =	vld [tilespmem:s28+$0x50]  }
0x43: {  	v20 =	vadd.s32 s30, v4;
	v17 =	vld [tilespmem:s28+$0x60]  }
0x44: {  	v19 =	vld [tilespmem:s28+$0x70];
	[tilespmem:v12+s13+$0x0] =	vst.idx.msk $0xffff, v8  }
0x45: {  	[tilespmem:v14+s13+$0x0] =	vst.idx.msk $0xffff, v9  }
0x46: {  	s31 =	sor.u32 $0x1, s25;
	[tilespmem:v16+s13+$0x0] =	vst.idx.msk $0xffff, v10  }
0x47: {  	s29 =	sshll.u32 s31, $0xB;
	[tilespmem:v18+s13+$0x0] =	vst.idx.msk $0xffff, v11  }
0x48: {  	s26 =	sand.u32 $0x3FFFF800, s29;
	[tilespmem:v20+s13+$0x0] =	vst.idx.msk $0xffff, v13  }
0x49: {  	v8 =	vadd.s32 s30, v5;
	v28 =	vld [tilespmem:s26+$0x0]  }
0x4a: {  	v29 =	vadd.s32 s30, v6;
	v30 =	vld [tilespmem:s26+$0x10]  }
0x4b: {  	v31 =	vadd.s32 s30, v7;
	s29 =	sshll.u32 s31, $0x3;
	v13 =	vld [tilespmem:s26+$0x20]  }
0x4c: {  	v33 =	vadd.s32 s29, v0;
	v32 =	vld [tilespmem:s26+$0x30]  }
0x4d: {  	v35 =	vadd.s32 s29, v1;
	v34 =	vld [tilespmem:s26+$0x40]  }
0x4e: {  	v36 =	vadd.s32 s29, v2;
	v37 =	vld [tilespmem:s26+$0x60];
	[tilespmem:v8+s13+$0x0] =	vst.idx.msk $0xffff, v15  }
0x4f: {  	v38 =	vadd.s32 s29, v3;
	v39 =	vld [tilespmem:s26+$0x70];
	[tilespmem:v29+s13+$0x0] =	vst.idx.msk $0xffff, v17  }
0x50: {  	v40 =	vadd.s32 s29, v4;
	v8 =	vld [tilespmem:s26+$0x50];
	[tilespmem:v31+s13+$0x0] =	vst.idx.msk $0xffff, v19  }
0x51: {  	v22 =	vadd.s32 s29, v5;
	v21 =	vld [tilespmem:s28+$0x400];
	[tilespmem:v33+s13+$0x0] =	vst.idx.msk $0xffff, v28  }
0x52: {  	v42 =	vadd.s32 s29, v6;
	v41 =	vld [tilespmem:s28+$0x410];
	[tilespmem:v35+s13+$0x0] =	vst.idx.msk $0xffff, v30  }
0x53: {  	s0 =	sor.u32 $0x2400, s30;
	v44 =	vadd.s32 s29, v7;
	v43 =	vld [tilespmem:s28+$0x420];
	[tilespmem:v36+s13+$0x0] =	vst.idx.msk $0xffff, v13  }
0x54: {  	v46 =	vadd.s32 s0, v0;
	v45 =	vld [tilespmem:s28+$0x430];
	[tilespmem:v38+s13+$0x0] =	vst.idx.msk $0xffff, v32  }
0x55: {  	v48 =	vadd.s32 s0, v1;
	v47 =	vld [tilespmem:s28+$0x440];
	[tilespmem:v40+s13+$0x0] =	vst.idx.msk $0xffff, v34  }
0x56: {  	v50 =	vadd.s32 s0, v2;
	v49 =	vld [tilespmem:s28+$0x450];
	[tilespmem:v22+s13+$0x0] =	vst.idx.msk $0xffff, v8  }
0x57: {  	v51 =	vadd.s32 s0, v3;
	v52 =	vld [tilespmem:s28+$0x470];
	[tilespmem:v42+s13+$0x0] =	vst.idx.msk $0xffff, v37  }
0x58: {  	v53 =	vadd.s32 s0, v4;
	v8 =	vld [tilespmem:s28+$0x460];
	[tilespmem:v44+s13+$0x0] =	vst.idx.msk $0xffff, v39  }
0x59: {  	v54 =	vadd.s32 s0, v5;
	[tilespmem:v46+s13+$0x0] =	vst.idx.msk $0xffff, v21;
	v55 =	vld [tilespmem:s26+$0x400]  }
0x5a: {  	v56 =	vadd.s32 s0, v6;
	[tilespmem:v48+s13+$0x0] =	vst.idx.msk $0xffff, v41;
	v57 =	vld [tilespmem:s26+$0x410]  }
0x5b: {  	v58 =	vadd.s32 s0, v7;
	s0 =	sor.u32 $0x2400, s29;
	[tilespmem:v50+s13+$0x0] =	vst.idx.msk $0xffff, v43;
	v59 =	vld [tilespmem:s26+$0x420]  }
0x5c: {  	v61 =	vadd.s32 s0, v0;
	[tilespmem:v51+s13+$0x0] =	vst.idx.msk $0xffff, v45;
	v60 =	vld [tilespmem:s26+$0x430]  }
0x5d: {  	v63 =	vadd.s32 s0, v1;
	v62 =	vld [tilespmem:s26+$0x440];
	[tilespmem:v53+s13+$0x0] =	vst.idx.msk $0xffff, v47  }
0x5e: {  	v25 =	vadd.s32 s0, v2;
	v24 =	vld [tilespmem:s26+$0x450];
	[tilespmem:v54+s13+$0x0] =	vst.idx.msk $0xffff, v49  }
0x5f: {  	v26 =	vadd.s32 s0, v3;
	v27 =	vld [tilespmem:s26+$0x470];
	[tilespmem:v56+s13+$0x0] =	vst.idx.msk $0xffff, v8  }
0x60: {  	v28 =	vadd.s32 s0, v4;
	v8 =	vld [tilespmem:s26+$0x460];
	[tilespmem:v58+s13+$0x0] =	vst.idx.msk $0xffff, v52  }
0x61: {  	v29 =	vadd.s32 s0, v5;
	v21 =	vld [tilespmem:s28+$0x80];
	[tilespmem:v61+s13+$0x0] =	vst.idx.msk $0xffff, v55  }
0x62: {  	v31 =	vadd.s32 s0, v6;
	v30 =	vld [tilespmem:s28+$0x90];
	[tilespmem:v63+s13+$0x0] =	vst.idx.msk $0xffff, v57  }
0x63: {  	v32 =	vadd.s32 s0, v7;
	s0 =	sor.u32 $0x1, s30;
	v33 =	vld [tilespmem:s28+$0xA0];
	[tilespmem:v25+s13+$0x0] =	vst.idx.msk $0xffff, v59  }
0x64: {  	v35 =	vadd.s32 s0, v0;
	v34 =	vld [tilespmem:s28+$0xB0];
	[tilespmem:v26+s13+$0x0] =	vst.idx.msk $0xffff, v60  }
0x65: {  	v37 =	vadd.s32 s0, v1;
	v36 =	vld [tilespmem:s28+$0xC0];
	[tilespmem:v28+s13+$0x0] =	vst.idx.msk $0xffff, v62  }
0x66: {  	v39 =	vadd.s32 s0, v2;
	v38 =	vld [tilespmem:s28+$0xD0];
	[tilespmem:v29+s13+$0x0] =	vst.idx.msk $0xffff, v24  }
0x67: {  	v41 =	vadd.s32 s0, v3;
	v40 =	vld [tilespmem:s28+$0xE0];
	[tilespmem:v31+s13+$0x0] =	vst.idx.msk $0xffff, v8  }
0x68: {  	v42 =	vadd.s32 s0, v4;
	v8 =	vld [tilespmem:s28+$0xF0];
	[tilespmem:v32+s13+$0x0] =	vst.idx.msk $0xffff, v27  }
0x69: {  	v43 =	vadd.s32 s0, v5;
	[tilespmem:v35+s13+$0x0] =	vst.idx.msk $0xffff, v21;
	v10 =	vld [tilespmem:s26+$0x80]  }
0x6a: {  	v44 =	vadd.s32 s0, v6;
	[tilespmem:v37+s13+$0x0] =	vst.idx.msk $0xffff, v30;
	v45 =	vld [tilespmem:s26+$0x90]  }
0x6b: {  	v46 =	vadd.s32 s0, v7;
	s0 =	sor.u32 $0x1, s29;
	[tilespmem:v39+s13+$0x0] =	vst.idx.msk $0xffff, v33;
	v47 =	vld [tilespmem:s26+$0xA0]  }
0x6c: {  	v49 =	vadd.s32 s0, v0;
	v48 =	vld [tilespmem:s26+$0xB0];
	[tilespmem:v41+s13+$0x0] =	vst.idx.msk $0xffff, v34  }
0x6d: {  	v51 =	vadd.s32 s0, v1;
	v50 =	vld [tilespmem:s26+$0xC0];
	[tilespmem:v42+s13+$0x0] =	vst.idx.msk $0xffff, v36  }
0x6e: {  	v53 =	vadd.s32 s0, v2;
	v52 =	vld [tilespmem:s26+$0xD0];
	[tilespmem:v43+s13+$0x0] =	vst.idx.msk $0xffff, v38  }
0x6f: {  	v55 =	vadd.s32 s0, v3;
	v54 =	vld [tilespmem:s26+$0xE0];
	[tilespmem:v44+s13+$0x0] =	vst.idx.msk $0xffff, v40  }
0x70: {  	v56 =	vadd.s32 s0, v4;
	[tilespmem:v46+s13+$0x0] =	vst.idx.msk $0xffff, v8;
	v8 =	vld [tilespmem:s26+$0xF0]  }
0x71: {  	v57 =	vadd.s32 s0, v5;
	[tilespmem:v49+s13+$0x0] =	vst.idx.msk $0xffff, v10;
	v21 =	vld [tilespmem:s28+$0x480]  }
0x72: {  	v59 =	vadd.s32 s0, v6;
	v58 =	vld [tilespmem:s28+$0x490];
	[tilespmem:v51+s13+$0x0] =	vst.idx.msk $0xffff, v45  }
0x73: {  	v60 =	vadd.s32 s0, v7;
	s0 =	sor.u32 $0x2401, s30;
	v61 =	vld [tilespmem:s28+$0x4A0];
	[tilespmem:v53+s13+$0x0] =	vst.idx.msk $0xffff, v47  }
0x74: {  	v63 =	vadd.s32 s0, v0;
	v62 =	vld [tilespmem:s28+$0x4B0];
	[tilespmem:v55+s13+$0x0] =	vst.idx.msk $0xffff, v48  }
0x75: {  	v25 =	vadd.s32 s0, v1;
	v24 =	vld [tilespmem:s28+$0x4C0];
	[tilespmem:v56+s13+$0x0] =	vst.idx.msk $0xffff, v50  }
0x76: {  	v27 =	vadd.s32 s0, v2;
	v26 =	vld [tilespmem:s28+$0x4D0];
	[tilespmem:v57+s13+$0x0] =	vst.idx.msk $0xffff, v52  }
0x77: {  	v29 =	vadd.s32 s0, v3;
	v28 =	vld [tilespmem:s28+$0x4E0];
	[tilespmem:v59+s13+$0x0] =	vst.idx.msk $0xffff, v54  }
0x78: {  	v31 =	vadd.s32 s0, v4;
	v30 =	vld [tilespmem:s28+$0x4F0];
	[tilespmem:v60+s13+$0x0] =	vst.idx.msk $0xffff, v8  }
0x79: {  	[tilespmem:v63+s13+$0x0] =	vst.idx.msk $0xffff, v21;
	v8 =	vadd.s32 s0, v5;
	v15 =	vld [tilespmem:s26+$0x480]  }
0x7a: {  	v32 =	vadd.s32 s0, v6;
	[tilespmem:v25+s13+$0x0] =	vst.idx.msk $0xffff, v58;
	v33 =	vld [tilespmem:s26+$0x490]  }
0x7b: {  	v34 =	vadd.s32 s0, v7;
	s0 =	sor.u32 $0x2401, s29;
	[tilespmem:v27+s13+$0x0] =	vst.idx.msk $0xffff, v61;
	v35 =	vld [tilespmem:s26+$0x4A0]  }
0x7c: {  	v36 =	vld [tilespmem:s26+$0x4B0];
	v37 =	vadd.s32 s0, v0;
	[tilespmem:v29+s13+$0x0] =	vst.idx.msk $0xffff, v62  }
0x7d: {  	v38 =	vld [tilespmem:s26+$0x4C0];
	v39 =	vadd.s32 s0, v1;
	[tilespmem:v31+s13+$0x0] =	vst.idx.msk $0xffff, v24  }
0x7e: {  	v40 =	vadd.s32 s0, v2;
	v41 =	vld [tilespmem:s26+$0x4E0];
	[tilespmem:v8+s13+$0x0] =	vst.idx.msk $0xffff, v26  }
0x7f: {  	v42 =	vadd.s32 s0, v3;
	v43 =	vld [tilespmem:s26+$0x4F0];
	[tilespmem:v32+s13+$0x0] =	vst.idx.msk $0xffff, v28  }
0x80: {  	v44 =	vadd.s32 s0, v4;
	v8 =	vld [tilespmem:s26+$0x4D0];
	[tilespmem:v34+s13+$0x0] =	vst.idx.msk $0xffff, v30  }
0x81: {  	v45 =	vadd.s32 s0, v5;
	[tilespmem:v37+s13+$0x0] =	vst.idx.msk $0xffff, v15;
	v21 =	vld [tilespmem:s28+$0x100]  }
0x82: {  	v47 =	vadd.s32 s0, v6;
	[tilespmem:v39+s13+$0x0] =	vst.idx.msk $0xffff, v33;
	v46 =	vld [tilespmem:s28+$0x110]  }
0x83: {  	v48 =	vadd.s32 s0, v7;
	s0 =	sor.u32 $0x2, s30;
	v49 =	vld [tilespmem:s28+$0x120];
	[tilespmem:v40+s13+$0x0] =	vst.idx.msk $0xffff, v35  }
0x84: {  	v51 =	vadd.s32 s0, v0;
	v50 =	vld [tilespmem:s28+$0x130];
	[tilespmem:v42+s13+$0x0] =	vst.idx.msk $0xffff, v36  }
0x85: {  	v53 =	vadd.s32 s0, v1;
	v52 =	vld [tilespmem:s28+$0x140];
	[tilespmem:v44+s13+$0x0] =	vst.idx.msk $0xffff, v38  }
0x86: {  	v55 =	vadd.s32 s0, v2;
	v54 =	vld [tilespmem:s28+$0x150];
	[tilespmem:v45+s13+$0x0] =	vst.idx.msk $0xffff, v8  }
0x87: {  	v56 =	vadd.s32 s0, v3;
	v57 =	vld [tilespmem:s28+$0x170];
	[tilespmem:v47+s13+$0x0] =	vst.idx.msk $0xffff, v41  }
0x88: {  	v58 =	vadd.s32 s0, v4;
	v8 =	vld [tilespmem:s28+$0x160];
	[tilespmem:v48+s13+$0x0] =	vst.idx.msk $0xffff, v43  }
0x89: {  	v59 =	vadd.s32 s0, v5;
	[tilespmem:v51+s13+$0x0] =	vst.idx.msk $0xffff, v21;
	v12 =	vld [tilespmem:s26+$0x100]  }
0x8a: {  	v60 =	vadd.s32 s0, v6;
	[tilespmem:v53+s13+$0x0] =	vst.idx.msk $0xffff, v46;
	v61 =	vld [tilespmem:s26+$0x110]  }
0x8b: {  	v62 =	vadd.s32 s0, v7;
	s0 =	sor.u32 $0x2, s29;
	v63 =	vld [tilespmem:s26+$0x120];
	[tilespmem:v55+s13+$0x0] =	vst.idx.msk $0xffff, v49  }
0x8c: {  	v25 =	vadd.s32 s0, v0;
	v24 =	vld [tilespmem:s26+$0x130];
	[tilespmem:v56+s13+$0x0] =	vst.idx.msk $0xffff, v50  }
0x8d: {  	v27 =	vadd.s32 s0, v1;
	v26 =	vld [tilespmem:s26+$0x140];
	[tilespmem:v58+s13+$0x0] =	vst.idx.msk $0xffff, v52  }
0x8e: {  	v29 =	vadd.s32 s0, v2;
	v28 =	vld [tilespmem:s26+$0x150];
	[tilespmem:v59+s13+$0x0] =	vst.idx.msk $0xffff, v54  }
0x8f: {  	v30 =	vadd.s32 s0, v3;
	v31 =	vld [tilespmem:s26+$0x170];
	[tilespmem:v60+s13+$0x0] =	vst.idx.msk $0xffff, v8  }
0x90: {  	v32 =	vadd.s32 s0, v4;
	v8 =	vld [tilespmem:s26+$0x160];
	[tilespmem:v62+s13+$0x0] =	vst.idx.msk $0xffff, v57  }
0x91: {  	v33 =	vadd.s32 s0, v5;
	[tilespmem:v25+s13+$0x0] =	vst.idx.msk $0xffff, v12;
	v21 =	vld [tilespmem:s28+$0x500]  }
0x92: {  	v35 =	vadd.s32 s0, v6;
	[tilespmem:v27+s13+$0x0] =	vst.idx.msk $0xffff, v61;
	v34 =	vld [tilespmem:s28+$0x510]  }
0x93: {  	v36 =	vadd.s32 s0, v7;
	s0 =	sor.u32 $0x2402, s30;
	v37 =	vld [tilespmem:s28+$0x520];
	[tilespmem:v29+s13+$0x0] =	vst.idx.msk $0xffff, v63  }
0x94: {  	v39 =	vadd.s32 s0, v0;
	v38 =	vld [tilespmem:s28+$0x530];
	[tilespmem:v30+s13+$0x0] =	vst.idx.msk $0xffff, v24  }
0x95: {  	v41 =	vadd.s32 s0, v1;
	v40 =	vld [tilespmem:s28+$0x540];
	[tilespmem:v32+s13+$0x0] =	vst.idx.msk $0xffff, v26  }
0x96: {  	v43 =	vadd.s32 s0, v2;
	v42 =	vld [tilespmem:s28+$0x550];
	[tilespmem:v33+s13+$0x0] =	vst.idx.msk $0xffff, v28  }
0x97: {  	v45 =	vadd.s32 s0, v3;
	v44 =	vld [tilespmem:s28+$0x560];
	[tilespmem:v35+s13+$0x0] =	vst.idx.msk $0xffff, v8  }
0x98: {  	v46 =	vadd.s32 s0, v4;
	v8 =	vld [tilespmem:s28+$0x570];
	[tilespmem:v36+s13+$0x0] =	vst.idx.msk $0xffff, v31  }
0x99: {  	v47 =	vadd.s32 s0, v5;
	[tilespmem:v39+s13+$0x0] =	vst.idx.msk $0xffff, v21;
	v15 =	vld [tilespmem:s26+$0x500]  }
0x9a: {  	v48 =	vadd.s32 s0, v6;
	[tilespmem:v41+s13+$0x0] =	vst.idx.msk $0xffff, v34;
	v49 =	vld [tilespmem:s26+$0x510]  }
0x9b: {  	v50 =	vadd.s32 s0, v7;
	s0 =	sor.u32 $0x2402, s29;
	v51 =	vld [tilespmem:s26+$0x520];
	[tilespmem:v43+s13+$0x0] =	vst.idx.msk $0xffff, v37  }
0x9c: {  	v53 =	vadd.s32 s0, v0;
	v52 =	vld [tilespmem:s26+$0x530];
	[tilespmem:v45+s13+$0x0] =	vst.idx.msk $0xffff, v38  }
0x9d: {  	v55 =	vadd.s32 s0, v1;
	v54 =	vld [tilespmem:s26+$0x540];
	[tilespmem:v46+s13+$0x0] =	vst.idx.msk $0xffff, v40  }
0x9e: {  	v57 =	vadd.s32 s0, v2;
	v56 =	vld [tilespmem:s26+$0x550];
	[tilespmem:v47+s13+$0x0] =	vst.idx.msk $0xffff, v42  }
0x9f: {  	v59 =	vadd.s32 s0, v3;
	v58 =	vld [tilespmem:s26+$0x560];
	[tilespmem:v48+s13+$0x0] =	vst.idx.msk $0xffff, v44  }
0xa0: {  	v60 =	vadd.s32 s0, v4;
	[tilespmem:v50+s13+$0x0] =	vst.idx.msk $0xffff, v8;
	v8 =	vld [tilespmem:s26+$0x570]  }
0xa1: {  	v61 =	vadd.s32 s0, v5;
	[tilespmem:v53+s13+$0x0] =	vst.idx.msk $0xffff, v15;
	v21 =	vld [tilespmem:s28+$0x180]  }
0xa2: {  	v63 =	vadd.s32 s0, v6;
	v62 =	vld [tilespmem:s28+$0x190];
	[tilespmem:v55+s13+$0x0] =	vst.idx.msk $0xffff, v49  }
0xa3: {  	v24 =	vadd.s32 s0, v7;
	s0 =	sor.u32 $0x3, s30;
	v25 =	vld [tilespmem:s28+$0x1A0];
	[tilespmem:v57+s13+$0x0] =	vst.idx.msk $0xffff, v51  }
0xa4: {  	v27 =	vadd.s32 s0, v0;
	v26 =	vld [tilespmem:s28+$0x1B0];
	[tilespmem:v59+s13+$0x0] =	vst.idx.msk $0xffff, v52  }
0xa5: {  	v29 =	vadd.s32 s0, v1;
	v28 =	vld [tilespmem:s28+$0x1C0];
	[tilespmem:v60+s13+$0x0] =	vst.idx.msk $0xffff, v54  }
0xa6: {  	v31 =	vadd.s32 s0, v2;
	v30 =	vld [tilespmem:s28+$0x1D0];
	[tilespmem:v61+s13+$0x0] =	vst.idx.msk $0xffff, v56  }
0xa7: {  	v33 =	vadd.s32 s0, v3;
	v32 =	vld [tilespmem:s28+$0x1E0];
	[tilespmem:v63+s13+$0x0] =	vst.idx.msk $0xffff, v58  }
0xa8: {  	v35 =	vadd.s32 s0, v4;
	v34 =	vld [tilespmem:s28+$0x1F0];
	[tilespmem:v24+s13+$0x0] =	vst.idx.msk $0xffff, v8  }
0xa9: {  	[tilespmem:v27+s13+$0x0] =	vst.idx.msk $0xffff, v21;
	v8 =	vadd.s32 s0, v5;
	v12 =	vld [tilespmem:s26+$0x180]  }
0xaa: {  	v36 =	vadd.s32 s0, v6;
	[tilespmem:v29+s13+$0x0] =	vst.idx.msk $0xffff, v62;
	v37 =	vld [tilespmem:s26+$0x190]  }
0xab: {  	v38 =	vadd.s32 s0, v7;
	s0 =	sor.u32 $0x3, s29;
	[tilespmem:v31+s13+$0x0] =	vst.idx.msk $0xffff, v25;
	v39 =	vld [tilespmem:s26+$0x1A0]  }
0xac: {  	v40 =	vld [tilespmem:s26+$0x1B0];
	v41 =	vadd.s32 s0, v0;
	[tilespmem:v33+s13+$0x0] =	vst.idx.msk $0xffff, v26  }
0xad: {  	v42 =	vld [tilespmem:s26+$0x1C0];
	v43 =	vadd.s32 s0, v1;
	[tilespmem:v35+s13+$0x0] =	vst.idx.msk $0xffff, v28  }
0xae: {  	v44 =	vadd.s32 s0, v2;
	v45 =	vld [tilespmem:s26+$0x1E0];
	[tilespmem:v8+s13+$0x0] =	vst.idx.msk $0xffff, v30  }
0xaf: {  	v46 =	vadd.s32 s0, v3;
	v47 =	vld [tilespmem:s26+$0x1F0];
	[tilespmem:v36+s13+$0x0] =	vst.idx.msk $0xffff, v32  }
0xb0: {  	v48 =	vadd.s32 s0, v4;
	v8 =	vld [tilespmem:s26+$0x1D0];
	[tilespmem:v38+s13+$0x0] =	vst.idx.msk $0xffff, v34  }
0xb1: {  	v49 =	vadd.s32 s0, v5;
	[tilespmem:v41+s13+$0x0] =	vst.idx.msk $0xffff, v12;
	v21 =	vld [tilespmem:s28+$0x580]  }
0xb2: {  	v51 =	vadd.s32 s0, v6;
	[tilespmem:v43+s13+$0x0] =	vst.idx.msk $0xffff, v37;
	v50 =	vld [tilespmem:s28+$0x590]  }
0xb3: {  	v52 =	vadd.s32 s0, v7;
	s0 =	sor.u32 $0x2403, s30;
	v53 =	vld [tilespmem:s28+$0x5A0];
	[tilespmem:v44+s13+$0x0] =	vst.idx.msk $0xffff, v39  }
0xb4: {  	v55 =	vadd.s32 s0, v0;
	v54 =	vld [tilespmem:s28+$0x5B0];
	[tilespmem:v46+s13+$0x0] =	vst.idx.msk $0xffff, v40  }
0xb5: {  	v57 =	vadd.s32 s0, v1;
	v56 =	vld [tilespmem:s28+$0x5C0];
	[tilespmem:v48+s13+$0x0] =	vst.idx.msk $0xffff, v42  }
0xb6: {  	v59 =	vadd.s32 s0, v2;
	v58 =	vld [tilespmem:s28+$0x5D0];
	[tilespmem:v49+s13+$0x0] =	vst.idx.msk $0xffff, v8  }
0xb7: {  	v60 =	vadd.s32 s0, v3;
	v61 =	vld [tilespmem:s28+$0x5F0];
	[tilespmem:v51+s13+$0x0] =	vst.idx.msk $0xffff, v45  }
0xb8: {  	v62 =	vadd.s32 s0, v4;
	v8 =	vld [tilespmem:s28+$0x5E0];
	[tilespmem:v52+s13+$0x0] =	vst.idx.msk $0xffff, v47  }
0xb9: {  	v63 =	vadd.s32 s0, v5;
	[tilespmem:v55+s13+$0x0] =	vst.idx.msk $0xffff, v21;
	v15 =	vld [tilespmem:s26+$0x580]  }
0xba: {  	v24 =	vadd.s32 s0, v6;
	[tilespmem:v57+s13+$0x0] =	vst.idx.msk $0xffff, v50;
	v25 =	vld [tilespmem:s26+$0x590]  }
0xbb: {  	v26 =	vadd.s32 s0, v7;
	s0 =	sor.u32 $0x2403, s29;
	v27 =	vld [tilespmem:s26+$0x5A0];
	[tilespmem:v59+s13+$0x0] =	vst.idx.msk $0xffff, v53  }
0xbc: {  	v29 =	vadd.s32 s0, v0;
	v28 =	vld [tilespmem:s26+$0x5B0];
	[tilespmem:v60+s13+$0x0] =	vst.idx.msk $0xffff, v54  }
0xbd: {  	v31 =	vadd.s32 s0, v1;
	v30 =	vld [tilespmem:s26+$0x5C0];
	[tilespmem:v62+s13+$0x0] =	vst.idx.msk $0xffff, v56  }
0xbe: {  	v33 =	vadd.s32 s0, v2;
	v32 =	vld [tilespmem:s26+$0x5D0];
	[tilespmem:v63+s13+$0x0] =	vst.idx.msk $0xffff, v58  }
0xbf: {  	v34 =	vadd.s32 s0, v3;
	v35 =	vld [tilespmem:s26+$0x5F0];
	[tilespmem:v24+s13+$0x0] =	vst.idx.msk $0xffff, v8  }
0xc0: {  	v36 =	vadd.s32 s0, v4;
	v8 =	vld [tilespmem:s26+$0x5E0];
	[tilespmem:v26+s13+$0x0] =	vst.idx.msk $0xffff, v61  }
0xc1: {  	v37 =	vadd.s32 s0, v5;
	[tilespmem:v29+s13+$0x0] =	vst.idx.msk $0xffff, v15;
	v21 =	vld [tilespmem:s28+$0x200]  }
0xc2: {  	v39 =	vadd.s32 s0, v6;
	[tilespmem:v31+s13+$0x0] =	vst.idx.msk $0xffff, v25;
	v38 =	vld [tilespmem:s28+$0x210]  }
0xc3: {  	v40 =	vadd.s32 s0, v7;
	s0 =	sor.u32 $0x4, s30;
	v41 =	vld [tilespmem:s28+$0x220];
	[tilespmem:v33+s13+$0x0] =	vst.idx.msk $0xffff, v27  }
0xc4: {  	v43 =	vadd.s32 s0, v0;
	v42 =	vld [tilespmem:s28+$0x230];
	[tilespmem:v34+s13+$0x0] =	vst.idx.msk $0xffff, v28  }
0xc5: {  	v45 =	vadd.s32 s0, v1;
	v44 =	vld [tilespmem:s28+$0x240];
	[tilespmem:v36+s13+$0x0] =	vst.idx.msk $0xffff, v30  }
0xc6: {  	v47 =	vadd.s32 s0, v2;
	v46 =	vld [tilespmem:s28+$0x250];
	[tilespmem:v37+s13+$0x0] =	vst.idx.msk $0xffff, v32  }
0xc7: {  	v49 =	vadd.s32 s0, v3;
	v48 =	vld [tilespmem:s28+$0x260];
	[tilespmem:v39+s13+$0x0] =	vst.idx.msk $0xffff, v8  }
0xc8: {  	v50 =	vadd.s32 s0, v4;
	v8 =	vld [tilespmem:s28+$0x270];
	[tilespmem:v40+s13+$0x0] =	vst.idx.msk $0xffff, v35  }
0xc9: {  	v51 =	vadd.s32 s0, v5;
	[tilespmem:v43+s13+$0x0] =	vst.idx.msk $0xffff, v21;
	v12 =	vld [tilespmem:s26+$0x200]  }
0xca: {  	v52 =	vadd.s32 s0, v6;
	[tilespmem:v45+s13+$0x0] =	vst.idx.msk $0xffff, v38;
	v53 =	vld [tilespmem:s26+$0x210]  }
0xcb: {  	v54 =	vadd.s32 s0, v7;
	s0 =	sor.u32 $0x4, s29;
	v55 =	vld [tilespmem:s26+$0x220];
	[tilespmem:v47+s13+$0x0] =	vst.idx.msk $0xffff, v41  }
0xcc: {  	v57 =	vadd.s32 s0, v0;
	v56 =	vld [tilespmem:s26+$0x230];
	[tilespmem:v49+s13+$0x0] =	vst.idx.msk $0xffff, v42  }
0xcd: {  	v59 =	vadd.s32 s0, v1;
	v58 =	vld [tilespmem:s26+$0x240];
	[tilespmem:v50+s13+$0x0] =	vst.idx.msk $0xffff, v44  }
0xce: {  	v61 =	vadd.s32 s0, v2;
	v60 =	vld [tilespmem:s26+$0x250];
	[tilespmem:v51+s13+$0x0] =	vst.idx.msk $0xffff, v46  }
0xcf: {  	v63 =	vadd.s32 s0, v3;
	v62 =	vld [tilespmem:s26+$0x260];
	[tilespmem:v52+s13+$0x0] =	vst.idx.msk $0xffff, v48  }
0xd0: {  	v24 =	vadd.s32 s0, v4;
	[tilespmem:v54+s13+$0x0] =	vst.idx.msk $0xffff, v8;
	v8 =	vld [tilespmem:s26+$0x270]  }
0xd1: {  	v25 =	vadd.s32 s0, v5;
	[tilespmem:v57+s13+$0x0] =	vst.idx.msk $0xffff, v12;
	v21 =	vld [tilespmem:s28+$0x600]  }
0xd2: {  	v27 =	vadd.s32 s0, v6;
	v26 =	vld [tilespmem:s28+$0x610];
	[tilespmem:v59+s13+$0x0] =	vst.idx.msk $0xffff, v53  }
0xd3: {  	v28 =	vadd.s32 s0, v7;
	s0 =	sor.u32 $0x2404, s30;
	v29 =	vld [tilespmem:s28+$0x620];
	[tilespmem:v61+s13+$0x0] =	vst.idx.msk $0xffff, v55  }
0xd4: {  	v31 =	vadd.s32 s0, v0;
	v30 =	vld [tilespmem:s28+$0x630];
	[tilespmem:v63+s13+$0x0] =	vst.idx.msk $0xffff, v56  }
0xd5: {  	v33 =	vadd.s32 s0, v1;
	v32 =	vld [tilespmem:s28+$0x640];
	[tilespmem:v24+s13+$0x0] =	vst.idx.msk $0xffff, v58  }
0xd6: {  	v35 =	vadd.s32 s0, v2;
	v34 =	vld [tilespmem:s28+$0x650];
	[tilespmem:v25+s13+$0x0] =	vst.idx.msk $0xffff, v60  }
0xd7: {  	v37 =	vadd.s32 s0, v3;
	v36 =	vld [tilespmem:s28+$0x660];
	[tilespmem:v27+s13+$0x0] =	vst.idx.msk $0xffff, v62  }
0xd8: {  	v39 =	vadd.s32 s0, v4;
	v38 =	vld [tilespmem:s28+$0x670];
	[tilespmem:v28+s13+$0x0] =	vst.idx.msk $0xffff, v8  }
0xd9: {  	[tilespmem:v31+s13+$0x0] =	vst.idx.msk $0xffff, v21;
	v8 =	vadd.s32 s0, v5;
	v15 =	vld [tilespmem:s26+$0x600]  }
0xda: {  	v40 =	vadd.s32 s0, v6;
	[tilespmem:v33+s13+$0x0] =	vst.idx.msk $0xffff, v26;
	v41 =	vld [tilespmem:s26+$0x610]  }
0xdb: {  	v42 =	vadd.s32 s0, v7;
	s0 =	sor.u32 $0x2404, s29;
	[tilespmem:v35+s13+$0x0] =	vst.idx.msk $0xffff, v29;
	v43 =	vld [tilespmem:s26+$0x620]  }
0xdc: {  	v44 =	vld [tilespmem:s26+$0x630];
	v45 =	vadd.s32 s0, v0;
	[tilespmem:v37+s13+$0x0] =	vst.idx.msk $0xffff, v30  }
0xdd: {  	v46 =	vld [tilespmem:s26+$0x640];
	v47 =	vadd.s32 s0, v1;
	[tilespmem:v39+s13+$0x0] =	vst.idx.msk $0xffff, v32  }
0xde: {  	v48 =	vadd.s32 s0, v2;
	v49 =	vld [tilespmem:s26+$0x660];
	[tilespmem:v8+s13+$0x0] =	vst.idx.msk $0xffff, v34  }
0xdf: {  	v50 =	vadd.s32 s0, v3;
	v51 =	vld [tilespmem:s26+$0x670];
	[tilespmem:v40+s13+$0x0] =	vst.idx.msk $0xffff, v36  }
0xe0: {  	v52 =	vadd.s32 s0, v4;
	v8 =	vld [tilespmem:s26+$0x650];
	[tilespmem:v42+s13+$0x0] =	vst.idx.msk $0xffff, v38  }
0xe1: {  	v53 =	vadd.s32 s0, v5;
	[tilespmem:v45+s13+$0x0] =	vst.idx.msk $0xffff, v15;
	v21 =	vld [tilespmem:s28+$0x280]  }
0xe2: {  	v55 =	vadd.s32 s0, v6;
	[tilespmem:v47+s13+$0x0] =	vst.idx.msk $0xffff, v41;
	v54 =	vld [tilespmem:s28+$0x290]  }
0xe3: {  	v56 =	vadd.s32 s0, v7;
	s0 =	sor.u32 $0x5, s30;
	v57 =	vld [tilespmem:s28+$0x2A0];
	[tilespmem:v48+s13+$0x0] =	vst.idx.msk $0xffff, v43  }
0xe4: {  	v59 =	vadd.s32 s0, v0;
	v58 =	vld [tilespmem:s28+$0x2B0];
	[tilespmem:v50+s13+$0x0] =	vst.idx.msk $0xffff, v44  }
0xe5: {  	v61 =	vadd.s32 s0, v1;
	v60 =	vld [tilespmem:s28+$0x2C0];
	[tilespmem:v52+s13+$0x0] =	vst.idx.msk $0xffff, v46  }
0xe6: {  	v63 =	vadd.s32 s0, v2;
	v62 =	vld [tilespmem:s28+$0x2D0];
	[tilespmem:v53+s13+$0x0] =	vst.idx.msk $0xffff, v8  }
0xe7: {  	v24 =	vadd.s32 s0, v3;
	v25 =	vld [tilespmem:s28+$0x2F0];
	[tilespmem:v55+s13+$0x0] =	vst.idx.msk $0xffff, v49  }
0xe8: {  	v26 =	vadd.s32 s0, v4;
	v8 =	vld [tilespmem:s28+$0x2E0];
	[tilespmem:v56+s13+$0x0] =	vst.idx.msk $0xffff, v51  }
0xe9: {  	v27 =	vadd.s32 s0, v5;
	[tilespmem:v59+s13+$0x0] =	vst.idx.msk $0xffff, v21;
	v12 =	vld [tilespmem:s26+$0x280]  }
0xea: {  	v28 =	vadd.s32 s0, v6;
	[tilespmem:v61+s13+$0x0] =	vst.idx.msk $0xffff, v54;
	v29 =	vld [tilespmem:s26+$0x290]  }
0xeb: {  	v30 =	vadd.s32 s0, v7;
	s0 =	sor.u32 $0x5, s29;
	v31 =	vld [tilespmem:s26+$0x2A0];
	[tilespmem:v63+s13+$0x0] =	vst.idx.msk $0xffff, v57  }
0xec: {  	v33 =	vadd.s32 s0, v0;
	v32 =	vld [tilespmem:s26+$0x2B0];
	[tilespmem:v24+s13+$0x0] =	vst.idx.msk $0xffff, v58  }
0xed: {  	v35 =	vadd.s32 s0, v1;
	v34 =	vld [tilespmem:s26+$0x2C0];
	[tilespmem:v26+s13+$0x0] =	vst.idx.msk $0xffff, v60  }
0xee: {  	v37 =	vadd.s32 s0, v2;
	v36 =	vld [tilespmem:s26+$0x2D0];
	[tilespmem:v27+s13+$0x0] =	vst.idx.msk $0xffff, v62  }
0xef: {  	v38 =	vadd.s32 s0, v3;
	v39 =	vld [tilespmem:s26+$0x2F0];
	[tilespmem:v28+s13+$0x0] =	vst.idx.msk $0xffff, v8  }
0xf0: {  	v40 =	vadd.s32 s0, v4;
	v8 =	vld [tilespmem:s26+$0x2E0];
	[tilespmem:v30+s13+$0x0] =	vst.idx.msk $0xffff, v25  }
0xf1: {  	v41 =	vadd.s32 s0, v5;
	[tilespmem:v33+s13+$0x0] =	vst.idx.msk $0xffff, v12;
	v21 =	vld [tilespmem:s28+$0x680]  }
0xf2: {  	v43 =	vadd.s32 s0, v6;
	[tilespmem:v35+s13+$0x0] =	vst.idx.msk $0xffff, v29;
	v42 =	vld [tilespmem:s28+$0x690]  }
0xf3: {  	v44 =	vadd.s32 s0, v7;
	s0 =	sor.u32 $0x2405, s30;
	v45 =	vld [tilespmem:s28+$0x6A0];
	[tilespmem:v37+s13+$0x0] =	vst.idx.msk $0xffff, v31  }
0xf4: {  	v47 =	vadd.s32 s0, v0;
	v46 =	vld [tilespmem:s28+$0x6B0];
	[tilespmem:v38+s13+$0x0] =	vst.idx.msk $0xffff, v32  }
0xf5: {  	v49 =	vadd.s32 s0, v1;
	v48 =	vld [tilespmem:s28+$0x6C0];
	[tilespmem:v40+s13+$0x0] =	vst.idx.msk $0xffff, v34  }
0xf6: {  	v51 =	vadd.s32 s0, v2;
	v50 =	vld [tilespmem:s28+$0x6D0];
	[tilespmem:v41+s13+$0x0] =	vst.idx.msk $0xffff, v36  }
0xf7: {  	v53 =	vadd.s32 s0, v3;
	v52 =	vld [tilespmem:s28+$0x6E0];
	[tilespmem:v43+s13+$0x0] =	vst.idx.msk $0xffff, v8  }
0xf8: {  	v54 =	vadd.s32 s0, v4;
	v8 =	vld [tilespmem:s28+$0x6F0];
	[tilespmem:v44+s13+$0x0] =	vst.idx.msk $0xffff, v39  }
0xf9: {  	v55 =	vadd.s32 s0, v5;
	[tilespmem:v47+s13+$0x0] =	vst.idx.msk $0xffff, v21;
	v15 =	vld [tilespmem:s26+$0x680]  }
0xfa: {  	v56 =	vadd.s32 s0, v6;
	[tilespmem:v49+s13+$0x0] =	vst.idx.msk $0xffff, v42;
	v57 =	vld [tilespmem:s26+$0x690]  }
0xfb: {  	v58 =	vadd.s32 s0, v7;
	s0 =	sor.u32 $0x2405, s29;
	v59 =	vld [tilespmem:s26+$0x6A0];
	[tilespmem:v51+s13+$0x0] =	vst.idx.msk $0xffff, v45  }
0xfc: {  	v61 =	vadd.s32 s0, v0;
	v60 =	vld [tilespmem:s26+$0x6B0];
	[tilespmem:v53+s13+$0x0] =	vst.idx.msk $0xffff, v46  }
0xfd: {  	v63 =	vadd.s32 s0, v1;
	v62 =	vld [tilespmem:s26+$0x6C0];
	[tilespmem:v54+s13+$0x0] =	vst.idx.msk $0xffff, v48  }
0xfe: {  	v25 =	vadd.s32 s0, v2;
	v24 =	vld [tilespmem:s26+$0x6D0];
	[tilespmem:v55+s13+$0x0] =	vst.idx.msk $0xffff, v50  }
0xff: {  	v27 =	vadd.s32 s0, v3;
	v26 =	vld [tilespmem:s26+$0x6E0];
	[tilespmem:v56+s13+$0x0] =	vst.idx.msk $0xffff, v52  }
0x100: {  	v28 =	vadd.s32 s0, v4;
	[tilespmem:v58+s13+$0x0] =	vst.idx.msk $0xffff, v8;
	v8 =	vld [tilespmem:s26+$0x6F0]  }
0x101: {  	v29 =	vadd.s32 s0, v5;
	[tilespmem:v61+s13+$0x0] =	vst.idx.msk $0xffff, v15;
	v21 =	vld [tilespmem:s28+$0x300]  }
0x102: {  	v31 =	vadd.s32 s0, v6;
	v30 =	vld [tilespmem:s28+$0x310];
	[tilespmem:v63+s13+$0x0] =	vst.idx.msk $0xffff, v57  }
0x103: {  	v32 =	vadd.s32 s0, v7;
	s0 =	sor.u32 $0x6, s30;
	v33 =	vld [tilespmem:s28+$0x320];
	[tilespmem:v25+s13+$0x0] =	vst.idx.msk $0xffff, v59  }
0x104: {  	v35 =	vadd.s32 s0, v0;
	v34 =	vld [tilespmem:s28+$0x330];
	[tilespmem:v27+s13+$0x0] =	vst.idx.msk $0xffff, v60  }
0x105: {  	v37 =	vadd.s32 s0, v1;
	v36 =	vld [tilespmem:s28+$0x340];
	[tilespmem:v28+s13+$0x0] =	vst.idx.msk $0xffff, v62  }
0x106: {  	v39 =	vadd.s32 s0, v2;
	v38 =	vld [tilespmem:s28+$0x350];
	[tilespmem:v29+s13+$0x0] =	vst.idx.msk $0xffff, v24  }
0x107: {  	v41 =	vadd.s32 s0, v3;
	v40 =	vld [tilespmem:s28+$0x360];
	[tilespmem:v31+s13+$0x0] =	vst.idx.msk $0xffff, v26  }
0x108: {  	v43 =	vadd.s32 s0, v4;
	v42 =	vld [tilespmem:s28+$0x370];
	[tilespmem:v32+s13+$0x0] =	vst.idx.msk $0xffff, v8  }
0x109: {  	[tilespmem:v35+s13+$0x0] =	vst.idx.msk $0xffff, v21;
	v8 =	vadd.s32 s0, v5;
	v12 =	vld [tilespmem:s26+$0x300]  }
0x10a: {  	v44 =	vadd.s32 s0, v6;
	[tilespmem:v37+s13+$0x0] =	vst.idx.msk $0xffff, v30;
	v45 =	vld [tilespmem:s26+$0x310]  }
0x10b: {  	v46 =	vadd.s32 s0, v7;
	s0 =	sor.u32 $0x6, s29;
	[tilespmem:v39+s13+$0x0] =	vst.idx.msk $0xffff, v33;
	v47 =	vld [tilespmem:s26+$0x320]  }
0x10c: {  	v48 =	vld [tilespmem:s26+$0x330];
	v49 =	vadd.s32 s0, v0;
	[tilespmem:v41+s13+$0x0] =	vst.idx.msk $0xffff, v34  }
0x10d: {  	v50 =	vld [tilespmem:s26+$0x340];
	v51 =	vadd.s32 s0, v1;
	[tilespmem:v43+s13+$0x0] =	vst.idx.msk $0xffff, v36  }
0x10e: {  	v52 =	vadd.s32 s0, v2;
	v53 =	vld [tilespmem:s26+$0x360];
	[tilespmem:v8+s13+$0x0] =	vst.idx.msk $0xffff, v38  }
0x10f: {  	v54 =	vadd.s32 s0, v3;
	v55 =	vld [tilespmem:s26+$0x370];
	[tilespmem:v44+s13+$0x0] =	vst.idx.msk $0xffff, v40  }
0x110: {  	v56 =	vadd.s32 s0, v4;
	v8 =	vld [tilespmem:s26+$0x350];
	[tilespmem:v46+s13+$0x0] =	vst.idx.msk $0xffff, v42  }
0x111: {  	v57 =	vadd.s32 s0, v5;
	[tilespmem:v49+s13+$0x0] =	vst.idx.msk $0xffff, v12;
	v21 =	vld [tilespmem:s28+$0x700]  }
0x112: {  	v59 =	vadd.s32 s0, v6;
	[tilespmem:v51+s13+$0x0] =	vst.idx.msk $0xffff, v45;
	v58 =	vld [tilespmem:s28+$0x710]  }
0x113: {  	v60 =	vadd.s32 s0, v7;
	s0 =	sor.u32 $0x2406, s30;
	v61 =	vld [tilespmem:s28+$0x720];
	[tilespmem:v52+s13+$0x0] =	vst.idx.msk $0xffff, v47  }
0x114: {  	v63 =	vadd.s32 s0, v0;
	v62 =	vld [tilespmem:s28+$0x730];
	[tilespmem:v54+s13+$0x0] =	vst.idx.msk $0xffff, v48  }
0x115: {  	v25 =	vadd.s32 s0, v1;
	v24 =	vld [tilespmem:s28+$0x740];
	[tilespmem:v56+s13+$0x0] =	vst.idx.msk $0xffff, v50  }
0x116: {  	v27 =	vadd.s32 s0, v2;
	v26 =	vld [tilespmem:s28+$0x750];
	[tilespmem:v57+s13+$0x0] =	vst.idx.msk $0xffff, v8  }
0x117: {  	v28 =	vadd.s32 s0, v3;
	v29 =	vld [tilespmem:s28+$0x770];
	[tilespmem:v59+s13+$0x0] =	vst.idx.msk $0xffff, v53  }
0x118: {  	v30 =	vadd.s32 s0, v4;
	v8 =	vld [tilespmem:s28+$0x760];
	[tilespmem:v60+s13+$0x0] =	vst.idx.msk $0xffff, v55  }
0x119: {  	v31 =	vadd.s32 s0, v5;
	[tilespmem:v63+s13+$0x0] =	vst.idx.msk $0xffff, v21;
	v15 =	vld [tilespmem:s26+$0x700]  }
0x11a: {  	v32 =	vadd.s32 s0, v6;
	[tilespmem:v25+s13+$0x0] =	vst.idx.msk $0xffff, v58;
	v33 =	vld [tilespmem:s26+$0x710]  }
0x11b: {  	v34 =	vadd.s32 s0, v7;
	s0 =	sor.u32 $0x2406, s29;
	v35 =	vld [tilespmem:s26+$0x720];
	[tilespmem:v27+s13+$0x0] =	vst.idx.msk $0xffff, v61  }
0x11c: {  	v37 =	vadd.s32 s0, v0;
	v36 =	vld [tilespmem:s26+$0x730];
	[tilespmem:v28+s13+$0x0] =	vst.idx.msk $0xffff, v62  }
0x11d: {  	v39 =	vadd.s32 s0, v1;
	v38 =	vld [tilespmem:s26+$0x740];
	[tilespmem:v30+s13+$0x0] =	vst.idx.msk $0xffff, v24  }
0x11e: {  	v41 =	vadd.s32 s0, v2;
	v40 =	vld [tilespmem:s26+$0x750];
	[tilespmem:v31+s13+$0x0] =	vst.idx.msk $0xffff, v26  }
0x11f: {  	v42 =	vadd.s32 s0, v3;
	v43 =	vld [tilespmem:s26+$0x770];
	[tilespmem:v32+s13+$0x0] =	vst.idx.msk $0xffff, v8  }
0x120: {  	v44 =	vadd.s32 s0, v4;
	v8 =	vld [tilespmem:s26+$0x760];
	[tilespmem:v34+s13+$0x0] =	vst.idx.msk $0xffff, v29  }
0x121: {  	v45 =	vadd.s32 s0, v5;
	[tilespmem:v37+s13+$0x0] =	vst.idx.msk $0xffff, v15;
	v21 =	vld [tilespmem:s28+$0x380]  }
0x122: {  	v47 =	vadd.s32 s0, v6;
	[tilespmem:v39+s13+$0x0] =	vst.idx.msk $0xffff, v33;
	v46 =	vld [tilespmem:s28+$0x390]  }
0x123: {  	v48 =	vadd.s32 s0, v7;
	s0 =	sshllo.u32 s25, $0x3;
	v49 =	vld [tilespmem:s28+$0x3A0];
	[tilespmem:v41+s13+$0x0] =	vst.idx.msk $0xffff, v35  }
0x124: {  	v51 =	vadd.s32 s0, v0;
	v50 =	vld [tilespmem:s28+$0x3B0];
	[tilespmem:v42+s13+$0x0] =	vst.idx.msk $0xffff, v36  }
0x125: {  	v53 =	vadd.s32 s0, v1;
	v52 =	vld [tilespmem:s28+$0x3C0];
	[tilespmem:v44+s13+$0x0] =	vst.idx.msk $0xffff, v38  }
0x126: {  	v55 =	vadd.s32 s0, v2;
	v54 =	vld [tilespmem:s28+$0x3D0];
	[tilespmem:v45+s13+$0x0] =	vst.idx.msk $0xffff, v40  }
0x127: {  	v57 =	vadd.s32 s0, v3;
	v56 =	vld [tilespmem:s28+$0x3E0];
	[tilespmem:v47+s13+$0x0] =	vst.idx.msk $0xffff, v8  }
0x128: {  	v58 =	vadd.s32 s0, v4;
	v8 =	vld [tilespmem:s28+$0x3F0];
	[tilespmem:v48+s13+$0x0] =	vst.idx.msk $0xffff, v43  }
0x129: {  	v59 =	vadd.s32 s0, v5;
	[tilespmem:v51+s13+$0x0] =	vst.idx.msk $0xffff, v21;
	v12 =	vld [tilespmem:s26+$0x380]  }
0x12a: {  	v60 =	vadd.s32 s0, v6;
	[tilespmem:v53+s13+$0x0] =	vst.idx.msk $0xffff, v46;
	v61 =	vld [tilespmem:s26+$0x390]  }
0x12b: {  	s31 =	sshllo.u32 s31, $0x3;
	v62 =	vadd.s32 s0, v7;
	v63 =	vld [tilespmem:s26+$0x3A0];
	[tilespmem:v55+s13+$0x0] =	vst.idx.msk $0xffff, v49  }
0x12c: {  	v25 =	vadd.s32 s31, v0;
	v24 =	vld [tilespmem:s26+$0x3B0];
	[tilespmem:v57+s13+$0x0] =	vst.idx.msk $0xffff, v50  }
0x12d: {  	v27 =	vadd.s32 s31, v1;
	v26 =	vld [tilespmem:s26+$0x3C0];
	[tilespmem:v58+s13+$0x0] =	vst.idx.msk $0xffff, v52  }
0x12e: {  	v29 =	vadd.s32 s31, v2;
	v28 =	vld [tilespmem:s26+$0x3D0];
	[tilespmem:v59+s13+$0x0] =	vst.idx.msk $0xffff, v54  }
0x12f: {  	v31 =	vadd.s32 s31, v3;
	v30 =	vld [tilespmem:s26+$0x3E0];
	[tilespmem:v60+s13+$0x0] =	vst.idx.msk $0xffff, v56  }
0x130: {  	v32 =	vadd.s32 s31, v4;
	[tilespmem:v62+s13+$0x0] =	vst.idx.msk $0xffff, v8;
	v8 =	vld [tilespmem:s26+$0x3F0]  }
0x131: {  	v33 =	vadd.s32 s31, v5;
	[tilespmem:v25+s13+$0x0] =	vst.idx.msk $0xffff, v12;
	v21 =	vld [tilespmem:s28+$0x780]  }
0x132: {  	v35 =	vadd.s32 s31, v6;
	v34 =	vld [tilespmem:s28+$0x790];
	[tilespmem:v27+s13+$0x0] =	vst.idx.msk $0xffff, v61  }
0x133: {  	v36 =	vadd.s32 s31, v7;
	s31 =	sor.u32 $0x2407, s30;
	v37 =	vld [tilespmem:s28+$0x7A0];
	[tilespmem:v29+s13+$0x0] =	vst.idx.msk $0xffff, v63  }
0x134: {  	v39 =	vadd.s32 s31, v0;
	v38 =	vld [tilespmem:s28+$0x7B0];
	[tilespmem:v31+s13+$0x0] =	vst.idx.msk $0xffff, v24  }
0x135: {  	v41 =	vadd.s32 s31, v1;
	v40 =	vld [tilespmem:s28+$0x7C0];
	[tilespmem:v32+s13+$0x0] =	vst.idx.msk $0xffff, v26  }
0x136: {  	v43 =	vadd.s32 s31, v2;
	v42 =	vld [tilespmem:s28+$0x7D0];
	[tilespmem:v33+s13+$0x0] =	vst.idx.msk $0xffff, v28  }
0x137: {  	v45 =	vadd.s32 s31, v3;
	v44 =	vld [tilespmem:s28+$0x7E0];
	[tilespmem:v35+s13+$0x0] =	vst.idx.msk $0xffff, v30  }
0x138: {  	v47 =	vadd.s32 s31, v4;
	v46 =	vld [tilespmem:s28+$0x7F0];
	[tilespmem:v36+s13+$0x0] =	vst.idx.msk $0xffff, v8  }
0x139: {  	[tilespmem:v39+s13+$0x0] =	vst.idx.msk $0xffff, v21;
	v8 =	vadd.s32 s31, v5;
	v15 =	vld [tilespmem:s26+$0x780]  }
0x13a: {  	s30 =	sor.u32 $0x2407, s29;
	v48 =	vadd.s32 s31, v6;
	[tilespmem:v41+s13+$0x0] =	vst.idx.msk $0xffff, v34;
	v49 =	vld [tilespmem:s26+$0x790]  }
0x13b: {  	v53 =	vadd.s32 s30, v0;
	[tilespmem:v43+s13+$0x0] =	vst.idx.msk $0xffff, v37;
	v51 =	vld [tilespmem:s26+$0x7A0]  }
0x13c: {  	v50 =	vadd.s32 s31, v7;
	v52 =	vld [tilespmem:s26+$0x7B0];
	[tilespmem:v45+s13+$0x0] =	vst.idx.msk $0xffff, v38  }
0x13d: {  	v55 =	vadd.s32 s30, v1;
	v54 =	vld [tilespmem:s26+$0x7C0];
	[tilespmem:v47+s13+$0x0] =	vst.idx.msk $0xffff, v40  }
0x13e: {  	v56 =	vadd.s32 s30, v2;
	v57 =	vld [tilespmem:s26+$0x7E0];
	[tilespmem:v8+s13+$0x0] =	vst.idx.msk $0xffff, v42  }
0x13f: {  	v58 =	vadd.s32 s30, v3;
	v59 =	vld [tilespmem:s26+$0x7F0];
	[tilespmem:v48+s13+$0x0] =	vst.idx.msk $0xffff, v44  }
0x140: {  	v60 =	vadd.s32 s30, v4;
	v8 =	vld [tilespmem:s26+$0x7D0];
	[tilespmem:v53+s13+$0x0] =	vst.idx.msk $0xffff, v15  }
0x141: {  	v61 =	vadd.s32 s30, v5;
	[tilespmem:v50+s13+$0x0] =	vst.idx.msk $0xffff, v46  }
0x142: {  	v62 =	vadd.s32 s30, v6;
	[tilespmem:v55+s13+$0x0] =	vst.idx.msk $0xffff, v49  }
0x143: {  	p2 =	slt.u32 s25, $0x6;
	v63 =	vadd.s32 s30, v7;
	[tilespmem:v56+s13+$0x0] =	vst.idx.msk $0xffff, v51  }
.Ltmp5:
0x144: {  	[tilespmem:v58+s13+$0x0] =	vst.idx.msk $0xffff, v52;
	(pc) =	sbr.rel @p2 .LBB2_3-.Ltmp5, $4  }
0x145: {  	[tilespmem:v60+s13+$0x0] =	vst.idx.msk $0xffff, v54  }
0x146: {  	[tilespmem:v61+s13+$0x0] =	vst.idx.msk $0xffff, v8  }
0x147: {  	s31 =	sadd.s32 $0x2, s25;
	[tilespmem:v62+s13+$0x0] =	vst.idx.msk $0xffff, v57  }
0x148: {  	s25 =	smov.u32 s31;
	[tilespmem:v63+s13+$0x0] =	vst.idx.msk $0xffff, v59  }
0x149: {  	s0 =	smul.u32 $0x900, s24;
	_ =	sdelay $0x1  }
0x14a: {  	s0 =	sadd.s32 s2, s0  }
0x14b: {  	[hbm4b:s0+s3] =	stream.linear.scatter [tilespmem:s13], [sflag:$0x3], $0x4800, $0x38;
	[tilespmem:$0x11080] =	vst v63  }
.LBB2_5:
0x14c: {  	s0 =	sadd.s32 s6, s23  }
0x14d: {  	p2 =	sgt.u32 s0, $0xF41  }
0x14e: {  	s0 =	sshll.u32 @!p2 s0, $0x8;
	s23 =	simm.s32 @!p2 $0x800  }
0x14f: {  	s24 =	simm.s32 @!p2 $0x7A1400;
	s25 =	simm.s32 @!p2 $0x0;
	s0 =	sadd.s32 @!p2 s1, s0  }
0x150: {  	[tilespmem:s25], [sflag:$0x1] =	stream.strided.gather @!p2 [hbm4b:s0+s23], $0x4000, s24, s23, $0x38;
	[tilespmem:$0x11080] =	vst v63  }
0x151: {  	s0 =	simm.s32 @!p1 $0x2;
	p2 =	seq.s32 s20, $0x0  }
0x152: {  	_ =	swait.ge @!p1 [sflag:s0], $0x4000;
	p3 =	sgt.u32 @!p2 s22, $0x7A  }
.Ltmp6:
0x153: {  	[sflag:s0] =	ssyncset.done @!p1 $0x0;
	p2 =	por p3, p2;
	(pc) =	sbr.rel @p1 .LBB2_8-.Ltmp6, $4  }
0x154: {  	[sflag:s0] =	ssyncadd.s32 @!p1 $0xFFFFC000;
	s0 =	simm.s32 @!p2 $0x4  }
0x155: {  	_ =	swait.ge @!p2 [sflag:s0], $0x4800  }
0x156: {  	[sflag:s0] =	ssyncset.done @!p2 $0x0  }
0x157: {  	s22 =	simm.s32 $0x0;
	[sflag:s0] =	ssyncadd.s32 @!p2 $0xFFFFB800  }
.LBB2_6:
0x158: {  	s0 =	sshll.u32 s22, $0xB  }
0x159: {  	s24 =	sand.u32 $0x3FFFF800, s0  }
0x15a: {  	v8 =	vld [tilespmem:s24+$0x4000]  }
0x15b: {  	s26 =	sshll.u32 s22, $0x3;
	v9 =	vld [tilespmem:s24+$0x4010]  }
0x15c: {  	v12 =	vadd.s32 s26, v0;
	v10 =	vld [tilespmem:s24+$0x4020]  }
0x15d: {  	v14 =	vadd.s32 s26, v1;
	v11 =	vld [tilespmem:s24+$0x4030]  }
0x15e: {  	v16 =	vadd.s32 s26, v2;
	v13 =	vld [tilespmem:s24+$0x4040]  }
0x15f: {  	v18 =	vadd.s32 s26, v3;
	v15 =	vld [tilespmem:s24+$0x4050]  }
0x160: {  	v20 =	vadd.s32 s26, v4;
	v17 =	vld [tilespmem:s24+$0x4060]  }
0x161: {  	v19 =	vld [tilespmem:s24+$0x4070];
	[tilespmem:v12+s14+$0x0] =	vst.idx.msk $0xffff, v8  }
0x162: {  	[tilespmem:v14+s14+$0x0] =	vst.idx.msk $0xffff, v9  }
0x163: {  	s28 =	sor.u32 $0x1, s22;
	[tilespmem:v16+s14+$0x0] =	vst.idx.msk $0xffff, v10  }
0x164: {  	s25 =	sshll.u32 s28, $0xB;
	[tilespmem:v18+s14+$0x0] =	vst.idx.msk $0xffff, v11  }
0x165: {  	s23 =	sand.u32 $0x3FFFF800, s25;
	[tilespmem:v20+s14+$0x0] =	vst.idx.msk $0xffff, v13  }
0x166: {  	v8 =	vadd.s32 s26, v5;
	v28 =	vld [tilespmem:s23+$0x4000]  }
0x167: {  	v29 =	vadd.s32 s26, v6;
	v30 =	vld [tilespmem:s23+$0x4010]  }
0x168: {  	v31 =	vadd.s32 s26, v7;
	s25 =	sshll.u32 s28, $0x3;
	v13 =	vld [tilespmem:s23+$0x4020]  }
0x169: {  	v33 =	vadd.s32 s25, v0;
	v32 =	vld [tilespmem:s23+$0x4030]  }
0x16a: {  	v35 =	vadd.s32 s25, v1;
	v34 =	vld [tilespmem:s23+$0x4040]  }
0x16b: {  	v36 =	vadd.s32 s25, v2;
	v37 =	vld [tilespmem:s23+$0x4060];
	[tilespmem:v8+s14+$0x0] =	vst.idx.msk $0xffff, v15  }
0x16c: {  	v38 =	vadd.s32 s25, v3;
	v39 =	vld [tilespmem:s23+$0x4070];
	[tilespmem:v29+s14+$0x0] =	vst.idx.msk $0xffff, v17  }
0x16d: {  	v40 =	vadd.s32 s25, v4;
	v8 =	vld [tilespmem:s23+$0x4050];
	[tilespmem:v31+s14+$0x0] =	vst.idx.msk $0xffff, v19  }
0x16e: {  	v22 =	vadd.s32 s25, v5;
	v21 =	vld [tilespmem:s24+$0x4400];
	[tilespmem:v33+s14+$0x0] =	vst.idx.msk $0xffff, v28  }
0x16f: {  	v42 =	vadd.s32 s25, v6;
	v41 =	vld [tilespmem:s24+$0x4410];
	[tilespmem:v35+s14+$0x0] =	vst.idx.msk $0xffff, v30  }
0x170: {  	s29 =	sor.u32 $0x2400, s26;
	v44 =	vadd.s32 s25, v7;
	v43 =	vld [tilespmem:s24+$0x4420];
	[tilespmem:v36+s14+$0x0] =	vst.idx.msk $0xffff, v13  }
0x171: {  	v46 =	vadd.s32 s29, v0;
	v45 =	vld [tilespmem:s24+$0x4430];
	[tilespmem:v38+s14+$0x0] =	vst.idx.msk $0xffff, v32  }
0x172: {  	v48 =	vadd.s32 s29, v1;
	v47 =	vld [tilespmem:s24+$0x4440];
	[tilespmem:v40+s14+$0x0] =	vst.idx.msk $0xffff, v34  }
0x173: {  	v50 =	vadd.s32 s29, v2;
	v49 =	vld [tilespmem:s24+$0x4450];
	[tilespmem:v22+s14+$0x0] =	vst.idx.msk $0xffff, v8  }
0x174: {  	v51 =	vadd.s32 s29, v3;
	v52 =	vld [tilespmem:s24+$0x4470];
	[tilespmem:v42+s14+$0x0] =	vst.idx.msk $0xffff, v37  }
0x175: {  	v53 =	vadd.s32 s29, v4;
	v8 =	vld [tilespmem:s24+$0x4460];
	[tilespmem:v44+s14+$0x0] =	vst.idx.msk $0xffff, v39  }
0x176: {  	v54 =	vadd.s32 s29, v5;
	[tilespmem:v46+s14+$0x0] =	vst.idx.msk $0xffff, v21;
	v55 =	vld [tilespmem:s23+$0x4400]  }
0x177: {  	v56 =	vadd.s32 s29, v6;
	[tilespmem:v48+s14+$0x0] =	vst.idx.msk $0xffff, v41;
	v57 =	vld [tilespmem:s23+$0x4410]  }
0x178: {  	v58 =	vadd.s32 s29, v7;
	s30 =	sor.u32 $0x2400, s25;
	[tilespmem:v50+s14+$0x0] =	vst.idx.msk $0xffff, v43;
	v59 =	vld [tilespmem:s23+$0x4420]  }
0x179: {  	v61 =	vadd.s32 s30, v0;
	[tilespmem:v51+s14+$0x0] =	vst.idx.msk $0xffff, v45;
	v60 =	vld [tilespmem:s23+$0x4430]  }
0x17a: {  	v63 =	vadd.s32 s30, v1;
	v62 =	vld [tilespmem:s23+$0x4440];
	[tilespmem:v53+s14+$0x0] =	vst.idx.msk $0xffff, v47  }
0x17b: {  	v25 =	vadd.s32 s30, v2;
	v24 =	vld [tilespmem:s23+$0x4450];
	[tilespmem:v54+s14+$0x0] =	vst.idx.msk $0xffff, v49  }
0x17c: {  	v26 =	vadd.s32 s30, v3;
	v27 =	vld [tilespmem:s23+$0x4470];
	[tilespmem:v56+s14+$0x0] =	vst.idx.msk $0xffff, v8  }
0x17d: {  	v28 =	vadd.s32 s30, v4;
	v8 =	vld [tilespmem:s23+$0x4460];
	[tilespmem:v58+s14+$0x0] =	vst.idx.msk $0xffff, v52  }
0x17e: {  	v29 =	vadd.s32 s30, v5;
	v21 =	vld [tilespmem:s24+$0x4080];
	[tilespmem:v61+s14+$0x0] =	vst.idx.msk $0xffff, v55  }
0x17f: {  	v31 =	vadd.s32 s30, v6;
	v30 =	vld [tilespmem:s24+$0x4090];
	[tilespmem:v63+s14+$0x0] =	vst.idx.msk $0xffff, v57  }
0x180: {  	s31 =	sor.u32 $0x1, s26;
	v32 =	vadd.s32 s30, v7;
	v33 =	vld [tilespmem:s24+$0x40A0];
	[tilespmem:v25+s14+$0x0] =	vst.idx.msk $0xffff, v59  }
0x181: {  	v35 =	vadd.s32 s31, v0;
	v34 =	vld [tilespmem:s24+$0x40B0];
	[tilespmem:v26+s14+$0x0] =	vst.idx.msk $0xffff, v60  }
0x182: {  	v37 =	vadd.s32 s31, v1;
	v36 =	vld [tilespmem:s24+$0x40C0];
	[tilespmem:v28+s14+$0x0] =	vst.idx.msk $0xffff, v62  }
0x183: {  	v39 =	vadd.s32 s31, v2;
	v38 =	vld [tilespmem:s24+$0x40D0];
	[tilespmem:v29+s14+$0x0] =	vst.idx.msk $0xffff, v24  }
0x184: {  	v41 =	vadd.s32 s31, v3;
	v40 =	vld [tilespmem:s24+$0x40E0];
	[tilespmem:v31+s14+$0x0] =	vst.idx.msk $0xffff, v8  }
0x185: {  	v42 =	vadd.s32 s31, v4;
	v8 =	vld [tilespmem:s24+$0x40F0];
	[tilespmem:v32+s14+$0x0] =	vst.idx.msk $0xffff, v27  }
0x186: {  	v43 =	vadd.s32 s31, v5;
	[tilespmem:v35+s14+$0x0] =	vst.idx.msk $0xffff, v21;
	v10 =	vld [tilespmem:s23+$0x4080]  }
0x187: {  	v44 =	vadd.s32 s31, v6;
	[tilespmem:v37+s14+$0x0] =	vst.idx.msk $0xffff, v30;
	v45 =	vld [tilespmem:s23+$0x4090]  }
0x188: {  	s29 =	sor.u32 $0x1, s25;
	v46 =	vadd.s32 s31, v7;
	[tilespmem:v39+s14+$0x0] =	vst.idx.msk $0xffff, v33;
	v47 =	vld [tilespmem:s23+$0x40A0]  }
0x189: {  	v49 =	vadd.s32 s29, v0;
	v48 =	vld [tilespmem:s23+$0x40B0];
	[tilespmem:v41+s14+$0x0] =	vst.idx.msk $0xffff, v34  }
0x18a: {  	v51 =	vadd.s32 s29, v1;
	v50 =	vld [tilespmem:s23+$0x40C0];
	[tilespmem:v42+s14+$0x0] =	vst.idx.msk $0xffff, v36  }
0x18b: {  	v53 =	vadd.s32 s29, v2;
	v52 =	vld [tilespmem:s23+$0x40D0];
	[tilespmem:v43+s14+$0x0] =	vst.idx.msk $0xffff, v38  }
0x18c: {  	v55 =	vadd.s32 s29, v3;
	v54 =	vld [tilespmem:s23+$0x40E0];
	[tilespmem:v44+s14+$0x0] =	vst.idx.msk $0xffff, v40  }
0x18d: {  	v56 =	vadd.s32 s29, v4;
	[tilespmem:v46+s14+$0x0] =	vst.idx.msk $0xffff, v8;
	v8 =	vld [tilespmem:s23+$0x40F0]  }
0x18e: {  	v57 =	vadd.s32 s29, v5;
	[tilespmem:v49+s14+$0x0] =	vst.idx.msk $0xffff, v10;
	v21 =	vld [tilespmem:s24+$0x4480]  }
0x18f: {  	v59 =	vadd.s32 s29, v6;
	v58 =	vld [tilespmem:s24+$0x4490];
	[tilespmem:v51+s14+$0x0] =	vst.idx.msk $0xffff, v45  }
0x190: {  	s30 =	sor.u32 $0x2401, s26;
	v60 =	vadd.s32 s29, v7;
	v61 =	vld [tilespmem:s24+$0x44A0];
	[tilespmem:v53+s14+$0x0] =	vst.idx.msk $0xffff, v47  }
0x191: {  	v63 =	vadd.s32 s30, v0;
	v62 =	vld [tilespmem:s24+$0x44B0];
	[tilespmem:v55+s14+$0x0] =	vst.idx.msk $0xffff, v48  }
0x192: {  	v25 =	vadd.s32 s30, v1;
	v24 =	vld [tilespmem:s24+$0x44C0];
	[tilespmem:v56+s14+$0x0] =	vst.idx.msk $0xffff, v50  }
0x193: {  	v27 =	vadd.s32 s30, v2;
	v26 =	vld [tilespmem:s24+$0x44D0];
	[tilespmem:v57+s14+$0x0] =	vst.idx.msk $0xffff, v52  }
0x194: {  	v29 =	vadd.s32 s30, v3;
	v28 =	vld [tilespmem:s24+$0x44E0];
	[tilespmem:v59+s14+$0x0] =	vst.idx.msk $0xffff, v54  }
0x195: {  	v31 =	vadd.s32 s30, v4;
	v30 =	vld [tilespmem:s24+$0x44F0];
	[tilespmem:v60+s14+$0x0] =	vst.idx.msk $0xffff, v8  }
0x196: {  	[tilespmem:v63+s14+$0x0] =	vst.idx.msk $0xffff, v21;
	v8 =	vadd.s32 s30, v5;
	v15 =	vld [tilespmem:s23+$0x4480]  }
0x197: {  	v32 =	vadd.s32 s30, v6;
	[tilespmem:v25+s14+$0x0] =	vst.idx.msk $0xffff, v58;
	v33 =	vld [tilespmem:s23+$0x4490]  }
0x198: {  	s31 =	sor.u32 $0x2401, s25;
	v34 =	vadd.s32 s30, v7;
	[tilespmem:v27+s14+$0x0] =	vst.idx.msk $0xffff, v61;
	v35 =	vld [tilespmem:s23+$0x44A0]  }
0x199: {  	v37 =	vadd.s32 s31, v0;
	v36 =	vld [tilespmem:s23+$0x44B0];
	[tilespmem:v29+s14+$0x0] =	vst.idx.msk $0xffff, v62  }
0x19a: {  	v39 =	vadd.s32 s31, v1;
	v38 =	vld [tilespmem:s23+$0x44C0];
	[tilespmem:v31+s14+$0x0] =	vst.idx.msk $0xffff, v24  }
0x19b: {  	v40 =	vadd.s32 s31, v2;
	v41 =	vld [tilespmem:s23+$0x44E0];
	[tilespmem:v8+s14+$0x0] =	vst.idx.msk $0xffff, v26  }
0x19c: {  	v42 =	vadd.s32 s31, v3;
	v43 =	vld [tilespmem:s23+$0x44F0];
	[tilespmem:v32+s14+$0x0] =	vst.idx.msk $0xffff, v28  }
0x19d: {  	v44 =	vadd.s32 s31, v4;
	v8 =	vld [tilespmem:s23+$0x44D0];
	[tilespmem:v34+s14+$0x0] =	vst.idx.msk $0xffff, v30  }
0x19e: {  	v45 =	vadd.s32 s31, v5;
	[tilespmem:v37+s14+$0x0] =	vst.idx.msk $0xffff, v15;
	v21 =	vld [tilespmem:s24+$0x4100]  }
0x19f: {  	v47 =	vadd.s32 s31, v6;
	[tilespmem:v39+s14+$0x0] =	vst.idx.msk $0xffff, v33;
	v46 =	vld [tilespmem:s24+$0x4110]  }
0x1a0: {  	s29 =	sor.u32 $0x2, s26;
	v48 =	vadd.s32 s31, v7;
	v49 =	vld [tilespmem:s24+$0x4120];
	[tilespmem:v40+s14+$0x0] =	vst.idx.msk $0xffff, v35  }
0x1a1: {  	v51 =	vadd.s32 s29, v0;
	v50 =	vld [tilespmem:s24+$0x4130];
	[tilespmem:v42+s14+$0x0] =	vst.idx.msk $0xffff, v36  }
0x1a2: {  	v53 =	vadd.s32 s29, v1;
	v52 =	vld [tilespmem:s24+$0x4140];
	[tilespmem:v44+s14+$0x0] =	vst.idx.msk $0xffff, v38  }
0x1a3: {  	v55 =	vadd.s32 s29, v2;
	v54 =	vld [tilespmem:s24+$0x4150];
	[tilespmem:v45+s14+$0x0] =	vst.idx.msk $0xffff, v8  }
0x1a4: {  	v56 =	vadd.s32 s29, v3;
	v57 =	vld [tilespmem:s24+$0x4170];
	[tilespmem:v47+s14+$0x0] =	vst.idx.msk $0xffff, v41  }
0x1a5: {  	v58 =	vadd.s32 s29, v4;
	v8 =	vld [tilespmem:s24+$0x4160];
	[tilespmem:v48+s14+$0x0] =	vst.idx.msk $0xffff, v43  }
0x1a6: {  	v59 =	vadd.s32 s29, v5;
	[tilespmem:v51+s14+$0x0] =	vst.idx.msk $0xffff, v21;
	v12 =	vld [tilespmem:s23+$0x4100]  }
0x1a7: {  	v60 =	vadd.s32 s29, v6;
	[tilespmem:v53+s14+$0x0] =	vst.idx.msk $0xffff, v46;
	v61 =	vld [tilespmem:s23+$0x4110]  }
0x1a8: {  	s30 =	sor.u32 $0x2, s25;
	v62 =	vadd.s32 s29, v7;
	v63 =	vld [tilespmem:s23+$0x4120];
	[tilespmem:v55+s14+$0x0] =	vst.idx.msk $0xffff, v49  }
0x1a9: {  	v25 =	vadd.s32 s30, v0;
	v24 =	vld [tilespmem:s23+$0x4130];
	[tilespmem:v56+s14+$0x0] =	vst.idx.msk $0xffff, v50  }
0x1aa: {  	v27 =	vadd.s32 s30, v1;
	v26 =	vld [tilespmem:s23+$0x4140];
	[tilespmem:v58+s14+$0x0] =	vst.idx.msk $0xffff, v52  }
0x1ab: {  	v29 =	vadd.s32 s30, v2;
	v28 =	vld [tilespmem:s23+$0x4150];
	[tilespmem:v59+s14+$0x0] =	vst.idx.msk $0xffff, v54  }
0x1ac: {  	v30 =	vadd.s32 s30, v3;
	v31 =	vld [tilespmem:s23+$0x4170];
	[tilespmem:v60+s14+$0x0] =	vst.idx.msk $0xffff, v8  }
0x1ad: {  	v32 =	vadd.s32 s30, v4;
	v8 =	vld [tilespmem:s23+$0x4160];
	[tilespmem:v62+s14+$0x0] =	vst.idx.msk $0xffff, v57  }
0x1ae: {  	v33 =	vadd.s32 s30, v5;
	[tilespmem:v25+s14+$0x0] =	vst.idx.msk $0xffff, v12;
	v21 =	vld [tilespmem:s24+$0x4500]  }
0x1af: {  	v35 =	vadd.s32 s30, v6;
	[tilespmem:v27+s14+$0x0] =	vst.idx.msk $0xffff, v61;
	v34 =	vld [tilespmem:s24+$0x4510]  }
0x1b0: {  	s31 =	sor.u32 $0x2402, s26;
	v36 =	vadd.s32 s30, v7;
	v37 =	vld [tilespmem:s24+$0x4520];
	[tilespmem:v29+s14+$0x0] =	vst.idx.msk $0xffff, v63  }
0x1b1: {  	v39 =	vadd.s32 s31, v0;
	v38 =	vld [tilespmem:s24+$0x4530];
	[tilespmem:v30+s14+$0x0] =	vst.idx.msk $0xffff, v24  }
0x1b2: {  	v41 =	vadd.s32 s31, v1;
	v40 =	vld [tilespmem:s24+$0x4540];
	[tilespmem:v32+s14+$0x0] =	vst.idx.msk $0xffff, v26  }
0x1b3: {  	v43 =	vadd.s32 s31, v2;
	v42 =	vld [tilespmem:s24+$0x4550];
	[tilespmem:v33+s14+$0x0] =	vst.idx.msk $0xffff, v28  }
0x1b4: {  	v45 =	vadd.s32 s31, v3;
	v44 =	vld [tilespmem:s24+$0x4560];
	[tilespmem:v35+s14+$0x0] =	vst.idx.msk $0xffff, v8  }
0x1b5: {  	v46 =	vadd.s32 s31, v4;
	v8 =	vld [tilespmem:s24+$0x4570];
	[tilespmem:v36+s14+$0x0] =	vst.idx.msk $0xffff, v31  }
0x1b6: {  	v47 =	vadd.s32 s31, v5;
	[tilespmem:v39+s14+$0x0] =	vst.idx.msk $0xffff, v21;
	v15 =	vld [tilespmem:s23+$0x4500]  }
0x1b7: {  	v48 =	vadd.s32 s31, v6;
	[tilespmem:v41+s14+$0x0] =	vst.idx.msk $0xffff, v34;
	v49 =	vld [tilespmem:s23+$0x4510]  }
0x1b8: {  	s29 =	sor.u32 $0x2402, s25;
	v50 =	vadd.s32 s31, v7;
	v51 =	vld [tilespmem:s23+$0x4520];
	[tilespmem:v43+s14+$0x0] =	vst.idx.msk $0xffff, v37  }
0x1b9: {  	v53 =	vadd.s32 s29, v0;
	v52 =	vld [tilespmem:s23+$0x4530];
	[tilespmem:v45+s14+$0x0] =	vst.idx.msk $0xffff, v38  }
0x1ba: {  	v55 =	vadd.s32 s29, v1;
	v54 =	vld [tilespmem:s23+$0x4540];
	[tilespmem:v46+s14+$0x0] =	vst.idx.msk $0xffff, v40  }
0x1bb: {  	v57 =	vadd.s32 s29, v2;
	v56 =	vld [tilespmem:s23+$0x4550];
	[tilespmem:v47+s14+$0x0] =	vst.idx.msk $0xffff, v42  }
0x1bc: {  	v59 =	vadd.s32 s29, v3;
	v58 =	vld [tilespmem:s23+$0x4560];
	[tilespmem:v48+s14+$0x0] =	vst.idx.msk $0xffff, v44  }
0x1bd: {  	v60 =	vadd.s32 s29, v4;
	[tilespmem:v50+s14+$0x0] =	vst.idx.msk $0xffff, v8;
	v8 =	vld [tilespmem:s23+$0x4570]  }
0x1be: {  	v61 =	vadd.s32 s29, v5;
	[tilespmem:v53+s14+$0x0] =	vst.idx.msk $0xffff, v15;
	v21 =	vld [tilespmem:s24+$0x4180]  }
0x1bf: {  	v63 =	vadd.s32 s29, v6;
	v62 =	vld [tilespmem:s24+$0x4190];
	[tilespmem:v55+s14+$0x0] =	vst.idx.msk $0xffff, v49  }
0x1c0: {  	s30 =	sor.u32 $0x3, s26;
	v24 =	vadd.s32 s29, v7;
	v25 =	vld [tilespmem:s24+$0x41A0];
	[tilespmem:v57+s14+$0x0] =	vst.idx.msk $0xffff, v51  }
0x1c1: {  	v27 =	vadd.s32 s30, v0;
	v26 =	vld [tilespmem:s24+$0x41B0];
	[tilespmem:v59+s14+$0x0] =	vst.idx.msk $0xffff, v52  }
0x1c2: {  	v29 =	vadd.s32 s30, v1;
	v28 =	vld [tilespmem:s24+$0x41C0];
	[tilespmem:v60+s14+$0x0] =	vst.idx.msk $0xffff, v54  }
0x1c3: {  	v31 =	vadd.s32 s30, v2;
	v30 =	vld [tilespmem:s24+$0x41D0];
	[tilespmem:v61+s14+$0x0] =	vst.idx.msk $0xffff, v56  }
0x1c4: {  	v33 =	vadd.s32 s30, v3;
	v32 =	vld [tilespmem:s24+$0x41E0];
	[tilespmem:v63+s14+$0x0] =	vst.idx.msk $0xffff, v58  }
0x1c5: {  	v35 =	vadd.s32 s30, v4;
	v34 =	vld [tilespmem:s24+$0x41F0];
	[tilespmem:v24+s14+$0x0] =	vst.idx.msk $0xffff, v8  }
0x1c6: {  	[tilespmem:v27+s14+$0x0] =	vst.idx.msk $0xffff, v21;
	v8 =	vadd.s32 s30, v5;
	v12 =	vld [tilespmem:s23+$0x4180]  }
0x1c7: {  	v36 =	vadd.s32 s30, v6;
	[tilespmem:v29+s14+$0x0] =	vst.idx.msk $0xffff, v62;
	v37 =	vld [tilespmem:s23+$0x4190]  }
0x1c8: {  	s31 =	sor.u32 $0x3, s25;
	v38 =	vadd.s32 s30, v7;
	[tilespmem:v31+s14+$0x0] =	vst.idx.msk $0xffff, v25;
	v39 =	vld [tilespmem:s23+$0x41A0]  }
0x1c9: {  	v41 =	vadd.s32 s31, v0;
	v40 =	vld [tilespmem:s23+$0x41B0];
	[tilespmem:v33+s14+$0x0] =	vst.idx.msk $0xffff, v26  }
0x1ca: {  	v43 =	vadd.s32 s31, v1;
	v42 =	vld [tilespmem:s23+$0x41C0];
	[tilespmem:v35+s14+$0x0] =	vst.idx.msk $0xffff, v28  }
0x1cb: {  	v44 =	vadd.s32 s31, v2;
	v45 =	vld [tilespmem:s23+$0x41E0];
	[tilespmem:v8+s14+$0x0] =	vst.idx.msk $0xffff, v30  }
0x1cc: {  	v46 =	vadd.s32 s31, v3;
	v47 =	vld [tilespmem:s23+$0x41F0];
	[tilespmem:v36+s14+$0x0] =	vst.idx.msk $0xffff, v32  }
0x1cd: {  	v48 =	vadd.s32 s31, v4;
	v8 =	vld [tilespmem:s23+$0x41D0];
	[tilespmem:v38+s14+$0x0] =	vst.idx.msk $0xffff, v34  }
0x1ce: {  	v49 =	vadd.s32 s31, v5;
	[tilespmem:v41+s14+$0x0] =	vst.idx.msk $0xffff, v12;
	v21 =	vld [tilespmem:s24+$0x4580]  }
0x1cf: {  	v51 =	vadd.s32 s31, v6;
	[tilespmem:v43+s14+$0x0] =	vst.idx.msk $0xffff, v37;
	v50 =	vld [tilespmem:s24+$0x4590]  }
0x1d0: {  	s29 =	sor.u32 $0x2403, s26;
	v52 =	vadd.s32 s31, v7;
	v53 =	vld [tilespmem:s24+$0x45A0];
	[tilespmem:v44+s14+$0x0] =	vst.idx.msk $0xffff, v39  }
0x1d1: {  	v55 =	vadd.s32 s29, v0;
	v54 =	vld [tilespmem:s24+$0x45B0];
	[tilespmem:v46+s14+$0x0] =	vst.idx.msk $0xffff, v40  }
0x1d2: {  	v57 =	vadd.s32 s29, v1;
	v56 =	vld [tilespmem:s24+$0x45C0];
	[tilespmem:v48+s14+$0x0] =	vst.idx.msk $0xffff, v42  }
0x1d3: {  	v59 =	vadd.s32 s29, v2;
	v58 =	vld [tilespmem:s24+$0x45D0];
	[tilespmem:v49+s14+$0x0] =	vst.idx.msk $0xffff, v8  }
0x1d4: {  	v60 =	vadd.s32 s29, v3;
	v61 =	vld [tilespmem:s24+$0x45F0];
	[tilespmem:v51+s14+$0x0] =	vst.idx.msk $0xffff, v45  }
0x1d5: {  	v62 =	vadd.s32 s29, v4;
	v8 =	vld [tilespmem:s24+$0x45E0];
	[tilespmem:v52+s14+$0x0] =	vst.idx.msk $0xffff, v47  }
0x1d6: {  	v63 =	vadd.s32 s29, v5;
	[tilespmem:v55+s14+$0x0] =	vst.idx.msk $0xffff, v21;
	v15 =	vld [tilespmem:s23+$0x4580]  }
0x1d7: {  	v24 =	vadd.s32 s29, v6;
	[tilespmem:v57+s14+$0x0] =	vst.idx.msk $0xffff, v50;
	v25 =	vld [tilespmem:s23+$0x4590]  }
0x1d8: {  	s30 =	sor.u32 $0x2403, s25;
	v26 =	vadd.s32 s29, v7;
	v27 =	vld [tilespmem:s23+$0x45A0];
	[tilespmem:v59+s14+$0x0] =	vst.idx.msk $0xffff, v53  }
0x1d9: {  	v29 =	vadd.s32 s30, v0;
	v28 =	vld [tilespmem:s23+$0x45B0];
	[tilespmem:v60+s14+$0x0] =	vst.idx.msk $0xffff, v54  }
0x1da: {  	v31 =	vadd.s32 s30, v1;
	v30 =	vld [tilespmem:s23+$0x45C0];
	[tilespmem:v62+s14+$0x0] =	vst.idx.msk $0xffff, v56  }
0x1db: {  	v33 =	vadd.s32 s30, v2;
	v32 =	vld [tilespmem:s23+$0x45D0];
	[tilespmem:v63+s14+$0x0] =	vst.idx.msk $0xffff, v58  }
0x1dc: {  	v34 =	vadd.s32 s30, v3;
	v35 =	vld [tilespmem:s23+$0x45F0];
	[tilespmem:v24+s14+$0x0] =	vst.idx.msk $0xffff, v8  }
0x1dd: {  	v36 =	vadd.s32 s30, v4;
	v8 =	vld [tilespmem:s23+$0x45E0];
	[tilespmem:v26+s14+$0x0] =	vst.idx.msk $0xffff, v61  }
0x1de: {  	v37 =	vadd.s32 s30, v5;
	[tilespmem:v29+s14+$0x0] =	vst.idx.msk $0xffff, v15;
	v21 =	vld [tilespmem:s24+$0x4200]  }
0x1df: {  	v39 =	vadd.s32 s30, v6;
	[tilespmem:v31+s14+$0x0] =	vst.idx.msk $0xffff, v25;
	v38 =	vld [tilespmem:s24+$0x4210]  }
0x1e0: {  	s31 =	sor.u32 $0x4, s26;
	v40 =	vadd.s32 s30, v7;
	v41 =	vld [tilespmem:s24+$0x4220];
	[tilespmem:v33+s14+$0x0] =	vst.idx.msk $0xffff, v27  }
0x1e1: {  	v43 =	vadd.s32 s31, v0;
	v42 =	vld [tilespmem:s24+$0x4230];
	[tilespmem:v34+s14+$0x0] =	vst.idx.msk $0xffff, v28  }
0x1e2: {  	v45 =	vadd.s32 s31, v1;
	v44 =	vld [tilespmem:s24+$0x4240];
	[tilespmem:v36+s14+$0x0] =	vst.idx.msk $0xffff, v30  }
0x1e3: {  	v47 =	vadd.s32 s31, v2;
	v46 =	vld [tilespmem:s24+$0x4250];
	[tilespmem:v37+s14+$0x0] =	vst.idx.msk $0xffff, v32  }
0x1e4: {  	v49 =	vadd.s32 s31, v3;
	v48 =	vld [tilespmem:s24+$0x4260];
	[tilespmem:v39+s14+$0x0] =	vst.idx.msk $0xffff, v8  }
0x1e5: {  	v50 =	vadd.s32 s31, v4;
	v8 =	vld [tilespmem:s24+$0x4270];
	[tilespmem:v40+s14+$0x0] =	vst.idx.msk $0xffff, v35  }
0x1e6: {  	v51 =	vadd.s32 s31, v5;
	[tilespmem:v43+s14+$0x0] =	vst.idx.msk $0xffff, v21;
	v12 =	vld [tilespmem:s23+$0x4200]  }
0x1e7: {  	v52 =	vadd.s32 s31, v6;
	[tilespmem:v45+s14+$0x0] =	vst.idx.msk $0xffff, v38;
	v53 =	vld [tilespmem:s23+$0x4210]  }
0x1e8: {  	s29 =	sor.u32 $0x4, s25;
	v54 =	vadd.s32 s31, v7;
	v55 =	vld [tilespmem:s23+$0x4220];
	[tilespmem:v47+s14+$0x0] =	vst.idx.msk $0xffff, v41  }
0x1e9: {  	v57 =	vadd.s32 s29, v0;
	v56 =	vld [tilespmem:s23+$0x4230];
	[tilespmem:v49+s14+$0x0] =	vst.idx.msk $0xffff, v42  }
0x1ea: {  	v59 =	vadd.s32 s29, v1;
	v58 =	vld [tilespmem:s23+$0x4240];
	[tilespmem:v50+s14+$0x0] =	vst.idx.msk $0xffff, v44  }
0x1eb: {  	v61 =	vadd.s32 s29, v2;
	v60 =	vld [tilespmem:s23+$0x4250];
	[tilespmem:v51+s14+$0x0] =	vst.idx.msk $0xffff, v46  }
0x1ec: {  	v63 =	vadd.s32 s29, v3;
	v62 =	vld [tilespmem:s23+$0x4260];
	[tilespmem:v52+s14+$0x0] =	vst.idx.msk $0xffff, v48  }
0x1ed: {  	v24 =	vadd.s32 s29, v4;
	[tilespmem:v54+s14+$0x0] =	vst.idx.msk $0xffff, v8;
	v8 =	vld [tilespmem:s23+$0x4270]  }
0x1ee: {  	v25 =	vadd.s32 s29, v5;
	[tilespmem:v57+s14+$0x0] =	vst.idx.msk $0xffff, v12;
	v21 =	vld [tilespmem:s24+$0x4600]  }
0x1ef: {  	v27 =	vadd.s32 s29, v6;
	v26 =	vld [tilespmem:s24+$0x4610];
	[tilespmem:v59+s14+$0x0] =	vst.idx.msk $0xffff, v53  }
0x1f0: {  	s30 =	sor.u32 $0x2404, s26;
	v28 =	vadd.s32 s29, v7;
	v29 =	vld [tilespmem:s24+$0x4620];
	[tilespmem:v61+s14+$0x0] =	vst.idx.msk $0xffff, v55  }
0x1f1: {  	v31 =	vadd.s32 s30, v0;
	v30 =	vld [tilespmem:s24+$0x4630];
	[tilespmem:v63+s14+$0x0] =	vst.idx.msk $0xffff, v56  }
0x1f2: {  	v33 =	vadd.s32 s30, v1;
	v32 =	vld [tilespmem:s24+$0x4640];
	[tilespmem:v24+s14+$0x0] =	vst.idx.msk $0xffff, v58  }
0x1f3: {  	v35 =	vadd.s32 s30, v2;
	v34 =	vld [tilespmem:s24+$0x4650];
	[tilespmem:v25+s14+$0x0] =	vst.idx.msk $0xffff, v60  }
0x1f4: {  	v37 =	vadd.s32 s30, v3;
	v36 =	vld [tilespmem:s24+$0x4660];
	[tilespmem:v27+s14+$0x0] =	vst.idx.msk $0xffff, v62  }
0x1f5: {  	v39 =	vadd.s32 s30, v4;
	v38 =	vld [tilespmem:s24+$0x4670];
	[tilespmem:v28+s14+$0x0] =	vst.idx.msk $0xffff, v8  }
0x1f6: {  	[tilespmem:v31+s14+$0x0] =	vst.idx.msk $0xffff, v21;
	v8 =	vadd.s32 s30, v5;
	v15 =	vld [tilespmem:s23+$0x4600]  }
0x1f7: {  	v40 =	vadd.s32 s30, v6;
	[tilespmem:v33+s14+$0x0] =	vst.idx.msk $0xffff, v26;
	v41 =	vld [tilespmem:s23+$0x4610]  }
0x1f8: {  	s31 =	sor.u32 $0x2404, s25;
	v42 =	vadd.s32 s30, v7;
	[tilespmem:v35+s14+$0x0] =	vst.idx.msk $0xffff, v29;
	v43 =	vld [tilespmem:s23+$0x4620]  }
0x1f9: {  	v45 =	vadd.s32 s31, v0;
	v44 =	vld [tilespmem:s23+$0x4630];
	[tilespmem:v37+s14+$0x0] =	vst.idx.msk $0xffff, v30  }
0x1fa: {  	v47 =	vadd.s32 s31, v1;
	v46 =	vld [tilespmem:s23+$0x4640];
	[tilespmem:v39+s14+$0x0] =	vst.idx.msk $0xffff, v32  }
0x1fb: {  	v48 =	vadd.s32 s31, v2;
	v49 =	vld [tilespmem:s23+$0x4660];
	[tilespmem:v8+s14+$0x0] =	vst.idx.msk $0xffff, v34  }
0x1fc: {  	v50 =	vadd.s32 s31, v3;
	v51 =	vld [tilespmem:s23+$0x4670];
	[tilespmem:v40+s14+$0x0] =	vst.idx.msk $0xffff, v36  }
0x1fd: {  	v52 =	vadd.s32 s31, v4;
	v8 =	vld [tilespmem:s23+$0x4650];
	[tilespmem:v42+s14+$0x0] =	vst.idx.msk $0xffff, v38  }
0x1fe: {  	v53 =	vadd.s32 s31, v5;
	[tilespmem:v45+s14+$0x0] =	vst.idx.msk $0xffff, v15;
	v21 =	vld [tilespmem:s24+$0x4280]  }
0x1ff: {  	v55 =	vadd.s32 s31, v6;
	[tilespmem:v47+s14+$0x0] =	vst.idx.msk $0xffff, v41;
	v54 =	vld [tilespmem:s24+$0x4290]  }
0x200: {  	s29 =	sor.u32 $0x5, s26;
	v56 =	vadd.s32 s31, v7;
	v57 =	vld [tilespmem:s24+$0x42A0];
	[tilespmem:v48+s14+$0x0] =	vst.idx.msk $0xffff, v43  }
0x201: {  	v59 =	vadd.s32 s29, v0;
	v58 =	vld [tilespmem:s24+$0x42B0];
	[tilespmem:v50+s14+$0x0] =	vst.idx.msk $0xffff, v44  }
0x202: {  	v61 =	vadd.s32 s29, v1;
	v60 =	vld [tilespmem:s24+$0x42C0];
	[tilespmem:v52+s14+$0x0] =	vst.idx.msk $0xffff, v46  }
0x203: {  	v63 =	vadd.s32 s29, v2;
	v62 =	vld [tilespmem:s24+$0x42D0];
	[tilespmem:v53+s14+$0x0] =	vst.idx.msk $0xffff, v8  }
0x204: {  	v24 =	vadd.s32 s29, v3;
	v25 =	vld [tilespmem:s24+$0x42F0];
	[tilespmem:v55+s14+$0x0] =	vst.idx.msk $0xffff, v49  }
0x205: {  	v26 =	vadd.s32 s29, v4;
	v8 =	vld [tilespmem:s24+$0x42E0];
	[tilespmem:v56+s14+$0x0] =	vst.idx.msk $0xffff, v51  }
0x206: {  	v27 =	vadd.s32 s29, v5;
	[tilespmem:v59+s14+$0x0] =	vst.idx.msk $0xffff, v21;
	v12 =	vld [tilespmem:s23+$0x4280]  }
0x207: {  	v28 =	vadd.s32 s29, v6;
	[tilespmem:v61+s14+$0x0] =	vst.idx.msk $0xffff, v54;
	v29 =	vld [tilespmem:s23+$0x4290]  }
0x208: {  	s30 =	sor.u32 $0x5, s25;
	v30 =	vadd.s32 s29, v7;
	v31 =	vld [tilespmem:s23+$0x42A0];
	[tilespmem:v63+s14+$0x0] =	vst.idx.msk $0xffff, v57  }
0x209: {  	v33 =	vadd.s32 s30, v0;
	v32 =	vld [tilespmem:s23+$0x42B0];
	[tilespmem:v24+s14+$0x0] =	vst.idx.msk $0xffff, v58  }
0x20a: {  	v35 =	vadd.s32 s30, v1;
	v34 =	vld [tilespmem:s23+$0x42C0];
	[tilespmem:v26+s14+$0x0] =	vst.idx.msk $0xffff, v60  }
0x20b: {  	v37 =	vadd.s32 s30, v2;
	v36 =	vld [tilespmem:s23+$0x42D0];
	[tilespmem:v27+s14+$0x0] =	vst.idx.msk $0xffff, v62  }
0x20c: {  	v38 =	vadd.s32 s30, v3;
	v39 =	vld [tilespmem:s23+$0x42F0];
	[tilespmem:v28+s14+$0x0] =	vst.idx.msk $0xffff, v8  }
0x20d: {  	v40 =	vadd.s32 s30, v4;
	v8 =	vld [tilespmem:s23+$0x42E0];
	[tilespmem:v30+s14+$0x0] =	vst.idx.msk $0xffff, v25  }
0x20e: {  	v41 =	vadd.s32 s30, v5;
	[tilespmem:v33+s14+$0x0] =	vst.idx.msk $0xffff, v12;
	v21 =	vld [tilespmem:s24+$0x4680]  }
0x20f: {  	v43 =	vadd.s32 s30, v6;
	[tilespmem:v35+s14+$0x0] =	vst.idx.msk $0xffff, v29;
	v42 =	vld [tilespmem:s24+$0x4690]  }
0x210: {  	s31 =	sor.u32 $0x2405, s26;
	v44 =	vadd.s32 s30, v7;
	v45 =	vld [tilespmem:s24+$0x46A0];
	[tilespmem:v37+s14+$0x0] =	vst.idx.msk $0xffff, v31  }
0x211: {  	v47 =	vadd.s32 s31, v0;
	v46 =	vld [tilespmem:s24+$0x46B0];
	[tilespmem:v38+s14+$0x0] =	vst.idx.msk $0xffff, v32  }
0x212: {  	v49 =	vadd.s32 s31, v1;
	v48 =	vld [tilespmem:s24+$0x46C0];
	[tilespmem:v40+s14+$0x0] =	vst.idx.msk $0xffff, v34  }
0x213: {  	v51 =	vadd.s32 s31, v2;
	v50 =	vld [tilespmem:s24+$0x46D0];
	[tilespmem:v41+s14+$0x0] =	vst.idx.msk $0xffff, v36  }
0x214: {  	v53 =	vadd.s32 s31, v3;
	v52 =	vld [tilespmem:s24+$0x46E0];
	[tilespmem:v43+s14+$0x0] =	vst.idx.msk $0xffff, v8  }
0x215: {  	v54 =	vadd.s32 s31, v4;
	v8 =	vld [tilespmem:s24+$0x46F0];
	[tilespmem:v44+s14+$0x0] =	vst.idx.msk $0xffff, v39  }
0x216: {  	v55 =	vadd.s32 s31, v5;
	[tilespmem:v47+s14+$0x0] =	vst.idx.msk $0xffff, v21;
	v15 =	vld [tilespmem:s23+$0x4680]  }
0x217: {  	v56 =	vadd.s32 s31, v6;
	[tilespmem:v49+s14+$0x0] =	vst.idx.msk $0xffff, v42;
	v57 =	vld [tilespmem:s23+$0x4690]  }
0x218: {  	s29 =	sor.u32 $0x2405, s25;
	v58 =	vadd.s32 s31, v7;
	v59 =	vld [tilespmem:s23+$0x46A0];
	[tilespmem:v51+s14+$0x0] =	vst.idx.msk $0xffff, v45  }
0x219: {  	v61 =	vadd.s32 s29, v0;
	v60 =	vld [tilespmem:s23+$0x46B0];
	[tilespmem:v53+s14+$0x0] =	vst.idx.msk $0xffff, v46  }
0x21a: {  	v63 =	vadd.s32 s29, v1;
	v62 =	vld [tilespmem:s23+$0x46C0];
	[tilespmem:v54+s14+$0x0] =	vst.idx.msk $0xffff, v48  }
0x21b: {  	v25 =	vadd.s32 s29, v2;
	v24 =	vld [tilespmem:s23+$0x46D0];
	[tilespmem:v55+s14+$0x0] =	vst.idx.msk $0xffff, v50  }
0x21c: {  	v27 =	vadd.s32 s29, v3;
	v26 =	vld [tilespmem:s23+$0x46E0];
	[tilespmem:v56+s14+$0x0] =	vst.idx.msk $0xffff, v52  }
0x21d: {  	v28 =	vadd.s32 s29, v4;
	[tilespmem:v58+s14+$0x0] =	vst.idx.msk $0xffff, v8;
	v8 =	vld [tilespmem:s23+$0x46F0]  }
0x21e: {  	v29 =	vadd.s32 s29, v5;
	[tilespmem:v61+s14+$0x0] =	vst.idx.msk $0xffff, v15;
	v21 =	vld [tilespmem:s24+$0x4300]  }
0x21f: {  	v31 =	vadd.s32 s29, v6;
	v30 =	vld [tilespmem:s24+$0x4310];
	[tilespmem:v63+s14+$0x0] =	vst.idx.msk $0xffff, v57  }
0x220: {  	s30 =	sor.u32 $0x6, s26;
	v32 =	vadd.s32 s29, v7;
	v33 =	vld [tilespmem:s24+$0x4320];
	[tilespmem:v25+s14+$0x0] =	vst.idx.msk $0xffff, v59  }
0x221: {  	v35 =	vadd.s32 s30, v0;
	v34 =	vld [tilespmem:s24+$0x4330];
	[tilespmem:v27+s14+$0x0] =	vst.idx.msk $0xffff, v60  }
0x222: {  	v37 =	vadd.s32 s30, v1;
	v36 =	vld [tilespmem:s24+$0x4340];
	[tilespmem:v28+s14+$0x0] =	vst.idx.msk $0xffff, v62  }
0x223: {  	v39 =	vadd.s32 s30, v2;
	v38 =	vld [tilespmem:s24+$0x4350];
	[tilespmem:v29+s14+$0x0] =	vst.idx.msk $0xffff, v24  }
0x224: {  	v41 =	vadd.s32 s30, v3;
	v40 =	vld [tilespmem:s24+$0x4360];
	[tilespmem:v31+s14+$0x0] =	vst.idx.msk $0xffff, v26  }
0x225: {  	v43 =	vadd.s32 s30, v4;
	v42 =	vld [tilespmem:s24+$0x4370];
	[tilespmem:v32+s14+$0x0] =	vst.idx.msk $0xffff, v8  }
0x226: {  	[tilespmem:v35+s14+$0x0] =	vst.idx.msk $0xffff, v21;
	v8 =	vadd.s32 s30, v5;
	v12 =	vld [tilespmem:s23+$0x4300]  }
0x227: {  	v44 =	vadd.s32 s30, v6;
	[tilespmem:v37+s14+$0x0] =	vst.idx.msk $0xffff, v30;
	v45 =	vld [tilespmem:s23+$0x4310]  }
0x228: {  	s31 =	sor.u32 $0x6, s25;
	v46 =	vadd.s32 s30, v7;
	[tilespmem:v39+s14+$0x0] =	vst.idx.msk $0xffff, v33;
	v47 =	vld [tilespmem:s23+$0x4320]  }
0x229: {  	v49 =	vadd.s32 s31, v0;
	v48 =	vld [tilespmem:s23+$0x4330];
	[tilespmem:v41+s14+$0x0] =	vst.idx.msk $0xffff, v34  }
0x22a: {  	v51 =	vadd.s32 s31, v1;
	v50 =	vld [tilespmem:s23+$0x4340];
	[tilespmem:v43+s14+$0x0] =	vst.idx.msk $0xffff, v36  }
0x22b: {  	v52 =	vadd.s32 s31, v2;
	v53 =	vld [tilespmem:s23+$0x4360];
	[tilespmem:v8+s14+$0x0] =	vst.idx.msk $0xffff, v38  }
0x22c: {  	v54 =	vadd.s32 s31, v3;
	v55 =	vld [tilespmem:s23+$0x4370];
	[tilespmem:v44+s14+$0x0] =	vst.idx.msk $0xffff, v40  }
0x22d: {  	v56 =	vadd.s32 s31, v4;
	v8 =	vld [tilespmem:s23+$0x4350];
	[tilespmem:v46+s14+$0x0] =	vst.idx.msk $0xffff, v42  }
0x22e: {  	v57 =	vadd.s32 s31, v5;
	[tilespmem:v49+s14+$0x0] =	vst.idx.msk $0xffff, v12;
	v21 =	vld [tilespmem:s24+$0x4700]  }
0x22f: {  	v59 =	vadd.s32 s31, v6;
	[tilespmem:v51+s14+$0x0] =	vst.idx.msk $0xffff, v45;
	v58 =	vld [tilespmem:s24+$0x4710]  }
0x230: {  	s29 =	sor.u32 $0x2406, s26;
	v60 =	vadd.s32 s31, v7;
	v61 =	vld [tilespmem:s24+$0x4720];
	[tilespmem:v52+s14+$0x0] =	vst.idx.msk $0xffff, v47  }
0x231: {  	v63 =	vadd.s32 s29, v0;
	v62 =	vld [tilespmem:s24+$0x4730];
	[tilespmem:v54+s14+$0x0] =	vst.idx.msk $0xffff, v48  }
0x232: {  	v25 =	vadd.s32 s29, v1;
	v24 =	vld [tilespmem:s24+$0x4740];
	[tilespmem:v56+s14+$0x0] =	vst.idx.msk $0xffff, v50  }
0x233: {  	v27 =	vadd.s32 s29, v2;
	v26 =	vld [tilespmem:s24+$0x4750];
	[tilespmem:v57+s14+$0x0] =	vst.idx.msk $0xffff, v8  }
0x234: {  	v28 =	vadd.s32 s29, v3;
	v29 =	vld [tilespmem:s24+$0x4770];
	[tilespmem:v59+s14+$0x0] =	vst.idx.msk $0xffff, v53  }
0x235: {  	v30 =	vadd.s32 s29, v4;
	v8 =	vld [tilespmem:s24+$0x4760];
	[tilespmem:v60+s14+$0x0] =	vst.idx.msk $0xffff, v55  }
0x236: {  	v31 =	vadd.s32 s29, v5;
	[tilespmem:v63+s14+$0x0] =	vst.idx.msk $0xffff, v21;
	v15 =	vld [tilespmem:s23+$0x4700]  }
0x237: {  	v32 =	vadd.s32 s29, v6;
	[tilespmem:v25+s14+$0x0] =	vst.idx.msk $0xffff, v58;
	v33 =	vld [tilespmem:s23+$0x4710]  }
0x238: {  	s30 =	sor.u32 $0x2406, s25;
	v34 =	vadd.s32 s29, v7;
	v35 =	vld [tilespmem:s23+$0x4720];
	[tilespmem:v27+s14+$0x0] =	vst.idx.msk $0xffff, v61  }
0x239: {  	v37 =	vadd.s32 s30, v0;
	v36 =	vld [tilespmem:s23+$0x4730];
	[tilespmem:v28+s14+$0x0] =	vst.idx.msk $0xffff, v62  }
0x23a: {  	v39 =	vadd.s32 s30, v1;
	v38 =	vld [tilespmem:s23+$0x4740];
	[tilespmem:v30+s14+$0x0] =	vst.idx.msk $0xffff, v24  }
0x23b: {  	v41 =	vadd.s32 s30, v2;
	v40 =	vld [tilespmem:s23+$0x4750];
	[tilespmem:v31+s14+$0x0] =	vst.idx.msk $0xffff, v26  }
0x23c: {  	v42 =	vadd.s32 s30, v3;
	v43 =	vld [tilespmem:s23+$0x4770];
	[tilespmem:v32+s14+$0x0] =	vst.idx.msk $0xffff, v8  }
0x23d: {  	v44 =	vadd.s32 s30, v4;
	v8 =	vld [tilespmem:s23+$0x4760];
	[tilespmem:v34+s14+$0x0] =	vst.idx.msk $0xffff, v29  }
0x23e: {  	v45 =	vadd.s32 s30, v5;
	[tilespmem:v37+s14+$0x0] =	vst.idx.msk $0xffff, v15;
	v21 =	vld [tilespmem:s24+$0x4380]  }
0x23f: {  	v47 =	vadd.s32 s30, v6;
	[tilespmem:v39+s14+$0x0] =	vst.idx.msk $0xffff, v33;
	v46 =	vld [tilespmem:s24+$0x4390]  }
0x240: {  	s31 =	sshllo.u32 s22, $0x3;
	v48 =	vadd.s32 s30, v7;
	v49 =	vld [tilespmem:s24+$0x43A0];
	[tilespmem:v41+s14+$0x0] =	vst.idx.msk $0xffff, v35  }
0x241: {  	v51 =	vadd.s32 s31, v0;
	v50 =	vld [tilespmem:s24+$0x43B0];
	[tilespmem:v42+s14+$0x0] =	vst.idx.msk $0xffff, v36  }
0x242: {  	v53 =	vadd.s32 s31, v1;
	v52 =	vld [tilespmem:s24+$0x43C0];
	[tilespmem:v44+s14+$0x0] =	vst.idx.msk $0xffff, v38  }
0x243: {  	v55 =	vadd.s32 s31, v2;
	v54 =	vld [tilespmem:s24+$0x43D0];
	[tilespmem:v45+s14+$0x0] =	vst.idx.msk $0xffff, v40  }
0x244: {  	v57 =	vadd.s32 s31, v3;
	v56 =	vld [tilespmem:s24+$0x43E0];
	[tilespmem:v47+s14+$0x0] =	vst.idx.msk $0xffff, v8  }
0x245: {  	v58 =	vadd.s32 s31, v4;
	v8 =	vld [tilespmem:s24+$0x43F0];
	[tilespmem:v48+s14+$0x0] =	vst.idx.msk $0xffff, v43  }
0x246: {  	v59 =	vadd.s32 s31, v5;
	[tilespmem:v51+s14+$0x0] =	vst.idx.msk $0xffff, v21;
	v12 =	vld [tilespmem:s23+$0x4380]  }
0x247: {  	v60 =	vadd.s32 s31, v6;
	[tilespmem:v53+s14+$0x0] =	vst.idx.msk $0xffff, v46;
	v61 =	vld [tilespmem:s23+$0x4390]  }
0x248: {  	s28 =	sshllo.u32 s28, $0x3;
	v62 =	vadd.s32 s31, v7;
	v63 =	vld [tilespmem:s23+$0x43A0];
	[tilespmem:v55+s14+$0x0] =	vst.idx.msk $0xffff, v49  }
0x249: {  	v25 =	vadd.s32 s28, v0;
	v24 =	vld [tilespmem:s23+$0x43B0];
	[tilespmem:v57+s14+$0x0] =	vst.idx.msk $0xffff, v50  }
0x24a: {  	v27 =	vadd.s32 s28, v1;
	v26 =	vld [tilespmem:s23+$0x43C0];
	[tilespmem:v58+s14+$0x0] =	vst.idx.msk $0xffff, v52  }
0x24b: {  	v29 =	vadd.s32 s28, v2;
	v28 =	vld [tilespmem:s23+$0x43D0];
	[tilespmem:v59+s14+$0x0] =	vst.idx.msk $0xffff, v54  }
0x24c: {  	v31 =	vadd.s32 s28, v3;
	v30 =	vld [tilespmem:s23+$0x43E0];
	[tilespmem:v60+s14+$0x0] =	vst.idx.msk $0xffff, v56  }
0x24d: {  	v32 =	vadd.s32 s28, v4;
	[tilespmem:v62+s14+$0x0] =	vst.idx.msk $0xffff, v8;
	v8 =	vld [tilespmem:s23+$0x43F0]  }
0x24e: {  	v33 =	vadd.s32 s28, v5;
	[tilespmem:v25+s14+$0x0] =	vst.idx.msk $0xffff, v12;
	v21 =	vld [tilespmem:s24+$0x4780]  }
0x24f: {  	v35 =	vadd.s32 s28, v6;
	v34 =	vld [tilespmem:s24+$0x4790];
	[tilespmem:v27+s14+$0x0] =	vst.idx.msk $0xffff, v61  }
0x250: {  	s29 =	sor.u32 $0x2407, s26;
	v36 =	vadd.s32 s28, v7;
	v37 =	vld [tilespmem:s24+$0x47A0];
	[tilespmem:v29+s14+$0x0] =	vst.idx.msk $0xffff, v63  }
0x251: {  	v39 =	vadd.s32 s29, v0;
	v38 =	vld [tilespmem:s24+$0x47B0];
	[tilespmem:v31+s14+$0x0] =	vst.idx.msk $0xffff, v24  }
0x252: {  	v41 =	vadd.s32 s29, v1;
	v40 =	vld [tilespmem:s24+$0x47C0];
	[tilespmem:v32+s14+$0x0] =	vst.idx.msk $0xffff, v26  }
0x253: {  	v43 =	vadd.s32 s29, v2;
	v42 =	vld [tilespmem:s24+$0x47D0];
	[tilespmem:v33+s14+$0x0] =	vst.idx.msk $0xffff, v28  }
0x254: {  	v45 =	vadd.s32 s29, v3;
	v44 =	vld [tilespmem:s24+$0x47E0];
	[tilespmem:v35+s14+$0x0] =	vst.idx.msk $0xffff, v30  }
0x255: {  	v47 =	vadd.s32 s29, v4;
	v46 =	vld [tilespmem:s24+$0x47F0];
	[tilespmem:v36+s14+$0x0] =	vst.idx.msk $0xffff, v8  }
0x256: {  	[tilespmem:v39+s14+$0x0] =	vst.idx.msk $0xffff, v21;
	v8 =	vadd.s32 s29, v5;
	v15 =	vld [tilespmem:s23+$0x4780]  }
0x257: {  	s30 =	sor.u32 $0x2407, s25;
	v48 =	vadd.s32 s29, v6;
	[tilespmem:v41+s14+$0x0] =	vst.idx.msk $0xffff, v34;
	v49 =	vld [tilespmem:s23+$0x4790]  }
0x258: {  	v53 =	vadd.s32 s30, v0;
	[tilespmem:v43+s14+$0x0] =	vst.idx.msk $0xffff, v37;
	v51 =	vld [tilespmem:s23+$0x47A0]  }
0x259: {  	v50 =	vadd.s32 s29, v7;
	v52 =	vld [tilespmem:s23+$0x47B0];
	[tilespmem:v45+s14+$0x0] =	vst.idx.msk $0xffff, v38  }
0x25a: {  	v55 =	vadd.s32 s30, v1;
	v54 =	vld [tilespmem:s23+$0x47C0];
	[tilespmem:v47+s14+$0x0] =	vst.idx.msk $0xffff, v40  }
0x25b: {  	v56 =	vadd.s32 s30, v2;
	v57 =	vld [tilespmem:s23+$0x47E0];
	[tilespmem:v8+s14+$0x0] =	vst.idx.msk $0xffff, v42  }
0x25c: {  	v58 =	vadd.s32 s30, v3;
	v59 =	vld [tilespmem:s23+$0x47F0];
	[tilespmem:v48+s14+$0x0] =	vst.idx.msk $0xffff, v44  }
0x25d: {  	v60 =	vadd.s32 s30, v4;
	v8 =	vld [tilespmem:s23+$0x47D0];
	[tilespmem:v53+s14+$0x0] =	vst.idx.msk $0xffff, v15  }
0x25e: {  	v61 =	vadd.s32 s30, v5;
	[tilespmem:v50+s14+$0x0] =	vst.idx.msk $0xffff, v46  }
0x25f: {  	v62 =	vadd.s32 s30, v6;
	[tilespmem:v55+s14+$0x0] =	vst.idx.msk $0xffff, v49  }
0x260: {  	p1 =	slt.u32 s22, $0x6;
	v63 =	vadd.s32 s30, v7;
	[tilespmem:v56+s14+$0x0] =	vst.idx.msk $0xffff, v51  }
.Ltmp7:
0x261: {  	[tilespmem:v58+s14+$0x0] =	vst.idx.msk $0xffff, v52;
	(pc) =	sbr.rel @p1 .LBB2_6-.Ltmp7, $4  }
0x262: {  	[tilespmem:v60+s14+$0x0] =	vst.idx.msk $0xffff, v54  }
0x263: {  	[tilespmem:v61+s14+$0x0] =	vst.idx.msk $0xffff, v8  }
0x264: {  	s31 =	sadd.s32 $0x2, s22;
	[tilespmem:v62+s14+$0x0] =	vst.idx.msk $0xffff, v57  }
0x265: {  	s22 =	smov.u32 s31;
	[tilespmem:v63+s14+$0x0] =	vst.idx.msk $0xffff, v59  }
.Ltmp8:
0x266: {  	(pc) =	sbr.rel .LBB2_8-.Ltmp8, $3  }
0x267: {  	s0 =	smul.u32 $0x900, s21;
	_ =	sdelay $0x1  }
0x268: {  	s0 =	sadd.s32 s2, s0  }
0x269: {  	[hbm4b:s0+s3] =	stream.linear.scatter [tilespmem:s14], [sflag:$0x4], $0x4800, $0x38;
	[tilespmem:$0x11080] =	vst v63  }
.LBB2_10:
0x26a: {  	_ =	sfence.sel $0x180000  }
0x26b: {  	[bflag:$0x0] =	sbarrier.arrive $0xFFFF  }
0x26c: {  	_ =	strace $0x90000047  }
0x26d: {  	[bflag:$0x2] =	sbarrier.arrive $0xFFFF  }
0x26e: {  	s0 =	rddreg [dreg:$0x3]  }
0x26f: {  	s0 =	sadd.s32 @!p0 $0x100000, s0  }
0x270: {  	[sflag:s0] =	ssyncadd.tile.s32 @!p0 $0x1;
	_ =	shalt  }
.Lfunc_end2:
_tile_overlayer_lowered:
.L_overlay_start_2:
0x271: {  	(tag) =	ssettag $0x2  }
0x272: {  	s0 =	rddreg [dreg:$0x0];
	s2 =	stileid.u32  }
0x273: {  	s1 =	rddreg [dreg:$0x1];
	p0 =	sne.s32 s2, $0x0  }
0x274: {  	s3 =	rddreg [dreg:$0x2];
	[bflag:$0x3] =	sbarrier.arrive $0xFFFF;
	s2 =	simm.s32 @!p0 $0x1C05  }
0x275: {  	[timem:s3], [sflag:s2] =	dma.local @!p0 [hbm:s0], s1  }
0x276: {  	s0 =	simm.s32 @!p0 $0x5  }
0x277: {  	_ =	swait.ge @!p0 [sflag:s0], s1  }
0x278: {  	s1 =	ssub.s32 @!p0 $0x0, s1;
	[sflag:s0] =	ssyncset.done @!p0 $0x0  }
0x279: {  	[sflag:s0] =	ssyncadd.s32 @!p0 s1  }
0x27a: {  	[bflag:$0x3] =	sbarrier.arrive $0xFFFF  }
0x27b: {  	_ =	shalt  }

</sc_bundles>
